<compile_context>
chip_gen: v7x
topology: tpu7x:2x2x1
jax: 0.10.2.dev20260603
libtpu: 0.0.44.dev20260713+nightly
codegen_flags: <defaults>
</compile_context>

<pallas_src>
import functools

import jax
import jax.numpy as jnp
from jax import lax
from jax.experimental import pallas as pl
from jax.experimental.pallas import tpu as pltpu
from jax.experimental.pallas import tpu_sc as plsc

VOCAB = 1000000
DIM = 64
B = 16384
LP = 5
LN = 20
LC = LP + LN

NC = 2
NS = 16
NW = NC * NS
BW = B // NW
CH = 32
NCHUNK = BW // CH
CTXCOL = 100
CTXROW = CH * LC // CTXCOL
LANE = 16

_C13 = 1.0 / 3.0
_C15 = 1.0 / 5.0
_C17 = 1.0 / 7.0
_C19 = 1.0 / 9.0
_ILV = plsc.PackFormat.INTERLEAVED


def _logsig(x):
    t = jnp.exp(-jnp.abs(x))
    z = t / (2.0 + t)
    w = z * z
    l1p = 2.0 * z * (1.0 + w * (_C13 + w * (_C15 + w * (_C17 + w * _C19))))
    return jnp.minimum(x, 0.0) - l1p


def _sc_body(center_h, ctx_h, inemb_h, outemb_h, out_h,
             cidx_a, cidx_b, xidx_a, xidx_b, crows_a, crows_b,
             xrows_a, xrows_b, scr, scr2, obuf, sem_a, sem_b):
    cid = lax.axis_index("c")
    sid = lax.axis_index("s")
    wid = sid * NC + cid
    wbase = wid * BW

    slots = ((cidx_a, xidx_a, crows_a, xrows_a, sem_a),
             (cidx_b, xidx_b, crows_b, xrows_b, sem_b))

    lane = lax.iota(jnp.int32, LANE)
    zero16 = jnp.zeros((LANE,), jnp.float32)
    for j in range(LC, 2 * LANE):
        scr[pl.ds(j * LANE, LANE)] = zero16

    def fire(s, g):
        cidx, xidx, crows, xrows, sem = slots[s]
        base = pl.multiple_of(wbase + g * CH, CH)
        rb = pl.multiple_of(base * LC // CTXCOL, 8)
        pltpu.sync_copy(center_h.at[pl.ds(base, CH)], cidx)
        pltpu.sync_copy(ctx_h.at[pl.ds(rb, CTXROW)], xidx)
        pltpu.async_copy(inemb_h.at[cidx], crows, sem)
        for j in range(CTXROW):
            pltpu.async_copy(outemb_h.at[xidx.at[j]],
                             xrows.at[pl.ds(j * CTXCOL, CTXCOL)], sem)

    def drain(s):
        cidx, xidx, crows, xrows, sem = slots[s]
        pltpu.make_async_copy(inemb_h.at[cidx], crows, sem).wait()
        for j in range(CTXROW):
            pltpu.make_async_copy(outemb_h.at[xidx.at[j]],
                                  xrows.at[pl.ds(j * CTXCOL, CTXCOL)],
                                  sem).wait()

    def compute(s, g):
        cidx, xidx, crows, xrows, sem = slots[s]
        base = pl.multiple_of(wbase + g * CH, CH)

        def ex_body(e, carry):
            c0 = crows[e, pl.ds(0, LANE)]
            c1 = crows[e, pl.ds(LANE, LANE)]
            c2 = crows[e, pl.ds(2 * LANE, LANE)]
            c3 = crows[e, pl.ds(3 * LANE, LANE)]
            row0 = e * LC
            for j in range(LC):
                p = c0 * xrows[row0 + j, pl.ds(0, LANE)]
                p = p + c1 * xrows[row0 + j, pl.ds(LANE, LANE)]
                p = p + c2 * xrows[row0 + j, pl.ds(2 * LANE, LANE)]
                p = p + c3 * xrows[row0 + j, pl.ds(3 * LANE, LANE)]
                scr[pl.ds(j * LANE, LANE)] = p
            a0 = [zero16, zero16, zero16, zero16]
            a1 = [zero16, zero16, zero16, zero16]
            for col in range(LANE):
                idx = lane * LANE + col
                a0[col % 4] = a0[col % 4] + plsc.load_gather(scr, [idx])
                a1[col % 4] = a1[col % 4] + plsc.load_gather(
                    scr, [idx + LANE * LANE])
            g0 = (a0[0] + a0[1]) + (a0[2] + a0[3])
            g1 = (a1[0] + a1[1]) + (a1[2] + a1[3])
            s0 = jnp.where(lane < LP, g0, -g0)
            l0 = _logsig(s0)
            l1 = jnp.where(lane < LC - LANE, _logsig(-g1), 0.0)
            scr2[pl.ds(e * LANE, LANE)] = l0 + l1
            return carry

        lax.fori_loop(0, CH, ex_body, 0)
        for grp in range(CH // LANE):
            b = [zero16, zero16, zero16, zero16]
            for col in range(LANE):
                b[col % 4] = b[col % 4] + plsc.load_gather(
                    scr2, [lane * LANE + col + grp * LANE * LANE])
            obuf[pl.ds(grp * LANE, LANE)] = -((b[0] + b[1]) + (b[2] + b[3]))
        pltpu.sync_copy(obuf, out_h.at[pl.ds(base, CH)])

    fire(0, 0)

    def outer(i, carry):
        g = 2 * i
        drain(0)

        @pl.when(g + 1 < NCHUNK)
        def _():
            fire(1, g + 1)

        compute(0, g)

        @pl.when(g + 1 < NCHUNK)
        def _():
            drain(1)

            @pl.when(g + 2 < NCHUNK)
            def _():
                fire(0, g + 2)

            compute(1, g + 1)

        return carry

    lax.fori_loop(0, (NCHUNK + 1) // 2, outer, 0)


@jax.jit
def _sc_kernel(center, ctx, in_embedding, out_embedding):
    mesh = plsc.VectorSubcoreMesh(core_axis_name="c", subcore_axis_name="s")
    return pl.kernel(
        _sc_body,
        out_type=jax.ShapeDtypeStruct((B,), jnp.float32),
        mesh=mesh,
        compiler_params=pltpu.CompilerParams(needs_layout_passes=False,
                                             use_tc_tiling_on_sc=False),
        scratch_types=(
            [pltpu.VMEM((CH,), jnp.int32)] * 2 +
            [pltpu.VMEM((CTXROW, CTXCOL), jnp.int32)] * 2 +
            [pltpu.VMEM((CH, DIM), jnp.float32)] * 2 +
            [pltpu.VMEM((CH * LC, DIM), jnp.float32)] * 2 +
            [pltpu.VMEM((2 * LANE * LANE,), jnp.float32),
             pltpu.VMEM((CH * LANE,), jnp.float32),
             pltpu.VMEM((CH,), jnp.float32)] +
            [pltpu.SemaphoreType.DMA] * 2
        ),
    )(center, ctx, in_embedding, out_embedding)


def kernel(center, pos_words, neg_words, in_embedding, out_embedding):
    ctx = jnp.concatenate([pos_words, neg_words], axis=1)
    ctx = ctx.reshape(B * LC // CTXCOL, CTXCOL)
    return _sc_kernel(center, ctx, in_embedding, out_embedding)

# --- scband reference (transcript-rebuilt; emitter-appended) ---
"""Pipeline reference for scband-skip-gram-39256001085757 (READ-ONLY COPY).

The authoritative reference and input builder live on the scoring server;
editing this copy changes nothing except your own understanding.
"""

import jax, jax.numpy as jnp
import numpy as np

VOCAB = 1000000
DIM = 64
B = 16384
LP = 5
LN = 20


def setup_inputs(seed: int = 0) -> dict:
    key = jax.random.key(seed)
    k1, k2, k3, k4, k5 = jax.random.split(key, 5)
    center = jax.random.randint(k1, (B,), 0, VOCAB, dtype=jnp.int64 if jax.config.jax_enable_x64 else jnp.int32).astype(jnp.int32)
    pos_words = jax.random.randint(k2, (B, LP), 0, VOCAB).astype(jnp.int32)
    neg_words = jax.random.randint(k3, (B, LN), 0, VOCAB).astype(jnp.int32)
    in_embedding = jax.random.normal(k4, (VOCAB, DIM), dtype=jnp.float32)
    out_embedding = jax.random.normal(k5, (VOCAB, DIM), dtype=jnp.float32)
    return {
        "center": center,
        "pos_words": pos_words,
        "neg_words": neg_words,
        "in_embedding": in_embedding,
        "out_embedding": out_embedding,
    }


def reference(center, pos_words, neg_words, in_embedding, out_embedding):
    # Embedding lookups (gather)
    input_embedding = jnp.take(in_embedding, center, axis=0)      # [B, D]
    pos_embedding = jnp.take(out_embedding, pos_words, axis=0)    # [B, LP, D]
    neg_embedding = jnp.take(out_embedding, neg_words, axis=0)    # [B, LN, D]
    # bmm(pos_embedding, input_embedding.unsqueeze(2)).squeeze() -> [B, LP]
    pos_score = jnp.einsum('bld,bd->bl', pos_embedding, input_embedding)
    neg_score = jnp.einsum('bld,bd->bl', neg_embedding, -input_embedding)
    pos_loss = jax.nn.log_sigmoid(pos_score).sum(axis=1)
    neg_loss = jax.nn.log_sigmoid(neg_score).sum(axis=1)
    loss = pos_loss + neg_loss
    return -loss


if False:  # reference __main__ guard neutralized (emitter)
    out = reference(**setup_inputs())
    print(out.shape, out.dtype)

if __name__ == "__main__":
    import jax
    _d = setup_inputs()
    print(jax.jit(kernel)(*tuple(_d.values())))

</pallas_src>

<mosaic_0001>
#map = affine_map<(d0, d1) -> (0)>
#map1 = affine_map<(d0, d1) -> (0, 0)>
module attributes {stable_mosaic.version = 14 : i64} {
  func.func @_sc_body(%arg0: i32, %arg1: i32, %arg2: memref<16384xi32, #tpu.memory_space<hbm>>, %arg3: memref<4096x100xi32, #tpu.memory_space<hbm>>, %arg4: memref<1000000x64xf32, #tpu.memory_space<hbm>>, %arg5: memref<1000000x64xf32, #tpu.memory_space<hbm>>, %arg6: memref<16384xf32, #tpu.memory_space<hbm>>, %arg7: memref<32xi32, #tpu.memory_space<vmem>>, %arg8: memref<32xi32, #tpu.memory_space<vmem>>, %arg9: memref<8x100xi32, #tpu.memory_space<vmem>>, %arg10: memref<8x100xi32, #tpu.memory_space<vmem>>, %arg11: memref<32x64xf32, #tpu.memory_space<vmem>>, %arg12: memref<32x64xf32, #tpu.memory_space<vmem>>, %arg13: memref<800x64xf32, #tpu.memory_space<vmem>>, %arg14: memref<800x64xf32, #tpu.memory_space<vmem>>, %arg15: memref<512xf32, #tpu.memory_space<vmem>>, %arg16: memref<512xf32, #tpu.memory_space<vmem>>, %arg17: memref<32xf32, #tpu.memory_space<vmem>>, %arg18: memref<!tpu.dma_semaphore, #tpu.memory_space<semaphore_mem>>, %arg19: memref<!tpu.dma_semaphore, #tpu.memory_space<semaphore_mem>>) attributes {dimension_semantics = [#tpu.dimension_semantics<core_parallel>, #tpu.dimension_semantics<subcore_parallel>], iteration_bounds = array<i64: 2, 16>, scalar_prefetch = 0 : i64, scratch_operands = 13 : i64, tpu.core_type = #tpu.core_type<sc_vector_subcore>, window_params = [{transform_indices = #map}, {transform_indices = #map1}, {transform_indices = #map1}, {transform_indices = #map1}, {transform_indices = #map}]} {
    %mul3A = arith.constant 2 : i32
    %mul3A_0 = arith.muli %arg1, %mul3A : i32
    %add3A = arith.addi %mul3A_0, %arg0 : i32
    %mul3A_1 = arith.constant 512 : i32
    %mul3A_2 = arith.muli %add3A, %mul3A_1 : i32
    %iota3A = tpu.iota {dimensions = array<i32: 0>} : vector<16xi32>
    %broadcast_in_dim3A = arith.constant 0.000000e+00 : f32
    %broadcast_in_dim3A_3 = vector.broadcast %broadcast_in_dim3A : f32 to vector<16xf32>
    %swap3A = arith.constant 400 : index
    %swap3A_4 = tpu.vector_load %arg15[%swap3A] {strides = array<i32>} : memref<512xf32, #tpu.memory_space<vmem>>, vector<16xf32>,
    tpu.vector_store %arg15[%swap3A], %broadcast_in_dim3A_3 {strides = array<i32>} : memref<512xf32, #tpu.memory_space<vmem>>, vector<16xf32>,
    %swap3A_5 = arith.constant 416 : index
    %swap3A_6 = tpu.vector_load %arg15[%swap3A_5] {strides = array<i32>} : memref<512xf32, #tpu.memory_space<vmem>>, vector<16xf32>,
    tpu.vector_store %arg15[%swap3A_5], %broadcast_in_dim3A_3 {strides = array<i32>} : memref<512xf32, #tpu.memory_space<vmem>>, vector<16xf32>,
    %swap3A_7 = arith.constant 432 : index
    %swap3A_8 = tpu.vector_load %arg15[%swap3A_7] {strides = array<i32>} : memref<512xf32, #tpu.memory_space<vmem>>, vector<16xf32>,
    tpu.vector_store %arg15[%swap3A_7], %broadcast_in_dim3A_3 {strides = array<i32>} : memref<512xf32, #tpu.memory_space<vmem>>, vector<16xf32>,
    %swap3A_9 = arith.constant 448 : index
    %swap3A_10 = tpu.vector_load %arg15[%swap3A_9] {strides = array<i32>} : memref<512xf32, #tpu.memory_space<vmem>>, vector<16xf32>,
    tpu.vector_store %arg15[%swap3A_9], %broadcast_in_dim3A_3 {strides = array<i32>} : memref<512xf32, #tpu.memory_space<vmem>>, vector<16xf32>,
    %swap3A_11 = arith.constant 464 : index
    %swap3A_12 = tpu.vector_load %arg15[%swap3A_11] {strides = array<i32>} : memref<512xf32, #tpu.memory_space<vmem>>, vector<16xf32>,
    tpu.vector_store %arg15[%swap3A_11], %broadcast_in_dim3A_3 {strides = array<i32>} : memref<512xf32, #tpu.memory_space<vmem>>, vector<16xf32>,
    %swap3A_13 = arith.constant 480 : index
    %swap3A_14 = tpu.vector_load %arg15[%swap3A_13] {strides = array<i32>} : memref<512xf32, #tpu.memory_space<vmem>>, vector<16xf32>,
    tpu.vector_store %arg15[%swap3A_13], %broadcast_in_dim3A_3 {strides = array<i32>} : memref<512xf32, #tpu.memory_space<vmem>>, vector<16xf32>,
    %swap3A_15 = arith.constant 496 : index
    %swap3A_16 = tpu.vector_load %arg15[%swap3A_15] {strides = array<i32>} : memref<512xf32, #tpu.memory_space<vmem>>, vector<16xf32>,
    tpu.vector_store %arg15[%swap3A_15], %broadcast_in_dim3A_3 {strides = array<i32>} : memref<512xf32, #tpu.memory_space<vmem>>, vector<16xf32>,
    %add3A_17 = arith.constant 0 : i32
    %add3A_18 = arith.addi %mul3A_2, %add3A_17 : i32
    %multiple_of3A = tpu.assume_multiple %add3A_18, 32 : i32
    %mul3A_19 = arith.constant 25 : i32
    %mul3A_20 = arith.muli %multiple_of3A, %mul3A_19 : i32
    %jit3A = arith.constant 100 : i32
    %div3A = arith.divsi %mul3A_20, %jit3A : i32
    %sign3A = arith.constant 0 : i32
    %sign3A_21 = arith.cmpi sgt, %mul3A_20, %sign3A : i32
    %sign3A_22 = arith.extui %sign3A_21 : i1 to i32
    %sign3A_23 = arith.constant 0 : i32
    %sign3A_24 = arith.cmpi slt, %mul3A_20, %sign3A_23 : i32
    %sign3A_25 = arith.extui %sign3A_24 : i1 to i32
    %sign3A_26 = arith.subi %sign3A_22, %sign3A_25 : i32
    %sign3A_27 = arith.constant 0 : i32
    %sign3A_28 = arith.cmpi sgt, %jit3A, %sign3A_27 : i32
    %sign3A_29 = arith.extui %sign3A_28 : i1 to i32
    %sign3A_30 = arith.constant 0 : i32
    %sign3A_31 = arith.cmpi slt, %jit3A, %sign3A_30 : i32
    %sign3A_32 = arith.extui %sign3A_31 : i1 to i32
    %sign3A_33 = arith.subi %sign3A_29, %sign3A_32 : i32
    %ne3A = arith.cmpi ne, %sign3A_26, %sign3A_33 : i32
    %rem3A = arith.remsi %mul3A_20, %jit3A : i32
    %ne3A_34 = arith.constant 0 : i32
    %ne3A_35 = arith.cmpi ne, %rem3A, %ne3A_34 : i32
    %and3A = arith.andi %ne3A, %ne3A_35 : i1
    %sub3A = arith.constant 1 : i32
    %sub3A_36 = arith.subi %div3A, %sub3A : i32
    %select_n3A = arith.select %and3A, %sub3A_36, %div3A : i32
    %multiple_of3A_37 = tpu.assume_multiple %select_n3A, 8 : i32
    "tpu.region"() ({
      %run_scoped3A = tpu.sem_alloc : memref<!tpu.dma_semaphore, #tpu.memory_space<semaphore_mem>>
      %dma_start3A_125 = tpu.memref_slice %arg2[%multiple_of3A] : memref<16384xi32, #tpu.memory_space<hbm>> -> memref<32xi32, #tpu.memory_space<hbm>>
      %dma_start3A_126 = tpu.memref_slice %arg2[%multiple_of3A] : memref<16384xi32, #tpu.memory_space<hbm>> -> memref<32xi32, #tpu.memory_space<hbm>>
      tpu.enqueue_dma source(%dma_start3A_126 : memref<32xi32, #tpu.memory_space<hbm>>) target(%arg7 : memref<32xi32, #tpu.memory_space<vmem>>) target_semaphore(%run_scoped3A : memref<!tpu.dma_semaphore, #tpu.memory_space<semaphore_mem>>)
      %dma_wait3A = tpu.memref_slice %arg2[%multiple_of3A] : memref<16384xi32, #tpu.memory_space<hbm>> -> memref<32xi32, #tpu.memory_space<hbm>>
      %dma_wait3A_127 = tpu.memref_slice %arg2[%multiple_of3A] : memref<16384xi32, #tpu.memory_space<hbm>> -> memref<32xi32, #tpu.memory_space<hbm>>
      tpu.wait_dma2 semaphore(%run_scoped3A : memref<!tpu.dma_semaphore, #tpu.memory_space<semaphore_mem>>) src(%dma_wait3A_127 : memref<32xi32, #tpu.memory_space<hbm>>) dst(%arg7 : memref<32xi32, #tpu.memory_space<vmem>>)
      tpu.yield
    }) : () -> ()
    "tpu.region"() ({
      %run_scoped3A = tpu.sem_alloc : memref<!tpu.dma_semaphore, #tpu.memory_space<semaphore_mem>>
      %dma_start3A_125 = arith.constant 0 : i32
      %dma_start3A_126 = tpu.memref_slice %arg3[%multiple_of3A_37, %dma_start3A_125] : memref<4096x100xi32, #tpu.memory_space<hbm>> -> memref<8x100xi32, #tpu.memory_space<hbm>>
      %dma_start3A_127 = arith.constant 0 : i32
      %dma_start3A_128 = tpu.memref_slice %arg3[%multiple_of3A_37, %dma_start3A_127] : memref<4096x100xi32, #tpu.memory_space<hbm>> -> memref<8x100xi32, #tpu.memory_space<hbm>>
      tpu.enqueue_dma source(%dma_start3A_128 : memref<8x100xi32, #tpu.memory_space<hbm>>) target(%arg9 : memref<8x100xi32, #tpu.memory_space<vmem>>) target_semaphore(%run_scoped3A : memref<!tpu.dma_semaphore, #tpu.memory_space<semaphore_mem>>)
      %dma_wait3A = arith.constant 0 : i32
      %dma_wait3A_129 = tpu.memref_slice %arg3[%multiple_of3A_37, %dma_wait3A] : memref<4096x100xi32, #tpu.memory_space<hbm>> -> memref<8x100xi32, #tpu.memory_space<hbm>>
      %dma_wait3A_130 = arith.constant 0 : i32
      %dma_wait3A_131 = tpu.memref_slice %arg3[%multiple_of3A_37, %dma_wait3A_130] : memref<4096x100xi32, #tpu.memory_space<hbm>> -> memref<8x100xi32, #tpu.memory_space<hbm>>
      tpu.wait_dma2 semaphore(%run_scoped3A : memref<!tpu.dma_semaphore, #tpu.memory_space<semaphore_mem>>) src(%dma_wait3A_131 : memref<8x100xi32, #tpu.memory_space<hbm>>) dst(%arg9 : memref<8x100xi32, #tpu.memory_space<vmem>>)
      tpu.yield
    }) : () -> ()
    %dma_start3A = arith.constant 0 : i32
    %dma_start3A_38 = arith.constant 0 : i32
    %dma_start3A_39 = tpu.memref_slice %arg4[%dma_start3A, %dma_start3A_38] : memref<1000000x64xf32, #tpu.memory_space<hbm>> -> memref<1000000x64xf32, #tpu.memory_space<hbm>>
    tpu.enqueue_indirect_dma source(%dma_start3A_39 : memref<1000000x64xf32, #tpu.memory_space<hbm>>) target(%arg11 : memref<32x64xf32, #tpu.memory_space<vmem>>) offsets(%arg7 : memref<32xi32, #tpu.memory_space<vmem>>) semaphore(%arg18 : memref<!tpu.dma_semaphore, #tpu.memory_space<semaphore_mem>>)
    %dma_start3A_40 = arith.constant 0 : i32
    %dma_start3A_41 = arith.constant 0 : i32
    %dma_start3A_42 = arith.constant 0 : i32
    %dma_start3A_43 = tpu.memref_slice %arg13[%dma_start3A_41, %dma_start3A_42] : memref<800x64xf32, #tpu.memory_space<vmem>> -> memref<100x64xf32, #tpu.memory_space<vmem>>
    %dma_start3A_44 = arith.constant 0 : i32
    %dma_start3A_45 = tpu.memref_slice %arg9[%dma_start3A_40, %dma_start3A_44] : memref<8x100xi32, #tpu.memory_space<vmem>> -> memref<1x100xi32, #tpu.memory_space<vmem>>
    %dma_start3A_46 = tpu.memref_squeeze %dma_start3A_45 : memref<1x100xi32, #tpu.memory_space<vmem>> -> memref<100xi32, #tpu.memory_space<vmem>>
    %dma_start3A_47 = arith.constant 0 : i32
    %dma_start3A_48 = arith.constant 0 : i32
    %dma_start3A_49 = tpu.memref_slice %arg5[%dma_start3A_47, %dma_start3A_48] : memref<1000000x64xf32, #tpu.memory_space<hbm>> -> memref<1000000x64xf32, #tpu.memory_space<hbm>>
    tpu.enqueue_indirect_dma source(%dma_start3A_49 : memref<1000000x64xf32, #tpu.memory_space<hbm>>) target(%dma_start3A_43 : memref<100x64xf32, #tpu.memory_space<vmem>>) offsets(%dma_start3A_46 : memref<100xi32, #tpu.memory_space<vmem>>) semaphore(%arg18 : memref<!tpu.dma_semaphore, #tpu.memory_space<semaphore_mem>>)
    %dma_start3A_50 = arith.constant 1 : i32
    %dma_start3A_51 = arith.constant 100 : i32
    %dma_start3A_52 = arith.constant 0 : i32
    %dma_start3A_53 = tpu.memref_slice %arg13[%dma_start3A_51, %dma_start3A_52] : memref<800x64xf32, #tpu.memory_space<vmem>> -> memref<100x64xf32, #tpu.memory_space<vmem>>
    %dma_start3A_54 = arith.constant 0 : i32
    %dma_start3A_55 = tpu.memref_slice %arg9[%dma_start3A_50, %dma_start3A_54] : memref<8x100xi32, #tpu.memory_space<vmem>> -> memref<1x100xi32, #tpu.memory_space<vmem>>
    %dma_start3A_56 = tpu.memref_squeeze %dma_start3A_55 : memref<1x100xi32, #tpu.memory_space<vmem>> -> memref<100xi32, #tpu.memory_space<vmem>>
    %dma_start3A_57 = arith.constant 0 : i32
    %dma_start3A_58 = arith.constant 0 : i32
    %dma_start3A_59 = tpu.memref_slice %arg5[%dma_start3A_57, %dma_start3A_58] : memref<1000000x64xf32, #tpu.memory_space<hbm>> -> memref<1000000x64xf32, #tpu.memory_space<hbm>>
    tpu.enqueue_indirect_dma source(%dma_start3A_59 : memref<1000000x64xf32, #tpu.memory_space<hbm>>) target(%dma_start3A_53 : memref<100x64xf32, #tpu.memory_space<vmem>>) offsets(%dma_start3A_56 : memref<100xi32, #tpu.memory_space<vmem>>) semaphore(%arg18 : memref<!tpu.dma_semaphore, #tpu.memory_space<semaphore_mem>>)
    %dma_start3A_60 = arith.constant 2 : i32
    %dma_start3A_61 = arith.constant 200 : i32
    %dma_start3A_62 = arith.constant 0 : i32
    %dma_start3A_63 = tpu.memref_slice %arg13[%dma_start3A_61, %dma_start3A_62] : memref<800x64xf32, #tpu.memory_space<vmem>> -> memref<100x64xf32, #tpu.memory_space<vmem>>
    %dma_start3A_64 = arith.constant 0 : i32
    %dma_start3A_65 = tpu.memref_slice %arg9[%dma_start3A_60, %dma_start3A_64] : memref<8x100xi32, #tpu.memory_space<vmem>> -> memref<1x100xi32, #tpu.memory_space<vmem>>
    %dma_start3A_66 = tpu.memref_squeeze %dma_start3A_65 : memref<1x100xi32, #tpu.memory_space<vmem>> -> memref<100xi32, #tpu.memory_space<vmem>>
    %dma_start3A_67 = arith.constant 0 : i32
    %dma_start3A_68 = arith.constant 0 : i32
    %dma_start3A_69 = tpu.memref_slice %arg5[%dma_start3A_67, %dma_start3A_68] : memref<1000000x64xf32, #tpu.memory_space<hbm>> -> memref<1000000x64xf32, #tpu.memory_space<hbm>>
    tpu.enqueue_indirect_dma source(%dma_start3A_69 : memref<1000000x64xf32, #tpu.memory_space<hbm>>) target(%dma_start3A_63 : memref<100x64xf32, #tpu.memory_space<vmem>>) offsets(%dma_start3A_66 : memref<100xi32, #tpu.memory_space<vmem>>) semaphore(%arg18 : memref<!tpu.dma_semaphore, #tpu.memory_space<semaphore_mem>>)
    %dma_start3A_70 = arith.constant 3 : i32
    %dma_start3A_71 = arith.constant 300 : i32
    %dma_start3A_72 = arith.constant 0 : i32
    %dma_start3A_73 = tpu.memref_slice %arg13[%dma_start3A_71, %dma_start3A_72] : memref<800x64xf32, #tpu.memory_space<vmem>> -> memref<100x64xf32, #tpu.memory_space<vmem>>
    %dma_start3A_74 = arith.constant 0 : i32
    %dma_start3A_75 = tpu.memref_slice %arg9[%dma_start3A_70, %dma_start3A_74] : memref<8x100xi32, #tpu.memory_space<vmem>> -> memref<1x100xi32, #tpu.memory_space<vmem>>
    %dma_start3A_76 = tpu.memref_squeeze %dma_start3A_75 : memref<1x100xi32, #tpu.memory_space<vmem>> -> memref<100xi32, #tpu.memory_space<vmem>>
    %dma_start3A_77 = arith.constant 0 : i32
    %dma_start3A_78 = arith.constant 0 : i32
    %dma_start3A_79 = tpu.memref_slice %arg5[%dma_start3A_77, %dma_start3A_78] : memref<1000000x64xf32, #tpu.memory_space<hbm>> -> memref<1000000x64xf32, #tpu.memory_space<hbm>>
    tpu.enqueue_indirect_dma source(%dma_start3A_79 : memref<1000000x64xf32, #tpu.memory_space<hbm>>) target(%dma_start3A_73 : memref<100x64xf32, #tpu.memory_space<vmem>>) offsets(%dma_start3A_76 : memref<100xi32, #tpu.memory_space<vmem>>) semaphore(%arg18 : memref<!tpu.dma_semaphore, #tpu.memory_space<semaphore_mem>>)
    %dma_start3A_80 = arith.constant 4 : i32
    %dma_start3A_81 = arith.constant 400 : i32
    %dma_start3A_82 = arith.constant 0 : i32
    %dma_start3A_83 = tpu.memref_slice %arg13[%dma_start3A_81, %dma_start3A_82] : memref<800x64xf32, #tpu.memory_space<vmem>> -> memref<100x64xf32, #tpu.memory_space<vmem>>
    %dma_start3A_84 = arith.constant 0 : i32
    %dma_start3A_85 = tpu.memref_slice %arg9[%dma_start3A_80, %dma_start3A_84] : memref<8x100xi32, #tpu.memory_space<vmem>> -> memref<1x100xi32, #tpu.memory_space<vmem>>
    %dma_start3A_86 = tpu.memref_squeeze %dma_start3A_85 : memref<1x100xi32, #tpu.memory_space<vmem>> -> memref<100xi32, #tpu.memory_space<vmem>>
    %dma_start3A_87 = arith.constant 0 : i32
    %dma_start3A_88 = arith.constant 0 : i32
    %dma_start3A_89 = tpu.memref_slice %arg5[%dma_start3A_87, %dma_start3A_88] : memref<1000000x64xf32, #tpu.memory_space<hbm>> -> memref<1000000x64xf32, #tpu.memory_space<hbm>>
    tpu.enqueue_indirect_dma source(%dma_start3A_89 : memref<1000000x64xf32, #tpu.memory_space<hbm>>) target(%dma_start3A_83 : memref<100x64xf32, #tpu.memory_space<vmem>>) offsets(%dma_start3A_86 : memref<100xi32, #tpu.memory_space<vmem>>) semaphore(%arg18 : memref<!tpu.dma_semaphore, #tpu.memory_space<semaphore_mem>>)
    %dma_start3A_90 = arith.constant 5 : i32
    %dma_start3A_91 = arith.constant 500 : i32
    %dma_start3A_92 = arith.constant 0 : i32
    %dma_start3A_93 = tpu.memref_slice %arg13[%dma_start3A_91, %dma_start3A_92] : memref<800x64xf32, #tpu.memory_space<vmem>> -> memref<100x64xf32, #tpu.memory_space<vmem>>
    %dma_start3A_94 = arith.constant 0 : i32
    %dma_start3A_95 = tpu.memref_slice %arg9[%dma_start3A_90, %dma_start3A_94] : memref<8x100xi32, #tpu.memory_space<vmem>> -> memref<1x100xi32, #tpu.memory_space<vmem>>
    %dma_start3A_96 = tpu.memref_squeeze %dma_start3A_95 : memref<1x100xi32, #tpu.memory_space<vmem>> -> memref<100xi32, #tpu.memory_space<vmem>>
    %dma_start3A_97 = arith.constant 0 : i32
    %dma_start3A_98 = arith.constant 0 : i32
    %dma_start3A_99 = tpu.memref_slice %arg5[%dma_start3A_97, %dma_start3A_98] : memref<1000000x64xf32, #tpu.memory_space<hbm>> -> memref<1000000x64xf32, #tpu.memory_space<hbm>>
    tpu.enqueue_indirect_dma source(%dma_start3A_99 : memref<1000000x64xf32, #tpu.memory_space<hbm>>) target(%dma_start3A_93 : memref<100x64xf32, #tpu.memory_space<vmem>>) offsets(%dma_start3A_96 : memref<100xi32, #tpu.memory_space<vmem>>) semaphore(%arg18 : memref<!tpu.dma_semaphore, #tpu.memory_space<semaphore_mem>>)
    %dma_start3A_100 = arith.constant 6 : i32
    %dma_start3A_101 = arith.constant 600 : i32
    %dma_start3A_102 = arith.constant 0 : i32
    %dma_start3A_103 = tpu.memref_slice %arg13[%dma_start3A_101, %dma_start3A_102] : memref<800x64xf32, #tpu.memory_space<vmem>> -> memref<100x64xf32, #tpu.memory_space<vmem>>
    %dma_start3A_104 = arith.constant 0 : i32
    %dma_start3A_105 = tpu.memref_slice %arg9[%dma_start3A_100, %dma_start3A_104] : memref<8x100xi32, #tpu.memory_space<vmem>> -> memref<1x100xi32, #tpu.memory_space<vmem>>
    %dma_start3A_106 = tpu.memref_squeeze %dma_start3A_105 : memref<1x100xi32, #tpu.memory_space<vmem>> -> memref<100xi32, #tpu.memory_space<vmem>>
    %dma_start3A_107 = arith.constant 0 : i32
    %dma_start3A_108 = arith.constant 0 : i32
    %dma_start3A_109 = tpu.memref_slice %arg5[%dma_start3A_107, %dma_start3A_108] : memref<1000000x64xf32, #tpu.memory_space<hbm>> -> memref<1000000x64xf32, #tpu.memory_space<hbm>>
    tpu.enqueue_indirect_dma source(%dma_start3A_109 : memref<1000000x64xf32, #tpu.memory_space<hbm>>) target(%dma_start3A_103 : memref<100x64xf32, #tpu.memory_space<vmem>>) offsets(%dma_start3A_106 : memref<100xi32, #tpu.memory_space<vmem>>) semaphore(%arg18 : memref<!tpu.dma_semaphore, #tpu.memory_space<semaphore_mem>>)
    %dma_start3A_110 = arith.constant 7 : i32
    %dma_start3A_111 = arith.constant 700 : i32
    %dma_start3A_112 = arith.constant 0 : i32
    %dma_start3A_113 = tpu.memref_slice %arg13[%dma_start3A_111, %dma_start3A_112] : memref<800x64xf32, #tpu.memory_space<vmem>> -> memref<100x64xf32, #tpu.memory_space<vmem>>
    %dma_start3A_114 = arith.constant 0 : i32
    %dma_start3A_115 = tpu.memref_slice %arg9[%dma_start3A_110, %dma_start3A_114] : memref<8x100xi32, #tpu.memory_space<vmem>> -> memref<1x100xi32, #tpu.memory_space<vmem>>
    %dma_start3A_116 = tpu.memref_squeeze %dma_start3A_115 : memref<1x100xi32, #tpu.memory_space<vmem>> -> memref<100xi32, #tpu.memory_space<vmem>>
    %dma_start3A_117 = arith.constant 0 : i32
    %dma_start3A_118 = arith.constant 0 : i32
    %dma_start3A_119 = tpu.memref_slice %arg5[%dma_start3A_117, %dma_start3A_118] : memref<1000000x64xf32, #tpu.memory_space<hbm>> -> memref<1000000x64xf32, #tpu.memory_space<hbm>>
    tpu.enqueue_indirect_dma source(%dma_start3A_119 : memref<1000000x64xf32, #tpu.memory_space<hbm>>) target(%dma_start3A_113 : memref<100x64xf32, #tpu.memory_space<vmem>>) offsets(%dma_start3A_116 : memref<100xi32, #tpu.memory_space<vmem>>) semaphore(%arg18 : memref<!tpu.dma_semaphore, #tpu.memory_space<semaphore_mem>>)
    %scan3A = arith.constant 0 : i32
    %scan3A_120 = arith.constant 0 : i32
    %scan3A_121 = arith.constant 8 : i32
    %scan3A_122 = arith.addi %scan3A_120, %scan3A_121 : i32
    %scan3A_123 = arith.constant 1 : i32
    scf.for %scan3A_125 = %scan3A_120 to %scan3A_122 step %scan3A_123  : i32 {
      %mul3A_126 = arith.constant 2 : i32
      %mul3A_127 = arith.muli %mul3A_126, %scan3A_125 : i32
      %dma_wait3A = arith.constant 0 : i32
      %dma_wait3A_128 = arith.constant 0 : i32
      %dma_wait3A_129 = tpu.memref_slice %arg4[%dma_wait3A, %dma_wait3A_128] : memref<1000000x64xf32, #tpu.memory_space<hbm>> -> memref<1000000x64xf32, #tpu.memory_space<hbm>>
      tpu.wait_indirect_dma semaphore(%arg18 : memref<!tpu.dma_semaphore, #tpu.memory_space<semaphore_mem>>) src(%dma_wait3A_129 : memref<1000000x64xf32, #tpu.memory_space<hbm>>) dst(%arg11 : memref<32x64xf32, #tpu.memory_space<vmem>>)
      %dma_wait3A_130 = arith.constant 0 : i32
      %dma_wait3A_131 = arith.constant 0 : i32
      %dma_wait3A_132 = arith.constant 0 : i32
      %dma_wait3A_133 = tpu.memref_slice %arg13[%dma_wait3A_131, %dma_wait3A_132] : memref<800x64xf32, #tpu.memory_space<vmem>> -> memref<100x64xf32, #tpu.memory_space<vmem>>
      %dma_wait3A_134 = arith.constant 0 : i32
      %dma_wait3A_135 = tpu.memref_slice %arg9[%dma_wait3A_130, %dma_wait3A_134] : memref<8x100xi32, #tpu.memory_space<vmem>> -> memref<1x100xi32, #tpu.memory_space<vmem>>
      %dma_wait3A_136 = tpu.memref_squeeze %dma_wait3A_135 : memref<1x100xi32, #tpu.memory_space<vmem>> -> memref<100xi32, #tpu.memory_space<vmem>>
      %dma_wait3A_137 = arith.constant 0 : i32
      %dma_wait3A_138 = arith.constant 0 : i32
      %dma_wait3A_139 = tpu.memref_slice %arg5[%dma_wait3A_137, %dma_wait3A_138] : memref<1000000x64xf32, #tpu.memory_space<hbm>> -> memref<1000000x64xf32, #tpu.memory_space<hbm>>
      tpu.wait_indirect_dma semaphore(%arg18 : memref<!tpu.dma_semaphore, #tpu.memory_space<semaphore_mem>>) src(%dma_wait3A_139 : memref<1000000x64xf32, #tpu.memory_space<hbm>>) dst(%dma_wait3A_133 : memref<100x64xf32, #tpu.memory_space<vmem>>)
      %dma_wait3A_140 = arith.constant 1 : i32
      %dma_wait3A_141 = arith.constant 100 : i32
      %dma_wait3A_142 = arith.constant 0 : i32
      %dma_wait3A_143 = tpu.memref_slice %arg13[%dma_wait3A_141, %dma_wait3A_142] : memref<800x64xf32, #tpu.memory_space<vmem>> -> memref<100x64xf32, #tpu.memory_space<vmem>>
      %dma_wait3A_144 = arith.constant 0 : i32
      %dma_wait3A_145 = tpu.memref_slice %arg9[%dma_wait3A_140, %dma_wait3A_144] : memref<8x100xi32, #tpu.memory_space<vmem>> -> memref<1x100xi32, #tpu.memory_space<vmem>>
      %dma_wait3A_146 = tpu.memref_squeeze %dma_wait3A_145 : memref<1x100xi32, #tpu.memory_space<vmem>> -> memref<100xi32, #tpu.memory_space<vmem>>
      %dma_wait3A_147 = arith.constant 0 : i32
      %dma_wait3A_148 = arith.constant 0 : i32
      %dma_wait3A_149 = tpu.memref_slice %arg5[%dma_wait3A_147, %dma_wait3A_148] : memref<1000000x64xf32, #tpu.memory_space<hbm>> -> memref<1000000x64xf32, #tpu.memory_space<hbm>>
      tpu.wait_indirect_dma semaphore(%arg18 : memref<!tpu.dma_semaphore, #tpu.memory_space<semaphore_mem>>) src(%dma_wait3A_149 : memref<1000000x64xf32, #tpu.memory_space<hbm>>) dst(%dma_wait3A_143 : memref<100x64xf32, #tpu.memory_space<vmem>>)
      %dma_wait3A_150 = arith.constant 2 : i32
      %dma_wait3A_151 = arith.constant 200 : i32
      %dma_wait3A_152 = arith.constant 0 : i32
      %dma_wait3A_153 = tpu.memref_slice %arg13[%dma_wait3A_151, %dma_wait3A_152] : memref<800x64xf32, #tpu.memory_space<vmem>> -> memref<100x64xf32, #tpu.memory_space<vmem>>
      %dma_wait3A_154 = arith.constant 0 : i32
      %dma_wait3A_155 = tpu.memref_slice %arg9[%dma_wait3A_150, %dma_wait3A_154] : memref<8x100xi32, #tpu.memory_space<vmem>> -> memref<1x100xi32, #tpu.memory_space<vmem>>
      %dma_wait3A_156 = tpu.memref_squeeze %dma_wait3A_155 : memref<1x100xi32, #tpu.memory_space<vmem>> -> memref<100xi32, #tpu.memory_space<vmem>>
      %dma_wait3A_157 = arith.constant 0 : i32
      %dma_wait3A_158 = arith.constant 0 : i32
      %dma_wait3A_159 = tpu.memref_slice %arg5[%dma_wait3A_157, %dma_wait3A_158] : memref<1000000x64xf32, #tpu.memory_space<hbm>> -> memref<1000000x64xf32, #tpu.memory_space<hbm>>
      tpu.wait_indirect_dma semaphore(%arg18 : memref<!tpu.dma_semaphore, #tpu.memory_space<semaphore_mem>>) src(%dma_wait3A_159 : memref<1000000x64xf32, #tpu.memory_space<hbm>>) dst(%dma_wait3A_153 : memref<100x64xf32, #tpu.memory_space<vmem>>)
      %dma_wait3A_160 = arith.constant 3 : i32
      %dma_wait3A_161 = arith.constant 300 : i32
      %dma_wait3A_162 = arith.constant 0 : i32
      %dma_wait3A_163 = tpu.memref_slice %arg13[%dma_wait3A_161, %dma_wait3A_162] : memref<800x64xf32, #tpu.memory_space<vmem>> -> memref<100x64xf32, #tpu.memory_space<vmem>>
      %dma_wait3A_164 = arith.constant 0 : i32
      %dma_wait3A_165 = tpu.memref_slice %arg9[%dma_wait3A_160, %dma_wait3A_164] : memref<8x100xi32, #tpu.memory_space<vmem>> -> memref<1x100xi32, #tpu.memory_space<vmem>>
      %dma_wait3A_166 = tpu.memref_squeeze %dma_wait3A_165 : memref<1x100xi32, #tpu.memory_space<vmem>> -> memref<100xi32, #tpu.memory_space<vmem>>
      %dma_wait3A_167 = arith.constant 0 : i32
      %dma_wait3A_168 = arith.constant 0 : i32
      %dma_wait3A_169 = tpu.memref_slice %arg5[%dma_wait3A_167, %dma_wait3A_168] : memref<1000000x64xf32, #tpu.memory_space<hbm>> -> memref<1000000x64xf32, #tpu.memory_space<hbm>>
      tpu.wait_indirect_dma semaphore(%arg18 : memref<!tpu.dma_semaphore, #tpu.memory_space<semaphore_mem>>) src(%dma_wait3A_169 : memref<1000000x64xf32, #tpu.memory_space<hbm>>) dst(%dma_wait3A_163 : memref<100x64xf32, #tpu.memory_space<vmem>>)
      %dma_wait3A_170 = arith.constant 4 : i32
      %dma_wait3A_171 = arith.constant 400 : i32
      %dma_wait3A_172 = arith.constant 0 : i32
      %dma_wait3A_173 = tpu.memref_slice %arg13[%dma_wait3A_171, %dma_wait3A_172] : memref<800x64xf32, #tpu.memory_space<vmem>> -> memref<100x64xf32, #tpu.memory_space<vmem>>
      %dma_wait3A_174 = arith.constant 0 : i32
      %dma_wait3A_175 = tpu.memref_slice %arg9[%dma_wait3A_170, %dma_wait3A_174] : memref<8x100xi32, #tpu.memory_space<vmem>> -> memref<1x100xi32, #tpu.memory_space<vmem>>
      %dma_wait3A_176 = tpu.memref_squeeze %dma_wait3A_175 : memref<1x100xi32, #tpu.memory_space<vmem>> -> memref<100xi32, #tpu.memory_space<vmem>>
      %dma_wait3A_177 = arith.constant 0 : i32
      %dma_wait3A_178 = arith.constant 0 : i32
      %dma_wait3A_179 = tpu.memref_slice %arg5[%dma_wait3A_177, %dma_wait3A_178] : memref<1000000x64xf32, #tpu.memory_space<hbm>> -> memref<1000000x64xf32, #tpu.memory_space<hbm>>
      tpu.wait_indirect_dma semaphore(%arg18 : memref<!tpu.dma_semaphore, #tpu.memory_space<semaphore_mem>>) src(%dma_wait3A_179 : memref<1000000x64xf32, #tpu.memory_space<hbm>>) dst(%dma_wait3A_173 : memref<100x64xf32, #tpu.memory_space<vmem>>)
      %dma_wait3A_180 = arith.constant 5 : i32
      %dma_wait3A_181 = arith.constant 500 : i32
      %dma_wait3A_182 = arith.constant 0 : i32
      %dma_wait3A_183 = tpu.memref_slice %arg13[%dma_wait3A_181, %dma_wait3A_182] : memref<800x64xf32, #tpu.memory_space<vmem>> -> memref<100x64xf32, #tpu.memory_space<vmem>>
      %dma_wait3A_184 = arith.constant 0 : i32
      %dma_wait3A_185 = tpu.memref_slice %arg9[%dma_wait3A_180, %dma_wait3A_184] : memref<8x100xi32, #tpu.memory_space<vmem>> -> memref<1x100xi32, #tpu.memory_space<vmem>>
      %dma_wait3A_186 = tpu.memref_squeeze %dma_wait3A_185 : memref<1x100xi32, #tpu.memory_space<vmem>> -> memref<100xi32, #tpu.memory_space<vmem>>
      %dma_wait3A_187 = arith.constant 0 : i32
      %dma_wait3A_188 = arith.constant 0 : i32
      %dma_wait3A_189 = tpu.memref_slice %arg5[%dma_wait3A_187, %dma_wait3A_188] : memref<1000000x64xf32, #tpu.memory_space<hbm>> -> memref<1000000x64xf32, #tpu.memory_space<hbm>>
      tpu.wait_indirect_dma semaphore(%arg18 : memref<!tpu.dma_semaphore, #tpu.memory_space<semaphore_mem>>) src(%dma_wait3A_189 : memref<1000000x64xf32, #tpu.memory_space<hbm>>) dst(%dma_wait3A_183 : memref<100x64xf32, #tpu.memory_space<vmem>>)
      %dma_wait3A_190 = arith.constant 6 : i32
      %dma_wait3A_191 = arith.constant 600 : i32
      %dma_wait3A_192 = arith.constant 0 : i32
      %dma_wait3A_193 = tpu.memref_slice %arg13[%dma_wait3A_191, %dma_wait3A_192] : memref<800x64xf32, #tpu.memory_space<vmem>> -> memref<100x64xf32, #tpu.memory_space<vmem>>
      %dma_wait3A_194 = arith.constant 0 : i32
      %dma_wait3A_195 = tpu.memref_slice %arg9[%dma_wait3A_190, %dma_wait3A_194] : memref<8x100xi32, #tpu.memory_space<vmem>> -> memref<1x100xi32, #tpu.memory_space<vmem>>
      %dma_wait3A_196 = tpu.memref_squeeze %dma_wait3A_195 : memref<1x100xi32, #tpu.memory_space<vmem>> -> memref<100xi32, #tpu.memory_space<vmem>>
      %dma_wait3A_197 = arith.constant 0 : i32
      %dma_wait3A_198 = arith.constant 0 : i32
      %dma_wait3A_199 = tpu.memref_slice %arg5[%dma_wait3A_197, %dma_wait3A_198] : memref<1000000x64xf32, #tpu.memory_space<hbm>> -> memref<1000000x64xf32, #tpu.memory_space<hbm>>
      tpu.wait_indirect_dma semaphore(%arg18 : memref<!tpu.dma_semaphore, #tpu.memory_space<semaphore_mem>>) src(%dma_wait3A_199 : memref<1000000x64xf32, #tpu.memory_space<hbm>>) dst(%dma_wait3A_193 : memref<100x64xf32, #tpu.memory_space<vmem>>)
      %dma_wait3A_200 = arith.constant 7 : i32
      %dma_wait3A_201 = arith.constant 700 : i32
      %dma_wait3A_202 = arith.constant 0 : i32
      %dma_wait3A_203 = tpu.memref_slice %arg13[%dma_wait3A_201, %dma_wait3A_202] : memref<800x64xf32, #tpu.memory_space<vmem>> -> memref<100x64xf32, #tpu.memory_space<vmem>>
      %dma_wait3A_204 = arith.constant 0 : i32
      %dma_wait3A_205 = tpu.memref_slice %arg9[%dma_wait3A_200, %dma_wait3A_204] : memref<8x100xi32, #tpu.memory_space<vmem>> -> memref<1x100xi32, #tpu.memory_space<vmem>>
      %dma_wait3A_206 = tpu.memref_squeeze %dma_wait3A_205 : memref<1x100xi32, #tpu.memory_space<vmem>> -> memref<100xi32, #tpu.memory_space<vmem>>
      %dma_wait3A_207 = arith.constant 0 : i32
      %dma_wait3A_208 = arith.constant 0 : i32
      %dma_wait3A_209 = tpu.memref_slice %arg5[%dma_wait3A_207, %dma_wait3A_208] : memref<1000000x64xf32, #tpu.memory_space<hbm>> -> memref<1000000x64xf32, #tpu.memory_space<hbm>>
      tpu.wait_indirect_dma semaphore(%arg18 : memref<!tpu.dma_semaphore, #tpu.memory_space<semaphore_mem>>) src(%dma_wait3A_209 : memref<1000000x64xf32, #tpu.memory_space<hbm>>) dst(%dma_wait3A_203 : memref<100x64xf32, #tpu.memory_space<vmem>>)
      %add3A_210 = arith.constant 1 : i32
      %add3A_211 = arith.addi %mul3A_127, %add3A_210 : i32
      %lt3A = arith.constant 16 : i32
      %lt3A_212 = arith.cmpi slt, %add3A_211, %lt3A : i32
      %convert_element_type3A = arith.extui %lt3A_212 : i1 to i32
      %cond3A = arith.constant 0 : i32
      %cond3A_213 = arith.cmpi ne, %convert_element_type3A, %cond3A : i32
      scf.if %cond3A_213 {
        %add3A_597 = arith.constant 1 : i32
        %add3A_598 = arith.addi %mul3A_127, %add3A_597 : i32
        %mul3A_599 = arith.constant 32 : i32
        %mul3A_600 = arith.muli %add3A_598, %mul3A_599 : i32
        %add3A_601 = arith.addi %mul3A_2, %mul3A_600 : i32
        %multiple_of3A_602 = tpu.assume_multiple %add3A_601, 32 : i32
        %mul3A_603 = arith.constant 25 : i32
        %mul3A_604 = arith.muli %multiple_of3A_602, %mul3A_603 : i32
        %jit3A_605 = arith.constant 100 : i32
        %div3A_606 = arith.divsi %mul3A_604, %jit3A_605 : i32
        %sign3A_607 = arith.constant 0 : i32
        %sign3A_608 = arith.cmpi sgt, %mul3A_604, %sign3A_607 : i32
        %sign3A_609 = arith.extui %sign3A_608 : i1 to i32
        %sign3A_610 = arith.constant 0 : i32
        %sign3A_611 = arith.cmpi slt, %mul3A_604, %sign3A_610 : i32
        %sign3A_612 = arith.extui %sign3A_611 : i1 to i32
        %sign3A_613 = arith.subi %sign3A_609, %sign3A_612 : i32
        %sign3A_614 = arith.constant 0 : i32
        %sign3A_615 = arith.cmpi sgt, %jit3A_605, %sign3A_614 : i32
        %sign3A_616 = arith.extui %sign3A_615 : i1 to i32
        %sign3A_617 = arith.constant 0 : i32
        %sign3A_618 = arith.cmpi slt, %jit3A_605, %sign3A_617 : i32
        %sign3A_619 = arith.extui %sign3A_618 : i1 to i32
        %sign3A_620 = arith.subi %sign3A_616, %sign3A_619 : i32
        %ne3A_621 = arith.cmpi ne, %sign3A_613, %sign3A_620 : i32
        %rem3A_622 = arith.remsi %mul3A_604, %jit3A_605 : i32
        %ne3A_623 = arith.constant 0 : i32
        %ne3A_624 = arith.cmpi ne, %rem3A_622, %ne3A_623 : i32
        %and3A_625 = arith.andi %ne3A_621, %ne3A_624 : i1
        %sub3A_626 = arith.constant 1 : i32
        %sub3A_627 = arith.subi %div3A_606, %sub3A_626 : i32
        %select_n3A_628 = arith.select %and3A_625, %sub3A_627, %div3A_606 : i32
        %multiple_of3A_629 = tpu.assume_multiple %select_n3A_628, 8 : i32
        "tpu.region"() ({
          %run_scoped3A = tpu.sem_alloc : memref<!tpu.dma_semaphore, #tpu.memory_space<semaphore_mem>>
          %dma_start3A_713 = tpu.memref_slice %arg2[%multiple_of3A_602] : memref<16384xi32, #tpu.memory_space<hbm>> -> memref<32xi32, #tpu.memory_space<hbm>>
          %dma_start3A_714 = tpu.memref_slice %arg2[%multiple_of3A_602] : memref<16384xi32, #tpu.memory_space<hbm>> -> memref<32xi32, #tpu.memory_space<hbm>>
          tpu.enqueue_dma source(%dma_start3A_714 : memref<32xi32, #tpu.memory_space<hbm>>) target(%arg8 : memref<32xi32, #tpu.memory_space<vmem>>) target_semaphore(%run_scoped3A : memref<!tpu.dma_semaphore, #tpu.memory_space<semaphore_mem>>)
          %dma_wait3A_715 = tpu.memref_slice %arg2[%multiple_of3A_602] : memref<16384xi32, #tpu.memory_space<hbm>> -> memref<32xi32, #tpu.memory_space<hbm>>
          %dma_wait3A_716 = tpu.memref_slice %arg2[%multiple_of3A_602] : memref<16384xi32, #tpu.memory_space<hbm>> -> memref<32xi32, #tpu.memory_space<hbm>>
          tpu.wait_dma2 semaphore(%run_scoped3A : memref<!tpu.dma_semaphore, #tpu.memory_space<semaphore_mem>>) src(%dma_wait3A_716 : memref<32xi32, #tpu.memory_space<hbm>>) dst(%arg8 : memref<32xi32, #tpu.memory_space<vmem>>)
          tpu.yield
        }) : () -> ()
        "tpu.region"() ({
          %run_scoped3A = tpu.sem_alloc : memref<!tpu.dma_semaphore, #tpu.memory_space<semaphore_mem>>
          %dma_start3A_713 = arith.constant 0 : i32
          %dma_start3A_714 = tpu.memref_slice %arg3[%multiple_of3A_629, %dma_start3A_713] : memref<4096x100xi32, #tpu.memory_space<hbm>> -> memref<8x100xi32, #tpu.memory_space<hbm>>
          %dma_start3A_715 = arith.constant 0 : i32
          %dma_start3A_716 = tpu.memref_slice %arg3[%multiple_of3A_629, %dma_start3A_715] : memref<4096x100xi32, #tpu.memory_space<hbm>> -> memref<8x100xi32, #tpu.memory_space<hbm>>
          tpu.enqueue_dma source(%dma_start3A_716 : memref<8x100xi32, #tpu.memory_space<hbm>>) target(%arg10 : memref<8x100xi32, #tpu.memory_space<vmem>>) target_semaphore(%run_scoped3A : memref<!tpu.dma_semaphore, #tpu.memory_space<semaphore_mem>>)
          %dma_wait3A_717 = arith.constant 0 : i32
          %dma_wait3A_718 = tpu.memref_slice %arg3[%multiple_of3A_629, %dma_wait3A_717] : memref<4096x100xi32, #tpu.memory_space<hbm>> -> memref<8x100xi32, #tpu.memory_space<hbm>>
          %dma_wait3A_719 = arith.constant 0 : i32
          %dma_wait3A_720 = tpu.memref_slice %arg3[%multiple_of3A_629, %dma_wait3A_719] : memref<4096x100xi32, #tpu.memory_space<hbm>> -> memref<8x100xi32, #tpu.memory_space<hbm>>
          tpu.wait_dma2 semaphore(%run_scoped3A : memref<!tpu.dma_semaphore, #tpu.memory_space<semaphore_mem>>) src(%dma_wait3A_720 : memref<8x100xi32, #tpu.memory_space<hbm>>) dst(%arg10 : memref<8x100xi32, #tpu.memory_space<vmem>>)
          tpu.yield
        }) : () -> ()
        %dma_start3A_630 = arith.constant 0 : i32
        %dma_start3A_631 = arith.constant 0 : i32
        %dma_start3A_632 = tpu.memref_slice %arg4[%dma_start3A_630, %dma_start3A_631] : memref<1000000x64xf32, #tpu.memory_space<hbm>> -> memref<1000000x64xf32, #tpu.memory_space<hbm>>
        tpu.enqueue_indirect_dma source(%dma_start3A_632 : memref<1000000x64xf32, #tpu.memory_space<hbm>>) target(%arg12 : memref<32x64xf32, #tpu.memory_space<vmem>>) offsets(%arg8 : memref<32xi32, #tpu.memory_space<vmem>>) semaphore(%arg19 : memref<!tpu.dma_semaphore, #tpu.memory_space<semaphore_mem>>)
        %dma_start3A_633 = arith.constant 0 : i32
        %dma_start3A_634 = arith.constant 0 : i32
        %dma_start3A_635 = arith.constant 0 : i32
        %dma_start3A_636 = tpu.memref_slice %arg14[%dma_start3A_634, %dma_start3A_635] : memref<800x64xf32, #tpu.memory_space<vmem>> -> memref<100x64xf32, #tpu.memory_space<vmem>>
        %dma_start3A_637 = arith.constant 0 : i32
        %dma_start3A_638 = tpu.memref_slice %arg10[%dma_start3A_633, %dma_start3A_637] : memref<8x100xi32, #tpu.memory_space<vmem>> -> memref<1x100xi32, #tpu.memory_space<vmem>>
        %dma_start3A_639 = tpu.memref_squeeze %dma_start3A_638 : memref<1x100xi32, #tpu.memory_space<vmem>> -> memref<100xi32, #tpu.memory_space<vmem>>
        %dma_start3A_640 = arith.constant 0 : i32
        %dma_start3A_641 = arith.constant 0 : i32
        %dma_start3A_642 = tpu.memref_slice %arg5[%dma_start3A_640, %dma_start3A_641] : memref<1000000x64xf32, #tpu.memory_space<hbm>> -> memref<1000000x64xf32, #tpu.memory_space<hbm>>
        tpu.enqueue_indirect_dma source(%dma_start3A_642 : memref<1000000x64xf32, #tpu.memory_space<hbm>>) target(%dma_start3A_636 : memref<100x64xf32, #tpu.memory_space<vmem>>) offsets(%dma_start3A_639 : memref<100xi32, #tpu.memory_space<vmem>>) semaphore(%arg19 : memref<!tpu.dma_semaphore, #tpu.memory_space<semaphore_mem>>)
        %dma_start3A_643 = arith.constant 1 : i32
        %dma_start3A_644 = arith.constant 100 : i32
        %dma_start3A_645 = arith.constant 0 : i32
        %dma_start3A_646 = tpu.memref_slice %arg14[%dma_start3A_644, %dma_start3A_645] : memref<800x64xf32, #tpu.memory_space<vmem>> -> memref<100x64xf32, #tpu.memory_space<vmem>>
        %dma_start3A_647 = arith.constant 0 : i32
        %dma_start3A_648 = tpu.memref_slice %arg10[%dma_start3A_643, %dma_start3A_647] : memref<8x100xi32, #tpu.memory_space<vmem>> -> memref<1x100xi32, #tpu.memory_space<vmem>>
        %dma_start3A_649 = tpu.memref_squeeze %dma_start3A_648 : memref<1x100xi32, #tpu.memory_space<vmem>> -> memref<100xi32, #tpu.memory_space<vmem>>
        %dma_start3A_650 = arith.constant 0 : i32
        %dma_start3A_651 = arith.constant 0 : i32
        %dma_start3A_652 = tpu.memref_slice %arg5[%dma_start3A_650, %dma_start3A_651] : memref<1000000x64xf32, #tpu.memory_space<hbm>> -> memref<1000000x64xf32, #tpu.memory_space<hbm>>
        tpu.enqueue_indirect_dma source(%dma_start3A_652 : memref<1000000x64xf32, #tpu.memory_space<hbm>>) target(%dma_start3A_646 : memref<100x64xf32, #tpu.memory_space<vmem>>) offsets(%dma_start3A_649 : memref<100xi32, #tpu.memory_space<vmem>>) semaphore(%arg19 : memref<!tpu.dma_semaphore, #tpu.memory_space<semaphore_mem>>)
        %dma_start3A_653 = arith.constant 2 : i32
        %dma_start3A_654 = arith.constant 200 : i32
        %dma_start3A_655 = arith.constant 0 : i32
        %dma_start3A_656 = tpu.memref_slice %arg14[%dma_start3A_654, %dma_start3A_655] : memref<800x64xf32, #tpu.memory_space<vmem>> -> memref<100x64xf32, #tpu.memory_space<vmem>>
        %dma_start3A_657 = arith.constant 0 : i32
        %dma_start3A_658 = tpu.memref_slice %arg10[%dma_start3A_653, %dma_start3A_657] : memref<8x100xi32, #tpu.memory_space<vmem>> -> memref<1x100xi32, #tpu.memory_space<vmem>>
        %dma_start3A_659 = tpu.memref_squeeze %dma_start3A_658 : memref<1x100xi32, #tpu.memory_space<vmem>> -> memref<100xi32, #tpu.memory_space<vmem>>
        %dma_start3A_660 = arith.constant 0 : i32
        %dma_start3A_661 = arith.constant 0 : i32
        %dma_start3A_662 = tpu.memref_slice %arg5[%dma_start3A_660, %dma_start3A_661] : memref<1000000x64xf32, #tpu.memory_space<hbm>> -> memref<1000000x64xf32, #tpu.memory_space<hbm>>
        tpu.enqueue_indirect_dma source(%dma_start3A_662 : memref<1000000x64xf32, #tpu.memory_space<hbm>>) target(%dma_start3A_656 : memref<100x64xf32, #tpu.memory_space<vmem>>) offsets(%dma_start3A_659 : memref<100xi32, #tpu.memory_space<vmem>>) semaphore(%arg19 : memref<!tpu.dma_semaphore, #tpu.memory_space<semaphore_mem>>)
        %dma_start3A_663 = arith.constant 3 : i32
        %dma_start3A_664 = arith.constant 300 : i32
        %dma_start3A_665 = arith.constant 0 : i32
        %dma_start3A_666 = tpu.memref_slice %arg14[%dma_start3A_664, %dma_start3A_665] : memref<800x64xf32, #tpu.memory_space<vmem>> -> memref<100x64xf32, #tpu.memory_space<vmem>>
        %dma_start3A_667 = arith.constant 0 : i32
        %dma_start3A_668 = tpu.memref_slice %arg10[%dma_start3A_663, %dma_start3A_667] : memref<8x100xi32, #tpu.memory_space<vmem>> -> memref<1x100xi32, #tpu.memory_space<vmem>>
        %dma_start3A_669 = tpu.memref_squeeze %dma_start3A_668 : memref<1x100xi32, #tpu.memory_space<vmem>> -> memref<100xi32, #tpu.memory_space<vmem>>
        %dma_start3A_670 = arith.constant 0 : i32
        %dma_start3A_671 = arith.constant 0 : i32
        %dma_start3A_672 = tpu.memref_slice %arg5[%dma_start3A_670, %dma_start3A_671] : memref<1000000x64xf32, #tpu.memory_space<hbm>> -> memref<1000000x64xf32, #tpu.memory_space<hbm>>
        tpu.enqueue_indirect_dma source(%dma_start3A_672 : memref<1000000x64xf32, #tpu.memory_space<hbm>>) target(%dma_start3A_666 : memref<100x64xf32, #tpu.memory_space<vmem>>) offsets(%dma_start3A_669 : memref<100xi32, #tpu.memory_space<vmem>>) semaphore(%arg19 : memref<!tpu.dma_semaphore, #tpu.memory_space<semaphore_mem>>)
        %dma_start3A_673 = arith.constant 4 : i32
        %dma_start3A_674 = arith.constant 400 : i32
        %dma_start3A_675 = arith.constant 0 : i32
        %dma_start3A_676 = tpu.memref_slice %arg14[%dma_start3A_674, %dma_start3A_675] : memref<800x64xf32, #tpu.memory_space<vmem>> -> memref<100x64xf32, #tpu.memory_space<vmem>>
        %dma_start3A_677 = arith.constant 0 : i32
        %dma_start3A_678 = tpu.memref_slice %arg10[%dma_start3A_673, %dma_start3A_677] : memref<8x100xi32, #tpu.memory_space<vmem>> -> memref<1x100xi32, #tpu.memory_space<vmem>>
        %dma_start3A_679 = tpu.memref_squeeze %dma_start3A_678 : memref<1x100xi32, #tpu.memory_space<vmem>> -> memref<100xi32, #tpu.memory_space<vmem>>
        %dma_start3A_680 = arith.constant 0 : i32
        %dma_start3A_681 = arith.constant 0 : i32
        %dma_start3A_682 = tpu.memref_slice %arg5[%dma_start3A_680, %dma_start3A_681] : memref<1000000x64xf32, #tpu.memory_space<hbm>> -> memref<1000000x64xf32, #tpu.memory_space<hbm>>
        tpu.enqueue_indirect_dma source(%dma_start3A_682 : memref<1000000x64xf32, #tpu.memory_space<hbm>>) target(%dma_start3A_676 : memref<100x64xf32, #tpu.memory_space<vmem>>) offsets(%dma_start3A_679 : memref<100xi32, #tpu.memory_space<vmem>>) semaphore(%arg19 : memref<!tpu.dma_semaphore, #tpu.memory_space<semaphore_mem>>)
        %dma_start3A_683 = arith.constant 5 : i32
        %dma_start3A_684 = arith.constant 500 : i32
        %dma_start3A_685 = arith.constant 0 : i32
        %dma_start3A_686 = tpu.memref_slice %arg14[%dma_start3A_684, %dma_start3A_685] : memref<800x64xf32, #tpu.memory_space<vmem>> -> memref<100x64xf32, #tpu.memory_space<vmem>>
        %dma_start3A_687 = arith.constant 0 : i32
        %dma_start3A_688 = tpu.memref_slice %arg10[%dma_start3A_683, %dma_start3A_687] : memref<8x100xi32, #tpu.memory_space<vmem>> -> memref<1x100xi32, #tpu.memory_space<vmem>>
        %dma_start3A_689 = tpu.memref_squeeze %dma_start3A_688 : memref<1x100xi32, #tpu.memory_space<vmem>> -> memref<100xi32, #tpu.memory_space<vmem>>
        %dma_start3A_690 = arith.constant 0 : i32
        %dma_start3A_691 = arith.constant 0 : i32
        %dma_start3A_692 = tpu.memref_slice %arg5[%dma_start3A_690, %dma_start3A_691] : memref<1000000x64xf32, #tpu.memory_space<hbm>> -> memref<1000000x64xf32, #tpu.memory_space<hbm>>
        tpu.enqueue_indirect_dma source(%dma_start3A_692 : memref<1000000x64xf32, #tpu.memory_space<hbm>>) target(%dma_start3A_686 : memref<100x64xf32, #tpu.memory_space<vmem>>) offsets(%dma_start3A_689 : memref<100xi32, #tpu.memory_space<vmem>>) semaphore(%arg19 : memref<!tpu.dma_semaphore, #tpu.memory_space<semaphore_mem>>)
        %dma_start3A_693 = arith.constant 6 : i32
        %dma_start3A_694 = arith.constant 600 : i32
        %dma_start3A_695 = arith.constant 0 : i32
        %dma_start3A_696 = tpu.memref_slice %arg14[%dma_start3A_694, %dma_start3A_695] : memref<800x64xf32, #tpu.memory_space<vmem>> -> memref<100x64xf32, #tpu.memory_space<vmem>>
        %dma_start3A_697 = arith.constant 0 : i32
        %dma_start3A_698 = tpu.memref_slice %arg10[%dma_start3A_693, %dma_start3A_697] : memref<8x100xi32, #tpu.memory_space<vmem>> -> memref<1x100xi32, #tpu.memory_space<vmem>>
        %dma_start3A_699 = tpu.memref_squeeze %dma_start3A_698 : memref<1x100xi32, #tpu.memory_space<vmem>> -> memref<100xi32, #tpu.memory_space<vmem>>
        %dma_start3A_700 = arith.constant 0 : i32
        %dma_start3A_701 = arith.constant 0 : i32
        %dma_start3A_702 = tpu.memref_slice %arg5[%dma_start3A_700, %dma_start3A_701] : memref<1000000x64xf32, #tpu.memory_space<hbm>> -> memref<1000000x64xf32, #tpu.memory_space<hbm>>
        tpu.enqueue_indirect_dma source(%dma_start3A_702 : memref<1000000x64xf32, #tpu.memory_space<hbm>>) target(%dma_start3A_696 : memref<100x64xf32, #tpu.memory_space<vmem>>) offsets(%dma_start3A_699 : memref<100xi32, #tpu.memory_space<vmem>>) semaphore(%arg19 : memref<!tpu.dma_semaphore, #tpu.memory_space<semaphore_mem>>)
        %dma_start3A_703 = arith.constant 7 : i32
        %dma_start3A_704 = arith.constant 700 : i32
        %dma_start3A_705 = arith.constant 0 : i32
        %dma_start3A_706 = tpu.memref_slice %arg14[%dma_start3A_704, %dma_start3A_705] : memref<800x64xf32, #tpu.memory_space<vmem>> -> memref<100x64xf32, #tpu.memory_space<vmem>>
        %dma_start3A_707 = arith.constant 0 : i32
        %dma_start3A_708 = tpu.memref_slice %arg10[%dma_start3A_703, %dma_start3A_707] : memref<8x100xi32, #tpu.memory_space<vmem>> -> memref<1x100xi32, #tpu.memory_space<vmem>>
        %dma_start3A_709 = tpu.memref_squeeze %dma_start3A_708 : memref<1x100xi32, #tpu.memory_space<vmem>> -> memref<100xi32, #tpu.memory_space<vmem>>
        %dma_start3A_710 = arith.constant 0 : i32
        %dma_start3A_711 = arith.constant 0 : i32
        %dma_start3A_712 = tpu.memref_slice %arg5[%dma_start3A_710, %dma_start3A_711] : memref<1000000x64xf32, #tpu.memory_space<hbm>> -> memref<1000000x64xf32, #tpu.memory_space<hbm>>
        tpu.enqueue_indirect_dma source(%dma_start3A_712 : memref<1000000x64xf32, #tpu.memory_space<hbm>>) target(%dma_start3A_706 : memref<100x64xf32, #tpu.memory_space<vmem>>) offsets(%dma_start3A_709 : memref<100xi32, #tpu.memory_space<vmem>>) semaphore(%arg19 : memref<!tpu.dma_semaphore, #tpu.memory_space<semaphore_mem>>)
      } else {
      }
      %mul3A_214 = arith.constant 32 : i32
      %mul3A_215 = arith.muli %mul3A_127, %mul3A_214 : i32
      %add3A_216 = arith.addi %mul3A_2, %mul3A_215 : i32
      %multiple_of3A_217 = tpu.assume_multiple %add3A_216, 32 : i32
      %scan3A_218 = arith.constant 0 : i32
      %scan3A_219 = arith.constant 0 : i32
      %scan3A_220 = arith.constant 32 : i32
      %scan3A_221 = arith.addi %scan3A_219, %scan3A_220 : i32
      %scan3A_222 = arith.constant 1 : i32
      scf.for %scan3A_597 = %scan3A_219 to %scan3A_221 step %scan3A_222  : i32 {
        %get3A = arith.index_cast %scan3A_597 : i32 to index
        %get3A_598 = arith.constant 0 : index
        %get3A_599 = tpu.vector_load %arg11[%get3A, %get3A_598] {strides = array<i32>} : memref<32x64xf32, #tpu.memory_space<vmem>>, vector<16xf32>,
        %get3A_600 = arith.index_cast %scan3A_597 : i32 to index
        %get3A_601 = arith.constant 16 : index
        %get3A_602 = tpu.vector_load %arg11[%get3A_600, %get3A_601] {strides = array<i32>} : memref<32x64xf32, #tpu.memory_space<vmem>>, vector<16xf32>,
        %get3A_603 = arith.index_cast %scan3A_597 : i32 to index
        %get3A_604 = arith.constant 32 : index
        %get3A_605 = tpu.vector_load %arg11[%get3A_603, %get3A_604] {strides = array<i32>} : memref<32x64xf32, #tpu.memory_space<vmem>>, vector<16xf32>,
        %get3A_606 = arith.index_cast %scan3A_597 : i32 to index
        %get3A_607 = arith.constant 48 : index
        %get3A_608 = tpu.vector_load %arg11[%get3A_606, %get3A_607] {strides = array<i32>} : memref<32x64xf32, #tpu.memory_space<vmem>>, vector<16xf32>,
        %mul3A_609 = arith.constant 25 : i32
        %mul3A_610 = arith.muli %scan3A_597, %mul3A_609 : i32
        %add3A_611 = arith.constant 0 : i32
        %add3A_612 = arith.addi %mul3A_610, %add3A_611 : i32
        %get3A_613 = arith.index_cast %add3A_612 : i32 to index
        %get3A_614 = arith.constant 0 : index
        %get3A_615 = tpu.vector_load %arg13[%get3A_613, %get3A_614] {strides = array<i32>} : memref<800x64xf32, #tpu.memory_space<vmem>>, vector<16xf32>,
        %mul3A_616 = arith.mulf %get3A_599, %get3A_615 : vector<16xf32>
        %add3A_617 = arith.constant 0 : i32
        %add3A_618 = arith.addi %mul3A_610, %add3A_617 : i32
        %get3A_619 = arith.index_cast %add3A_618 : i32 to index
        %get3A_620 = arith.constant 16 : index
        %get3A_621 = tpu.vector_load %arg13[%get3A_619, %get3A_620] {strides = array<i32>} : memref<800x64xf32, #tpu.memory_space<vmem>>, vector<16xf32>,
        %mul3A_622 = arith.mulf %get3A_602, %get3A_621 : vector<16xf32>
        %add3A_623 = arith.addf %mul3A_616, %mul3A_622 : vector<16xf32>
        %add3A_624 = arith.constant 0 : i32
        %add3A_625 = arith.addi %mul3A_610, %add3A_624 : i32
        %get3A_626 = arith.index_cast %add3A_625 : i32 to index
        %get3A_627 = arith.constant 32 : index
        %get3A_628 = tpu.vector_load %arg13[%get3A_626, %get3A_627] {strides = array<i32>} : memref<800x64xf32, #tpu.memory_space<vmem>>, vector<16xf32>,
        %mul3A_629 = arith.mulf %get3A_605, %get3A_628 : vector<16xf32>
        %add3A_630 = arith.addf %add3A_623, %mul3A_629 : vector<16xf32>
        %add3A_631 = arith.constant 0 : i32
        %add3A_632 = arith.addi %mul3A_610, %add3A_631 : i32
        %get3A_633 = arith.index_cast %add3A_632 : i32 to index
        %get3A_634 = arith.constant 48 : index
        %get3A_635 = tpu.vector_load %arg13[%get3A_633, %get3A_634] {strides = array<i32>} : memref<800x64xf32, #tpu.memory_space<vmem>>, vector<16xf32>,
        %mul3A_636 = arith.mulf %get3A_608, %get3A_635 : vector<16xf32>
        %add3A_637 = arith.addf %add3A_630, %mul3A_636 : vector<16xf32>
        %swap3A_638 = arith.constant 0 : index
        %swap3A_639 = tpu.vector_load %arg15[%swap3A_638] {strides = array<i32>} : memref<512xf32, #tpu.memory_space<vmem>>, vector<16xf32>,
        tpu.vector_store %arg15[%swap3A_638], %add3A_637 {strides = array<i32>} : memref<512xf32, #tpu.memory_space<vmem>>, vector<16xf32>,
        %add3A_640 = arith.constant 1 : i32
        %add3A_641 = arith.addi %mul3A_610, %add3A_640 : i32
        %get3A_642 = arith.index_cast %add3A_641 : i32 to index
        %get3A_643 = arith.constant 0 : index
        %get3A_644 = tpu.vector_load %arg13[%get3A_642, %get3A_643] {strides = array<i32>} : memref<800x64xf32, #tpu.memory_space<vmem>>, vector<16xf32>,
        %mul3A_645 = arith.mulf %get3A_599, %get3A_644 : vector<16xf32>
        %add3A_646 = arith.constant 1 : i32
        %add3A_647 = arith.addi %mul3A_610, %add3A_646 : i32
        %get3A_648 = arith.index_cast %add3A_647 : i32 to index
        %get3A_649 = arith.constant 16 : index
        %get3A_650 = tpu.vector_load %arg13[%get3A_648, %get3A_649] {strides = array<i32>} : memref<800x64xf32, #tpu.memory_space<vmem>>, vector<16xf32>,
        %mul3A_651 = arith.mulf %get3A_602, %get3A_650 : vector<16xf32>
        %add3A_652 = arith.addf %mul3A_645, %mul3A_651 : vector<16xf32>
        %add3A_653 = arith.constant 1 : i32
        %add3A_654 = arith.addi %mul3A_610, %add3A_653 : i32
        %get3A_655 = arith.index_cast %add3A_654 : i32 to index
        %get3A_656 = arith.constant 32 : index
        %get3A_657 = tpu.vector_load %arg13[%get3A_655, %get3A_656] {strides = array<i32>} : memref<800x64xf32, #tpu.memory_space<vmem>>, vector<16xf32>,
        %mul3A_658 = arith.mulf %get3A_605, %get3A_657 : vector<16xf32>
        %add3A_659 = arith.addf %add3A_652, %mul3A_658 : vector<16xf32>
        %add3A_660 = arith.constant 1 : i32
        %add3A_661 = arith.addi %mul3A_610, %add3A_660 : i32
        %get3A_662 = arith.index_cast %add3A_661 : i32 to index
        %get3A_663 = arith.constant 48 : index
        %get3A_664 = tpu.vector_load %arg13[%get3A_662, %get3A_663] {strides = array<i32>} : memref<800x64xf32, #tpu.memory_space<vmem>>, vector<16xf32>,
        %mul3A_665 = arith.mulf %get3A_608, %get3A_664 : vector<16xf32>
        %add3A_666 = arith.addf %add3A_659, %mul3A_665 : vector<16xf32>
        %swap3A_667 = arith.constant 16 : index
        %swap3A_668 = tpu.vector_load %arg15[%swap3A_667] {strides = array<i32>} : memref<512xf32, #tpu.memory_space<vmem>>, vector<16xf32>,
        tpu.vector_store %arg15[%swap3A_667], %add3A_666 {strides = array<i32>} : memref<512xf32, #tpu.memory_space<vmem>>, vector<16xf32>,
        %add3A_669 = arith.constant 2 : i32
        %add3A_670 = arith.addi %mul3A_610, %add3A_669 : i32
        %get3A_671 = arith.index_cast %add3A_670 : i32 to index
        %get3A_672 = arith.constant 0 : index
        %get3A_673 = tpu.vector_load %arg13[%get3A_671, %get3A_672] {strides = array<i32>} : memref<800x64xf32, #tpu.memory_space<vmem>>, vector<16xf32>,
        %mul3A_674 = arith.mulf %get3A_599, %get3A_673 : vector<16xf32>
        %add3A_675 = arith.constant 2 : i32
        %add3A_676 = arith.addi %mul3A_610, %add3A_675 : i32
        %get3A_677 = arith.index_cast %add3A_676 : i32 to index
        %get3A_678 = arith.constant 16 : index
        %get3A_679 = tpu.vector_load %arg13[%get3A_677, %get3A_678] {strides = array<i32>} : memref<800x64xf32, #tpu.memory_space<vmem>>, vector<16xf32>,
        %mul3A_680 = arith.mulf %get3A_602, %get3A_679 : vector<16xf32>
        %add3A_681 = arith.addf %mul3A_674, %mul3A_680 : vector<16xf32>
        %add3A_682 = arith.constant 2 : i32
        %add3A_683 = arith.addi %mul3A_610, %add3A_682 : i32
        %get3A_684 = arith.index_cast %add3A_683 : i32 to index
        %get3A_685 = arith.constant 32 : index
        %get3A_686 = tpu.vector_load %arg13[%get3A_684, %get3A_685] {strides = array<i32>} : memref<800x64xf32, #tpu.memory_space<vmem>>, vector<16xf32>,
        %mul3A_687 = arith.mulf %get3A_605, %get3A_686 : vector<16xf32>
        %add3A_688 = arith.addf %add3A_681, %mul3A_687 : vector<16xf32>
        %add3A_689 = arith.constant 2 : i32
        %add3A_690 = arith.addi %mul3A_610, %add3A_689 : i32
        %get3A_691 = arith.index_cast %add3A_690 : i32 to index
        %get3A_692 = arith.constant 48 : index
        %get3A_693 = tpu.vector_load %arg13[%get3A_691, %get3A_692] {strides = array<i32>} : memref<800x64xf32, #tpu.memory_space<vmem>>, vector<16xf32>,
        %mul3A_694 = arith.mulf %get3A_608, %get3A_693 : vector<16xf32>
        %add3A_695 = arith.addf %add3A_688, %mul3A_694 : vector<16xf32>
        %swap3A_696 = arith.constant 32 : index
        %swap3A_697 = tpu.vector_load %arg15[%swap3A_696] {strides = array<i32>} : memref<512xf32, #tpu.memory_space<vmem>>, vector<16xf32>,
        tpu.vector_store %arg15[%swap3A_696], %add3A_695 {strides = array<i32>} : memref<512xf32, #tpu.memory_space<vmem>>, vector<16xf32>,
        %add3A_698 = arith.constant 3 : i32
        %add3A_699 = arith.addi %mul3A_610, %add3A_698 : i32
        %get3A_700 = arith.index_cast %add3A_699 : i32 to index
        %get3A_701 = arith.constant 0 : index
        %get3A_702 = tpu.vector_load %arg13[%get3A_700, %get3A_701] {strides = array<i32>} : memref<800x64xf32, #tpu.memory_space<vmem>>, vector<16xf32>,
        %mul3A_703 = arith.mulf %get3A_599, %get3A_702 : vector<16xf32>
        %add3A_704 = arith.constant 3 : i32
        %add3A_705 = arith.addi %mul3A_610, %add3A_704 : i32
        %get3A_706 = arith.index_cast %add3A_705 : i32 to index
        %get3A_707 = arith.constant 16 : index
        %get3A_708 = tpu.vector_load %arg13[%get3A_706, %get3A_707] {strides = array<i32>} : memref<800x64xf32, #tpu.memory_space<vmem>>, vector<16xf32>,
        %mul3A_709 = arith.mulf %get3A_602, %get3A_708 : vector<16xf32>
        %add3A_710 = arith.addf %mul3A_703, %mul3A_709 : vector<16xf32>
        %add3A_711 = arith.constant 3 : i32
        %add3A_712 = arith.addi %mul3A_610, %add3A_711 : i32
        %get3A_713 = arith.index_cast %add3A_712 : i32 to index
        %get3A_714 = arith.constant 32 : index
        %get3A_715 = tpu.vector_load %arg13[%get3A_713, %get3A_714] {strides = array<i32>} : memref<800x64xf32, #tpu.memory_space<vmem>>, vector<16xf32>,
        %mul3A_716 = arith.mulf %get3A_605, %get3A_715 : vector<16xf32>
        %add3A_717 = arith.addf %add3A_710, %mul3A_716 : vector<16xf32>
        %add3A_718 = arith.constant 3 : i32
        %add3A_719 = arith.addi %mul3A_610, %add3A_718 : i32
        %get3A_720 = arith.index_cast %add3A_719 : i32 to index
        %get3A_721 = arith.constant 48 : index
        %get3A_722 = tpu.vector_load %arg13[%get3A_720, %get3A_721] {strides = array<i32>} : memref<800x64xf32, #tpu.memory_space<vmem>>, vector<16xf32>,
        %mul3A_723 = arith.mulf %get3A_608, %get3A_722 : vector<16xf32>
        %add3A_724 = arith.addf %add3A_717, %mul3A_723 : vector<16xf32>
        %swap3A_725 = arith.constant 48 : index
        %swap3A_726 = tpu.vector_load %arg15[%swap3A_725] {strides = array<i32>} : memref<512xf32, #tpu.memory_space<vmem>>, vector<16xf32>,
        tpu.vector_store %arg15[%swap3A_725], %add3A_724 {strides = array<i32>} : memref<512xf32, #tpu.memory_space<vmem>>, vector<16xf32>,
        %add3A_727 = arith.constant 4 : i32
        %add3A_728 = arith.addi %mul3A_610, %add3A_727 : i32
        %get3A_729 = arith.index_cast %add3A_728 : i32 to index
        %get3A_730 = arith.constant 0 : index
        %get3A_731 = tpu.vector_load %arg13[%get3A_729, %get3A_730] {strides = array<i32>} : memref<800x64xf32, #tpu.memory_space<vmem>>, vector<16xf32>,
        %mul3A_732 = arith.mulf %get3A_599, %get3A_731 : vector<16xf32>
        %add3A_733 = arith.constant 4 : i32
        %add3A_734 = arith.addi %mul3A_610, %add3A_733 : i32
        %get3A_735 = arith.index_cast %add3A_734 : i32 to index
        %get3A_736 = arith.constant 16 : index
        %get3A_737 = tpu.vector_load %arg13[%get3A_735, %get3A_736] {strides = array<i32>} : memref<800x64xf32, #tpu.memory_space<vmem>>, vector<16xf32>,
        %mul3A_738 = arith.mulf %get3A_602, %get3A_737 : vector<16xf32>
        %add3A_739 = arith.addf %mul3A_732, %mul3A_738 : vector<16xf32>
        %add3A_740 = arith.constant 4 : i32
        %add3A_741 = arith.addi %mul3A_610, %add3A_740 : i32
        %get3A_742 = arith.index_cast %add3A_741 : i32 to index
        %get3A_743 = arith.constant 32 : index
        %get3A_744 = tpu.vector_load %arg13[%get3A_742, %get3A_743] {strides = array<i32>} : memref<800x64xf32, #tpu.memory_space<vmem>>, vector<16xf32>,
        %mul3A_745 = arith.mulf %get3A_605, %get3A_744 : vector<16xf32>
        %add3A_746 = arith.addf %add3A_739, %mul3A_745 : vector<16xf32>
        %add3A_747 = arith.constant 4 : i32
        %add3A_748 = arith.addi %mul3A_610, %add3A_747 : i32
        %get3A_749 = arith.index_cast %add3A_748 : i32 to index
        %get3A_750 = arith.constant 48 : index
        %get3A_751 = tpu.vector_load %arg13[%get3A_749, %get3A_750] {strides = array<i32>} : memref<800x64xf32, #tpu.memory_space<vmem>>, vector<16xf32>,
        %mul3A_752 = arith.mulf %get3A_608, %get3A_751 : vector<16xf32>
        %add3A_753 = arith.addf %add3A_746, %mul3A_752 : vector<16xf32>
        %swap3A_754 = arith.constant 64 : index
        %swap3A_755 = tpu.vector_load %arg15[%swap3A_754] {strides = array<i32>} : memref<512xf32, #tpu.memory_space<vmem>>, vector<16xf32>,
        tpu.vector_store %arg15[%swap3A_754], %add3A_753 {strides = array<i32>} : memref<512xf32, #tpu.memory_space<vmem>>, vector<16xf32>,
        %add3A_756 = arith.constant 5 : i32
        %add3A_757 = arith.addi %mul3A_610, %add3A_756 : i32
        %get3A_758 = arith.index_cast %add3A_757 : i32 to index
        %get3A_759 = arith.constant 0 : index
        %get3A_760 = tpu.vector_load %arg13[%get3A_758, %get3A_759] {strides = array<i32>} : memref<800x64xf32, #tpu.memory_space<vmem>>, vector<16xf32>,
        %mul3A_761 = arith.mulf %get3A_599, %get3A_760 : vector<16xf32>
        %add3A_762 = arith.constant 5 : i32
        %add3A_763 = arith.addi %mul3A_610, %add3A_762 : i32
        %get3A_764 = arith.index_cast %add3A_763 : i32 to index
        %get3A_765 = arith.constant 16 : index
        %get3A_766 = tpu.vector_load %arg13[%get3A_764, %get3A_765] {strides = array<i32>} : memref<800x64xf32, #tpu.memory_space<vmem>>, vector<16xf32>,
        %mul3A_767 = arith.mulf %get3A_602, %get3A_766 : vector<16xf32>
        %add3A_768 = arith.addf %mul3A_761, %mul3A_767 : vector<16xf32>
        %add3A_769 = arith.constant 5 : i32
        %add3A_770 = arith.addi %mul3A_610, %add3A_769 : i32
        %get3A_771 = arith.index_cast %add3A_770 : i32 to index
        %get3A_772 = arith.constant 32 : index
        %get3A_773 = tpu.vector_load %arg13[%get3A_771, %get3A_772] {strides = array<i32>} : memref<800x64xf32, #tpu.memory_space<vmem>>, vector<16xf32>,
        %mul3A_774 = arith.mulf %get3A_605, %get3A_773 : vector<16xf32>
        %add3A_775 = arith.addf %add3A_768, %mul3A_774 : vector<16xf32>
        %add3A_776 = arith.constant 5 : i32
        %add3A_777 = arith.addi %mul3A_610, %add3A_776 : i32
        %get3A_778 = arith.index_cast %add3A_777 : i32 to index
        %get3A_779 = arith.constant 48 : index
        %get3A_780 = tpu.vector_load %arg13[%get3A_778, %get3A_779] {strides = array<i32>} : memref<800x64xf32, #tpu.memory_space<vmem>>, vector<16xf32>,
        %mul3A_781 = arith.mulf %get3A_608, %get3A_780 : vector<16xf32>
        %add3A_782 = arith.addf %add3A_775, %mul3A_781 : vector<16xf32>
        %swap3A_783 = arith.constant 80 : index
        %swap3A_784 = tpu.vector_load %arg15[%swap3A_783] {strides = array<i32>} : memref<512xf32, #tpu.memory_space<vmem>>, vector<16xf32>,
        tpu.vector_store %arg15[%swap3A_783], %add3A_782 {strides = array<i32>} : memref<512xf32, #tpu.memory_space<vmem>>, vector<16xf32>,
        %add3A_785 = arith.constant 6 : i32
        %add3A_786 = arith.addi %mul3A_610, %add3A_785 : i32
        %get3A_787 = arith.index_cast %add3A_786 : i32 to index
        %get3A_788 = arith.constant 0 : index
        %get3A_789 = tpu.vector_load %arg13[%get3A_787, %get3A_788] {strides = array<i32>} : memref<800x64xf32, #tpu.memory_space<vmem>>, vector<16xf32>,
        %mul3A_790 = arith.mulf %get3A_599, %get3A_789 : vector<16xf32>
        %add3A_791 = arith.constant 6 : i32
        %add3A_792 = arith.addi %mul3A_610, %add3A_791 : i32
        %get3A_793 = arith.index_cast %add3A_792 : i32 to index
        %get3A_794 = arith.constant 16 : index
        %get3A_795 = tpu.vector_load %arg13[%get3A_793, %get3A_794] {strides = array<i32>} : memref<800x64xf32, #tpu.memory_space<vmem>>, vector<16xf32>,
        %mul3A_796 = arith.mulf %get3A_602, %get3A_795 : vector<16xf32>
        %add3A_797 = arith.addf %mul3A_790, %mul3A_796 : vector<16xf32>
        %add3A_798 = arith.constant 6 : i32
        %add3A_799 = arith.addi %mul3A_610, %add3A_798 : i32
        %get3A_800 = arith.index_cast %add3A_799 : i32 to index
        %get3A_801 = arith.constant 32 : index
        %get3A_802 = tpu.vector_load %arg13[%get3A_800, %get3A_801] {strides = array<i32>} : memref<800x64xf32, #tpu.memory_space<vmem>>, vector<16xf32>,
        %mul3A_803 = arith.mulf %get3A_605, %get3A_802 : vector<16xf32>
        %add3A_804 = arith.addf %add3A_797, %mul3A_803 : vector<16xf32>
        %add3A_805 = arith.constant 6 : i32
        %add3A_806 = arith.addi %mul3A_610, %add3A_805 : i32
        %get3A_807 = arith.index_cast %add3A_806 : i32 to index
        %get3A_808 = arith.constant 48 : index
        %get3A_809 = tpu.vector_load %arg13[%get3A_807, %get3A_808] {strides = array<i32>} : memref<800x64xf32, #tpu.memory_space<vmem>>, vector<16xf32>,
        %mul3A_810 = arith.mulf %get3A_608, %get3A_809 : vector<16xf32>
        %add3A_811 = arith.addf %add3A_804, %mul3A_810 : vector<16xf32>
        %swap3A_812 = arith.constant 96 : index
        %swap3A_813 = tpu.vector_load %arg15[%swap3A_812] {strides = array<i32>} : memref<512xf32, #tpu.memory_space<vmem>>, vector<16xf32>,
        tpu.vector_store %arg15[%swap3A_812], %add3A_811 {strides = array<i32>} : memref<512xf32, #tpu.memory_space<vmem>>, vector<16xf32>,
        %add3A_814 = arith.constant 7 : i32
        %add3A_815 = arith.addi %mul3A_610, %add3A_814 : i32
        %get3A_816 = arith.index_cast %add3A_815 : i32 to index
        %get3A_817 = arith.constant 0 : index
        %get3A_818 = tpu.vector_load %arg13[%get3A_816, %get3A_817] {strides = array<i32>} : memref<800x64xf32, #tpu.memory_space<vmem>>, vector<16xf32>,
        %mul3A_819 = arith.mulf %get3A_599, %get3A_818 : vector<16xf32>
        %add3A_820 = arith.constant 7 : i32
        %add3A_821 = arith.addi %mul3A_610, %add3A_820 : i32
        %get3A_822 = arith.index_cast %add3A_821 : i32 to index
        %get3A_823 = arith.constant 16 : index
        %get3A_824 = tpu.vector_load %arg13[%get3A_822, %get3A_823] {strides = array<i32>} : memref<800x64xf32, #tpu.memory_space<vmem>>, vector<16xf32>,
        %mul3A_825 = arith.mulf %get3A_602, %get3A_824 : vector<16xf32>
        %add3A_826 = arith.addf %mul3A_819, %mul3A_825 : vector<16xf32>
        %add3A_827 = arith.constant 7 : i32
        %add3A_828 = arith.addi %mul3A_610, %add3A_827 : i32
        %get3A_829 = arith.index_cast %add3A_828 : i32 to index
        %get3A_830 = arith.constant 32 : index
        %get3A_831 = tpu.vector_load %arg13[%get3A_829, %get3A_830] {strides = array<i32>} : memref<800x64xf32, #tpu.memory_space<vmem>>, vector<16xf32>,
        %mul3A_832 = arith.mulf %get3A_605, %get3A_831 : vector<16xf32>
        %add3A_833 = arith.addf %add3A_826, %mul3A_832 : vector<16xf32>
        %add3A_834 = arith.constant 7 : i32
        %add3A_835 = arith.addi %mul3A_610, %add3A_834 : i32
        %get3A_836 = arith.index_cast %add3A_835 : i32 to index
        %get3A_837 = arith.constant 48 : index
        %get3A_838 = tpu.vector_load %arg13[%get3A_836, %get3A_837] {strides = array<i32>} : memref<800x64xf32, #tpu.memory_space<vmem>>, vector<16xf32>,
        %mul3A_839 = arith.mulf %get3A_608, %get3A_838 : vector<16xf32>
        %add3A_840 = arith.addf %add3A_833, %mul3A_839 : vector<16xf32>
        %swap3A_841 = arith.constant 112 : index
        %swap3A_842 = tpu.vector_load %arg15[%swap3A_841] {strides = array<i32>} : memref<512xf32, #tpu.memory_space<vmem>>, vector<16xf32>,
        tpu.vector_store %arg15[%swap3A_841], %add3A_840 {strides = array<i32>} : memref<512xf32, #tpu.memory_space<vmem>>, vector<16xf32>,
        %add3A_843 = arith.constant 8 : i32
        %add3A_844 = arith.addi %mul3A_610, %add3A_843 : i32
        %get3A_845 = arith.index_cast %add3A_844 : i32 to index
        %get3A_846 = arith.constant 0 : index
        %get3A_847 = tpu.vector_load %arg13[%get3A_845, %get3A_846] {strides = array<i32>} : memref<800x64xf32, #tpu.memory_space<vmem>>, vector<16xf32>,
        %mul3A_848 = arith.mulf %get3A_599, %get3A_847 : vector<16xf32>
        %add3A_849 = arith.constant 8 : i32
        %add3A_850 = arith.addi %mul3A_610, %add3A_849 : i32
        %get3A_851 = arith.index_cast %add3A_850 : i32 to index
        %get3A_852 = arith.constant 16 : index
        %get3A_853 = tpu.vector_load %arg13[%get3A_851, %get3A_852] {strides = array<i32>} : memref<800x64xf32, #tpu.memory_space<vmem>>, vector<16xf32>,
        %mul3A_854 = arith.mulf %get3A_602, %get3A_853 : vector<16xf32>
        %add3A_855 = arith.addf %mul3A_848, %mul3A_854 : vector<16xf32>
        %add3A_856 = arith.constant 8 : i32
        %add3A_857 = arith.addi %mul3A_610, %add3A_856 : i32
        %get3A_858 = arith.index_cast %add3A_857 : i32 to index
        %get3A_859 = arith.constant 32 : index
        %get3A_860 = tpu.vector_load %arg13[%get3A_858, %get3A_859] {strides = array<i32>} : memref<800x64xf32, #tpu.memory_space<vmem>>, vector<16xf32>,
        %mul3A_861 = arith.mulf %get3A_605, %get3A_860 : vector<16xf32>
        %add3A_862 = arith.addf %add3A_855, %mul3A_861 : vector<16xf32>
        %add3A_863 = arith.constant 8 : i32
        %add3A_864 = arith.addi %mul3A_610, %add3A_863 : i32
        %get3A_865 = arith.index_cast %add3A_864 : i32 to index
        %get3A_866 = arith.constant 48 : index
        %get3A_867 = tpu.vector_load %arg13[%get3A_865, %get3A_866] {strides = array<i32>} : memref<800x64xf32, #tpu.memory_space<vmem>>, vector<16xf32>,
        %mul3A_868 = arith.mulf %get3A_608, %get3A_867 : vector<16xf32>
        %add3A_869 = arith.addf %add3A_862, %mul3A_868 : vector<16xf32>
        %swap3A_870 = arith.constant 128 : index
        %swap3A_871 = tpu.vector_load %arg15[%swap3A_870] {strides = array<i32>} : memref<512xf32, #tpu.memory_space<vmem>>, vector<16xf32>,
        tpu.vector_store %arg15[%swap3A_870], %add3A_869 {strides = array<i32>} : memref<512xf32, #tpu.memory_space<vmem>>, vector<16xf32>,
        %add3A_872 = arith.constant 9 : i32
        %add3A_873 = arith.addi %mul3A_610, %add3A_872 : i32
        %get3A_874 = arith.index_cast %add3A_873 : i32 to index
        %get3A_875 = arith.constant 0 : index
        %get3A_876 = tpu.vector_load %arg13[%get3A_874, %get3A_875] {strides = array<i32>} : memref<800x64xf32, #tpu.memory_space<vmem>>, vector<16xf32>,
        %mul3A_877 = arith.mulf %get3A_599, %get3A_876 : vector<16xf32>
        %add3A_878 = arith.constant 9 : i32
        %add3A_879 = arith.addi %mul3A_610, %add3A_878 : i32
        %get3A_880 = arith.index_cast %add3A_879 : i32 to index
        %get3A_881 = arith.constant 16 : index
        %get3A_882 = tpu.vector_load %arg13[%get3A_880, %get3A_881] {strides = array<i32>} : memref<800x64xf32, #tpu.memory_space<vmem>>, vector<16xf32>,
        %mul3A_883 = arith.mulf %get3A_602, %get3A_882 : vector<16xf32>
        %add3A_884 = arith.addf %mul3A_877, %mul3A_883 : vector<16xf32>
        %add3A_885 = arith.constant 9 : i32
        %add3A_886 = arith.addi %mul3A_610, %add3A_885 : i32
        %get3A_887 = arith.index_cast %add3A_886 : i32 to index
        %get3A_888 = arith.constant 32 : index
        %get3A_889 = tpu.vector_load %arg13[%get3A_887, %get3A_888] {strides = array<i32>} : memref<800x64xf32, #tpu.memory_space<vmem>>, vector<16xf32>,
        %mul3A_890 = arith.mulf %get3A_605, %get3A_889 : vector<16xf32>
        %add3A_891 = arith.addf %add3A_884, %mul3A_890 : vector<16xf32>
        %add3A_892 = arith.constant 9 : i32
        %add3A_893 = arith.addi %mul3A_610, %add3A_892 : i32
        %get3A_894 = arith.index_cast %add3A_893 : i32 to index
        %get3A_895 = arith.constant 48 : index
        %get3A_896 = tpu.vector_load %arg13[%get3A_894, %get3A_895] {strides = array<i32>} : memref<800x64xf32, #tpu.memory_space<vmem>>, vector<16xf32>,
        %mul3A_897 = arith.mulf %get3A_608, %get3A_896 : vector<16xf32>
        %add3A_898 = arith.addf %add3A_891, %mul3A_897 : vector<16xf32>
        %swap3A_899 = arith.constant 144 : index
        %swap3A_900 = tpu.vector_load %arg15[%swap3A_899] {strides = array<i32>} : memref<512xf32, #tpu.memory_space<vmem>>, vector<16xf32>,
        tpu.vector_store %arg15[%swap3A_899], %add3A_898 {strides = array<i32>} : memref<512xf32, #tpu.memory_space<vmem>>, vector<16xf32>,
        %add3A_901 = arith.constant 10 : i32
        %add3A_902 = arith.addi %mul3A_610, %add3A_901 : i32
        %get3A_903 = arith.index_cast %add3A_902 : i32 to index
        %get3A_904 = arith.constant 0 : index
        %get3A_905 = tpu.vector_load %arg13[%get3A_903, %get3A_904] {strides = array<i32>} : memref<800x64xf32, #tpu.memory_space<vmem>>, vector<16xf32>,
        %mul3A_906 = arith.mulf %get3A_599, %get3A_905 : vector<16xf32>
        %add3A_907 = arith.constant 10 : i32
        %add3A_908 = arith.addi %mul3A_610, %add3A_907 : i32
        %get3A_909 = arith.index_cast %add3A_908 : i32 to index
        %get3A_910 = arith.constant 16 : index
        %get3A_911 = tpu.vector_load %arg13[%get3A_909, %get3A_910] {strides = array<i32>} : memref<800x64xf32, #tpu.memory_space<vmem>>, vector<16xf32>,
        %mul3A_912 = arith.mulf %get3A_602, %get3A_911 : vector<16xf32>
        %add3A_913 = arith.addf %mul3A_906, %mul3A_912 : vector<16xf32>
        %add3A_914 = arith.constant 10 : i32
        %add3A_915 = arith.addi %mul3A_610, %add3A_914 : i32
        %get3A_916 = arith.index_cast %add3A_915 : i32 to index
        %get3A_917 = arith.constant 32 : index
        %get3A_918 = tpu.vector_load %arg13[%get3A_916, %get3A_917] {strides = array<i32>} : memref<800x64xf32, #tpu.memory_space<vmem>>, vector<16xf32>,
        %mul3A_919 = arith.mulf %get3A_605, %get3A_918 : vector<16xf32>
        %add3A_920 = arith.addf %add3A_913, %mul3A_919 : vector<16xf32>
        %add3A_921 = arith.constant 10 : i32
        %add3A_922 = arith.addi %mul3A_610, %add3A_921 : i32
        %get3A_923 = arith.index_cast %add3A_922 : i32 to index
        %get3A_924 = arith.constant 48 : index
        %get3A_925 = tpu.vector_load %arg13[%get3A_923, %get3A_924] {strides = array<i32>} : memref<800x64xf32, #tpu.memory_space<vmem>>, vector<16xf32>,
        %mul3A_926 = arith.mulf %get3A_608, %get3A_925 : vector<16xf32>
        %add3A_927 = arith.addf %add3A_920, %mul3A_926 : vector<16xf32>
        %swap3A_928 = arith.constant 160 : index
        %swap3A_929 = tpu.vector_load %arg15[%swap3A_928] {strides = array<i32>} : memref<512xf32, #tpu.memory_space<vmem>>, vector<16xf32>,
        tpu.vector_store %arg15[%swap3A_928], %add3A_927 {strides = array<i32>} : memref<512xf32, #tpu.memory_space<vmem>>, vector<16xf32>,
        %add3A_930 = arith.constant 11 : i32
        %add3A_931 = arith.addi %mul3A_610, %add3A_930 : i32
        %get3A_932 = arith.index_cast %add3A_931 : i32 to index
        %get3A_933 = arith.constant 0 : index
        %get3A_934 = tpu.vector_load %arg13[%get3A_932, %get3A_933] {strides = array<i32>} : memref<800x64xf32, #tpu.memory_space<vmem>>, vector<16xf32>,
        %mul3A_935 = arith.mulf %get3A_599, %get3A_934 : vector<16xf32>
        %add3A_936 = arith.constant 11 : i32
        %add3A_937 = arith.addi %mul3A_610, %add3A_936 : i32
        %get3A_938 = arith.index_cast %add3A_937 : i32 to index
        %get3A_939 = arith.constant 16 : index
        %get3A_940 = tpu.vector_load %arg13[%get3A_938, %get3A_939] {strides = array<i32>} : memref<800x64xf32, #tpu.memory_space<vmem>>, vector<16xf32>,
        %mul3A_941 = arith.mulf %get3A_602, %get3A_940 : vector<16xf32>
        %add3A_942 = arith.addf %mul3A_935, %mul3A_941 : vector<16xf32>
        %add3A_943 = arith.constant 11 : i32
        %add3A_944 = arith.addi %mul3A_610, %add3A_943 : i32
        %get3A_945 = arith.index_cast %add3A_944 : i32 to index
        %get3A_946 = arith.constant 32 : index
        %get3A_947 = tpu.vector_load %arg13[%get3A_945, %get3A_946] {strides = array<i32>} : memref<800x64xf32, #tpu.memory_space<vmem>>, vector<16xf32>,
        %mul3A_948 = arith.mulf %get3A_605, %get3A_947 : vector<16xf32>
        %add3A_949 = arith.addf %add3A_942, %mul3A_948 : vector<16xf32>
        %add3A_950 = arith.constant 11 : i32
        %add3A_951 = arith.addi %mul3A_610, %add3A_950 : i32
        %get3A_952 = arith.index_cast %add3A_951 : i32 to index
        %get3A_953 = arith.constant 48 : index
        %get3A_954 = tpu.vector_load %arg13[%get3A_952, %get3A_953] {strides = array<i32>} : memref<800x64xf32, #tpu.memory_space<vmem>>, vector<16xf32>,
        %mul3A_955 = arith.mulf %get3A_608, %get3A_954 : vector<16xf32>
        %add3A_956 = arith.addf %add3A_949, %mul3A_955 : vector<16xf32>
        %swap3A_957 = arith.constant 176 : index
        %swap3A_958 = tpu.vector_load %arg15[%swap3A_957] {strides = array<i32>} : memref<512xf32, #tpu.memory_space<vmem>>, vector<16xf32>,
        tpu.vector_store %arg15[%swap3A_957], %add3A_956 {strides = array<i32>} : memref<512xf32, #tpu.memory_space<vmem>>, vector<16xf32>,
        %add3A_959 = arith.constant 12 : i32
        %add3A_960 = arith.addi %mul3A_610, %add3A_959 : i32
        %get3A_961 = arith.index_cast %add3A_960 : i32 to index
        %get3A_962 = arith.constant 0 : index
        %get3A_963 = tpu.vector_load %arg13[%get3A_961, %get3A_962] {strides = array<i32>} : memref<800x64xf32, #tpu.memory_space<vmem>>, vector<16xf32>,
        %mul3A_964 = arith.mulf %get3A_599, %get3A_963 : vector<16xf32>
        %add3A_965 = arith.constant 12 : i32
        %add3A_966 = arith.addi %mul3A_610, %add3A_965 : i32
        %get3A_967 = arith.index_cast %add3A_966 : i32 to index
        %get3A_968 = arith.constant 16 : index
        %get3A_969 = tpu.vector_load %arg13[%get3A_967, %get3A_968] {strides = array<i32>} : memref<800x64xf32, #tpu.memory_space<vmem>>, vector<16xf32>,
        %mul3A_970 = arith.mulf %get3A_602, %get3A_969 : vector<16xf32>
        %add3A_971 = arith.addf %mul3A_964, %mul3A_970 : vector<16xf32>
        %add3A_972 = arith.constant 12 : i32
        %add3A_973 = arith.addi %mul3A_610, %add3A_972 : i32
        %get3A_974 = arith.index_cast %add3A_973 : i32 to index
        %get3A_975 = arith.constant 32 : index
        %get3A_976 = tpu.vector_load %arg13[%get3A_974, %get3A_975] {strides = array<i32>} : memref<800x64xf32, #tpu.memory_space<vmem>>, vector<16xf32>,
        %mul3A_977 = arith.mulf %get3A_605, %get3A_976 : vector<16xf32>
        %add3A_978 = arith.addf %add3A_971, %mul3A_977 : vector<16xf32>
        %add3A_979 = arith.constant 12 : i32
        %add3A_980 = arith.addi %mul3A_610, %add3A_979 : i32
        %get3A_981 = arith.index_cast %add3A_980 : i32 to index
        %get3A_982 = arith.constant 48 : index
        %get3A_983 = tpu.vector_load %arg13[%get3A_981, %get3A_982] {strides = array<i32>} : memref<800x64xf32, #tpu.memory_space<vmem>>, vector<16xf32>,
        %mul3A_984 = arith.mulf %get3A_608, %get3A_983 : vector<16xf32>
        %add3A_985 = arith.addf %add3A_978, %mul3A_984 : vector<16xf32>
        %swap3A_986 = arith.constant 192 : index
        %swap3A_987 = tpu.vector_load %arg15[%swap3A_986] {strides = array<i32>} : memref<512xf32, #tpu.memory_space<vmem>>, vector<16xf32>,
        tpu.vector_store %arg15[%swap3A_986], %add3A_985 {strides = array<i32>} : memref<512xf32, #tpu.memory_space<vmem>>, vector<16xf32>,
        %add3A_988 = arith.constant 13 : i32
        %add3A_989 = arith.addi %mul3A_610, %add3A_988 : i32
        %get3A_990 = arith.index_cast %add3A_989 : i32 to index
        %get3A_991 = arith.constant 0 : index
        %get3A_992 = tpu.vector_load %arg13[%get3A_990, %get3A_991] {strides = array<i32>} : memref<800x64xf32, #tpu.memory_space<vmem>>, vector<16xf32>,
        %mul3A_993 = arith.mulf %get3A_599, %get3A_992 : vector<16xf32>
        %add3A_994 = arith.constant 13 : i32
        %add3A_995 = arith.addi %mul3A_610, %add3A_994 : i32
        %get3A_996 = arith.index_cast %add3A_995 : i32 to index
        %get3A_997 = arith.constant 16 : index
        %get3A_998 = tpu.vector_load %arg13[%get3A_996, %get3A_997] {strides = array<i32>} : memref<800x64xf32, #tpu.memory_space<vmem>>, vector<16xf32>,
        %mul3A_999 = arith.mulf %get3A_602, %get3A_998 : vector<16xf32>
        %add3A_1000 = arith.addf %mul3A_993, %mul3A_999 : vector<16xf32>
        %add3A_1001 = arith.constant 13 : i32
        %add3A_1002 = arith.addi %mul3A_610, %add3A_1001 : i32
        %get3A_1003 = arith.index_cast %add3A_1002 : i32 to index
        %get3A_1004 = arith.constant 32 : index
        %get3A_1005 = tpu.vector_load %arg13[%get3A_1003, %get3A_1004] {strides = array<i32>} : memref<800x64xf32, #tpu.memory_space<vmem>>, vector<16xf32>,
        %mul3A_1006 = arith.mulf %get3A_605, %get3A_1005 : vector<16xf32>
        %add3A_1007 = arith.addf %add3A_1000, %mul3A_1006 : vector<16xf32>
        %add3A_1008 = arith.constant 13 : i32
        %add3A_1009 = arith.addi %mul3A_610, %add3A_1008 : i32
        %get3A_1010 = arith.index_cast %add3A_1009 : i32 to index
        %get3A_1011 = arith.constant 48 : index
        %get3A_1012 = tpu.vector_load %arg13[%get3A_1010, %get3A_1011] {strides = array<i32>} : memref<800x64xf32, #tpu.memory_space<vmem>>, vector<16xf32>,
        %mul3A_1013 = arith.mulf %get3A_608, %get3A_1012 : vector<16xf32>
        %add3A_1014 = arith.addf %add3A_1007, %mul3A_1013 : vector<16xf32>
        %swap3A_1015 = arith.constant 208 : index
        %swap3A_1016 = tpu.vector_load %arg15[%swap3A_1015] {strides = array<i32>} : memref<512xf32, #tpu.memory_space<vmem>>, vector<16xf32>,
        tpu.vector_store %arg15[%swap3A_1015], %add3A_1014 {strides = array<i32>} : memref<512xf32, #tpu.memory_space<vmem>>, vector<16xf32>,
        %add3A_1017 = arith.constant 14 : i32
        %add3A_1018 = arith.addi %mul3A_610, %add3A_1017 : i32
        %get3A_1019 = arith.index_cast %add3A_1018 : i32 to index
        %get3A_1020 = arith.constant 0 : index
        %get3A_1021 = tpu.vector_load %arg13[%get3A_1019, %get3A_1020] {strides = array<i32>} : memref<800x64xf32, #tpu.memory_space<vmem>>, vector<16xf32>,
        %mul3A_1022 = arith.mulf %get3A_599, %get3A_1021 : vector<16xf32>
        %add3A_1023 = arith.constant 14 : i32
        %add3A_1024 = arith.addi %mul3A_610, %add3A_1023 : i32
        %get3A_1025 = arith.index_cast %add3A_1024 : i32 to index
        %get3A_1026 = arith.constant 16 : index
        %get3A_1027 = tpu.vector_load %arg13[%get3A_1025, %get3A_1026] {strides = array<i32>} : memref<800x64xf32, #tpu.memory_space<vmem>>, vector<16xf32>,
        %mul3A_1028 = arith.mulf %get3A_602, %get3A_1027 : vector<16xf32>
        %add3A_1029 = arith.addf %mul3A_1022, %mul3A_1028 : vector<16xf32>
        %add3A_1030 = arith.constant 14 : i32
        %add3A_1031 = arith.addi %mul3A_610, %add3A_1030 : i32
        %get3A_1032 = arith.index_cast %add3A_1031 : i32 to index
        %get3A_1033 = arith.constant 32 : index
        %get3A_1034 = tpu.vector_load %arg13[%get3A_1032, %get3A_1033] {strides = array<i32>} : memref<800x64xf32, #tpu.memory_space<vmem>>, vector<16xf32>,
        %mul3A_1035 = arith.mulf %get3A_605, %get3A_1034 : vector<16xf32>
        %add3A_1036 = arith.addf %add3A_1029, %mul3A_1035 : vector<16xf32>
        %add3A_1037 = arith.constant 14 : i32
        %add3A_1038 = arith.addi %mul3A_610, %add3A_1037 : i32
        %get3A_1039 = arith.index_cast %add3A_1038 : i32 to index
        %get3A_1040 = arith.constant 48 : index
        %get3A_1041 = tpu.vector_load %arg13[%get3A_1039, %get3A_1040] {strides = array<i32>} : memref<800x64xf32, #tpu.memory_space<vmem>>, vector<16xf32>,
        %mul3A_1042 = arith.mulf %get3A_608, %get3A_1041 : vector<16xf32>
        %add3A_1043 = arith.addf %add3A_1036, %mul3A_1042 : vector<16xf32>
        %swap3A_1044 = arith.constant 224 : index
        %swap3A_1045 = tpu.vector_load %arg15[%swap3A_1044] {strides = array<i32>} : memref<512xf32, #tpu.memory_space<vmem>>, vector<16xf32>,
        tpu.vector_store %arg15[%swap3A_1044], %add3A_1043 {strides = array<i32>} : memref<512xf32, #tpu.memory_space<vmem>>, vector<16xf32>,
        %add3A_1046 = arith.constant 15 : i32
        %add3A_1047 = arith.addi %mul3A_610, %add3A_1046 : i32
        %get3A_1048 = arith.index_cast %add3A_1047 : i32 to index
        %get3A_1049 = arith.constant 0 : index
        %get3A_1050 = tpu.vector_load %arg13[%get3A_1048, %get3A_1049] {strides = array<i32>} : memref<800x64xf32, #tpu.memory_space<vmem>>, vector<16xf32>,
        %mul3A_1051 = arith.mulf %get3A_599, %get3A_1050 : vector<16xf32>
        %add3A_1052 = arith.constant 15 : i32
        %add3A_1053 = arith.addi %mul3A_610, %add3A_1052 : i32
        %get3A_1054 = arith.index_cast %add3A_1053 : i32 to index
        %get3A_1055 = arith.constant 16 : index
        %get3A_1056 = tpu.vector_load %arg13[%get3A_1054, %get3A_1055] {strides = array<i32>} : memref<800x64xf32, #tpu.memory_space<vmem>>, vector<16xf32>,
        %mul3A_1057 = arith.mulf %get3A_602, %get3A_1056 : vector<16xf32>
        %add3A_1058 = arith.addf %mul3A_1051, %mul3A_1057 : vector<16xf32>
        %add3A_1059 = arith.constant 15 : i32
        %add3A_1060 = arith.addi %mul3A_610, %add3A_1059 : i32
        %get3A_1061 = arith.index_cast %add3A_1060 : i32 to index
        %get3A_1062 = arith.constant 32 : index
        %get3A_1063 = tpu.vector_load %arg13[%get3A_1061, %get3A_1062] {strides = array<i32>} : memref<800x64xf32, #tpu.memory_space<vmem>>, vector<16xf32>,
        %mul3A_1064 = arith.mulf %get3A_605, %get3A_1063 : vector<16xf32>
        %add3A_1065 = arith.addf %add3A_1058, %mul3A_1064 : vector<16xf32>
        %add3A_1066 = arith.constant 15 : i32
        %add3A_1067 = arith.addi %mul3A_610, %add3A_1066 : i32
        %get3A_1068 = arith.index_cast %add3A_1067 : i32 to index
        %get3A_1069 = arith.constant 48 : index
        %get3A_1070 = tpu.vector_load %arg13[%get3A_1068, %get3A_1069] {strides = array<i32>} : memref<800x64xf32, #tpu.memory_space<vmem>>, vector<16xf32>,
        %mul3A_1071 = arith.mulf %get3A_608, %get3A_1070 : vector<16xf32>
        %add3A_1072 = arith.addf %add3A_1065, %mul3A_1071 : vector<16xf32>
        %swap3A_1073 = arith.constant 240 : index
        %swap3A_1074 = tpu.vector_load %arg15[%swap3A_1073] {strides = array<i32>} : memref<512xf32, #tpu.memory_space<vmem>>, vector<16xf32>,
        tpu.vector_store %arg15[%swap3A_1073], %add3A_1072 {strides = array<i32>} : memref<512xf32, #tpu.memory_space<vmem>>, vector<16xf32>,
        %add3A_1075 = arith.constant 16 : i32
        %add3A_1076 = arith.addi %mul3A_610, %add3A_1075 : i32
        %get3A_1077 = arith.index_cast %add3A_1076 : i32 to index
        %get3A_1078 = arith.constant 0 : index
        %get3A_1079 = tpu.vector_load %arg13[%get3A_1077, %get3A_1078] {strides = array<i32>} : memref<800x64xf32, #tpu.memory_space<vmem>>, vector<16xf32>,
        %mul3A_1080 = arith.mulf %get3A_599, %get3A_1079 : vector<16xf32>
        %add3A_1081 = arith.constant 16 : i32
        %add3A_1082 = arith.addi %mul3A_610, %add3A_1081 : i32
        %get3A_1083 = arith.index_cast %add3A_1082 : i32 to index
        %get3A_1084 = arith.constant 16 : index
        %get3A_1085 = tpu.vector_load %arg13[%get3A_1083, %get3A_1084] {strides = array<i32>} : memref<800x64xf32, #tpu.memory_space<vmem>>, vector<16xf32>,
        %mul3A_1086 = arith.mulf %get3A_602, %get3A_1085 : vector<16xf32>
        %add3A_1087 = arith.addf %mul3A_1080, %mul3A_1086 : vector<16xf32>
        %add3A_1088 = arith.constant 16 : i32
        %add3A_1089 = arith.addi %mul3A_610, %add3A_1088 : i32
        %get3A_1090 = arith.index_cast %add3A_1089 : i32 to index
        %get3A_1091 = arith.constant 32 : index
        %get3A_1092 = tpu.vector_load %arg13[%get3A_1090, %get3A_1091] {strides = array<i32>} : memref<800x64xf32, #tpu.memory_space<vmem>>, vector<16xf32>,
        %mul3A_1093 = arith.mulf %get3A_605, %get3A_1092 : vector<16xf32>
        %add3A_1094 = arith.addf %add3A_1087, %mul3A_1093 : vector<16xf32>
        %add3A_1095 = arith.constant 16 : i32
        %add3A_1096 = arith.addi %mul3A_610, %add3A_1095 : i32
        %get3A_1097 = arith.index_cast %add3A_1096 : i32 to index
        %get3A_1098 = arith.constant 48 : index
        %get3A_1099 = tpu.vector_load %arg13[%get3A_1097, %get3A_1098] {strides = array<i32>} : memref<800x64xf32, #tpu.memory_space<vmem>>, vector<16xf32>,
        %mul3A_1100 = arith.mulf %get3A_608, %get3A_1099 : vector<16xf32>
        %add3A_1101 = arith.addf %add3A_1094, %mul3A_1100 : vector<16xf32>
        %swap3A_1102 = arith.constant 256 : index
        %swap3A_1103 = tpu.vector_load %arg15[%swap3A_1102] {strides = array<i32>} : memref<512xf32, #tpu.memory_space<vmem>>, vector<16xf32>,
        tpu.vector_store %arg15[%swap3A_1102], %add3A_1101 {strides = array<i32>} : memref<512xf32, #tpu.memory_space<vmem>>, vector<16xf32>,
        %add3A_1104 = arith.constant 17 : i32
        %add3A_1105 = arith.addi %mul3A_610, %add3A_1104 : i32
        %get3A_1106 = arith.index_cast %add3A_1105 : i32 to index
        %get3A_1107 = arith.constant 0 : index
        %get3A_1108 = tpu.vector_load %arg13[%get3A_1106, %get3A_1107] {strides = array<i32>} : memref<800x64xf32, #tpu.memory_space<vmem>>, vector<16xf32>,
        %mul3A_1109 = arith.mulf %get3A_599, %get3A_1108 : vector<16xf32>
        %add3A_1110 = arith.constant 17 : i32
        %add3A_1111 = arith.addi %mul3A_610, %add3A_1110 : i32
        %get3A_1112 = arith.index_cast %add3A_1111 : i32 to index
        %get3A_1113 = arith.constant 16 : index
        %get3A_1114 = tpu.vector_load %arg13[%get3A_1112, %get3A_1113] {strides = array<i32>} : memref<800x64xf32, #tpu.memory_space<vmem>>, vector<16xf32>,
        %mul3A_1115 = arith.mulf %get3A_602, %get3A_1114 : vector<16xf32>
        %add3A_1116 = arith.addf %mul3A_1109, %mul3A_1115 : vector<16xf32>
        %add3A_1117 = arith.constant 17 : i32
        %add3A_1118 = arith.addi %mul3A_610, %add3A_1117 : i32
        %get3A_1119 = arith.index_cast %add3A_1118 : i32 to index
        %get3A_1120 = arith.constant 32 : index
        %get3A_1121 = tpu.vector_load %arg13[%get3A_1119, %get3A_1120] {strides = array<i32>} : memref<800x64xf32, #tpu.memory_space<vmem>>, vector<16xf32>,
        %mul3A_1122 = arith.mulf %get3A_605, %get3A_1121 : vector<16xf32>
        %add3A_1123 = arith.addf %add3A_1116, %mul3A_1122 : vector<16xf32>
        %add3A_1124 = arith.constant 17 : i32
        %add3A_1125 = arith.addi %mul3A_610, %add3A_1124 : i32
        %get3A_1126 = arith.index_cast %add3A_1125 : i32 to index
        %get3A_1127 = arith.constant 48 : index
        %get3A_1128 = tpu.vector_load %arg13[%get3A_1126, %get3A_1127] {strides = array<i32>} : memref<800x64xf32, #tpu.memory_space<vmem>>, vector<16xf32>,
        %mul3A_1129 = arith.mulf %get3A_608, %get3A_1128 : vector<16xf32>
        %add3A_1130 = arith.addf %add3A_1123, %mul3A_1129 : vector<16xf32>
        %swap3A_1131 = arith.constant 272 : index
        %swap3A_1132 = tpu.vector_load %arg15[%swap3A_1131] {strides = array<i32>} : memref<512xf32, #tpu.memory_space<vmem>>, vector<16xf32>,
        tpu.vector_store %arg15[%swap3A_1131], %add3A_1130 {strides = array<i32>} : memref<512xf32, #tpu.memory_space<vmem>>, vector<16xf32>,
        %add3A_1133 = arith.constant 18 : i32
        %add3A_1134 = arith.addi %mul3A_610, %add3A_1133 : i32
        %get3A_1135 = arith.index_cast %add3A_1134 : i32 to index
        %get3A_1136 = arith.constant 0 : index
        %get3A_1137 = tpu.vector_load %arg13[%get3A_1135, %get3A_1136] {strides = array<i32>} : memref<800x64xf32, #tpu.memory_space<vmem>>, vector<16xf32>,
        %mul3A_1138 = arith.mulf %get3A_599, %get3A_1137 : vector<16xf32>
        %add3A_1139 = arith.constant 18 : i32
        %add3A_1140 = arith.addi %mul3A_610, %add3A_1139 : i32
        %get3A_1141 = arith.index_cast %add3A_1140 : i32 to index
        %get3A_1142 = arith.constant 16 : index
        %get3A_1143 = tpu.vector_load %arg13[%get3A_1141, %get3A_1142] {strides = array<i32>} : memref<800x64xf32, #tpu.memory_space<vmem>>, vector<16xf32>,
        %mul3A_1144 = arith.mulf %get3A_602, %get3A_1143 : vector<16xf32>
        %add3A_1145 = arith.addf %mul3A_1138, %mul3A_1144 : vector<16xf32>
        %add3A_1146 = arith.constant 18 : i32
        %add3A_1147 = arith.addi %mul3A_610, %add3A_1146 : i32
        %get3A_1148 = arith.index_cast %add3A_1147 : i32 to index
        %get3A_1149 = arith.constant 32 : index
        %get3A_1150 = tpu.vector_load %arg13[%get3A_1148, %get3A_1149] {strides = array<i32>} : memref<800x64xf32, #tpu.memory_space<vmem>>, vector<16xf32>,
        %mul3A_1151 = arith.mulf %get3A_605, %get3A_1150 : vector<16xf32>
        %add3A_1152 = arith.addf %add3A_1145, %mul3A_1151 : vector<16xf32>
        %add3A_1153 = arith.constant 18 : i32
        %add3A_1154 = arith.addi %mul3A_610, %add3A_1153 : i32
        %get3A_1155 = arith.index_cast %add3A_1154 : i32 to index
        %get3A_1156 = arith.constant 48 : index
        %get3A_1157 = tpu.vector_load %arg13[%get3A_1155, %get3A_1156] {strides = array<i32>} : memref<800x64xf32, #tpu.memory_space<vmem>>, vector<16xf32>,
        %mul3A_1158 = arith.mulf %get3A_608, %get3A_1157 : vector<16xf32>
        %add3A_1159 = arith.addf %add3A_1152, %mul3A_1158 : vector<16xf32>
        %swap3A_1160 = arith.constant 288 : index
        %swap3A_1161 = tpu.vector_load %arg15[%swap3A_1160] {strides = array<i32>} : memref<512xf32, #tpu.memory_space<vmem>>, vector<16xf32>,
        tpu.vector_store %arg15[%swap3A_1160], %add3A_1159 {strides = array<i32>} : memref<512xf32, #tpu.memory_space<vmem>>, vector<16xf32>,
        %add3A_1162 = arith.constant 19 : i32
        %add3A_1163 = arith.addi %mul3A_610, %add3A_1162 : i32
        %get3A_1164 = arith.index_cast %add3A_1163 : i32 to index
        %get3A_1165 = arith.constant 0 : index
        %get3A_1166 = tpu.vector_load %arg13[%get3A_1164, %get3A_1165] {strides = array<i32>} : memref<800x64xf32, #tpu.memory_space<vmem>>, vector<16xf32>,
        %mul3A_1167 = arith.mulf %get3A_599, %get3A_1166 : vector<16xf32>
        %add3A_1168 = arith.constant 19 : i32
        %add3A_1169 = arith.addi %mul3A_610, %add3A_1168 : i32
        %get3A_1170 = arith.index_cast %add3A_1169 : i32 to index
        %get3A_1171 = arith.constant 16 : index
        %get3A_1172 = tpu.vector_load %arg13[%get3A_1170, %get3A_1171] {strides = array<i32>} : memref<800x64xf32, #tpu.memory_space<vmem>>, vector<16xf32>,
        %mul3A_1173 = arith.mulf %get3A_602, %get3A_1172 : vector<16xf32>
        %add3A_1174 = arith.addf %mul3A_1167, %mul3A_1173 : vector<16xf32>
        %add3A_1175 = arith.constant 19 : i32
        %add3A_1176 = arith.addi %mul3A_610, %add3A_1175 : i32
        %get3A_1177 = arith.index_cast %add3A_1176 : i32 to index
        %get3A_1178 = arith.constant 32 : index
        %get3A_1179 = tpu.vector_load %arg13[%get3A_1177, %get3A_1178] {strides = array<i32>} : memref<800x64xf32, #tpu.memory_space<vmem>>, vector<16xf32>,
        %mul3A_1180 = arith.mulf %get3A_605, %get3A_1179 : vector<16xf32>
        %add3A_1181 = arith.addf %add3A_1174, %mul3A_1180 : vector<16xf32>
        %add3A_1182 = arith.constant 19 : i32
        %add3A_1183 = arith.addi %mul3A_610, %add3A_1182 : i32
        %get3A_1184 = arith.index_cast %add3A_1183 : i32 to index
        %get3A_1185 = arith.constant 48 : index
        %get3A_1186 = tpu.vector_load %arg13[%get3A_1184, %get3A_1185] {strides = array<i32>} : memref<800x64xf32, #tpu.memory_space<vmem>>, vector<16xf32>,
        %mul3A_1187 = arith.mulf %get3A_608, %get3A_1186 : vector<16xf32>
        %add3A_1188 = arith.addf %add3A_1181, %mul3A_1187 : vector<16xf32>
        %swap3A_1189 = arith.constant 304 : index
        %swap3A_1190 = tpu.vector_load %arg15[%swap3A_1189] {strides = array<i32>} : memref<512xf32, #tpu.memory_space<vmem>>, vector<16xf32>,
        tpu.vector_store %arg15[%swap3A_1189], %add3A_1188 {strides = array<i32>} : memref<512xf32, #tpu.memory_space<vmem>>, vector<16xf32>,
        %add3A_1191 = arith.constant 20 : i32
        %add3A_1192 = arith.addi %mul3A_610, %add3A_1191 : i32
        %get3A_1193 = arith.index_cast %add3A_1192 : i32 to index
        %get3A_1194 = arith.constant 0 : index
        %get3A_1195 = tpu.vector_load %arg13[%get3A_1193, %get3A_1194] {strides = array<i32>} : memref<800x64xf32, #tpu.memory_space<vmem>>, vector<16xf32>,
        %mul3A_1196 = arith.mulf %get3A_599, %get3A_1195 : vector<16xf32>
        %add3A_1197 = arith.constant 20 : i32
        %add3A_1198 = arith.addi %mul3A_610, %add3A_1197 : i32
        %get3A_1199 = arith.index_cast %add3A_1198 : i32 to index
        %get3A_1200 = arith.constant 16 : index
        %get3A_1201 = tpu.vector_load %arg13[%get3A_1199, %get3A_1200] {strides = array<i32>} : memref<800x64xf32, #tpu.memory_space<vmem>>, vector<16xf32>,
        %mul3A_1202 = arith.mulf %get3A_602, %get3A_1201 : vector<16xf32>
        %add3A_1203 = arith.addf %mul3A_1196, %mul3A_1202 : vector<16xf32>
        %add3A_1204 = arith.constant 20 : i32
        %add3A_1205 = arith.addi %mul3A_610, %add3A_1204 : i32
        %get3A_1206 = arith.index_cast %add3A_1205 : i32 to index
        %get3A_1207 = arith.constant 32 : index
        %get3A_1208 = tpu.vector_load %arg13[%get3A_1206, %get3A_1207] {strides = array<i32>} : memref<800x64xf32, #tpu.memory_space<vmem>>, vector<16xf32>,
        %mul3A_1209 = arith.mulf %get3A_605, %get3A_1208 : vector<16xf32>
        %add3A_1210 = arith.addf %add3A_1203, %mul3A_1209 : vector<16xf32>
        %add3A_1211 = arith.constant 20 : i32
        %add3A_1212 = arith.addi %mul3A_610, %add3A_1211 : i32
        %get3A_1213 = arith.index_cast %add3A_1212 : i32 to index
        %get3A_1214 = arith.constant 48 : index
        %get3A_1215 = tpu.vector_load %arg13[%get3A_1213, %get3A_1214] {strides = array<i32>} : memref<800x64xf32, #tpu.memory_space<vmem>>, vector<16xf32>,
        %mul3A_1216 = arith.mulf %get3A_608, %get3A_1215 : vector<16xf32>
        %add3A_1217 = arith.addf %add3A_1210, %mul3A_1216 : vector<16xf32>
        %swap3A_1218 = arith.constant 320 : index
        %swap3A_1219 = tpu.vector_load %arg15[%swap3A_1218] {strides = array<i32>} : memref<512xf32, #tpu.memory_space<vmem>>, vector<16xf32>,
        tpu.vector_store %arg15[%swap3A_1218], %add3A_1217 {strides = array<i32>} : memref<512xf32, #tpu.memory_space<vmem>>, vector<16xf32>,
        %add3A_1220 = arith.constant 21 : i32
        %add3A_1221 = arith.addi %mul3A_610, %add3A_1220 : i32
        %get3A_1222 = arith.index_cast %add3A_1221 : i32 to index
        %get3A_1223 = arith.constant 0 : index
        %get3A_1224 = tpu.vector_load %arg13[%get3A_1222, %get3A_1223] {strides = array<i32>} : memref<800x64xf32, #tpu.memory_space<vmem>>, vector<16xf32>,
        %mul3A_1225 = arith.mulf %get3A_599, %get3A_1224 : vector<16xf32>
        %add3A_1226 = arith.constant 21 : i32
        %add3A_1227 = arith.addi %mul3A_610, %add3A_1226 : i32
        %get3A_1228 = arith.index_cast %add3A_1227 : i32 to index
        %get3A_1229 = arith.constant 16 : index
        %get3A_1230 = tpu.vector_load %arg13[%get3A_1228, %get3A_1229] {strides = array<i32>} : memref<800x64xf32, #tpu.memory_space<vmem>>, vector<16xf32>,
        %mul3A_1231 = arith.mulf %get3A_602, %get3A_1230 : vector<16xf32>
        %add3A_1232 = arith.addf %mul3A_1225, %mul3A_1231 : vector<16xf32>
        %add3A_1233 = arith.constant 21 : i32
        %add3A_1234 = arith.addi %mul3A_610, %add3A_1233 : i32
        %get3A_1235 = arith.index_cast %add3A_1234 : i32 to index
        %get3A_1236 = arith.constant 32 : index
        %get3A_1237 = tpu.vector_load %arg13[%get3A_1235, %get3A_1236] {strides = array<i32>} : memref<800x64xf32, #tpu.memory_space<vmem>>, vector<16xf32>,
        %mul3A_1238 = arith.mulf %get3A_605, %get3A_1237 : vector<16xf32>
        %add3A_1239 = arith.addf %add3A_1232, %mul3A_1238 : vector<16xf32>
        %add3A_1240 = arith.constant 21 : i32
        %add3A_1241 = arith.addi %mul3A_610, %add3A_1240 : i32
        %get3A_1242 = arith.index_cast %add3A_1241 : i32 to index
        %get3A_1243 = arith.constant 48 : index
        %get3A_1244 = tpu.vector_load %arg13[%get3A_1242, %get3A_1243] {strides = array<i32>} : memref<800x64xf32, #tpu.memory_space<vmem>>, vector<16xf32>,
        %mul3A_1245 = arith.mulf %get3A_608, %get3A_1244 : vector<16xf32>
        %add3A_1246 = arith.addf %add3A_1239, %mul3A_1245 : vector<16xf32>
        %swap3A_1247 = arith.constant 336 : index
        %swap3A_1248 = tpu.vector_load %arg15[%swap3A_1247] {strides = array<i32>} : memref<512xf32, #tpu.memory_space<vmem>>, vector<16xf32>,
        tpu.vector_store %arg15[%swap3A_1247], %add3A_1246 {strides = array<i32>} : memref<512xf32, #tpu.memory_space<vmem>>, vector<16xf32>,
        %add3A_1249 = arith.constant 22 : i32
        %add3A_1250 = arith.addi %mul3A_610, %add3A_1249 : i32
        %get3A_1251 = arith.index_cast %add3A_1250 : i32 to index
        %get3A_1252 = arith.constant 0 : index
        %get3A_1253 = tpu.vector_load %arg13[%get3A_1251, %get3A_1252] {strides = array<i32>} : memref<800x64xf32, #tpu.memory_space<vmem>>, vector<16xf32>,
        %mul3A_1254 = arith.mulf %get3A_599, %get3A_1253 : vector<16xf32>
        %add3A_1255 = arith.constant 22 : i32
        %add3A_1256 = arith.addi %mul3A_610, %add3A_1255 : i32
        %get3A_1257 = arith.index_cast %add3A_1256 : i32 to index
        %get3A_1258 = arith.constant 16 : index
        %get3A_1259 = tpu.vector_load %arg13[%get3A_1257, %get3A_1258] {strides = array<i32>} : memref<800x64xf32, #tpu.memory_space<vmem>>, vector<16xf32>,
        %mul3A_1260 = arith.mulf %get3A_602, %get3A_1259 : vector<16xf32>
        %add3A_1261 = arith.addf %mul3A_1254, %mul3A_1260 : vector<16xf32>
        %add3A_1262 = arith.constant 22 : i32
        %add3A_1263 = arith.addi %mul3A_610, %add3A_1262 : i32
        %get3A_1264 = arith.index_cast %add3A_1263 : i32 to index
        %get3A_1265 = arith.constant 32 : index
        %get3A_1266 = tpu.vector_load %arg13[%get3A_1264, %get3A_1265] {strides = array<i32>} : memref<800x64xf32, #tpu.memory_space<vmem>>, vector<16xf32>,
        %mul3A_1267 = arith.mulf %get3A_605, %get3A_1266 : vector<16xf32>
        %add3A_1268 = arith.addf %add3A_1261, %mul3A_1267 : vector<16xf32>
        %add3A_1269 = arith.constant 22 : i32
        %add3A_1270 = arith.addi %mul3A_610, %add3A_1269 : i32
        %get3A_1271 = arith.index_cast %add3A_1270 : i32 to index
        %get3A_1272 = arith.constant 48 : index
        %get3A_1273 = tpu.vector_load %arg13[%get3A_1271, %get3A_1272] {strides = array<i32>} : memref<800x64xf32, #tpu.memory_space<vmem>>, vector<16xf32>,
        %mul3A_1274 = arith.mulf %get3A_608, %get3A_1273 : vector<16xf32>
        %add3A_1275 = arith.addf %add3A_1268, %mul3A_1274 : vector<16xf32>
        %swap3A_1276 = arith.constant 352 : index
        %swap3A_1277 = tpu.vector_load %arg15[%swap3A_1276] {strides = array<i32>} : memref<512xf32, #tpu.memory_space<vmem>>, vector<16xf32>,
        tpu.vector_store %arg15[%swap3A_1276], %add3A_1275 {strides = array<i32>} : memref<512xf32, #tpu.memory_space<vmem>>, vector<16xf32>,
        %add3A_1278 = arith.constant 23 : i32
        %add3A_1279 = arith.addi %mul3A_610, %add3A_1278 : i32
        %get3A_1280 = arith.index_cast %add3A_1279 : i32 to index
        %get3A_1281 = arith.constant 0 : index
        %get3A_1282 = tpu.vector_load %arg13[%get3A_1280, %get3A_1281] {strides = array<i32>} : memref<800x64xf32, #tpu.memory_space<vmem>>, vector<16xf32>,
        %mul3A_1283 = arith.mulf %get3A_599, %get3A_1282 : vector<16xf32>
        %add3A_1284 = arith.constant 23 : i32
        %add3A_1285 = arith.addi %mul3A_610, %add3A_1284 : i32
        %get3A_1286 = arith.index_cast %add3A_1285 : i32 to index
        %get3A_1287 = arith.constant 16 : index
        %get3A_1288 = tpu.vector_load %arg13[%get3A_1286, %get3A_1287] {strides = array<i32>} : memref<800x64xf32, #tpu.memory_space<vmem>>, vector<16xf32>,
        %mul3A_1289 = arith.mulf %get3A_602, %get3A_1288 : vector<16xf32>
        %add3A_1290 = arith.addf %mul3A_1283, %mul3A_1289 : vector<16xf32>
        %add3A_1291 = arith.constant 23 : i32
        %add3A_1292 = arith.addi %mul3A_610, %add3A_1291 : i32
        %get3A_1293 = arith.index_cast %add3A_1292 : i32 to index
        %get3A_1294 = arith.constant 32 : index
        %get3A_1295 = tpu.vector_load %arg13[%get3A_1293, %get3A_1294] {strides = array<i32>} : memref<800x64xf32, #tpu.memory_space<vmem>>, vector<16xf32>,
        %mul3A_1296 = arith.mulf %get3A_605, %get3A_1295 : vector<16xf32>
        %add3A_1297 = arith.addf %add3A_1290, %mul3A_1296 : vector<16xf32>
        %add3A_1298 = arith.constant 23 : i32
        %add3A_1299 = arith.addi %mul3A_610, %add3A_1298 : i32
        %get3A_1300 = arith.index_cast %add3A_1299 : i32 to index
        %get3A_1301 = arith.constant 48 : index
        %get3A_1302 = tpu.vector_load %arg13[%get3A_1300, %get3A_1301] {strides = array<i32>} : memref<800x64xf32, #tpu.memory_space<vmem>>, vector<16xf32>,
        %mul3A_1303 = arith.mulf %get3A_608, %get3A_1302 : vector<16xf32>
        %add3A_1304 = arith.addf %add3A_1297, %mul3A_1303 : vector<16xf32>
        %swap3A_1305 = arith.constant 368 : index
        %swap3A_1306 = tpu.vector_load %arg15[%swap3A_1305] {strides = array<i32>} : memref<512xf32, #tpu.memory_space<vmem>>, vector<16xf32>,
        tpu.vector_store %arg15[%swap3A_1305], %add3A_1304 {strides = array<i32>} : memref<512xf32, #tpu.memory_space<vmem>>, vector<16xf32>,
        %add3A_1307 = arith.constant 24 : i32
        %add3A_1308 = arith.addi %mul3A_610, %add3A_1307 : i32
        %get3A_1309 = arith.index_cast %add3A_1308 : i32 to index
        %get3A_1310 = arith.constant 0 : index
        %get3A_1311 = tpu.vector_load %arg13[%get3A_1309, %get3A_1310] {strides = array<i32>} : memref<800x64xf32, #tpu.memory_space<vmem>>, vector<16xf32>,
        %mul3A_1312 = arith.mulf %get3A_599, %get3A_1311 : vector<16xf32>
        %add3A_1313 = arith.constant 24 : i32
        %add3A_1314 = arith.addi %mul3A_610, %add3A_1313 : i32
        %get3A_1315 = arith.index_cast %add3A_1314 : i32 to index
        %get3A_1316 = arith.constant 16 : index
        %get3A_1317 = tpu.vector_load %arg13[%get3A_1315, %get3A_1316] {strides = array<i32>} : memref<800x64xf32, #tpu.memory_space<vmem>>, vector<16xf32>,
        %mul3A_1318 = arith.mulf %get3A_602, %get3A_1317 : vector<16xf32>
        %add3A_1319 = arith.addf %mul3A_1312, %mul3A_1318 : vector<16xf32>
        %add3A_1320 = arith.constant 24 : i32
        %add3A_1321 = arith.addi %mul3A_610, %add3A_1320 : i32
        %get3A_1322 = arith.index_cast %add3A_1321 : i32 to index
        %get3A_1323 = arith.constant 32 : index
        %get3A_1324 = tpu.vector_load %arg13[%get3A_1322, %get3A_1323] {strides = array<i32>} : memref<800x64xf32, #tpu.memory_space<vmem>>, vector<16xf32>,
        %mul3A_1325 = arith.mulf %get3A_605, %get3A_1324 : vector<16xf32>
        %add3A_1326 = arith.addf %add3A_1319, %mul3A_1325 : vector<16xf32>
        %add3A_1327 = arith.constant 24 : i32
        %add3A_1328 = arith.addi %mul3A_610, %add3A_1327 : i32
        %get3A_1329 = arith.index_cast %add3A_1328 : i32 to index
        %get3A_1330 = arith.constant 48 : index
        %get3A_1331 = tpu.vector_load %arg13[%get3A_1329, %get3A_1330] {strides = array<i32>} : memref<800x64xf32, #tpu.memory_space<vmem>>, vector<16xf32>,
        %mul3A_1332 = arith.mulf %get3A_608, %get3A_1331 : vector<16xf32>
        %add3A_1333 = arith.addf %add3A_1326, %mul3A_1332 : vector<16xf32>
        %swap3A_1334 = arith.constant 384 : index
        %swap3A_1335 = tpu.vector_load %arg15[%swap3A_1334] {strides = array<i32>} : memref<512xf32, #tpu.memory_space<vmem>>, vector<16xf32>,
        tpu.vector_store %arg15[%swap3A_1334], %add3A_1333 {strides = array<i32>} : memref<512xf32, #tpu.memory_space<vmem>>, vector<16xf32>,
        %mul3A_1336 = arith.constant 16 : i32
        %mul3A_1337 = vector.broadcast %mul3A_1336 : i32 to vector<16xi32>
        %mul3A_1338 = arith.muli %iota3A, %mul3A_1337 : vector<16xi32>
        %add3A_1339 = arith.constant 0 : i32
        %add3A_1340 = vector.broadcast %add3A_1339 : i32 to vector<16xi32>
        %add3A_1341 = arith.addi %mul3A_1338, %add3A_1340 : vector<16xi32>
        %gather3A_1342 = tpu.vector_load_idx %arg15[%add3A_1341] : memref<512xf32, #tpu.memory_space<vmem>>[vector<16xi32>], vector<16xf32>,
        %add3A_1343 = arith.addf %broadcast_in_dim3A_3, %gather3A_1342 : vector<16xf32>
        %add3A_1344 = arith.constant 256 : i32
        %add3A_1345 = vector.broadcast %add3A_1344 : i32 to vector<16xi32>
        %add3A_1346 = arith.addi %add3A_1341, %add3A_1345 : vector<16xi32>
        %gather3A_1347 = tpu.vector_load_idx %arg15[%add3A_1346] : memref<512xf32, #tpu.memory_space<vmem>>[vector<16xi32>], vector<16xf32>,
        %add3A_1348 = arith.addf %broadcast_in_dim3A_3, %gather3A_1347 : vector<16xf32>
        %mul3A_1349 = arith.constant 16 : i32
        %mul3A_1350 = vector.broadcast %mul3A_1349 : i32 to vector<16xi32>
        %mul3A_1351 = arith.muli %iota3A, %mul3A_1350 : vector<16xi32>
        %add3A_1352 = arith.constant 1 : i32
        %add3A_1353 = vector.broadcast %add3A_1352 : i32 to vector<16xi32>
        %add3A_1354 = arith.addi %mul3A_1351, %add3A_1353 : vector<16xi32>
        %gather3A_1355 = tpu.vector_load_idx %arg15[%add3A_1354] : memref<512xf32, #tpu.memory_space<vmem>>[vector<16xi32>], vector<16xf32>,
        %add3A_1356 = arith.addf %broadcast_in_dim3A_3, %gather3A_1355 : vector<16xf32>
        %add3A_1357 = arith.constant 256 : i32
        %add3A_1358 = vector.broadcast %add3A_1357 : i32 to vector<16xi32>
        %add3A_1359 = arith.addi %add3A_1354, %add3A_1358 : vector<16xi32>
        %gather3A_1360 = tpu.vector_load_idx %arg15[%add3A_1359] : memref<512xf32, #tpu.memory_space<vmem>>[vector<16xi32>], vector<16xf32>,
        %add3A_1361 = arith.addf %broadcast_in_dim3A_3, %gather3A_1360 : vector<16xf32>
        %mul3A_1362 = arith.constant 16 : i32
        %mul3A_1363 = vector.broadcast %mul3A_1362 : i32 to vector<16xi32>
        %mul3A_1364 = arith.muli %iota3A, %mul3A_1363 : vector<16xi32>
        %add3A_1365 = arith.constant 2 : i32
        %add3A_1366 = vector.broadcast %add3A_1365 : i32 to vector<16xi32>
        %add3A_1367 = arith.addi %mul3A_1364, %add3A_1366 : vector<16xi32>
        %gather3A_1368 = tpu.vector_load_idx %arg15[%add3A_1367] : memref<512xf32, #tpu.memory_space<vmem>>[vector<16xi32>], vector<16xf32>,
        %add3A_1369 = arith.addf %broadcast_in_dim3A_3, %gather3A_1368 : vector<16xf32>
        %add3A_1370 = arith.constant 256 : i32
        %add3A_1371 = vector.broadcast %add3A_1370 : i32 to vector<16xi32>
        %add3A_1372 = arith.addi %add3A_1367, %add3A_1371 : vector<16xi32>
        %gather3A_1373 = tpu.vector_load_idx %arg15[%add3A_1372] : memref<512xf32, #tpu.memory_space<vmem>>[vector<16xi32>], vector<16xf32>,
        %add3A_1374 = arith.addf %broadcast_in_dim3A_3, %gather3A_1373 : vector<16xf32>
        %mul3A_1375 = arith.constant 16 : i32
        %mul3A_1376 = vector.broadcast %mul3A_1375 : i32 to vector<16xi32>
        %mul3A_1377 = arith.muli %iota3A, %mul3A_1376 : vector<16xi32>
        %add3A_1378 = arith.constant 3 : i32
        %add3A_1379 = vector.broadcast %add3A_1378 : i32 to vector<16xi32>
        %add3A_1380 = arith.addi %mul3A_1377, %add3A_1379 : vector<16xi32>
        %gather3A_1381 = tpu.vector_load_idx %arg15[%add3A_1380] : memref<512xf32, #tpu.memory_space<vmem>>[vector<16xi32>], vector<16xf32>,
        %add3A_1382 = arith.addf %broadcast_in_dim3A_3, %gather3A_1381 : vector<16xf32>
        %add3A_1383 = arith.constant 256 : i32
        %add3A_1384 = vector.broadcast %add3A_1383 : i32 to vector<16xi32>
        %add3A_1385 = arith.addi %add3A_1380, %add3A_1384 : vector<16xi32>
        %gather3A_1386 = tpu.vector_load_idx %arg15[%add3A_1385] : memref<512xf32, #tpu.memory_space<vmem>>[vector<16xi32>], vector<16xf32>,
        %add3A_1387 = arith.addf %broadcast_in_dim3A_3, %gather3A_1386 : vector<16xf32>
        %mul3A_1388 = arith.constant 16 : i32
        %mul3A_1389 = vector.broadcast %mul3A_1388 : i32 to vector<16xi32>
        %mul3A_1390 = arith.muli %iota3A, %mul3A_1389 : vector<16xi32>
        %add3A_1391 = arith.constant 4 : i32
        %add3A_1392 = vector.broadcast %add3A_1391 : i32 to vector<16xi32>
        %add3A_1393 = arith.addi %mul3A_1390, %add3A_1392 : vector<16xi32>
        %gather3A_1394 = tpu.vector_load_idx %arg15[%add3A_1393] : memref<512xf32, #tpu.memory_space<vmem>>[vector<16xi32>], vector<16xf32>,
        %add3A_1395 = arith.addf %add3A_1343, %gather3A_1394 : vector<16xf32>
        %add3A_1396 = arith.constant 256 : i32
        %add3A_1397 = vector.broadcast %add3A_1396 : i32 to vector<16xi32>
        %add3A_1398 = arith.addi %add3A_1393, %add3A_1397 : vector<16xi32>
        %gather3A_1399 = tpu.vector_load_idx %arg15[%add3A_1398] : memref<512xf32, #tpu.memory_space<vmem>>[vector<16xi32>], vector<16xf32>,
        %add3A_1400 = arith.addf %add3A_1348, %gather3A_1399 : vector<16xf32>
        %mul3A_1401 = arith.constant 16 : i32
        %mul3A_1402 = vector.broadcast %mul3A_1401 : i32 to vector<16xi32>
        %mul3A_1403 = arith.muli %iota3A, %mul3A_1402 : vector<16xi32>
        %add3A_1404 = arith.constant 5 : i32
        %add3A_1405 = vector.broadcast %add3A_1404 : i32 to vector<16xi32>
        %add3A_1406 = arith.addi %mul3A_1403, %add3A_1405 : vector<16xi32>
        %gather3A_1407 = tpu.vector_load_idx %arg15[%add3A_1406] : memref<512xf32, #tpu.memory_space<vmem>>[vector<16xi32>], vector<16xf32>,
        %add3A_1408 = arith.addf %add3A_1356, %gather3A_1407 : vector<16xf32>
        %add3A_1409 = arith.constant 256 : i32
        %add3A_1410 = vector.broadcast %add3A_1409 : i32 to vector<16xi32>
        %add3A_1411 = arith.addi %add3A_1406, %add3A_1410 : vector<16xi32>
        %gather3A_1412 = tpu.vector_load_idx %arg15[%add3A_1411] : memref<512xf32, #tpu.memory_space<vmem>>[vector<16xi32>], vector<16xf32>,
        %add3A_1413 = arith.addf %add3A_1361, %gather3A_1412 : vector<16xf32>
        %mul3A_1414 = arith.constant 16 : i32
        %mul3A_1415 = vector.broadcast %mul3A_1414 : i32 to vector<16xi32>
        %mul3A_1416 = arith.muli %iota3A, %mul3A_1415 : vector<16xi32>
        %add3A_1417 = arith.constant 6 : i32
        %add3A_1418 = vector.broadcast %add3A_1417 : i32 to vector<16xi32>
        %add3A_1419 = arith.addi %mul3A_1416, %add3A_1418 : vector<16xi32>
        %gather3A_1420 = tpu.vector_load_idx %arg15[%add3A_1419] : memref<512xf32, #tpu.memory_space<vmem>>[vector<16xi32>], vector<16xf32>,
        %add3A_1421 = arith.addf %add3A_1369, %gather3A_1420 : vector<16xf32>
        %add3A_1422 = arith.constant 256 : i32
        %add3A_1423 = vector.broadcast %add3A_1422 : i32 to vector<16xi32>
        %add3A_1424 = arith.addi %add3A_1419, %add3A_1423 : vector<16xi32>
        %gather3A_1425 = tpu.vector_load_idx %arg15[%add3A_1424] : memref<512xf32, #tpu.memory_space<vmem>>[vector<16xi32>], vector<16xf32>,
        %add3A_1426 = arith.addf %add3A_1374, %gather3A_1425 : vector<16xf32>
        %mul3A_1427 = arith.constant 16 : i32
        %mul3A_1428 = vector.broadcast %mul3A_1427 : i32 to vector<16xi32>
        %mul3A_1429 = arith.muli %iota3A, %mul3A_1428 : vector<16xi32>
        %add3A_1430 = arith.constant 7 : i32
        %add3A_1431 = vector.broadcast %add3A_1430 : i32 to vector<16xi32>
        %add3A_1432 = arith.addi %mul3A_1429, %add3A_1431 : vector<16xi32>
        %gather3A_1433 = tpu.vector_load_idx %arg15[%add3A_1432] : memref<512xf32, #tpu.memory_space<vmem>>[vector<16xi32>], vector<16xf32>,
        %add3A_1434 = arith.addf %add3A_1382, %gather3A_1433 : vector<16xf32>
        %add3A_1435 = arith.constant 256 : i32
        %add3A_1436 = vector.broadcast %add3A_1435 : i32 to vector<16xi32>
        %add3A_1437 = arith.addi %add3A_1432, %add3A_1436 : vector<16xi32>
        %gather3A_1438 = tpu.vector_load_idx %arg15[%add3A_1437] : memref<512xf32, #tpu.memory_space<vmem>>[vector<16xi32>], vector<16xf32>,
        %add3A_1439 = arith.addf %add3A_1387, %gather3A_1438 : vector<16xf32>
        %mul3A_1440 = arith.constant 16 : i32
        %mul3A_1441 = vector.broadcast %mul3A_1440 : i32 to vector<16xi32>
        %mul3A_1442 = arith.muli %iota3A, %mul3A_1441 : vector<16xi32>
        %add3A_1443 = arith.constant 8 : i32
        %add3A_1444 = vector.broadcast %add3A_1443 : i32 to vector<16xi32>
        %add3A_1445 = arith.addi %mul3A_1442, %add3A_1444 : vector<16xi32>
        %gather3A_1446 = tpu.vector_load_idx %arg15[%add3A_1445] : memref<512xf32, #tpu.memory_space<vmem>>[vector<16xi32>], vector<16xf32>,
        %add3A_1447 = arith.addf %add3A_1395, %gather3A_1446 : vector<16xf32>
        %add3A_1448 = arith.constant 256 : i32
        %add3A_1449 = vector.broadcast %add3A_1448 : i32 to vector<16xi32>
        %add3A_1450 = arith.addi %add3A_1445, %add3A_1449 : vector<16xi32>
        %gather3A_1451 = tpu.vector_load_idx %arg15[%add3A_1450] : memref<512xf32, #tpu.memory_space<vmem>>[vector<16xi32>], vector<16xf32>,
        %add3A_1452 = arith.addf %add3A_1400, %gather3A_1451 : vector<16xf32>
        %mul3A_1453 = arith.constant 16 : i32
        %mul3A_1454 = vector.broadcast %mul3A_1453 : i32 to vector<16xi32>
        %mul3A_1455 = arith.muli %iota3A, %mul3A_1454 : vector<16xi32>
        %add3A_1456 = arith.constant 9 : i32
        %add3A_1457 = vector.broadcast %add3A_1456 : i32 to vector<16xi32>
        %add3A_1458 = arith.addi %mul3A_1455, %add3A_1457 : vector<16xi32>
        %gather3A_1459 = tpu.vector_load_idx %arg15[%add3A_1458] : memref<512xf32, #tpu.memory_space<vmem>>[vector<16xi32>], vector<16xf32>,
        %add3A_1460 = arith.addf %add3A_1408, %gather3A_1459 : vector<16xf32>
        %add3A_1461 = arith.constant 256 : i32
        %add3A_1462 = vector.broadcast %add3A_1461 : i32 to vector<16xi32>
        %add3A_1463 = arith.addi %add3A_1458, %add3A_1462 : vector<16xi32>
        %gather3A_1464 = tpu.vector_load_idx %arg15[%add3A_1463] : memref<512xf32, #tpu.memory_space<vmem>>[vector<16xi32>], vector<16xf32>,
        %add3A_1465 = arith.addf %add3A_1413, %gather3A_1464 : vector<16xf32>
        %mul3A_1466 = arith.constant 16 : i32
        %mul3A_1467 = vector.broadcast %mul3A_1466 : i32 to vector<16xi32>
        %mul3A_1468 = arith.muli %iota3A, %mul3A_1467 : vector<16xi32>
        %add3A_1469 = arith.constant 10 : i32
        %add3A_1470 = vector.broadcast %add3A_1469 : i32 to vector<16xi32>
        %add3A_1471 = arith.addi %mul3A_1468, %add3A_1470 : vector<16xi32>
        %gather3A_1472 = tpu.vector_load_idx %arg15[%add3A_1471] : memref<512xf32, #tpu.memory_space<vmem>>[vector<16xi32>], vector<16xf32>,
        %add3A_1473 = arith.addf %add3A_1421, %gather3A_1472 : vector<16xf32>
        %add3A_1474 = arith.constant 256 : i32
        %add3A_1475 = vector.broadcast %add3A_1474 : i32 to vector<16xi32>
        %add3A_1476 = arith.addi %add3A_1471, %add3A_1475 : vector<16xi32>
        %gather3A_1477 = tpu.vector_load_idx %arg15[%add3A_1476] : memref<512xf32, #tpu.memory_space<vmem>>[vector<16xi32>], vector<16xf32>,
        %add3A_1478 = arith.addf %add3A_1426, %gather3A_1477 : vector<16xf32>
        %mul3A_1479 = arith.constant 16 : i32
        %mul3A_1480 = vector.broadcast %mul3A_1479 : i32 to vector<16xi32>
        %mul3A_1481 = arith.muli %iota3A, %mul3A_1480 : vector<16xi32>
        %add3A_1482 = arith.constant 11 : i32
        %add3A_1483 = vector.broadcast %add3A_1482 : i32 to vector<16xi32>
        %add3A_1484 = arith.addi %mul3A_1481, %add3A_1483 : vector<16xi32>
        %gather3A_1485 = tpu.vector_load_idx %arg15[%add3A_1484] : memref<512xf32, #tpu.memory_space<vmem>>[vector<16xi32>], vector<16xf32>,
        %add3A_1486 = arith.addf %add3A_1434, %gather3A_1485 : vector<16xf32>
        %add3A_1487 = arith.constant 256 : i32
        %add3A_1488 = vector.broadcast %add3A_1487 : i32 to vector<16xi32>
        %add3A_1489 = arith.addi %add3A_1484, %add3A_1488 : vector<16xi32>
        %gather3A_1490 = tpu.vector_load_idx %arg15[%add3A_1489] : memref<512xf32, #tpu.memory_space<vmem>>[vector<16xi32>], vector<16xf32>,
        %add3A_1491 = arith.addf %add3A_1439, %gather3A_1490 : vector<16xf32>
        %mul3A_1492 = arith.constant 16 : i32
        %mul3A_1493 = vector.broadcast %mul3A_1492 : i32 to vector<16xi32>
        %mul3A_1494 = arith.muli %iota3A, %mul3A_1493 : vector<16xi32>
        %add3A_1495 = arith.constant 12 : i32
        %add3A_1496 = vector.broadcast %add3A_1495 : i32 to vector<16xi32>
        %add3A_1497 = arith.addi %mul3A_1494, %add3A_1496 : vector<16xi32>
        %gather3A_1498 = tpu.vector_load_idx %arg15[%add3A_1497] : memref<512xf32, #tpu.memory_space<vmem>>[vector<16xi32>], vector<16xf32>,
        %add3A_1499 = arith.addf %add3A_1447, %gather3A_1498 : vector<16xf32>
        %add3A_1500 = arith.constant 256 : i32
        %add3A_1501 = vector.broadcast %add3A_1500 : i32 to vector<16xi32>
        %add3A_1502 = arith.addi %add3A_1497, %add3A_1501 : vector<16xi32>
        %gather3A_1503 = tpu.vector_load_idx %arg15[%add3A_1502] : memref<512xf32, #tpu.memory_space<vmem>>[vector<16xi32>], vector<16xf32>,
        %add3A_1504 = arith.addf %add3A_1452, %gather3A_1503 : vector<16xf32>
        %mul3A_1505 = arith.constant 16 : i32
        %mul3A_1506 = vector.broadcast %mul3A_1505 : i32 to vector<16xi32>
        %mul3A_1507 = arith.muli %iota3A, %mul3A_1506 : vector<16xi32>
        %add3A_1508 = arith.constant 13 : i32
        %add3A_1509 = vector.broadcast %add3A_1508 : i32 to vector<16xi32>
        %add3A_1510 = arith.addi %mul3A_1507, %add3A_1509 : vector<16xi32>
        %gather3A_1511 = tpu.vector_load_idx %arg15[%add3A_1510] : memref<512xf32, #tpu.memory_space<vmem>>[vector<16xi32>], vector<16xf32>,
        %add3A_1512 = arith.addf %add3A_1460, %gather3A_1511 : vector<16xf32>
        %add3A_1513 = arith.constant 256 : i32
        %add3A_1514 = vector.broadcast %add3A_1513 : i32 to vector<16xi32>
        %add3A_1515 = arith.addi %add3A_1510, %add3A_1514 : vector<16xi32>
        %gather3A_1516 = tpu.vector_load_idx %arg15[%add3A_1515] : memref<512xf32, #tpu.memory_space<vmem>>[vector<16xi32>], vector<16xf32>,
        %add3A_1517 = arith.addf %add3A_1465, %gather3A_1516 : vector<16xf32>
        %mul3A_1518 = arith.constant 16 : i32
        %mul3A_1519 = vector.broadcast %mul3A_1518 : i32 to vector<16xi32>
        %mul3A_1520 = arith.muli %iota3A, %mul3A_1519 : vector<16xi32>
        %add3A_1521 = arith.constant 14 : i32
        %add3A_1522 = vector.broadcast %add3A_1521 : i32 to vector<16xi32>
        %add3A_1523 = arith.addi %mul3A_1520, %add3A_1522 : vector<16xi32>
        %gather3A_1524 = tpu.vector_load_idx %arg15[%add3A_1523] : memref<512xf32, #tpu.memory_space<vmem>>[vector<16xi32>], vector<16xf32>,
        %add3A_1525 = arith.addf %add3A_1473, %gather3A_1524 : vector<16xf32>
        %add3A_1526 = arith.constant 256 : i32
        %add3A_1527 = vector.broadcast %add3A_1526 : i32 to vector<16xi32>
        %add3A_1528 = arith.addi %add3A_1523, %add3A_1527 : vector<16xi32>
        %gather3A_1529 = tpu.vector_load_idx %arg15[%add3A_1528] : memref<512xf32, #tpu.memory_space<vmem>>[vector<16xi32>], vector<16xf32>,
        %add3A_1530 = arith.addf %add3A_1478, %gather3A_1529 : vector<16xf32>
        %mul3A_1531 = arith.constant 16 : i32
        %mul3A_1532 = vector.broadcast %mul3A_1531 : i32 to vector<16xi32>
        %mul3A_1533 = arith.muli %iota3A, %mul3A_1532 : vector<16xi32>
        %add3A_1534 = arith.constant 15 : i32
        %add3A_1535 = vector.broadcast %add3A_1534 : i32 to vector<16xi32>
        %add3A_1536 = arith.addi %mul3A_1533, %add3A_1535 : vector<16xi32>
        %gather3A_1537 = tpu.vector_load_idx %arg15[%add3A_1536] : memref<512xf32, #tpu.memory_space<vmem>>[vector<16xi32>], vector<16xf32>,
        %add3A_1538 = arith.addf %add3A_1486, %gather3A_1537 : vector<16xf32>
        %add3A_1539 = arith.constant 256 : i32
        %add3A_1540 = vector.broadcast %add3A_1539 : i32 to vector<16xi32>
        %add3A_1541 = arith.addi %add3A_1536, %add3A_1540 : vector<16xi32>
        %gather3A_1542 = tpu.vector_load_idx %arg15[%add3A_1541] : memref<512xf32, #tpu.memory_space<vmem>>[vector<16xi32>], vector<16xf32>,
        %add3A_1543 = arith.addf %add3A_1491, %gather3A_1542 : vector<16xf32>
        %add3A_1544 = arith.addf %add3A_1499, %add3A_1512 : vector<16xf32>
        %add3A_1545 = arith.addf %add3A_1525, %add3A_1538 : vector<16xf32>
        %add3A_1546 = arith.addf %add3A_1544, %add3A_1545 : vector<16xf32>
        %add3A_1547 = arith.addf %add3A_1504, %add3A_1517 : vector<16xf32>
        %add3A_1548 = arith.addf %add3A_1530, %add3A_1543 : vector<16xf32>
        %add3A_1549 = arith.addf %add3A_1547, %add3A_1548 : vector<16xf32>
        %lt3A_1550 = arith.constant 5 : i32
        %lt3A_1551 = vector.broadcast %lt3A_1550 : i32 to vector<16xi32>
        %lt3A_1552 = arith.cmpi slt, %iota3A, %lt3A_1551 : vector<16xi32>
        %neg3A_1553 = arith.constant 0.000000e+00 : f32
        %neg3A_1554 = vector.broadcast %neg3A_1553 : f32 to vector<16xf32>
        %neg3A_1555 = arith.subf %neg3A_1554, %add3A_1546 : vector<16xf32>
        %select_n3A_1556 = arith.select %lt3A_1552, %add3A_1546, %neg3A_1555 : vector<16xi1>, vector<16xf32>
        %abs3A = math.absf %select_n3A_1556 : vector<16xf32>
        %neg3A_1557 = arith.constant 0.000000e+00 : f32
        %neg3A_1558 = vector.broadcast %neg3A_1557 : f32 to vector<16xf32>
        %neg3A_1559 = arith.subf %neg3A_1558, %abs3A : vector<16xf32>
        %exp3A = math.exp %neg3A_1559 : vector<16xf32>
        %add3A_1560 = arith.constant 2.000000e+00 : f32
        %add3A_1561 = vector.broadcast %add3A_1560 : f32 to vector<16xf32>
        %add3A_1562 = arith.addf %add3A_1561, %exp3A : vector<16xf32>
        %div3A_1563 = arith.divf %exp3A, %add3A_1562 : vector<16xf32>
        %mul3A_1564 = arith.mulf %div3A_1563, %div3A_1563 : vector<16xf32>
        %mul3A_1565 = arith.constant 2.000000e+00 : f32
        %mul3A_1566 = vector.broadcast %mul3A_1565 : f32 to vector<16xf32>
        %mul3A_1567 = arith.mulf %mul3A_1566, %div3A_1563 : vector<16xf32>
        %mul3A_1568 = arith.constant 0.111111112 : f32
        %mul3A_1569 = vector.broadcast %mul3A_1568 : f32 to vector<16xf32>
        %mul3A_1570 = arith.mulf %mul3A_1564, %mul3A_1569 : vector<16xf32>
        %add3A_1571 = arith.constant 0.142857149 : f32
        %add3A_1572 = vector.broadcast %add3A_1571 : f32 to vector<16xf32>
        %add3A_1573 = arith.addf %add3A_1572, %mul3A_1570 : vector<16xf32>
        %mul3A_1574 = arith.mulf %mul3A_1564, %add3A_1573 : vector<16xf32>
        %add3A_1575 = arith.constant 2.000000e-01 : f32
        %add3A_1576 = vector.broadcast %add3A_1575 : f32 to vector<16xf32>
        %add3A_1577 = arith.addf %add3A_1576, %mul3A_1574 : vector<16xf32>
        %mul3A_1578 = arith.mulf %mul3A_1564, %add3A_1577 : vector<16xf32>
        %add3A_1579 = arith.constant 0.333333343 : f32
        %add3A_1580 = vector.broadcast %add3A_1579 : f32 to vector<16xf32>
        %add3A_1581 = arith.addf %add3A_1580, %mul3A_1578 : vector<16xf32>
        %mul3A_1582 = arith.mulf %mul3A_1564, %add3A_1581 : vector<16xf32>
        %add3A_1583 = arith.constant 1.000000e+00 : f32
        %add3A_1584 = vector.broadcast %add3A_1583 : f32 to vector<16xf32>
        %add3A_1585 = arith.addf %add3A_1584, %mul3A_1582 : vector<16xf32>
        %mul3A_1586 = arith.mulf %mul3A_1567, %add3A_1585 : vector<16xf32>
        %min3A = arith.constant 0.000000e+00 : f32
        %min3A_1587 = vector.broadcast %min3A : f32 to vector<16xf32>
        %min3A_1588 = arith.minimumf %select_n3A_1556, %min3A_1587 : vector<16xf32>
        %sub3A_1589 = arith.subf %min3A_1588, %mul3A_1586 : vector<16xf32>
        %lt3A_1590 = arith.constant 9 : i32
        %lt3A_1591 = vector.broadcast %lt3A_1590 : i32 to vector<16xi32>
        %lt3A_1592 = arith.cmpi slt, %iota3A, %lt3A_1591 : vector<16xi32>
        %neg3A_1593 = arith.constant 0.000000e+00 : f32
        %neg3A_1594 = vector.broadcast %neg3A_1593 : f32 to vector<16xf32>
        %neg3A_1595 = arith.subf %neg3A_1594, %add3A_1549 : vector<16xf32>
        %abs3A_1596 = math.absf %neg3A_1595 : vector<16xf32>
        %neg3A_1597 = arith.constant 0.000000e+00 : f32
        %neg3A_1598 = vector.broadcast %neg3A_1597 : f32 to vector<16xf32>
        %neg3A_1599 = arith.subf %neg3A_1598, %abs3A_1596 : vector<16xf32>
        %exp3A_1600 = math.exp %neg3A_1599 : vector<16xf32>
        %add3A_1601 = arith.constant 2.000000e+00 : f32
        %add3A_1602 = vector.broadcast %add3A_1601 : f32 to vector<16xf32>
        %add3A_1603 = arith.addf %add3A_1602, %exp3A_1600 : vector<16xf32>
        %div3A_1604 = arith.divf %exp3A_1600, %add3A_1603 : vector<16xf32>
        %mul3A_1605 = arith.mulf %div3A_1604, %div3A_1604 : vector<16xf32>
        %mul3A_1606 = arith.constant 2.000000e+00 : f32
        %mul3A_1607 = vector.broadcast %mul3A_1606 : f32 to vector<16xf32>
        %mul3A_1608 = arith.mulf %mul3A_1607, %div3A_1604 : vector<16xf32>
        %mul3A_1609 = arith.constant 0.111111112 : f32
        %mul3A_1610 = vector.broadcast %mul3A_1609 : f32 to vector<16xf32>
        %mul3A_1611 = arith.mulf %mul3A_1605, %mul3A_1610 : vector<16xf32>
        %add3A_1612 = arith.constant 0.142857149 : f32
        %add3A_1613 = vector.broadcast %add3A_1612 : f32 to vector<16xf32>
        %add3A_1614 = arith.addf %add3A_1613, %mul3A_1611 : vector<16xf32>
        %mul3A_1615 = arith.mulf %mul3A_1605, %add3A_1614 : vector<16xf32>
        %add3A_1616 = arith.constant 2.000000e-01 : f32
        %add3A_1617 = vector.broadcast %add3A_1616 : f32 to vector<16xf32>
        %add3A_1618 = arith.addf %add3A_1617, %mul3A_1615 : vector<16xf32>
        %mul3A_1619 = arith.mulf %mul3A_1605, %add3A_1618 : vector<16xf32>
        %add3A_1620 = arith.constant 0.333333343 : f32
        %add3A_1621 = vector.broadcast %add3A_1620 : f32 to vector<16xf32>
        %add3A_1622 = arith.addf %add3A_1621, %mul3A_1619 : vector<16xf32>
        %mul3A_1623 = arith.mulf %mul3A_1605, %add3A_1622 : vector<16xf32>
        %add3A_1624 = arith.constant 1.000000e+00 : f32
        %add3A_1625 = vector.broadcast %add3A_1624 : f32 to vector<16xf32>
        %add3A_1626 = arith.addf %add3A_1625, %mul3A_1623 : vector<16xf32>
        %mul3A_1627 = arith.mulf %mul3A_1608, %add3A_1626 : vector<16xf32>
        %min3A_1628 = arith.constant 0.000000e+00 : f32
        %min3A_1629 = vector.broadcast %min3A_1628 : f32 to vector<16xf32>
        %min3A_1630 = arith.minimumf %neg3A_1595, %min3A_1629 : vector<16xf32>
        %sub3A_1631 = arith.subf %min3A_1630, %mul3A_1627 : vector<16xf32>
        %jit3A_1632 = arith.constant 0.000000e+00 : f32
        %broadcast_in_dim3A_1633 = vector.broadcast %jit3A_1632 : f32 to vector<16xf32>
        %select_n3A_1634 = arith.select %lt3A_1592, %sub3A_1631, %broadcast_in_dim3A_1633 : vector<16xi1>, vector<16xf32>
        %add3A_1635 = arith.addf %sub3A_1589, %select_n3A_1634 : vector<16xf32>
        %mul3A_1636 = arith.constant 16 : i32
        %mul3A_1637 = arith.muli %scan3A_597, %mul3A_1636 : i32
        %swap3A_1638 = arith.index_cast %mul3A_1637 : i32 to index
        %swap3A_1639 = tpu.vector_load %arg16[%swap3A_1638] {strides = array<i32>} : memref<512xf32, #tpu.memory_space<vmem>>, vector<16xf32>,
        tpu.vector_store %arg16[%swap3A_1638], %add3A_1635 {strides = array<i32>} : memref<512xf32, #tpu.memory_space<vmem>>, vector<16xf32>,
      }
      %scan3A_223 = arith.constant 32 : i32
      %mul3A_224 = arith.constant 16 : i32
      %mul3A_225 = vector.broadcast %mul3A_224 : i32 to vector<16xi32>
      %mul3A_226 = arith.muli %iota3A, %mul3A_225 : vector<16xi32>
      %add3A_227 = arith.constant 0 : i32
      %add3A_228 = vector.broadcast %add3A_227 : i32 to vector<16xi32>
      %add3A_229 = arith.addi %mul3A_226, %add3A_228 : vector<16xi32>
      %add3A_230 = arith.constant 0 : i32
      %add3A_231 = vector.broadcast %add3A_230 : i32 to vector<16xi32>
      %add3A_232 = arith.addi %add3A_229, %add3A_231 : vector<16xi32>
      %gather3A = tpu.vector_load_idx %arg16[%add3A_232] : memref<512xf32, #tpu.memory_space<vmem>>[vector<16xi32>], vector<16xf32>,
      %add3A_233 = arith.addf %broadcast_in_dim3A_3, %gather3A : vector<16xf32>
      %mul3A_234 = arith.constant 16 : i32
      %mul3A_235 = vector.broadcast %mul3A_234 : i32 to vector<16xi32>
      %mul3A_236 = arith.muli %iota3A, %mul3A_235 : vector<16xi32>
      %add3A_237 = arith.constant 1 : i32
      %add3A_238 = vector.broadcast %add3A_237 : i32 to vector<16xi32>
      %add3A_239 = arith.addi %mul3A_236, %add3A_238 : vector<16xi32>
      %add3A_240 = arith.constant 0 : i32
      %add3A_241 = vector.broadcast %add3A_240 : i32 to vector<16xi32>
      %add3A_242 = arith.addi %add3A_239, %add3A_241 : vector<16xi32>
      %gather3A_243 = tpu.vector_load_idx %arg16[%add3A_242] : memref<512xf32, #tpu.memory_space<vmem>>[vector<16xi32>], vector<16xf32>,
      %add3A_244 = arith.addf %broadcast_in_dim3A_3, %gather3A_243 : vector<16xf32>
      %mul3A_245 = arith.constant 16 : i32
      %mul3A_246 = vector.broadcast %mul3A_245 : i32 to vector<16xi32>
      %mul3A_247 = arith.muli %iota3A, %mul3A_246 : vector<16xi32>
      %add3A_248 = arith.constant 2 : i32
      %add3A_249 = vector.broadcast %add3A_248 : i32 to vector<16xi32>
      %add3A_250 = arith.addi %mul3A_247, %add3A_249 : vector<16xi32>
      %add3A_251 = arith.constant 0 : i32
      %add3A_252 = vector.broadcast %add3A_251 : i32 to vector<16xi32>
      %add3A_253 = arith.addi %add3A_250, %add3A_252 : vector<16xi32>
      %gather3A_254 = tpu.vector_load_idx %arg16[%add3A_253] : memref<512xf32, #tpu.memory_space<vmem>>[vector<16xi32>], vector<16xf32>,
      %add3A_255 = arith.addf %broadcast_in_dim3A_3, %gather3A_254 : vector<16xf32>
      %mul3A_256 = arith.constant 16 : i32
      %mul3A_257 = vector.broadcast %mul3A_256 : i32 to vector<16xi32>
      %mul3A_258 = arith.muli %iota3A, %mul3A_257 : vector<16xi32>
      %add3A_259 = arith.constant 3 : i32
      %add3A_260 = vector.broadcast %add3A_259 : i32 to vector<16xi32>
      %add3A_261 = arith.addi %mul3A_258, %add3A_260 : vector<16xi32>
      %add3A_262 = arith.constant 0 : i32
      %add3A_263 = vector.broadcast %add3A_262 : i32 to vector<16xi32>
      %add3A_264 = arith.addi %add3A_261, %add3A_263 : vector<16xi32>
      %gather3A_265 = tpu.vector_load_idx %arg16[%add3A_264] : memref<512xf32, #tpu.memory_space<vmem>>[vector<16xi32>], vector<16xf32>,
      %add3A_266 = arith.addf %broadcast_in_dim3A_3, %gather3A_265 : vector<16xf32>
      %mul3A_267 = arith.constant 16 : i32
      %mul3A_268 = vector.broadcast %mul3A_267 : i32 to vector<16xi32>
      %mul3A_269 = arith.muli %iota3A, %mul3A_268 : vector<16xi32>
      %add3A_270 = arith.constant 4 : i32
      %add3A_271 = vector.broadcast %add3A_270 : i32 to vector<16xi32>
      %add3A_272 = arith.addi %mul3A_269, %add3A_271 : vector<16xi32>
      %add3A_273 = arith.constant 0 : i32
      %add3A_274 = vector.broadcast %add3A_273 : i32 to vector<16xi32>
      %add3A_275 = arith.addi %add3A_272, %add3A_274 : vector<16xi32>
      %gather3A_276 = tpu.vector_load_idx %arg16[%add3A_275] : memref<512xf32, #tpu.memory_space<vmem>>[vector<16xi32>], vector<16xf32>,
      %add3A_277 = arith.addf %add3A_233, %gather3A_276 : vector<16xf32>
      %mul3A_278 = arith.constant 16 : i32
      %mul3A_279 = vector.broadcast %mul3A_278 : i32 to vector<16xi32>
      %mul3A_280 = arith.muli %iota3A, %mul3A_279 : vector<16xi32>
      %add3A_281 = arith.constant 5 : i32
      %add3A_282 = vector.broadcast %add3A_281 : i32 to vector<16xi32>
      %add3A_283 = arith.addi %mul3A_280, %add3A_282 : vector<16xi32>
      %add3A_284 = arith.constant 0 : i32
      %add3A_285 = vector.broadcast %add3A_284 : i32 to vector<16xi32>
      %add3A_286 = arith.addi %add3A_283, %add3A_285 : vector<16xi32>
      %gather3A_287 = tpu.vector_load_idx %arg16[%add3A_286] : memref<512xf32, #tpu.memory_space<vmem>>[vector<16xi32>], vector<16xf32>,
      %add3A_288 = arith.addf %add3A_244, %gather3A_287 : vector<16xf32>
      %mul3A_289 = arith.constant 16 : i32
      %mul3A_290 = vector.broadcast %mul3A_289 : i32 to vector<16xi32>
      %mul3A_291 = arith.muli %iota3A, %mul3A_290 : vector<16xi32>
      %add3A_292 = arith.constant 6 : i32
      %add3A_293 = vector.broadcast %add3A_292 : i32 to vector<16xi32>
      %add3A_294 = arith.addi %mul3A_291, %add3A_293 : vector<16xi32>
      %add3A_295 = arith.constant 0 : i32
      %add3A_296 = vector.broadcast %add3A_295 : i32 to vector<16xi32>
      %add3A_297 = arith.addi %add3A_294, %add3A_296 : vector<16xi32>
      %gather3A_298 = tpu.vector_load_idx %arg16[%add3A_297] : memref<512xf32, #tpu.memory_space<vmem>>[vector<16xi32>], vector<16xf32>,
      %add3A_299 = arith.addf %add3A_255, %gather3A_298 : vector<16xf32>
      %mul3A_300 = arith.constant 16 : i32
      %mul3A_301 = vector.broadcast %mul3A_300 : i32 to vector<16xi32>
      %mul3A_302 = arith.muli %iota3A, %mul3A_301 : vector<16xi32>
      %add3A_303 = arith.constant 7 : i32
      %add3A_304 = vector.broadcast %add3A_303 : i32 to vector<16xi32>
      %add3A_305 = arith.addi %mul3A_302, %add3A_304 : vector<16xi32>
      %add3A_306 = arith.constant 0 : i32
      %add3A_307 = vector.broadcast %add3A_306 : i32 to vector<16xi32>
      %add3A_308 = arith.addi %add3A_305, %add3A_307 : vector<16xi32>
      %gather3A_309 = tpu.vector_load_idx %arg16[%add3A_308] : memref<512xf32, #tpu.memory_space<vmem>>[vector<16xi32>], vector<16xf32>,
      %add3A_310 = arith.addf %add3A_266, %gather3A_309 : vector<16xf32>
      %mul3A_311 = arith.constant 16 : i32
      %mul3A_312 = vector.broadcast %mul3A_311 : i32 to vector<16xi32>
      %mul3A_313 = arith.muli %iota3A, %mul3A_312 : vector<16xi32>
      %add3A_314 = arith.constant 8 : i32
      %add3A_315 = vector.broadcast %add3A_314 : i32 to vector<16xi32>
      %add3A_316 = arith.addi %mul3A_313, %add3A_315 : vector<16xi32>
      %add3A_317 = arith.constant 0 : i32
      %add3A_318 = vector.broadcast %add3A_317 : i32 to vector<16xi32>
      %add3A_319 = arith.addi %add3A_316, %add3A_318 : vector<16xi32>
      %gather3A_320 = tpu.vector_load_idx %arg16[%add3A_319] : memref<512xf32, #tpu.memory_space<vmem>>[vector<16xi32>], vector<16xf32>,
      %add3A_321 = arith.addf %add3A_277, %gather3A_320 : vector<16xf32>
      %mul3A_322 = arith.constant 16 : i32
      %mul3A_323 = vector.broadcast %mul3A_322 : i32 to vector<16xi32>
      %mul3A_324 = arith.muli %iota3A, %mul3A_323 : vector<16xi32>
      %add3A_325 = arith.constant 9 : i32
      %add3A_326 = vector.broadcast %add3A_325 : i32 to vector<16xi32>
      %add3A_327 = arith.addi %mul3A_324, %add3A_326 : vector<16xi32>
      %add3A_328 = arith.constant 0 : i32
      %add3A_329 = vector.broadcast %add3A_328 : i32 to vector<16xi32>
      %add3A_330 = arith.addi %add3A_327, %add3A_329 : vector<16xi32>
      %gather3A_331 = tpu.vector_load_idx %arg16[%add3A_330] : memref<512xf32, #tpu.memory_space<vmem>>[vector<16xi32>], vector<16xf32>,
      %add3A_332 = arith.addf %add3A_288, %gather3A_331 : vector<16xf32>
      %mul3A_333 = arith.constant 16 : i32
      %mul3A_334 = vector.broadcast %mul3A_333 : i32 to vector<16xi32>
      %mul3A_335 = arith.muli %iota3A, %mul3A_334 : vector<16xi32>
      %add3A_336 = arith.constant 10 : i32
      %add3A_337 = vector.broadcast %add3A_336 : i32 to vector<16xi32>
      %add3A_338 = arith.addi %mul3A_335, %add3A_337 : vector<16xi32>
      %add3A_339 = arith.constant 0 : i32
      %add3A_340 = vector.broadcast %add3A_339 : i32 to vector<16xi32>
      %add3A_341 = arith.addi %add3A_338, %add3A_340 : vector<16xi32>
      %gather3A_342 = tpu.vector_load_idx %arg16[%add3A_341] : memref<512xf32, #tpu.memory_space<vmem>>[vector<16xi32>], vector<16xf32>,
      %add3A_343 = arith.addf %add3A_299, %gather3A_342 : vector<16xf32>
      %mul3A_344 = arith.constant 16 : i32
      %mul3A_345 = vector.broadcast %mul3A_344 : i32 to vector<16xi32>
      %mul3A_346 = arith.muli %iota3A, %mul3A_345 : vector<16xi32>
      %add3A_347 = arith.constant 11 : i32
      %add3A_348 = vector.broadcast %add3A_347 : i32 to vector<16xi32>
      %add3A_349 = arith.addi %mul3A_346, %add3A_348 : vector<16xi32>
      %add3A_350 = arith.constant 0 : i32
      %add3A_351 = vector.broadcast %add3A_350 : i32 to vector<16xi32>
      %add3A_352 = arith.addi %add3A_349, %add3A_351 : vector<16xi32>
      %gather3A_353 = tpu.vector_load_idx %arg16[%add3A_352] : memref<512xf32, #tpu.memory_space<vmem>>[vector<16xi32>], vector<16xf32>,
      %add3A_354 = arith.addf %add3A_310, %gather3A_353 : vector<16xf32>
      %mul3A_355 = arith.constant 16 : i32
      %mul3A_356 = vector.broadcast %mul3A_355 : i32 to vector<16xi32>
      %mul3A_357 = arith.muli %iota3A, %mul3A_356 : vector<16xi32>
      %add3A_358 = arith.constant 12 : i32
      %add3A_359 = vector.broadcast %add3A_358 : i32 to vector<16xi32>
      %add3A_360 = arith.addi %mul3A_357, %add3A_359 : vector<16xi32>
      %add3A_361 = arith.constant 0 : i32
      %add3A_362 = vector.broadcast %add3A_361 : i32 to vector<16xi32>
      %add3A_363 = arith.addi %add3A_360, %add3A_362 : vector<16xi32>
      %gather3A_364 = tpu.vector_load_idx %arg16[%add3A_363] : memref<512xf32, #tpu.memory_space<vmem>>[vector<16xi32>], vector<16xf32>,
      %add3A_365 = arith.addf %add3A_321, %gather3A_364 : vector<16xf32>
      %mul3A_366 = arith.constant 16 : i32
      %mul3A_367 = vector.broadcast %mul3A_366 : i32 to vector<16xi32>
      %mul3A_368 = arith.muli %iota3A, %mul3A_367 : vector<16xi32>
      %add3A_369 = arith.constant 13 : i32
      %add3A_370 = vector.broadcast %add3A_369 : i32 to vector<16xi32>
      %add3A_371 = arith.addi %mul3A_368, %add3A_370 : vector<16xi32>
      %add3A_372 = arith.constant 0 : i32
      %add3A_373 = vector.broadcast %add3A_372 : i32 to vector<16xi32>
      %add3A_374 = arith.addi %add3A_371, %add3A_373 : vector<16xi32>
      %gather3A_375 = tpu.vector_load_idx %arg16[%add3A_374] : memref<512xf32, #tpu.memory_space<vmem>>[vector<16xi32>], vector<16xf32>,
      %add3A_376 = arith.addf %add3A_332, %gather3A_375 : vector<16xf32>
      %mul3A_377 = arith.constant 16 : i32
      %mul3A_378 = vector.broadcast %mul3A_377 : i32 to vector<16xi32>
      %mul3A_379 = arith.muli %iota3A, %mul3A_378 : vector<16xi32>
      %add3A_380 = arith.constant 14 : i32
      %add3A_381 = vector.broadcast %add3A_380 : i32 to vector<16xi32>
      %add3A_382 = arith.addi %mul3A_379, %add3A_381 : vector<16xi32>
      %add3A_383 = arith.constant 0 : i32
      %add3A_384 = vector.broadcast %add3A_383 : i32 to vector<16xi32>
      %add3A_385 = arith.addi %add3A_382, %add3A_384 : vector<16xi32>
      %gather3A_386 = tpu.vector_load_idx %arg16[%add3A_385] : memref<512xf32, #tpu.memory_space<vmem>>[vector<16xi32>], vector<16xf32>,
      %add3A_387 = arith.addf %add3A_343, %gather3A_386 : vector<16xf32>
      %mul3A_388 = arith.constant 16 : i32
      %mul3A_389 = vector.broadcast %mul3A_388 : i32 to vector<16xi32>
      %mul3A_390 = arith.muli %iota3A, %mul3A_389 : vector<16xi32>
      %add3A_391 = arith.constant 15 : i32
      %add3A_392 = vector.broadcast %add3A_391 : i32 to vector<16xi32>
      %add3A_393 = arith.addi %mul3A_390, %add3A_392 : vector<16xi32>
      %add3A_394 = arith.constant 0 : i32
      %add3A_395 = vector.broadcast %add3A_394 : i32 to vector<16xi32>
      %add3A_396 = arith.addi %add3A_393, %add3A_395 : vector<16xi32>
      %gather3A_397 = tpu.vector_load_idx %arg16[%add3A_396] : memref<512xf32, #tpu.memory_space<vmem>>[vector<16xi32>], vector<16xf32>,
      %add3A_398 = arith.addf %add3A_354, %gather3A_397 : vector<16xf32>
      %add3A_399 = arith.addf %add3A_365, %add3A_376 : vector<16xf32>
      %add3A_400 = arith.addf %add3A_387, %add3A_398 : vector<16xf32>
      %add3A_401 = arith.addf %add3A_399, %add3A_400 : vector<16xf32>
      %neg3A = arith.constant 0.000000e+00 : f32
      %neg3A_402 = vector.broadcast %neg3A : f32 to vector<16xf32>
      %neg3A_403 = arith.subf %neg3A_402, %add3A_401 : vector<16xf32>
      %swap3A_404 = arith.constant 0 : index
      %swap3A_405 = tpu.vector_load %arg17[%swap3A_404] {strides = array<i32>} : memref<32xf32, #tpu.memory_space<vmem>>, vector<16xf32>,
      tpu.vector_store %arg17[%swap3A_404], %neg3A_403 {strides = array<i32>} : memref<32xf32, #tpu.memory_space<vmem>>, vector<16xf32>,
      %mul3A_406 = arith.constant 16 : i32
      %mul3A_407 = vector.broadcast %mul3A_406 : i32 to vector<16xi32>
      %mul3A_408 = arith.muli %iota3A, %mul3A_407 : vector<16xi32>
      %add3A_409 = arith.constant 0 : i32
      %add3A_410 = vector.broadcast %add3A_409 : i32 to vector<16xi32>
      %add3A_411 = arith.addi %mul3A_408, %add3A_410 : vector<16xi32>
      %add3A_412 = arith.constant 256 : i32
      %add3A_413 = vector.broadcast %add3A_412 : i32 to vector<16xi32>
      %add3A_414 = arith.addi %add3A_411, %add3A_413 : vector<16xi32>
      %gather3A_415 = tpu.vector_load_idx %arg16[%add3A_414] : memref<512xf32, #tpu.memory_space<vmem>>[vector<16xi32>], vector<16xf32>,
      %add3A_416 = arith.addf %broadcast_in_dim3A_3, %gather3A_415 : vector<16xf32>
      %mul3A_417 = arith.constant 16 : i32
      %mul3A_418 = vector.broadcast %mul3A_417 : i32 to vector<16xi32>
      %mul3A_419 = arith.muli %iota3A, %mul3A_418 : vector<16xi32>
      %add3A_420 = arith.constant 1 : i32
      %add3A_421 = vector.broadcast %add3A_420 : i32 to vector<16xi32>
      %add3A_422 = arith.addi %mul3A_419, %add3A_421 : vector<16xi32>
      %add3A_423 = arith.constant 256 : i32
      %add3A_424 = vector.broadcast %add3A_423 : i32 to vector<16xi32>
      %add3A_425 = arith.addi %add3A_422, %add3A_424 : vector<16xi32>
      %gather3A_426 = tpu.vector_load_idx %arg16[%add3A_425] : memref<512xf32, #tpu.memory_space<vmem>>[vector<16xi32>], vector<16xf32>,
      %add3A_427 = arith.addf %broadcast_in_dim3A_3, %gather3A_426 : vector<16xf32>
      %mul3A_428 = arith.constant 16 : i32
      %mul3A_429 = vector.broadcast %mul3A_428 : i32 to vector<16xi32>
      %mul3A_430 = arith.muli %iota3A, %mul3A_429 : vector<16xi32>
      %add3A_431 = arith.constant 2 : i32
      %add3A_432 = vector.broadcast %add3A_431 : i32 to vector<16xi32>
      %add3A_433 = arith.addi %mul3A_430, %add3A_432 : vector<16xi32>
      %add3A_434 = arith.constant 256 : i32
      %add3A_435 = vector.broadcast %add3A_434 : i32 to vector<16xi32>
      %add3A_436 = arith.addi %add3A_433, %add3A_435 : vector<16xi32>
      %gather3A_437 = tpu.vector_load_idx %arg16[%add3A_436] : memref<512xf32, #tpu.memory_space<vmem>>[vector<16xi32>], vector<16xf32>,
      %add3A_438 = arith.addf %broadcast_in_dim3A_3, %gather3A_437 : vector<16xf32>
      %mul3A_439 = arith.constant 16 : i32
      %mul3A_440 = vector.broadcast %mul3A_439 : i32 to vector<16xi32>
      %mul3A_441 = arith.muli %iota3A, %mul3A_440 : vector<16xi32>
      %add3A_442 = arith.constant 3 : i32
      %add3A_443 = vector.broadcast %add3A_442 : i32 to vector<16xi32>
      %add3A_444 = arith.addi %mul3A_441, %add3A_443 : vector<16xi32>
      %add3A_445 = arith.constant 256 : i32
      %add3A_446 = vector.broadcast %add3A_445 : i32 to vector<16xi32>
      %add3A_447 = arith.addi %add3A_444, %add3A_446 : vector<16xi32>
      %gather3A_448 = tpu.vector_load_idx %arg16[%add3A_447] : memref<512xf32, #tpu.memory_space<vmem>>[vector<16xi32>], vector<16xf32>,
      %add3A_449 = arith.addf %broadcast_in_dim3A_3, %gather3A_448 : vector<16xf32>
      %mul3A_450 = arith.constant 16 : i32
      %mul3A_451 = vector.broadcast %mul3A_450 : i32 to vector<16xi32>
      %mul3A_452 = arith.muli %iota3A, %mul3A_451 : vector<16xi32>
      %add3A_453 = arith.constant 4 : i32
      %add3A_454 = vector.broadcast %add3A_453 : i32 to vector<16xi32>
      %add3A_455 = arith.addi %mul3A_452, %add3A_454 : vector<16xi32>
      %add3A_456 = arith.constant 256 : i32
      %add3A_457 = vector.broadcast %add3A_456 : i32 to vector<16xi32>
      %add3A_458 = arith.addi %add3A_455, %add3A_457 : vector<16xi32>
      %gather3A_459 = tpu.vector_load_idx %arg16[%add3A_458] : memref<512xf32, #tpu.memory_space<vmem>>[vector<16xi32>], vector<16xf32>,
      %add3A_460 = arith.addf %add3A_416, %gather3A_459 : vector<16xf32>
      %mul3A_461 = arith.constant 16 : i32
      %mul3A_462 = vector.broadcast %mul3A_461 : i32 to vector<16xi32>
      %mul3A_463 = arith.muli %iota3A, %mul3A_462 : vector<16xi32>
      %add3A_464 = arith.constant 5 : i32
      %add3A_465 = vector.broadcast %add3A_464 : i32 to vector<16xi32>
      %add3A_466 = arith.addi %mul3A_463, %add3A_465 : vector<16xi32>
      %add3A_467 = arith.constant 256 : i32
      %add3A_468 = vector.broadcast %add3A_467 : i32 to vector<16xi32>
      %add3A_469 = arith.addi %add3A_466, %add3A_468 : vector<16xi32>
      %gather3A_470 = tpu.vector_load_idx %arg16[%add3A_469] : memref<512xf32, #tpu.memory_space<vmem>>[vector<16xi32>], vector<16xf32>,
      %add3A_471 = arith.addf %add3A_427, %gather3A_470 : vector<16xf32>
      %mul3A_472 = arith.constant 16 : i32
      %mul3A_473 = vector.broadcast %mul3A_472 : i32 to vector<16xi32>
      %mul3A_474 = arith.muli %iota3A, %mul3A_473 : vector<16xi32>
      %add3A_475 = arith.constant 6 : i32
      %add3A_476 = vector.broadcast %add3A_475 : i32 to vector<16xi32>
      %add3A_477 = arith.addi %mul3A_474, %add3A_476 : vector<16xi32>
      %add3A_478 = arith.constant 256 : i32
      %add3A_479 = vector.broadcast %add3A_478 : i32 to vector<16xi32>
      %add3A_480 = arith.addi %add3A_477, %add3A_479 : vector<16xi32>
      %gather3A_481 = tpu.vector_load_idx %arg16[%add3A_480] : memref<512xf32, #tpu.memory_space<vmem>>[vector<16xi32>], vector<16xf32>,
      %add3A_482 = arith.addf %add3A_438, %gather3A_481 : vector<16xf32>
      %mul3A_483 = arith.constant 16 : i32
      %mul3A_484 = vector.broadcast %mul3A_483 : i32 to vector<16xi32>
      %mul3A_485 = arith.muli %iota3A, %mul3A_484 : vector<16xi32>
      %add3A_486 = arith.constant 7 : i32
      %add3A_487 = vector.broadcast %add3A_486 : i32 to vector<16xi32>
      %add3A_488 = arith.addi %mul3A_485, %add3A_487 : vector<16xi32>
      %add3A_489 = arith.constant 256 : i32
      %add3A_490 = vector.broadcast %add3A_489 : i32 to vector<16xi32>
      %add3A_491 = arith.addi %add3A_488, %add3A_490 : vector<16xi32>
      %gather3A_492 = tpu.vector_load_idx %arg16[%add3A_491] : memref<512xf32, #tpu.memory_space<vmem>>[vector<16xi32>], vector<16xf32>,
      %add3A_493 = arith.addf %add3A_449, %gather3A_492 : vector<16xf32>
      %mul3A_494 = arith.constant 16 : i32
      %mul3A_495 = vector.broadcast %mul3A_494 : i32 to vector<16xi32>
      %mul3A_496 = arith.muli %iota3A, %mul3A_495 : vector<16xi32>
      %add3A_497 = arith.constant 8 : i32
      %add3A_498 = vector.broadcast %add3A_497 : i32 to vector<16xi32>
      %add3A_499 = arith.addi %mul3A_496, %add3A_498 : vector<16xi32>
      %add3A_500 = arith.constant 256 : i32
      %add3A_501 = vector.broadcast %add3A_500 : i32 to vector<16xi32>
      %add3A_502 = arith.addi %add3A_499, %add3A_501 : vector<16xi32>
      %gather3A_503 = tpu.vector_load_idx %arg16[%add3A_502] : memref<512xf32, #tpu.memory_space<vmem>>[vector<16xi32>], vector<16xf32>,
      %add3A_504 = arith.addf %add3A_460, %gather3A_503 : vector<16xf32>
      %mul3A_505 = arith.constant 16 : i32
      %mul3A_506 = vector.broadcast %mul3A_505 : i32 to vector<16xi32>
      %mul3A_507 = arith.muli %iota3A, %mul3A_506 : vector<16xi32>
      %add3A_508 = arith.constant 9 : i32
      %add3A_509 = vector.broadcast %add3A_508 : i32 to vector<16xi32>
      %add3A_510 = arith.addi %mul3A_507, %add3A_509 : vector<16xi32>
      %add3A_511 = arith.constant 256 : i32
      %add3A_512 = vector.broadcast %add3A_511 : i32 to vector<16xi32>
      %add3A_513 = arith.addi %add3A_510, %add3A_512 : vector<16xi32>
      %gather3A_514 = tpu.vector_load_idx %arg16[%add3A_513] : memref<512xf32, #tpu.memory_space<vmem>>[vector<16xi32>], vector<16xf32>,
      %add3A_515 = arith.addf %add3A_471, %gather3A_514 : vector<16xf32>
      %mul3A_516 = arith.constant 16 : i32
      %mul3A_517 = vector.broadcast %mul3A_516 : i32 to vector<16xi32>
      %mul3A_518 = arith.muli %iota3A, %mul3A_517 : vector<16xi32>
      %add3A_519 = arith.constant 10 : i32
      %add3A_520 = vector.broadcast %add3A_519 : i32 to vector<16xi32>
      %add3A_521 = arith.addi %mul3A_518, %add3A_520 : vector<16xi32>
      %add3A_522 = arith.constant 256 : i32
      %add3A_523 = vector.broadcast %add3A_522 : i32 to vector<16xi32>
      %add3A_524 = arith.addi %add3A_521, %add3A_523 : vector<16xi32>
      %gather3A_525 = tpu.vector_load_idx %arg16[%add3A_524] : memref<512xf32, #tpu.memory_space<vmem>>[vector<16xi32>], vector<16xf32>,
      %add3A_526 = arith.addf %add3A_482, %gather3A_525 : vector<16xf32>
      %mul3A_527 = arith.constant 16 : i32
      %mul3A_528 = vector.broadcast %mul3A_527 : i32 to vector<16xi32>
      %mul3A_529 = arith.muli %iota3A, %mul3A_528 : vector<16xi32>
      %add3A_530 = arith.constant 11 : i32
      %add3A_531 = vector.broadcast %add3A_530 : i32 to vector<16xi32>
      %add3A_532 = arith.addi %mul3A_529, %add3A_531 : vector<16xi32>
      %add3A_533 = arith.constant 256 : i32
      %add3A_534 = vector.broadcast %add3A_533 : i32 to vector<16xi32>
      %add3A_535 = arith.addi %add3A_532, %add3A_534 : vector<16xi32>
      %gather3A_536 = tpu.vector_load_idx %arg16[%add3A_535] : memref<512xf32, #tpu.memory_space<vmem>>[vector<16xi32>], vector<16xf32>,
      %add3A_537 = arith.addf %add3A_493, %gather3A_536 : vector<16xf32>
      %mul3A_538 = arith.constant 16 : i32
      %mul3A_539 = vector.broadcast %mul3A_538 : i32 to vector<16xi32>
      %mul3A_540 = arith.muli %iota3A, %mul3A_539 : vector<16xi32>
      %add3A_541 = arith.constant 12 : i32
      %add3A_542 = vector.broadcast %add3A_541 : i32 to vector<16xi32>
      %add3A_543 = arith.addi %mul3A_540, %add3A_542 : vector<16xi32>
      %add3A_544 = arith.constant 256 : i32
      %add3A_545 = vector.broadcast %add3A_544 : i32 to vector<16xi32>
      %add3A_546 = arith.addi %add3A_543, %add3A_545 : vector<16xi32>
      %gather3A_547 = tpu.vector_load_idx %arg16[%add3A_546] : memref<512xf32, #tpu.memory_space<vmem>>[vector<16xi32>], vector<16xf32>,
      %add3A_548 = arith.addf %add3A_504, %gather3A_547 : vector<16xf32>
      %mul3A_549 = arith.constant 16 : i32
      %mul3A_550 = vector.broadcast %mul3A_549 : i32 to vector<16xi32>
      %mul3A_551 = arith.muli %iota3A, %mul3A_550 : vector<16xi32>
      %add3A_552 = arith.constant 13 : i32
      %add3A_553 = vector.broadcast %add3A_552 : i32 to vector<16xi32>
      %add3A_554 = arith.addi %mul3A_551, %add3A_553 : vector<16xi32>
      %add3A_555 = arith.constant 256 : i32
      %add3A_556 = vector.broadcast %add3A_555 : i32 to vector<16xi32>
      %add3A_557 = arith.addi %add3A_554, %add3A_556 : vector<16xi32>
      %gather3A_558 = tpu.vector_load_idx %arg16[%add3A_557] : memref<512xf32, #tpu.memory_space<vmem>>[vector<16xi32>], vector<16xf32>,
      %add3A_559 = arith.addf %add3A_515, %gather3A_558 : vector<16xf32>
      %mul3A_560 = arith.constant 16 : i32
      %mul3A_561 = vector.broadcast %mul3A_560 : i32 to vector<16xi32>
      %mul3A_562 = arith.muli %iota3A, %mul3A_561 : vector<16xi32>
      %add3A_563 = arith.constant 14 : i32
      %add3A_564 = vector.broadcast %add3A_563 : i32 to vector<16xi32>
      %add3A_565 = arith.addi %mul3A_562, %add3A_564 : vector<16xi32>
      %add3A_566 = arith.constant 256 : i32
      %add3A_567 = vector.broadcast %add3A_566 : i32 to vector<16xi32>
      %add3A_568 = arith.addi %add3A_565, %add3A_567 : vector<16xi32>
      %gather3A_569 = tpu.vector_load_idx %arg16[%add3A_568] : memref<512xf32, #tpu.memory_space<vmem>>[vector<16xi32>], vector<16xf32>,
      %add3A_570 = arith.addf %add3A_526, %gather3A_569 : vector<16xf32>
      %mul3A_571 = arith.constant 16 : i32
      %mul3A_572 = vector.broadcast %mul3A_571 : i32 to vector<16xi32>
      %mul3A_573 = arith.muli %iota3A, %mul3A_572 : vector<16xi32>
      %add3A_574 = arith.constant 15 : i32
      %add3A_575 = vector.broadcast %add3A_574 : i32 to vector<16xi32>
      %add3A_576 = arith.addi %mul3A_573, %add3A_575 : vector<16xi32>
      %add3A_577 = arith.constant 256 : i32
      %add3A_578 = vector.broadcast %add3A_577 : i32 to vector<16xi32>
      %add3A_579 = arith.addi %add3A_576, %add3A_578 : vector<16xi32>
      %gather3A_580 = tpu.vector_load_idx %arg16[%add3A_579] : memref<512xf32, #tpu.memory_space<vmem>>[vector<16xi32>], vector<16xf32>,
      %add3A_581 = arith.addf %add3A_537, %gather3A_580 : vector<16xf32>
      %add3A_582 = arith.addf %add3A_548, %add3A_559 : vector<16xf32>
      %add3A_583 = arith.addf %add3A_570, %add3A_581 : vector<16xf32>
      %add3A_584 = arith.addf %add3A_582, %add3A_583 : vector<16xf32>
      %neg3A_585 = arith.constant 0.000000e+00 : f32
      %neg3A_586 = vector.broadcast %neg3A_585 : f32 to vector<16xf32>
      %neg3A_587 = arith.subf %neg3A_586, %add3A_584 : vector<16xf32>
      %swap3A_588 = arith.constant 16 : index
      %swap3A_589 = tpu.vector_load %arg17[%swap3A_588] {strides = array<i32>} : memref<32xf32, #tpu.memory_space<vmem>>, vector<16xf32>,
      tpu.vector_store %arg17[%swap3A_588], %neg3A_587 {strides = array<i32>} : memref<32xf32, #tpu.memory_space<vmem>>, vector<16xf32>,
      "tpu.region"() ({
        %run_scoped3A = tpu.sem_alloc : memref<!tpu.dma_semaphore, #tpu.memory_space<semaphore_mem>>
        %dma_start3A_597 = tpu.memref_slice %arg6[%multiple_of3A_217] : memref<16384xf32, #tpu.memory_space<hbm>> -> memref<32xf32, #tpu.memory_space<hbm>>
        %dma_start3A_598 = tpu.memref_slice %arg6[%multiple_of3A_217] : memref<16384xf32, #tpu.memory_space<hbm>> -> memref<32xf32, #tpu.memory_space<hbm>>
        tpu.enqueue_dma source(%arg17 : memref<32xf32, #tpu.memory_space<vmem>>) target(%dma_start3A_598 : memref<32xf32, #tpu.memory_space<hbm>>) target_semaphore(%run_scoped3A : memref<!tpu.dma_semaphore, #tpu.memory_space<semaphore_mem>>)
        %dma_wait3A_599 = tpu.memref_slice %arg6[%multiple_of3A_217] : memref<16384xf32, #tpu.memory_space<hbm>> -> memref<32xf32, #tpu.memory_space<hbm>>
        %dma_wait3A_600 = tpu.memref_slice %arg6[%multiple_of3A_217] : memref<16384xf32, #tpu.memory_space<hbm>> -> memref<32xf32, #tpu.memory_space<hbm>>
        tpu.wait_dma2 semaphore(%run_scoped3A : memref<!tpu.dma_semaphore, #tpu.memory_space<semaphore_mem>>) src(%arg17 : memref<32xf32, #tpu.memory_space<vmem>>) dst(%dma_wait3A_600 : memref<32xf32, #tpu.memory_space<hbm>>)
        tpu.yield
      }) : () -> ()
      %add3A_590 = arith.constant 1 : i32
      %add3A_591 = arith.addi %mul3A_127, %add3A_590 : i32
      %lt3A_592 = arith.constant 16 : i32
      %lt3A_593 = arith.cmpi slt, %add3A_591, %lt3A_592 : i32
      %convert_element_type3A_594 = arith.extui %lt3A_593 : i1 to i32
      %cond3A_595 = arith.constant 0 : i32
      %cond3A_596 = arith.cmpi ne, %convert_element_type3A_594, %cond3A_595 : i32
      scf.if %cond3A_596 {
        %dma_wait3A_597 = arith.constant 0 : i32
        %dma_wait3A_598 = arith.constant 0 : i32
        %dma_wait3A_599 = tpu.memref_slice %arg4[%dma_wait3A_597, %dma_wait3A_598] : memref<1000000x64xf32, #tpu.memory_space<hbm>> -> memref<1000000x64xf32, #tpu.memory_space<hbm>>
        tpu.wait_indirect_dma semaphore(%arg19 : memref<!tpu.dma_semaphore, #tpu.memory_space<semaphore_mem>>) src(%dma_wait3A_599 : memref<1000000x64xf32, #tpu.memory_space<hbm>>) dst(%arg12 : memref<32x64xf32, #tpu.memory_space<vmem>>)
        %dma_wait3A_600 = arith.constant 0 : i32
        %dma_wait3A_601 = arith.constant 0 : i32
        %dma_wait3A_602 = arith.constant 0 : i32
        %dma_wait3A_603 = tpu.memref_slice %arg14[%dma_wait3A_601, %dma_wait3A_602] : memref<800x64xf32, #tpu.memory_space<vmem>> -> memref<100x64xf32, #tpu.memory_space<vmem>>
        %dma_wait3A_604 = arith.constant 0 : i32
        %dma_wait3A_605 = tpu.memref_slice %arg10[%dma_wait3A_600, %dma_wait3A_604] : memref<8x100xi32, #tpu.memory_space<vmem>> -> memref<1x100xi32, #tpu.memory_space<vmem>>
        %dma_wait3A_606 = tpu.memref_squeeze %dma_wait3A_605 : memref<1x100xi32, #tpu.memory_space<vmem>> -> memref<100xi32, #tpu.memory_space<vmem>>
        %dma_wait3A_607 = arith.constant 0 : i32
        %dma_wait3A_608 = arith.constant 0 : i32
        %dma_wait3A_609 = tpu.memref_slice %arg5[%dma_wait3A_607, %dma_wait3A_608] : memref<1000000x64xf32, #tpu.memory_space<hbm>> -> memref<1000000x64xf32, #tpu.memory_space<hbm>>
        tpu.wait_indirect_dma semaphore(%arg19 : memref<!tpu.dma_semaphore, #tpu.memory_space<semaphore_mem>>) src(%dma_wait3A_609 : memref<1000000x64xf32, #tpu.memory_space<hbm>>) dst(%dma_wait3A_603 : memref<100x64xf32, #tpu.memory_space<vmem>>)
        %dma_wait3A_610 = arith.constant 1 : i32
        %dma_wait3A_611 = arith.constant 100 : i32
        %dma_wait3A_612 = arith.constant 0 : i32
        %dma_wait3A_613 = tpu.memref_slice %arg14[%dma_wait3A_611, %dma_wait3A_612] : memref<800x64xf32, #tpu.memory_space<vmem>> -> memref<100x64xf32, #tpu.memory_space<vmem>>
        %dma_wait3A_614 = arith.constant 0 : i32
        %dma_wait3A_615 = tpu.memref_slice %arg10[%dma_wait3A_610, %dma_wait3A_614] : memref<8x100xi32, #tpu.memory_space<vmem>> -> memref<1x100xi32, #tpu.memory_space<vmem>>
        %dma_wait3A_616 = tpu.memref_squeeze %dma_wait3A_615 : memref<1x100xi32, #tpu.memory_space<vmem>> -> memref<100xi32, #tpu.memory_space<vmem>>
        %dma_wait3A_617 = arith.constant 0 : i32
        %dma_wait3A_618 = arith.constant 0 : i32
        %dma_wait3A_619 = tpu.memref_slice %arg5[%dma_wait3A_617, %dma_wait3A_618] : memref<1000000x64xf32, #tpu.memory_space<hbm>> -> memref<1000000x64xf32, #tpu.memory_space<hbm>>
        tpu.wait_indirect_dma semaphore(%arg19 : memref<!tpu.dma_semaphore, #tpu.memory_space<semaphore_mem>>) src(%dma_wait3A_619 : memref<1000000x64xf32, #tpu.memory_space<hbm>>) dst(%dma_wait3A_613 : memref<100x64xf32, #tpu.memory_space<vmem>>)
        %dma_wait3A_620 = arith.constant 2 : i32
        %dma_wait3A_621 = arith.constant 200 : i32
        %dma_wait3A_622 = arith.constant 0 : i32
        %dma_wait3A_623 = tpu.memref_slice %arg14[%dma_wait3A_621, %dma_wait3A_622] : memref<800x64xf32, #tpu.memory_space<vmem>> -> memref<100x64xf32, #tpu.memory_space<vmem>>
        %dma_wait3A_624 = arith.constant 0 : i32
        %dma_wait3A_625 = tpu.memref_slice %arg10[%dma_wait3A_620, %dma_wait3A_624] : memref<8x100xi32, #tpu.memory_space<vmem>> -> memref<1x100xi32, #tpu.memory_space<vmem>>
        %dma_wait3A_626 = tpu.memref_squeeze %dma_wait3A_625 : memref<1x100xi32, #tpu.memory_space<vmem>> -> memref<100xi32, #tpu.memory_space<vmem>>
        %dma_wait3A_627 = arith.constant 0 : i32
        %dma_wait3A_628 = arith.constant 0 : i32
        %dma_wait3A_629 = tpu.memref_slice %arg5[%dma_wait3A_627, %dma_wait3A_628] : memref<1000000x64xf32, #tpu.memory_space<hbm>> -> memref<1000000x64xf32, #tpu.memory_space<hbm>>
        tpu.wait_indirect_dma semaphore(%arg19 : memref<!tpu.dma_semaphore, #tpu.memory_space<semaphore_mem>>) src(%dma_wait3A_629 : memref<1000000x64xf32, #tpu.memory_space<hbm>>) dst(%dma_wait3A_623 : memref<100x64xf32, #tpu.memory_space<vmem>>)
        %dma_wait3A_630 = arith.constant 3 : i32
        %dma_wait3A_631 = arith.constant 300 : i32
        %dma_wait3A_632 = arith.constant 0 : i32
        %dma_wait3A_633 = tpu.memref_slice %arg14[%dma_wait3A_631, %dma_wait3A_632] : memref<800x64xf32, #tpu.memory_space<vmem>> -> memref<100x64xf32, #tpu.memory_space<vmem>>
        %dma_wait3A_634 = arith.constant 0 : i32
        %dma_wait3A_635 = tpu.memref_slice %arg10[%dma_wait3A_630, %dma_wait3A_634] : memref<8x100xi32, #tpu.memory_space<vmem>> -> memref<1x100xi32, #tpu.memory_space<vmem>>
        %dma_wait3A_636 = tpu.memref_squeeze %dma_wait3A_635 : memref<1x100xi32, #tpu.memory_space<vmem>> -> memref<100xi32, #tpu.memory_space<vmem>>
        %dma_wait3A_637 = arith.constant 0 : i32
        %dma_wait3A_638 = arith.constant 0 : i32
        %dma_wait3A_639 = tpu.memref_slice %arg5[%dma_wait3A_637, %dma_wait3A_638] : memref<1000000x64xf32, #tpu.memory_space<hbm>> -> memref<1000000x64xf32, #tpu.memory_space<hbm>>
        tpu.wait_indirect_dma semaphore(%arg19 : memref<!tpu.dma_semaphore, #tpu.memory_space<semaphore_mem>>) src(%dma_wait3A_639 : memref<1000000x64xf32, #tpu.memory_space<hbm>>) dst(%dma_wait3A_633 : memref<100x64xf32, #tpu.memory_space<vmem>>)
        %dma_wait3A_640 = arith.constant 4 : i32
        %dma_wait3A_641 = arith.constant 400 : i32
        %dma_wait3A_642 = arith.constant 0 : i32
        %dma_wait3A_643 = tpu.memref_slice %arg14[%dma_wait3A_641, %dma_wait3A_642] : memref<800x64xf32, #tpu.memory_space<vmem>> -> memref<100x64xf32, #tpu.memory_space<vmem>>
        %dma_wait3A_644 = arith.constant 0 : i32
        %dma_wait3A_645 = tpu.memref_slice %arg10[%dma_wait3A_640, %dma_wait3A_644] : memref<8x100xi32, #tpu.memory_space<vmem>> -> memref<1x100xi32, #tpu.memory_space<vmem>>
        %dma_wait3A_646 = tpu.memref_squeeze %dma_wait3A_645 : memref<1x100xi32, #tpu.memory_space<vmem>> -> memref<100xi32, #tpu.memory_space<vmem>>
        %dma_wait3A_647 = arith.constant 0 : i32
        %dma_wait3A_648 = arith.constant 0 : i32
        %dma_wait3A_649 = tpu.memref_slice %arg5[%dma_wait3A_647, %dma_wait3A_648] : memref<1000000x64xf32, #tpu.memory_space<hbm>> -> memref<1000000x64xf32, #tpu.memory_space<hbm>>
        tpu.wait_indirect_dma semaphore(%arg19 : memref<!tpu.dma_semaphore, #tpu.memory_space<semaphore_mem>>) src(%dma_wait3A_649 : memref<1000000x64xf32, #tpu.memory_space<hbm>>) dst(%dma_wait3A_643 : memref<100x64xf32, #tpu.memory_space<vmem>>)
        %dma_wait3A_650 = arith.constant 5 : i32
        %dma_wait3A_651 = arith.constant 500 : i32
        %dma_wait3A_652 = arith.constant 0 : i32
        %dma_wait3A_653 = tpu.memref_slice %arg14[%dma_wait3A_651, %dma_wait3A_652] : memref<800x64xf32, #tpu.memory_space<vmem>> -> memref<100x64xf32, #tpu.memory_space<vmem>>
        %dma_wait3A_654 = arith.constant 0 : i32
        %dma_wait3A_655 = tpu.memref_slice %arg10[%dma_wait3A_650, %dma_wait3A_654] : memref<8x100xi32, #tpu.memory_space<vmem>> -> memref<1x100xi32, #tpu.memory_space<vmem>>
        %dma_wait3A_656 = tpu.memref_squeeze %dma_wait3A_655 : memref<1x100xi32, #tpu.memory_space<vmem>> -> memref<100xi32, #tpu.memory_space<vmem>>
        %dma_wait3A_657 = arith.constant 0 : i32
        %dma_wait3A_658 = arith.constant 0 : i32
        %dma_wait3A_659 = tpu.memref_slice %arg5[%dma_wait3A_657, %dma_wait3A_658] : memref<1000000x64xf32, #tpu.memory_space<hbm>> -> memref<1000000x64xf32, #tpu.memory_space<hbm>>
        tpu.wait_indirect_dma semaphore(%arg19 : memref<!tpu.dma_semaphore, #tpu.memory_space<semaphore_mem>>) src(%dma_wait3A_659 : memref<1000000x64xf32, #tpu.memory_space<hbm>>) dst(%dma_wait3A_653 : memref<100x64xf32, #tpu.memory_space<vmem>>)
        %dma_wait3A_660 = arith.constant 6 : i32
        %dma_wait3A_661 = arith.constant 600 : i32
        %dma_wait3A_662 = arith.constant 0 : i32
        %dma_wait3A_663 = tpu.memref_slice %arg14[%dma_wait3A_661, %dma_wait3A_662] : memref<800x64xf32, #tpu.memory_space<vmem>> -> memref<100x64xf32, #tpu.memory_space<vmem>>
        %dma_wait3A_664 = arith.constant 0 : i32
        %dma_wait3A_665 = tpu.memref_slice %arg10[%dma_wait3A_660, %dma_wait3A_664] : memref<8x100xi32, #tpu.memory_space<vmem>> -> memref<1x100xi32, #tpu.memory_space<vmem>>
        %dma_wait3A_666 = tpu.memref_squeeze %dma_wait3A_665 : memref<1x100xi32, #tpu.memory_space<vmem>> -> memref<100xi32, #tpu.memory_space<vmem>>
        %dma_wait3A_667 = arith.constant 0 : i32
        %dma_wait3A_668 = arith.constant 0 : i32
        %dma_wait3A_669 = tpu.memref_slice %arg5[%dma_wait3A_667, %dma_wait3A_668] : memref<1000000x64xf32, #tpu.memory_space<hbm>> -> memref<1000000x64xf32, #tpu.memory_space<hbm>>
        tpu.wait_indirect_dma semaphore(%arg19 : memref<!tpu.dma_semaphore, #tpu.memory_space<semaphore_mem>>) src(%dma_wait3A_669 : memref<1000000x64xf32, #tpu.memory_space<hbm>>) dst(%dma_wait3A_663 : memref<100x64xf32, #tpu.memory_space<vmem>>)
        %dma_wait3A_670 = arith.constant 7 : i32
        %dma_wait3A_671 = arith.constant 700 : i32
        %dma_wait3A_672 = arith.constant 0 : i32
        %dma_wait3A_673 = tpu.memref_slice %arg14[%dma_wait3A_671, %dma_wait3A_672] : memref<800x64xf32, #tpu.memory_space<vmem>> -> memref<100x64xf32, #tpu.memory_space<vmem>>
        %dma_wait3A_674 = arith.constant 0 : i32
        %dma_wait3A_675 = tpu.memref_slice %arg10[%dma_wait3A_670, %dma_wait3A_674] : memref<8x100xi32, #tpu.memory_space<vmem>> -> memref<1x100xi32, #tpu.memory_space<vmem>>
        %dma_wait3A_676 = tpu.memref_squeeze %dma_wait3A_675 : memref<1x100xi32, #tpu.memory_space<vmem>> -> memref<100xi32, #tpu.memory_space<vmem>>
        %dma_wait3A_677 = arith.constant 0 : i32
        %dma_wait3A_678 = arith.constant 0 : i32
        %dma_wait3A_679 = tpu.memref_slice %arg5[%dma_wait3A_677, %dma_wait3A_678] : memref<1000000x64xf32, #tpu.memory_space<hbm>> -> memref<1000000x64xf32, #tpu.memory_space<hbm>>
        tpu.wait_indirect_dma semaphore(%arg19 : memref<!tpu.dma_semaphore, #tpu.memory_space<semaphore_mem>>) src(%dma_wait3A_679 : memref<1000000x64xf32, #tpu.memory_space<hbm>>) dst(%dma_wait3A_673 : memref<100x64xf32, #tpu.memory_space<vmem>>)
        %add3A_680 = arith.constant 2 : i32
        %add3A_681 = arith.addi %mul3A_127, %add3A_680 : i32
        %lt3A_682 = arith.constant 16 : i32
        %lt3A_683 = arith.cmpi slt, %add3A_681, %lt3A_682 : i32
        %convert_element_type3A_684 = arith.extui %lt3A_683 : i1 to i32
        %cond3A_685 = arith.constant 0 : i32
        %cond3A_686 = arith.cmpi ne, %convert_element_type3A_684, %cond3A_685 : i32
        scf.if %cond3A_686 {
          %add3A_1067 = arith.constant 2 : i32
          %add3A_1068 = arith.addi %mul3A_127, %add3A_1067 : i32
          %mul3A_1069 = arith.constant 32 : i32
          %mul3A_1070 = arith.muli %add3A_1068, %mul3A_1069 : i32
          %add3A_1071 = arith.addi %mul3A_2, %mul3A_1070 : i32
          %multiple_of3A_1072 = tpu.assume_multiple %add3A_1071, 32 : i32
          %mul3A_1073 = arith.constant 25 : i32
          %mul3A_1074 = arith.muli %multiple_of3A_1072, %mul3A_1073 : i32
          %jit3A_1075 = arith.constant 100 : i32
          %div3A_1076 = arith.divsi %mul3A_1074, %jit3A_1075 : i32
          %sign3A_1077 = arith.constant 0 : i32
          %sign3A_1078 = arith.cmpi sgt, %mul3A_1074, %sign3A_1077 : i32
          %sign3A_1079 = arith.extui %sign3A_1078 : i1 to i32
          %sign3A_1080 = arith.constant 0 : i32
          %sign3A_1081 = arith.cmpi slt, %mul3A_1074, %sign3A_1080 : i32
          %sign3A_1082 = arith.extui %sign3A_1081 : i1 to i32
          %sign3A_1083 = arith.subi %sign3A_1079, %sign3A_1082 : i32
          %sign3A_1084 = arith.constant 0 : i32
          %sign3A_1085 = arith.cmpi sgt, %jit3A_1075, %sign3A_1084 : i32
          %sign3A_1086 = arith.extui %sign3A_1085 : i1 to i32
          %sign3A_1087 = arith.constant 0 : i32
          %sign3A_1088 = arith.cmpi slt, %jit3A_1075, %sign3A_1087 : i32
          %sign3A_1089 = arith.extui %sign3A_1088 : i1 to i32
          %sign3A_1090 = arith.subi %sign3A_1086, %sign3A_1089 : i32
          %ne3A_1091 = arith.cmpi ne, %sign3A_1083, %sign3A_1090 : i32
          %rem3A_1092 = arith.remsi %mul3A_1074, %jit3A_1075 : i32
          %ne3A_1093 = arith.constant 0 : i32
          %ne3A_1094 = arith.cmpi ne, %rem3A_1092, %ne3A_1093 : i32
          %and3A_1095 = arith.andi %ne3A_1091, %ne3A_1094 : i1
          %sub3A_1096 = arith.constant 1 : i32
          %sub3A_1097 = arith.subi %div3A_1076, %sub3A_1096 : i32
          %select_n3A_1098 = arith.select %and3A_1095, %sub3A_1097, %div3A_1076 : i32
          %multiple_of3A_1099 = tpu.assume_multiple %select_n3A_1098, 8 : i32
          "tpu.region"() ({
            %run_scoped3A = tpu.sem_alloc : memref<!tpu.dma_semaphore, #tpu.memory_space<semaphore_mem>>
            %dma_start3A_1183 = tpu.memref_slice %arg2[%multiple_of3A_1072] : memref<16384xi32, #tpu.memory_space<hbm>> -> memref<32xi32, #tpu.memory_space<hbm>>
            %dma_start3A_1184 = tpu.memref_slice %arg2[%multiple_of3A_1072] : memref<16384xi32, #tpu.memory_space<hbm>> -> memref<32xi32, #tpu.memory_space<hbm>>
            tpu.enqueue_dma source(%dma_start3A_1184 : memref<32xi32, #tpu.memory_space<hbm>>) target(%arg7 : memref<32xi32, #tpu.memory_space<vmem>>) target_semaphore(%run_scoped3A : memref<!tpu.dma_semaphore, #tpu.memory_space<semaphore_mem>>)
            %dma_wait3A_1185 = tpu.memref_slice %arg2[%multiple_of3A_1072] : memref<16384xi32, #tpu.memory_space<hbm>> -> memref<32xi32, #tpu.memory_space<hbm>>
            %dma_wait3A_1186 = tpu.memref_slice %arg2[%multiple_of3A_1072] : memref<16384xi32, #tpu.memory_space<hbm>> -> memref<32xi32, #tpu.memory_space<hbm>>
            tpu.wait_dma2 semaphore(%run_scoped3A : memref<!tpu.dma_semaphore, #tpu.memory_space<semaphore_mem>>) src(%dma_wait3A_1186 : memref<32xi32, #tpu.memory_space<hbm>>) dst(%arg7 : memref<32xi32, #tpu.memory_space<vmem>>)
            tpu.yield
          }) : () -> ()
          "tpu.region"() ({
            %run_scoped3A = tpu.sem_alloc : memref<!tpu.dma_semaphore, #tpu.memory_space<semaphore_mem>>
            %dma_start3A_1183 = arith.constant 0 : i32
            %dma_start3A_1184 = tpu.memref_slice %arg3[%multiple_of3A_1099, %dma_start3A_1183] : memref<4096x100xi32, #tpu.memory_space<hbm>> -> memref<8x100xi32, #tpu.memory_space<hbm>>
            %dma_start3A_1185 = arith.constant 0 : i32
            %dma_start3A_1186 = tpu.memref_slice %arg3[%multiple_of3A_1099, %dma_start3A_1185] : memref<4096x100xi32, #tpu.memory_space<hbm>> -> memref<8x100xi32, #tpu.memory_space<hbm>>
            tpu.enqueue_dma source(%dma_start3A_1186 : memref<8x100xi32, #tpu.memory_space<hbm>>) target(%arg9 : memref<8x100xi32, #tpu.memory_space<vmem>>) target_semaphore(%run_scoped3A : memref<!tpu.dma_semaphore, #tpu.memory_space<semaphore_mem>>)
            %dma_wait3A_1187 = arith.constant 0 : i32
            %dma_wait3A_1188 = tpu.memref_slice %arg3[%multiple_of3A_1099, %dma_wait3A_1187] : memref<4096x100xi32, #tpu.memory_space<hbm>> -> memref<8x100xi32, #tpu.memory_space<hbm>>
            %dma_wait3A_1189 = arith.constant 0 : i32
            %dma_wait3A_1190 = tpu.memref_slice %arg3[%multiple_of3A_1099, %dma_wait3A_1189] : memref<4096x100xi32, #tpu.memory_space<hbm>> -> memref<8x100xi32, #tpu.memory_space<hbm>>
            tpu.wait_dma2 semaphore(%run_scoped3A : memref<!tpu.dma_semaphore, #tpu.memory_space<semaphore_mem>>) src(%dma_wait3A_1190 : memref<8x100xi32, #tpu.memory_space<hbm>>) dst(%arg9 : memref<8x100xi32, #tpu.memory_space<vmem>>)
            tpu.yield
          }) : () -> ()
          %dma_start3A_1100 = arith.constant 0 : i32
          %dma_start3A_1101 = arith.constant 0 : i32
          %dma_start3A_1102 = tpu.memref_slice %arg4[%dma_start3A_1100, %dma_start3A_1101] : memref<1000000x64xf32, #tpu.memory_space<hbm>> -> memref<1000000x64xf32, #tpu.memory_space<hbm>>
          tpu.enqueue_indirect_dma source(%dma_start3A_1102 : memref<1000000x64xf32, #tpu.memory_space<hbm>>) target(%arg11 : memref<32x64xf32, #tpu.memory_space<vmem>>) offsets(%arg7 : memref<32xi32, #tpu.memory_space<vmem>>) semaphore(%arg18 : memref<!tpu.dma_semaphore, #tpu.memory_space<semaphore_mem>>)
          %dma_start3A_1103 = arith.constant 0 : i32
          %dma_start3A_1104 = arith.constant 0 : i32
          %dma_start3A_1105 = arith.constant 0 : i32
          %dma_start3A_1106 = tpu.memref_slice %arg13[%dma_start3A_1104, %dma_start3A_1105] : memref<800x64xf32, #tpu.memory_space<vmem>> -> memref<100x64xf32, #tpu.memory_space<vmem>>
          %dma_start3A_1107 = arith.constant 0 : i32
          %dma_start3A_1108 = tpu.memref_slice %arg9[%dma_start3A_1103, %dma_start3A_1107] : memref<8x100xi32, #tpu.memory_space<vmem>> -> memref<1x100xi32, #tpu.memory_space<vmem>>
          %dma_start3A_1109 = tpu.memref_squeeze %dma_start3A_1108 : memref<1x100xi32, #tpu.memory_space<vmem>> -> memref<100xi32, #tpu.memory_space<vmem>>
          %dma_start3A_1110 = arith.constant 0 : i32
          %dma_start3A_1111 = arith.constant 0 : i32
          %dma_start3A_1112 = tpu.memref_slice %arg5[%dma_start3A_1110, %dma_start3A_1111] : memref<1000000x64xf32, #tpu.memory_space<hbm>> -> memref<1000000x64xf32, #tpu.memory_space<hbm>>
          tpu.enqueue_indirect_dma source(%dma_start3A_1112 : memref<1000000x64xf32, #tpu.memory_space<hbm>>) target(%dma_start3A_1106 : memref<100x64xf32, #tpu.memory_space<vmem>>) offsets(%dma_start3A_1109 : memref<100xi32, #tpu.memory_space<vmem>>) semaphore(%arg18 : memref<!tpu.dma_semaphore, #tpu.memory_space<semaphore_mem>>)
          %dma_start3A_1113 = arith.constant 1 : i32
          %dma_start3A_1114 = arith.constant 100 : i32
          %dma_start3A_1115 = arith.constant 0 : i32
          %dma_start3A_1116 = tpu.memref_slice %arg13[%dma_start3A_1114, %dma_start3A_1115] : memref<800x64xf32, #tpu.memory_space<vmem>> -> memref<100x64xf32, #tpu.memory_space<vmem>>
          %dma_start3A_1117 = arith.constant 0 : i32
          %dma_start3A_1118 = tpu.memref_slice %arg9[%dma_start3A_1113, %dma_start3A_1117] : memref<8x100xi32, #tpu.memory_space<vmem>> -> memref<1x100xi32, #tpu.memory_space<vmem>>
          %dma_start3A_1119 = tpu.memref_squeeze %dma_start3A_1118 : memref<1x100xi32, #tpu.memory_space<vmem>> -> memref<100xi32, #tpu.memory_space<vmem>>
          %dma_start3A_1120 = arith.constant 0 : i32
          %dma_start3A_1121 = arith.constant 0 : i32
          %dma_start3A_1122 = tpu.memref_slice %arg5[%dma_start3A_1120, %dma_start3A_1121] : memref<1000000x64xf32, #tpu.memory_space<hbm>> -> memref<1000000x64xf32, #tpu.memory_space<hbm>>
          tpu.enqueue_indirect_dma source(%dma_start3A_1122 : memref<1000000x64xf32, #tpu.memory_space<hbm>>) target(%dma_start3A_1116 : memref<100x64xf32, #tpu.memory_space<vmem>>) offsets(%dma_start3A_1119 : memref<100xi32, #tpu.memory_space<vmem>>) semaphore(%arg18 : memref<!tpu.dma_semaphore, #tpu.memory_space<semaphore_mem>>)
          %dma_start3A_1123 = arith.constant 2 : i32
          %dma_start3A_1124 = arith.constant 200 : i32
          %dma_start3A_1125 = arith.constant 0 : i32
          %dma_start3A_1126 = tpu.memref_slice %arg13[%dma_start3A_1124, %dma_start3A_1125] : memref<800x64xf32, #tpu.memory_space<vmem>> -> memref<100x64xf32, #tpu.memory_space<vmem>>
          %dma_start3A_1127 = arith.constant 0 : i32
          %dma_start3A_1128 = tpu.memref_slice %arg9[%dma_start3A_1123, %dma_start3A_1127] : memref<8x100xi32, #tpu.memory_space<vmem>> -> memref<1x100xi32, #tpu.memory_space<vmem>>
          %dma_start3A_1129 = tpu.memref_squeeze %dma_start3A_1128 : memref<1x100xi32, #tpu.memory_space<vmem>> -> memref<100xi32, #tpu.memory_space<vmem>>
          %dma_start3A_1130 = arith.constant 0 : i32
          %dma_start3A_1131 = arith.constant 0 : i32
          %dma_start3A_1132 = tpu.memref_slice %arg5[%dma_start3A_1130, %dma_start3A_1131] : memref<1000000x64xf32, #tpu.memory_space<hbm>> -> memref<1000000x64xf32, #tpu.memory_space<hbm>>
          tpu.enqueue_indirect_dma source(%dma_start3A_1132 : memref<1000000x64xf32, #tpu.memory_space<hbm>>) target(%dma_start3A_1126 : memref<100x64xf32, #tpu.memory_space<vmem>>) offsets(%dma_start3A_1129 : memref<100xi32, #tpu.memory_space<vmem>>) semaphore(%arg18 : memref<!tpu.dma_semaphore, #tpu.memory_space<semaphore_mem>>)
          %dma_start3A_1133 = arith.constant 3 : i32
          %dma_start3A_1134 = arith.constant 300 : i32
          %dma_start3A_1135 = arith.constant 0 : i32
          %dma_start3A_1136 = tpu.memref_slice %arg13[%dma_start3A_1134, %dma_start3A_1135] : memref<800x64xf32, #tpu.memory_space<vmem>> -> memref<100x64xf32, #tpu.memory_space<vmem>>
          %dma_start3A_1137 = arith.constant 0 : i32
          %dma_start3A_1138 = tpu.memref_slice %arg9[%dma_start3A_1133, %dma_start3A_1137] : memref<8x100xi32, #tpu.memory_space<vmem>> -> memref<1x100xi32, #tpu.memory_space<vmem>>
          %dma_start3A_1139 = tpu.memref_squeeze %dma_start3A_1138 : memref<1x100xi32, #tpu.memory_space<vmem>> -> memref<100xi32, #tpu.memory_space<vmem>>
          %dma_start3A_1140 = arith.constant 0 : i32
          %dma_start3A_1141 = arith.constant 0 : i32
          %dma_start3A_1142 = tpu.memref_slice %arg5[%dma_start3A_1140, %dma_start3A_1141] : memref<1000000x64xf32, #tpu.memory_space<hbm>> -> memref<1000000x64xf32, #tpu.memory_space<hbm>>
          tpu.enqueue_indirect_dma source(%dma_start3A_1142 : memref<1000000x64xf32, #tpu.memory_space<hbm>>) target(%dma_start3A_1136 : memref<100x64xf32, #tpu.memory_space<vmem>>) offsets(%dma_start3A_1139 : memref<100xi32, #tpu.memory_space<vmem>>) semaphore(%arg18 : memref<!tpu.dma_semaphore, #tpu.memory_space<semaphore_mem>>)
          %dma_start3A_1143 = arith.constant 4 : i32
          %dma_start3A_1144 = arith.constant 400 : i32
          %dma_start3A_1145 = arith.constant 0 : i32
          %dma_start3A_1146 = tpu.memref_slice %arg13[%dma_start3A_1144, %dma_start3A_1145] : memref<800x64xf32, #tpu.memory_space<vmem>> -> memref<100x64xf32, #tpu.memory_space<vmem>>
          %dma_start3A_1147 = arith.constant 0 : i32
          %dma_start3A_1148 = tpu.memref_slice %arg9[%dma_start3A_1143, %dma_start3A_1147] : memref<8x100xi32, #tpu.memory_space<vmem>> -> memref<1x100xi32, #tpu.memory_space<vmem>>
          %dma_start3A_1149 = tpu.memref_squeeze %dma_start3A_1148 : memref<1x100xi32, #tpu.memory_space<vmem>> -> memref<100xi32, #tpu.memory_space<vmem>>
          %dma_start3A_1150 = arith.constant 0 : i32
          %dma_start3A_1151 = arith.constant 0 : i32
          %dma_start3A_1152 = tpu.memref_slice %arg5[%dma_start3A_1150, %dma_start3A_1151] : memref<1000000x64xf32, #tpu.memory_space<hbm>> -> memref<1000000x64xf32, #tpu.memory_space<hbm>>
          tpu.enqueue_indirect_dma source(%dma_start3A_1152 : memref<1000000x64xf32, #tpu.memory_space<hbm>>) target(%dma_start3A_1146 : memref<100x64xf32, #tpu.memory_space<vmem>>) offsets(%dma_start3A_1149 : memref<100xi32, #tpu.memory_space<vmem>>) semaphore(%arg18 : memref<!tpu.dma_semaphore, #tpu.memory_space<semaphore_mem>>)
          %dma_start3A_1153 = arith.constant 5 : i32
          %dma_start3A_1154 = arith.constant 500 : i32
          %dma_start3A_1155 = arith.constant 0 : i32
          %dma_start3A_1156 = tpu.memref_slice %arg13[%dma_start3A_1154, %dma_start3A_1155] : memref<800x64xf32, #tpu.memory_space<vmem>> -> memref<100x64xf32, #tpu.memory_space<vmem>>
          %dma_start3A_1157 = arith.constant 0 : i32
          %dma_start3A_1158 = tpu.memref_slice %arg9[%dma_start3A_1153, %dma_start3A_1157] : memref<8x100xi32, #tpu.memory_space<vmem>> -> memref<1x100xi32, #tpu.memory_space<vmem>>
          %dma_start3A_1159 = tpu.memref_squeeze %dma_start3A_1158 : memref<1x100xi32, #tpu.memory_space<vmem>> -> memref<100xi32, #tpu.memory_space<vmem>>
          %dma_start3A_1160 = arith.constant 0 : i32
          %dma_start3A_1161 = arith.constant 0 : i32
          %dma_start3A_1162 = tpu.memref_slice %arg5[%dma_start3A_1160, %dma_start3A_1161] : memref<1000000x64xf32, #tpu.memory_space<hbm>> -> memref<1000000x64xf32, #tpu.memory_space<hbm>>
          tpu.enqueue_indirect_dma source(%dma_start3A_1162 : memref<1000000x64xf32, #tpu.memory_space<hbm>>) target(%dma_start3A_1156 : memref<100x64xf32, #tpu.memory_space<vmem>>) offsets(%dma_start3A_1159 : memref<100xi32, #tpu.memory_space<vmem>>) semaphore(%arg18 : memref<!tpu.dma_semaphore, #tpu.memory_space<semaphore_mem>>)
          %dma_start3A_1163 = arith.constant 6 : i32
          %dma_start3A_1164 = arith.constant 600 : i32
          %dma_start3A_1165 = arith.constant 0 : i32
          %dma_start3A_1166 = tpu.memref_slice %arg13[%dma_start3A_1164, %dma_start3A_1165] : memref<800x64xf32, #tpu.memory_space<vmem>> -> memref<100x64xf32, #tpu.memory_space<vmem>>
          %dma_start3A_1167 = arith.constant 0 : i32
          %dma_start3A_1168 = tpu.memref_slice %arg9[%dma_start3A_1163, %dma_start3A_1167] : memref<8x100xi32, #tpu.memory_space<vmem>> -> memref<1x100xi32, #tpu.memory_space<vmem>>
          %dma_start3A_1169 = tpu.memref_squeeze %dma_start3A_1168 : memref<1x100xi32, #tpu.memory_space<vmem>> -> memref<100xi32, #tpu.memory_space<vmem>>
          %dma_start3A_1170 = arith.constant 0 : i32
          %dma_start3A_1171 = arith.constant 0 : i32
          %dma_start3A_1172 = tpu.memref_slice %arg5[%dma_start3A_1170, %dma_start3A_1171] : memref<1000000x64xf32, #tpu.memory_space<hbm>> -> memref<1000000x64xf32, #tpu.memory_space<hbm>>
          tpu.enqueue_indirect_dma source(%dma_start3A_1172 : memref<1000000x64xf32, #tpu.memory_space<hbm>>) target(%dma_start3A_1166 : memref<100x64xf32, #tpu.memory_space<vmem>>) offsets(%dma_start3A_1169 : memref<100xi32, #tpu.memory_space<vmem>>) semaphore(%arg18 : memref<!tpu.dma_semaphore, #tpu.memory_space<semaphore_mem>>)
          %dma_start3A_1173 = arith.constant 7 : i32
          %dma_start3A_1174 = arith.constant 700 : i32
          %dma_start3A_1175 = arith.constant 0 : i32
          %dma_start3A_1176 = tpu.memref_slice %arg13[%dma_start3A_1174, %dma_start3A_1175] : memref<800x64xf32, #tpu.memory_space<vmem>> -> memref<100x64xf32, #tpu.memory_space<vmem>>
          %dma_start3A_1177 = arith.constant 0 : i32
          %dma_start3A_1178 = tpu.memref_slice %arg9[%dma_start3A_1173, %dma_start3A_1177] : memref<8x100xi32, #tpu.memory_space<vmem>> -> memref<1x100xi32, #tpu.memory_space<vmem>>
          %dma_start3A_1179 = tpu.memref_squeeze %dma_start3A_1178 : memref<1x100xi32, #tpu.memory_space<vmem>> -> memref<100xi32, #tpu.memory_space<vmem>>
          %dma_start3A_1180 = arith.constant 0 : i32
          %dma_start3A_1181 = arith.constant 0 : i32
          %dma_start3A_1182 = tpu.memref_slice %arg5[%dma_start3A_1180, %dma_start3A_1181] : memref<1000000x64xf32, #tpu.memory_space<hbm>> -> memref<1000000x64xf32, #tpu.memory_space<hbm>>
          tpu.enqueue_indirect_dma source(%dma_start3A_1182 : memref<1000000x64xf32, #tpu.memory_space<hbm>>) target(%dma_start3A_1176 : memref<100x64xf32, #tpu.memory_space<vmem>>) offsets(%dma_start3A_1179 : memref<100xi32, #tpu.memory_space<vmem>>) semaphore(%arg18 : memref<!tpu.dma_semaphore, #tpu.memory_space<semaphore_mem>>)
        } else {
        }
        %add3A_687 = arith.constant 1 : i32
        %add3A_688 = arith.addi %mul3A_127, %add3A_687 : i32
        %mul3A_689 = arith.constant 32 : i32
        %mul3A_690 = arith.muli %add3A_688, %mul3A_689 : i32
        %add3A_691 = arith.addi %mul3A_2, %mul3A_690 : i32
        %multiple_of3A_692 = tpu.assume_multiple %add3A_691, 32 : i32
        %scan3A_693 = arith.constant 0 : i32
        %scan3A_694 = arith.constant 0 : i32
        %scan3A_695 = arith.constant 32 : i32
        %scan3A_696 = arith.addi %scan3A_694, %scan3A_695 : i32
        %scan3A_697 = arith.constant 1 : i32
        scf.for %scan3A_1067 = %scan3A_694 to %scan3A_696 step %scan3A_697  : i32 {
          %get3A = arith.index_cast %scan3A_1067 : i32 to index
          %get3A_1068 = arith.constant 0 : index
          %get3A_1069 = tpu.vector_load %arg12[%get3A, %get3A_1068] {strides = array<i32>} : memref<32x64xf32, #tpu.memory_space<vmem>>, vector<16xf32>,
          %get3A_1070 = arith.index_cast %scan3A_1067 : i32 to index
          %get3A_1071 = arith.constant 16 : index
          %get3A_1072 = tpu.vector_load %arg12[%get3A_1070, %get3A_1071] {strides = array<i32>} : memref<32x64xf32, #tpu.memory_space<vmem>>, vector<16xf32>,
          %get3A_1073 = arith.index_cast %scan3A_1067 : i32 to index
          %get3A_1074 = arith.constant 32 : index
          %get3A_1075 = tpu.vector_load %arg12[%get3A_1073, %get3A_1074] {strides = array<i32>} : memref<32x64xf32, #tpu.memory_space<vmem>>, vector<16xf32>,
          %get3A_1076 = arith.index_cast %scan3A_1067 : i32 to index
          %get3A_1077 = arith.constant 48 : index
          %get3A_1078 = tpu.vector_load %arg12[%get3A_1076, %get3A_1077] {strides = array<i32>} : memref<32x64xf32, #tpu.memory_space<vmem>>, vector<16xf32>,
          %mul3A_1079 = arith.constant 25 : i32
          %mul3A_1080 = arith.muli %scan3A_1067, %mul3A_1079 : i32
          %add3A_1081 = arith.constant 0 : i32
          %add3A_1082 = arith.addi %mul3A_1080, %add3A_1081 : i32
          %get3A_1083 = arith.index_cast %add3A_1082 : i32 to index
          %get3A_1084 = arith.constant 0 : index
          %get3A_1085 = tpu.vector_load %arg14[%get3A_1083, %get3A_1084] {strides = array<i32>} : memref<800x64xf32, #tpu.memory_space<vmem>>, vector<16xf32>,
          %mul3A_1086 = arith.mulf %get3A_1069, %get3A_1085 : vector<16xf32>
          %add3A_1087 = arith.constant 0 : i32
          %add3A_1088 = arith.addi %mul3A_1080, %add3A_1087 : i32
          %get3A_1089 = arith.index_cast %add3A_1088 : i32 to index
          %get3A_1090 = arith.constant 16 : index
          %get3A_1091 = tpu.vector_load %arg14[%get3A_1089, %get3A_1090] {strides = array<i32>} : memref<800x64xf32, #tpu.memory_space<vmem>>, vector<16xf32>,
          %mul3A_1092 = arith.mulf %get3A_1072, %get3A_1091 : vector<16xf32>
          %add3A_1093 = arith.addf %mul3A_1086, %mul3A_1092 : vector<16xf32>
          %add3A_1094 = arith.constant 0 : i32
          %add3A_1095 = arith.addi %mul3A_1080, %add3A_1094 : i32
          %get3A_1096 = arith.index_cast %add3A_1095 : i32 to index
          %get3A_1097 = arith.constant 32 : index
          %get3A_1098 = tpu.vector_load %arg14[%get3A_1096, %get3A_1097] {strides = array<i32>} : memref<800x64xf32, #tpu.memory_space<vmem>>, vector<16xf32>,
          %mul3A_1099 = arith.mulf %get3A_1075, %get3A_1098 : vector<16xf32>
          %add3A_1100 = arith.addf %add3A_1093, %mul3A_1099 : vector<16xf32>
          %add3A_1101 = arith.constant 0 : i32
          %add3A_1102 = arith.addi %mul3A_1080, %add3A_1101 : i32
          %get3A_1103 = arith.index_cast %add3A_1102 : i32 to index
          %get3A_1104 = arith.constant 48 : index
          %get3A_1105 = tpu.vector_load %arg14[%get3A_1103, %get3A_1104] {strides = array<i32>} : memref<800x64xf32, #tpu.memory_space<vmem>>, vector<16xf32>,
          %mul3A_1106 = arith.mulf %get3A_1078, %get3A_1105 : vector<16xf32>
          %add3A_1107 = arith.addf %add3A_1100, %mul3A_1106 : vector<16xf32>
          %swap3A_1108 = arith.constant 0 : index
          %swap3A_1109 = tpu.vector_load %arg15[%swap3A_1108] {strides = array<i32>} : memref<512xf32, #tpu.memory_space<vmem>>, vector<16xf32>,
          tpu.vector_store %arg15[%swap3A_1108], %add3A_1107 {strides = array<i32>} : memref<512xf32, #tpu.memory_space<vmem>>, vector<16xf32>,
          %add3A_1110 = arith.constant 1 : i32
          %add3A_1111 = arith.addi %mul3A_1080, %add3A_1110 : i32
          %get3A_1112 = arith.index_cast %add3A_1111 : i32 to index
          %get3A_1113 = arith.constant 0 : index
          %get3A_1114 = tpu.vector_load %arg14[%get3A_1112, %get3A_1113] {strides = array<i32>} : memref<800x64xf32, #tpu.memory_space<vmem>>, vector<16xf32>,
          %mul3A_1115 = arith.mulf %get3A_1069, %get3A_1114 : vector<16xf32>
          %add3A_1116 = arith.constant 1 : i32
          %add3A_1117 = arith.addi %mul3A_1080, %add3A_1116 : i32
          %get3A_1118 = arith.index_cast %add3A_1117 : i32 to index
          %get3A_1119 = arith.constant 16 : index
          %get3A_1120 = tpu.vector_load %arg14[%get3A_1118, %get3A_1119] {strides = array<i32>} : memref<800x64xf32, #tpu.memory_space<vmem>>, vector<16xf32>,
          %mul3A_1121 = arith.mulf %get3A_1072, %get3A_1120 : vector<16xf32>
          %add3A_1122 = arith.addf %mul3A_1115, %mul3A_1121 : vector<16xf32>
          %add3A_1123 = arith.constant 1 : i32
          %add3A_1124 = arith.addi %mul3A_1080, %add3A_1123 : i32
          %get3A_1125 = arith.index_cast %add3A_1124 : i32 to index
          %get3A_1126 = arith.constant 32 : index
          %get3A_1127 = tpu.vector_load %arg14[%get3A_1125, %get3A_1126] {strides = array<i32>} : memref<800x64xf32, #tpu.memory_space<vmem>>, vector<16xf32>,
          %mul3A_1128 = arith.mulf %get3A_1075, %get3A_1127 : vector<16xf32>
          %add3A_1129 = arith.addf %add3A_1122, %mul3A_1128 : vector<16xf32>
          %add3A_1130 = arith.constant 1 : i32
          %add3A_1131 = arith.addi %mul3A_1080, %add3A_1130 : i32
          %get3A_1132 = arith.index_cast %add3A_1131 : i32 to index
          %get3A_1133 = arith.constant 48 : index
          %get3A_1134 = tpu.vector_load %arg14[%get3A_1132, %get3A_1133] {strides = array<i32>} : memref<800x64xf32, #tpu.memory_space<vmem>>, vector<16xf32>,
          %mul3A_1135 = arith.mulf %get3A_1078, %get3A_1134 : vector<16xf32>
          %add3A_1136 = arith.addf %add3A_1129, %mul3A_1135 : vector<16xf32>
          %swap3A_1137 = arith.constant 16 : index
          %swap3A_1138 = tpu.vector_load %arg15[%swap3A_1137] {strides = array<i32>} : memref<512xf32, #tpu.memory_space<vmem>>, vector<16xf32>,
          tpu.vector_store %arg15[%swap3A_1137], %add3A_1136 {strides = array<i32>} : memref<512xf32, #tpu.memory_space<vmem>>, vector<16xf32>,
          %add3A_1139 = arith.constant 2 : i32
          %add3A_1140 = arith.addi %mul3A_1080, %add3A_1139 : i32
          %get3A_1141 = arith.index_cast %add3A_1140 : i32 to index
          %get3A_1142 = arith.constant 0 : index
          %get3A_1143 = tpu.vector_load %arg14[%get3A_1141, %get3A_1142] {strides = array<i32>} : memref<800x64xf32, #tpu.memory_space<vmem>>, vector<16xf32>,
          %mul3A_1144 = arith.mulf %get3A_1069, %get3A_1143 : vector<16xf32>
          %add3A_1145 = arith.constant 2 : i32
          %add3A_1146 = arith.addi %mul3A_1080, %add3A_1145 : i32
          %get3A_1147 = arith.index_cast %add3A_1146 : i32 to index
          %get3A_1148 = arith.constant 16 : index
          %get3A_1149 = tpu.vector_load %arg14[%get3A_1147, %get3A_1148] {strides = array<i32>} : memref<800x64xf32, #tpu.memory_space<vmem>>, vector<16xf32>,
          %mul3A_1150 = arith.mulf %get3A_1072, %get3A_1149 : vector<16xf32>
          %add3A_1151 = arith.addf %mul3A_1144, %mul3A_1150 : vector<16xf32>
          %add3A_1152 = arith.constant 2 : i32
          %add3A_1153 = arith.addi %mul3A_1080, %add3A_1152 : i32
          %get3A_1154 = arith.index_cast %add3A_1153 : i32 to index
          %get3A_1155 = arith.constant 32 : index
          %get3A_1156 = tpu.vector_load %arg14[%get3A_1154, %get3A_1155] {strides = array<i32>} : memref<800x64xf32, #tpu.memory_space<vmem>>, vector<16xf32>,
          %mul3A_1157 = arith.mulf %get3A_1075, %get3A_1156 : vector<16xf32>
          %add3A_1158 = arith.addf %add3A_1151, %mul3A_1157 : vector<16xf32>
          %add3A_1159 = arith.constant 2 : i32
          %add3A_1160 = arith.addi %mul3A_1080, %add3A_1159 : i32
          %get3A_1161 = arith.index_cast %add3A_1160 : i32 to index
          %get3A_1162 = arith.constant 48 : index
          %get3A_1163 = tpu.vector_load %arg14[%get3A_1161, %get3A_1162] {strides = array<i32>} : memref<800x64xf32, #tpu.memory_space<vmem>>, vector<16xf32>,
          %mul3A_1164 = arith.mulf %get3A_1078, %get3A_1163 : vector<16xf32>
          %add3A_1165 = arith.addf %add3A_1158, %mul3A_1164 : vector<16xf32>
          %swap3A_1166 = arith.constant 32 : index
          %swap3A_1167 = tpu.vector_load %arg15[%swap3A_1166] {strides = array<i32>} : memref<512xf32, #tpu.memory_space<vmem>>, vector<16xf32>,
          tpu.vector_store %arg15[%swap3A_1166], %add3A_1165 {strides = array<i32>} : memref<512xf32, #tpu.memory_space<vmem>>, vector<16xf32>,
          %add3A_1168 = arith.constant 3 : i32
          %add3A_1169 = arith.addi %mul3A_1080, %add3A_1168 : i32
          %get3A_1170 = arith.index_cast %add3A_1169 : i32 to index
          %get3A_1171 = arith.constant 0 : index
          %get3A_1172 = tpu.vector_load %arg14[%get3A_1170, %get3A_1171] {strides = array<i32>} : memref<800x64xf32, #tpu.memory_space<vmem>>, vector<16xf32>,
          %mul3A_1173 = arith.mulf %get3A_1069, %get3A_1172 : vector<16xf32>
          %add3A_1174 = arith.constant 3 : i32
          %add3A_1175 = arith.addi %mul3A_1080, %add3A_1174 : i32
          %get3A_1176 = arith.index_cast %add3A_1175 : i32 to index
          %get3A_1177 = arith.constant 16 : index
          %get3A_1178 = tpu.vector_load %arg14[%get3A_1176, %get3A_1177] {strides = array<i32>} : memref<800x64xf32, #tpu.memory_space<vmem>>, vector<16xf32>,
          %mul3A_1179 = arith.mulf %get3A_1072, %get3A_1178 : vector<16xf32>
          %add3A_1180 = arith.addf %mul3A_1173, %mul3A_1179 : vector<16xf32>
          %add3A_1181 = arith.constant 3 : i32
          %add3A_1182 = arith.addi %mul3A_1080, %add3A_1181 : i32
          %get3A_1183 = arith.index_cast %add3A_1182 : i32 to index
          %get3A_1184 = arith.constant 32 : index
          %get3A_1185 = tpu.vector_load %arg14[%get3A_1183, %get3A_1184] {strides = array<i32>} : memref<800x64xf32, #tpu.memory_space<vmem>>, vector<16xf32>,
          %mul3A_1186 = arith.mulf %get3A_1075, %get3A_1185 : vector<16xf32>
          %add3A_1187 = arith.addf %add3A_1180, %mul3A_1186 : vector<16xf32>
          %add3A_1188 = arith.constant 3 : i32
          %add3A_1189 = arith.addi %mul3A_1080, %add3A_1188 : i32
          %get3A_1190 = arith.index_cast %add3A_1189 : i32 to index
          %get3A_1191 = arith.constant 48 : index
          %get3A_1192 = tpu.vector_load %arg14[%get3A_1190, %get3A_1191] {strides = array<i32>} : memref<800x64xf32, #tpu.memory_space<vmem>>, vector<16xf32>,
          %mul3A_1193 = arith.mulf %get3A_1078, %get3A_1192 : vector<16xf32>
          %add3A_1194 = arith.addf %add3A_1187, %mul3A_1193 : vector<16xf32>
          %swap3A_1195 = arith.constant 48 : index
          %swap3A_1196 = tpu.vector_load %arg15[%swap3A_1195] {strides = array<i32>} : memref<512xf32, #tpu.memory_space<vmem>>, vector<16xf32>,
          tpu.vector_store %arg15[%swap3A_1195], %add3A_1194 {strides = array<i32>} : memref<512xf32, #tpu.memory_space<vmem>>, vector<16xf32>,
          %add3A_1197 = arith.constant 4 : i32
          %add3A_1198 = arith.addi %mul3A_1080, %add3A_1197 : i32
          %get3A_1199 = arith.index_cast %add3A_1198 : i32 to index
          %get3A_1200 = arith.constant 0 : index
          %get3A_1201 = tpu.vector_load %arg14[%get3A_1199, %get3A_1200] {strides = array<i32>} : memref<800x64xf32, #tpu.memory_space<vmem>>, vector<16xf32>,
          %mul3A_1202 = arith.mulf %get3A_1069, %get3A_1201 : vector<16xf32>
          %add3A_1203 = arith.constant 4 : i32
          %add3A_1204 = arith.addi %mul3A_1080, %add3A_1203 : i32
          %get3A_1205 = arith.index_cast %add3A_1204 : i32 to index
          %get3A_1206 = arith.constant 16 : index
          %get3A_1207 = tpu.vector_load %arg14[%get3A_1205, %get3A_1206] {strides = array<i32>} : memref<800x64xf32, #tpu.memory_space<vmem>>, vector<16xf32>,
          %mul3A_1208 = arith.mulf %get3A_1072, %get3A_1207 : vector<16xf32>
          %add3A_1209 = arith.addf %mul3A_1202, %mul3A_1208 : vector<16xf32>
          %add3A_1210 = arith.constant 4 : i32
          %add3A_1211 = arith.addi %mul3A_1080, %add3A_1210 : i32
          %get3A_1212 = arith.index_cast %add3A_1211 : i32 to index
          %get3A_1213 = arith.constant 32 : index
          %get3A_1214 = tpu.vector_load %arg14[%get3A_1212, %get3A_1213] {strides = array<i32>} : memref<800x64xf32, #tpu.memory_space<vmem>>, vector<16xf32>,
          %mul3A_1215 = arith.mulf %get3A_1075, %get3A_1214 : vector<16xf32>
          %add3A_1216 = arith.addf %add3A_1209, %mul3A_1215 : vector<16xf32>
          %add3A_1217 = arith.constant 4 : i32
          %add3A_1218 = arith.addi %mul3A_1080, %add3A_1217 : i32
          %get3A_1219 = arith.index_cast %add3A_1218 : i32 to index
          %get3A_1220 = arith.constant 48 : index
          %get3A_1221 = tpu.vector_load %arg14[%get3A_1219, %get3A_1220] {strides = array<i32>} : memref<800x64xf32, #tpu.memory_space<vmem>>, vector<16xf32>,
          %mul3A_1222 = arith.mulf %get3A_1078, %get3A_1221 : vector<16xf32>
          %add3A_1223 = arith.addf %add3A_1216, %mul3A_1222 : vector<16xf32>
          %swap3A_1224 = arith.constant 64 : index
          %swap3A_1225 = tpu.vector_load %arg15[%swap3A_1224] {strides = array<i32>} : memref<512xf32, #tpu.memory_space<vmem>>, vector<16xf32>,
          tpu.vector_store %arg15[%swap3A_1224], %add3A_1223 {strides = array<i32>} : memref<512xf32, #tpu.memory_space<vmem>>, vector<16xf32>,
          %add3A_1226 = arith.constant 5 : i32
          %add3A_1227 = arith.addi %mul3A_1080, %add3A_1226 : i32
          %get3A_1228 = arith.index_cast %add3A_1227 : i32 to index
          %get3A_1229 = arith.constant 0 : index
          %get3A_1230 = tpu.vector_load %arg14[%get3A_1228, %get3A_1229] {strides = array<i32>} : memref<800x64xf32, #tpu.memory_space<vmem>>, vector<16xf32>,
          %mul3A_1231 = arith.mulf %get3A_1069, %get3A_1230 : vector<16xf32>
          %add3A_1232 = arith.constant 5 : i32
          %add3A_1233 = arith.addi %mul3A_1080, %add3A_1232 : i32
          %get3A_1234 = arith.index_cast %add3A_1233 : i32 to index
          %get3A_1235 = arith.constant 16 : index
          %get3A_1236 = tpu.vector_load %arg14[%get3A_1234, %get3A_1235] {strides = array<i32>} : memref<800x64xf32, #tpu.memory_space<vmem>>, vector<16xf32>,
          %mul3A_1237 = arith.mulf %get3A_1072, %get3A_1236 : vector<16xf32>
          %add3A_1238 = arith.addf %mul3A_1231, %mul3A_1237 : vector<16xf32>
          %add3A_1239 = arith.constant 5 : i32
          %add3A_1240 = arith.addi %mul3A_1080, %add3A_1239 : i32
          %get3A_1241 = arith.index_cast %add3A_1240 : i32 to index
          %get3A_1242 = arith.constant 32 : index
          %get3A_1243 = tpu.vector_load %arg14[%get3A_1241, %get3A_1242] {strides = array<i32>} : memref<800x64xf32, #tpu.memory_space<vmem>>, vector<16xf32>,
          %mul3A_1244 = arith.mulf %get3A_1075, %get3A_1243 : vector<16xf32>
          %add3A_1245 = arith.addf %add3A_1238, %mul3A_1244 : vector<16xf32>
          %add3A_1246 = arith.constant 5 : i32
          %add3A_1247 = arith.addi %mul3A_1080, %add3A_1246 : i32
          %get3A_1248 = arith.index_cast %add3A_1247 : i32 to index
          %get3A_1249 = arith.constant 48 : index
          %get3A_1250 = tpu.vector_load %arg14[%get3A_1248, %get3A_1249] {strides = array<i32>} : memref<800x64xf32, #tpu.memory_space<vmem>>, vector<16xf32>,
          %mul3A_1251 = arith.mulf %get3A_1078, %get3A_1250 : vector<16xf32>
          %add3A_1252 = arith.addf %add3A_1245, %mul3A_1251 : vector<16xf32>
          %swap3A_1253 = arith.constant 80 : index
          %swap3A_1254 = tpu.vector_load %arg15[%swap3A_1253] {strides = array<i32>} : memref<512xf32, #tpu.memory_space<vmem>>, vector<16xf32>,
          tpu.vector_store %arg15[%swap3A_1253], %add3A_1252 {strides = array<i32>} : memref<512xf32, #tpu.memory_space<vmem>>, vector<16xf32>,
          %add3A_1255 = arith.constant 6 : i32
          %add3A_1256 = arith.addi %mul3A_1080, %add3A_1255 : i32
          %get3A_1257 = arith.index_cast %add3A_1256 : i32 to index
          %get3A_1258 = arith.constant 0 : index
          %get3A_1259 = tpu.vector_load %arg14[%get3A_1257, %get3A_1258] {strides = array<i32>} : memref<800x64xf32, #tpu.memory_space<vmem>>, vector<16xf32>,
          %mul3A_1260 = arith.mulf %get3A_1069, %get3A_1259 : vector<16xf32>
          %add3A_1261 = arith.constant 6 : i32
          %add3A_1262 = arith.addi %mul3A_1080, %add3A_1261 : i32
          %get3A_1263 = arith.index_cast %add3A_1262 : i32 to index
          %get3A_1264 = arith.constant 16 : index
          %get3A_1265 = tpu.vector_load %arg14[%get3A_1263, %get3A_1264] {strides = array<i32>} : memref<800x64xf32, #tpu.memory_space<vmem>>, vector<16xf32>,
          %mul3A_1266 = arith.mulf %get3A_1072, %get3A_1265 : vector<16xf32>
          %add3A_1267 = arith.addf %mul3A_1260, %mul3A_1266 : vector<16xf32>
          %add3A_1268 = arith.constant 6 : i32
          %add3A_1269 = arith.addi %mul3A_1080, %add3A_1268 : i32
          %get3A_1270 = arith.index_cast %add3A_1269 : i32 to index
          %get3A_1271 = arith.constant 32 : index
          %get3A_1272 = tpu.vector_load %arg14[%get3A_1270, %get3A_1271] {strides = array<i32>} : memref<800x64xf32, #tpu.memory_space<vmem>>, vector<16xf32>,
          %mul3A_1273 = arith.mulf %get3A_1075, %get3A_1272 : vector<16xf32>
          %add3A_1274 = arith.addf %add3A_1267, %mul3A_1273 : vector<16xf32>
          %add3A_1275 = arith.constant 6 : i32
          %add3A_1276 = arith.addi %mul3A_1080, %add3A_1275 : i32
          %get3A_1277 = arith.index_cast %add3A_1276 : i32 to index
          %get3A_1278 = arith.constant 48 : index
          %get3A_1279 = tpu.vector_load %arg14[%get3A_1277, %get3A_1278] {strides = array<i32>} : memref<800x64xf32, #tpu.memory_space<vmem>>, vector<16xf32>,
          %mul3A_1280 = arith.mulf %get3A_1078, %get3A_1279 : vector<16xf32>
          %add3A_1281 = arith.addf %add3A_1274, %mul3A_1280 : vector<16xf32>
          %swap3A_1282 = arith.constant 96 : index
          %swap3A_1283 = tpu.vector_load %arg15[%swap3A_1282] {strides = array<i32>} : memref<512xf32, #tpu.memory_space<vmem>>, vector<16xf32>,
          tpu.vector_store %arg15[%swap3A_1282], %add3A_1281 {strides = array<i32>} : memref<512xf32, #tpu.memory_space<vmem>>, vector<16xf32>,
          %add3A_1284 = arith.constant 7 : i32
          %add3A_1285 = arith.addi %mul3A_1080, %add3A_1284 : i32
          %get3A_1286 = arith.index_cast %add3A_1285 : i32 to index
          %get3A_1287 = arith.constant 0 : index
          %get3A_1288 = tpu.vector_load %arg14[%get3A_1286, %get3A_1287] {strides = array<i32>} : memref<800x64xf32, #tpu.memory_space<vmem>>, vector<16xf32>,
          %mul3A_1289 = arith.mulf %get3A_1069, %get3A_1288 : vector<16xf32>
          %add3A_1290 = arith.constant 7 : i32
          %add3A_1291 = arith.addi %mul3A_1080, %add3A_1290 : i32
          %get3A_1292 = arith.index_cast %add3A_1291 : i32 to index
          %get3A_1293 = arith.constant 16 : index
          %get3A_1294 = tpu.vector_load %arg14[%get3A_1292, %get3A_1293] {strides = array<i32>} : memref<800x64xf32, #tpu.memory_space<vmem>>, vector<16xf32>,
          %mul3A_1295 = arith.mulf %get3A_1072, %get3A_1294 : vector<16xf32>
          %add3A_1296 = arith.addf %mul3A_1289, %mul3A_1295 : vector<16xf32>
          %add3A_1297 = arith.constant 7 : i32
          %add3A_1298 = arith.addi %mul3A_1080, %add3A_1297 : i32
          %get3A_1299 = arith.index_cast %add3A_1298 : i32 to index
          %get3A_1300 = arith.constant 32 : index
          %get3A_1301 = tpu.vector_load %arg14[%get3A_1299, %get3A_1300] {strides = array<i32>} : memref<800x64xf32, #tpu.memory_space<vmem>>, vector<16xf32>,
          %mul3A_1302 = arith.mulf %get3A_1075, %get3A_1301 : vector<16xf32>
          %add3A_1303 = arith.addf %add3A_1296, %mul3A_1302 : vector<16xf32>
          %add3A_1304 = arith.constant 7 : i32
          %add3A_1305 = arith.addi %mul3A_1080, %add3A_1304 : i32
          %get3A_1306 = arith.index_cast %add3A_1305 : i32 to index
          %get3A_1307 = arith.constant 48 : index
          %get3A_1308 = tpu.vector_load %arg14[%get3A_1306, %get3A_1307] {strides = array<i32>} : memref<800x64xf32, #tpu.memory_space<vmem>>, vector<16xf32>,
          %mul3A_1309 = arith.mulf %get3A_1078, %get3A_1308 : vector<16xf32>
          %add3A_1310 = arith.addf %add3A_1303, %mul3A_1309 : vector<16xf32>
          %swap3A_1311 = arith.constant 112 : index
          %swap3A_1312 = tpu.vector_load %arg15[%swap3A_1311] {strides = array<i32>} : memref<512xf32, #tpu.memory_space<vmem>>, vector<16xf32>,
          tpu.vector_store %arg15[%swap3A_1311], %add3A_1310 {strides = array<i32>} : memref<512xf32, #tpu.memory_space<vmem>>, vector<16xf32>,
          %add3A_1313 = arith.constant 8 : i32
          %add3A_1314 = arith.addi %mul3A_1080, %add3A_1313 : i32
          %get3A_1315 = arith.index_cast %add3A_1314 : i32 to index
          %get3A_1316 = arith.constant 0 : index
          %get3A_1317 = tpu.vector_load %arg14[%get3A_1315, %get3A_1316] {strides = array<i32>} : memref<800x64xf32, #tpu.memory_space<vmem>>, vector<16xf32>,
          %mul3A_1318 = arith.mulf %get3A_1069, %get3A_1317 : vector<16xf32>
          %add3A_1319 = arith.constant 8 : i32
          %add3A_1320 = arith.addi %mul3A_1080, %add3A_1319 : i32
          %get3A_1321 = arith.index_cast %add3A_1320 : i32 to index
          %get3A_1322 = arith.constant 16 : index
          %get3A_1323 = tpu.vector_load %arg14[%get3A_1321, %get3A_1322] {strides = array<i32>} : memref<800x64xf32, #tpu.memory_space<vmem>>, vector<16xf32>,
          %mul3A_1324 = arith.mulf %get3A_1072, %get3A_1323 : vector<16xf32>
          %add3A_1325 = arith.addf %mul3A_1318, %mul3A_1324 : vector<16xf32>
          %add3A_1326 = arith.constant 8 : i32
          %add3A_1327 = arith.addi %mul3A_1080, %add3A_1326 : i32
          %get3A_1328 = arith.index_cast %add3A_1327 : i32 to index
          %get3A_1329 = arith.constant 32 : index
          %get3A_1330 = tpu.vector_load %arg14[%get3A_1328, %get3A_1329] {strides = array<i32>} : memref<800x64xf32, #tpu.memory_space<vmem>>, vector<16xf32>,
          %mul3A_1331 = arith.mulf %get3A_1075, %get3A_1330 : vector<16xf32>
          %add3A_1332 = arith.addf %add3A_1325, %mul3A_1331 : vector<16xf32>
          %add3A_1333 = arith.constant 8 : i32
          %add3A_1334 = arith.addi %mul3A_1080, %add3A_1333 : i32
          %get3A_1335 = arith.index_cast %add3A_1334 : i32 to index
          %get3A_1336 = arith.constant 48 : index
          %get3A_1337 = tpu.vector_load %arg14[%get3A_1335, %get3A_1336] {strides = array<i32>} : memref<800x64xf32, #tpu.memory_space<vmem>>, vector<16xf32>,
          %mul3A_1338 = arith.mulf %get3A_1078, %get3A_1337 : vector<16xf32>
          %add3A_1339 = arith.addf %add3A_1332, %mul3A_1338 : vector<16xf32>
          %swap3A_1340 = arith.constant 128 : index
          %swap3A_1341 = tpu.vector_load %arg15[%swap3A_1340] {strides = array<i32>} : memref<512xf32, #tpu.memory_space<vmem>>, vector<16xf32>,
          tpu.vector_store %arg15[%swap3A_1340], %add3A_1339 {strides = array<i32>} : memref<512xf32, #tpu.memory_space<vmem>>, vector<16xf32>,
          %add3A_1342 = arith.constant 9 : i32
          %add3A_1343 = arith.addi %mul3A_1080, %add3A_1342 : i32
          %get3A_1344 = arith.index_cast %add3A_1343 : i32 to index
          %get3A_1345 = arith.constant 0 : index
          %get3A_1346 = tpu.vector_load %arg14[%get3A_1344, %get3A_1345] {strides = array<i32>} : memref<800x64xf32, #tpu.memory_space<vmem>>, vector<16xf32>,
          %mul3A_1347 = arith.mulf %get3A_1069, %get3A_1346 : vector<16xf32>
          %add3A_1348 = arith.constant 9 : i32
          %add3A_1349 = arith.addi %mul3A_1080, %add3A_1348 : i32
          %get3A_1350 = arith.index_cast %add3A_1349 : i32 to index
          %get3A_1351 = arith.constant 16 : index
          %get3A_1352 = tpu.vector_load %arg14[%get3A_1350, %get3A_1351] {strides = array<i32>} : memref<800x64xf32, #tpu.memory_space<vmem>>, vector<16xf32>,
          %mul3A_1353 = arith.mulf %get3A_1072, %get3A_1352 : vector<16xf32>
          %add3A_1354 = arith.addf %mul3A_1347, %mul3A_1353 : vector<16xf32>
          %add3A_1355 = arith.constant 9 : i32
          %add3A_1356 = arith.addi %mul3A_1080, %add3A_1355 : i32
          %get3A_1357 = arith.index_cast %add3A_1356 : i32 to index
          %get3A_1358 = arith.constant 32 : index
          %get3A_1359 = tpu.vector_load %arg14[%get3A_1357, %get3A_1358] {strides = array<i32>} : memref<800x64xf32, #tpu.memory_space<vmem>>, vector<16xf32>,
          %mul3A_1360 = arith.mulf %get3A_1075, %get3A_1359 : vector<16xf32>
          %add3A_1361 = arith.addf %add3A_1354, %mul3A_1360 : vector<16xf32>
          %add3A_1362 = arith.constant 9 : i32
          %add3A_1363 = arith.addi %mul3A_1080, %add3A_1362 : i32
          %get3A_1364 = arith.index_cast %add3A_1363 : i32 to index
          %get3A_1365 = arith.constant 48 : index
          %get3A_1366 = tpu.vector_load %arg14[%get3A_1364, %get3A_1365] {strides = array<i32>} : memref<800x64xf32, #tpu.memory_space<vmem>>, vector<16xf32>,
          %mul3A_1367 = arith.mulf %get3A_1078, %get3A_1366 : vector<16xf32>
          %add3A_1368 = arith.addf %add3A_1361, %mul3A_1367 : vector<16xf32>
          %swap3A_1369 = arith.constant 144 : index
          %swap3A_1370 = tpu.vector_load %arg15[%swap3A_1369] {strides = array<i32>} : memref<512xf32, #tpu.memory_space<vmem>>, vector<16xf32>,
          tpu.vector_store %arg15[%swap3A_1369], %add3A_1368 {strides = array<i32>} : memref<512xf32, #tpu.memory_space<vmem>>, vector<16xf32>,
          %add3A_1371 = arith.constant 10 : i32
          %add3A_1372 = arith.addi %mul3A_1080, %add3A_1371 : i32
          %get3A_1373 = arith.index_cast %add3A_1372 : i32 to index
          %get3A_1374 = arith.constant 0 : index
          %get3A_1375 = tpu.vector_load %arg14[%get3A_1373, %get3A_1374] {strides = array<i32>} : memref<800x64xf32, #tpu.memory_space<vmem>>, vector<16xf32>,
          %mul3A_1376 = arith.mulf %get3A_1069, %get3A_1375 : vector<16xf32>
          %add3A_1377 = arith.constant 10 : i32
          %add3A_1378 = arith.addi %mul3A_1080, %add3A_1377 : i32
          %get3A_1379 = arith.index_cast %add3A_1378 : i32 to index
          %get3A_1380 = arith.constant 16 : index
          %get3A_1381 = tpu.vector_load %arg14[%get3A_1379, %get3A_1380] {strides = array<i32>} : memref<800x64xf32, #tpu.memory_space<vmem>>, vector<16xf32>,
          %mul3A_1382 = arith.mulf %get3A_1072, %get3A_1381 : vector<16xf32>
          %add3A_1383 = arith.addf %mul3A_1376, %mul3A_1382 : vector<16xf32>
          %add3A_1384 = arith.constant 10 : i32
          %add3A_1385 = arith.addi %mul3A_1080, %add3A_1384 : i32
          %get3A_1386 = arith.index_cast %add3A_1385 : i32 to index
          %get3A_1387 = arith.constant 32 : index
          %get3A_1388 = tpu.vector_load %arg14[%get3A_1386, %get3A_1387] {strides = array<i32>} : memref<800x64xf32, #tpu.memory_space<vmem>>, vector<16xf32>,
          %mul3A_1389 = arith.mulf %get3A_1075, %get3A_1388 : vector<16xf32>
          %add3A_1390 = arith.addf %add3A_1383, %mul3A_1389 : vector<16xf32>
          %add3A_1391 = arith.constant 10 : i32
          %add3A_1392 = arith.addi %mul3A_1080, %add3A_1391 : i32
          %get3A_1393 = arith.index_cast %add3A_1392 : i32 to index
          %get3A_1394 = arith.constant 48 : index
          %get3A_1395 = tpu.vector_load %arg14[%get3A_1393, %get3A_1394] {strides = array<i32>} : memref<800x64xf32, #tpu.memory_space<vmem>>, vector<16xf32>,
          %mul3A_1396 = arith.mulf %get3A_1078, %get3A_1395 : vector<16xf32>
          %add3A_1397 = arith.addf %add3A_1390, %mul3A_1396 : vector<16xf32>
          %swap3A_1398 = arith.constant 160 : index
          %swap3A_1399 = tpu.vector_load %arg15[%swap3A_1398] {strides = array<i32>} : memref<512xf32, #tpu.memory_space<vmem>>, vector<16xf32>,
          tpu.vector_store %arg15[%swap3A_1398], %add3A_1397 {strides = array<i32>} : memref<512xf32, #tpu.memory_space<vmem>>, vector<16xf32>,
          %add3A_1400 = arith.constant 11 : i32
          %add3A_1401 = arith.addi %mul3A_1080, %add3A_1400 : i32
          %get3A_1402 = arith.index_cast %add3A_1401 : i32 to index
          %get3A_1403 = arith.constant 0 : index
          %get3A_1404 = tpu.vector_load %arg14[%get3A_1402, %get3A_1403] {strides = array<i32>} : memref<800x64xf32, #tpu.memory_space<vmem>>, vector<16xf32>,
          %mul3A_1405 = arith.mulf %get3A_1069, %get3A_1404 : vector<16xf32>
          %add3A_1406 = arith.constant 11 : i32
          %add3A_1407 = arith.addi %mul3A_1080, %add3A_1406 : i32
          %get3A_1408 = arith.index_cast %add3A_1407 : i32 to index
          %get3A_1409 = arith.constant 16 : index
          %get3A_1410 = tpu.vector_load %arg14[%get3A_1408, %get3A_1409] {strides = array<i32>} : memref<800x64xf32, #tpu.memory_space<vmem>>, vector<16xf32>,
          %mul3A_1411 = arith.mulf %get3A_1072, %get3A_1410 : vector<16xf32>
          %add3A_1412 = arith.addf %mul3A_1405, %mul3A_1411 : vector<16xf32>
          %add3A_1413 = arith.constant 11 : i32
          %add3A_1414 = arith.addi %mul3A_1080, %add3A_1413 : i32
          %get3A_1415 = arith.index_cast %add3A_1414 : i32 to index
          %get3A_1416 = arith.constant 32 : index
          %get3A_1417 = tpu.vector_load %arg14[%get3A_1415, %get3A_1416] {strides = array<i32>} : memref<800x64xf32, #tpu.memory_space<vmem>>, vector<16xf32>,
          %mul3A_1418 = arith.mulf %get3A_1075, %get3A_1417 : vector<16xf32>
          %add3A_1419 = arith.addf %add3A_1412, %mul3A_1418 : vector<16xf32>
          %add3A_1420 = arith.constant 11 : i32
          %add3A_1421 = arith.addi %mul3A_1080, %add3A_1420 : i32
          %get3A_1422 = arith.index_cast %add3A_1421 : i32 to index
          %get3A_1423 = arith.constant 48 : index
          %get3A_1424 = tpu.vector_load %arg14[%get3A_1422, %get3A_1423] {strides = array<i32>} : memref<800x64xf32, #tpu.memory_space<vmem>>, vector<16xf32>,
          %mul3A_1425 = arith.mulf %get3A_1078, %get3A_1424 : vector<16xf32>
          %add3A_1426 = arith.addf %add3A_1419, %mul3A_1425 : vector<16xf32>
          %swap3A_1427 = arith.constant 176 : index
          %swap3A_1428 = tpu.vector_load %arg15[%swap3A_1427] {strides = array<i32>} : memref<512xf32, #tpu.memory_space<vmem>>, vector<16xf32>,
          tpu.vector_store %arg15[%swap3A_1427], %add3A_1426 {strides = array<i32>} : memref<512xf32, #tpu.memory_space<vmem>>, vector<16xf32>,
          %add3A_1429 = arith.constant 12 : i32
          %add3A_1430 = arith.addi %mul3A_1080, %add3A_1429 : i32
          %get3A_1431 = arith.index_cast %add3A_1430 : i32 to index
          %get3A_1432 = arith.constant 0 : index
          %get3A_1433 = tpu.vector_load %arg14[%get3A_1431, %get3A_1432] {strides = array<i32>} : memref<800x64xf32, #tpu.memory_space<vmem>>, vector<16xf32>,
          %mul3A_1434 = arith.mulf %get3A_1069, %get3A_1433 : vector<16xf32>
          %add3A_1435 = arith.constant 12 : i32
          %add3A_1436 = arith.addi %mul3A_1080, %add3A_1435 : i32
          %get3A_1437 = arith.index_cast %add3A_1436 : i32 to index
          %get3A_1438 = arith.constant 16 : index
          %get3A_1439 = tpu.vector_load %arg14[%get3A_1437, %get3A_1438] {strides = array<i32>} : memref<800x64xf32, #tpu.memory_space<vmem>>, vector<16xf32>,
          %mul3A_1440 = arith.mulf %get3A_1072, %get3A_1439 : vector<16xf32>
          %add3A_1441 = arith.addf %mul3A_1434, %mul3A_1440 : vector<16xf32>
          %add3A_1442 = arith.constant 12 : i32
          %add3A_1443 = arith.addi %mul3A_1080, %add3A_1442 : i32
          %get3A_1444 = arith.index_cast %add3A_1443 : i32 to index
          %get3A_1445 = arith.constant 32 : index
          %get3A_1446 = tpu.vector_load %arg14[%get3A_1444, %get3A_1445] {strides = array<i32>} : memref<800x64xf32, #tpu.memory_space<vmem>>, vector<16xf32>,
          %mul3A_1447 = arith.mulf %get3A_1075, %get3A_1446 : vector<16xf32>
          %add3A_1448 = arith.addf %add3A_1441, %mul3A_1447 : vector<16xf32>
          %add3A_1449 = arith.constant 12 : i32
          %add3A_1450 = arith.addi %mul3A_1080, %add3A_1449 : i32
          %get3A_1451 = arith.index_cast %add3A_1450 : i32 to index
          %get3A_1452 = arith.constant 48 : index
          %get3A_1453 = tpu.vector_load %arg14[%get3A_1451, %get3A_1452] {strides = array<i32>} : memref<800x64xf32, #tpu.memory_space<vmem>>, vector<16xf32>,
          %mul3A_1454 = arith.mulf %get3A_1078, %get3A_1453 : vector<16xf32>
          %add3A_1455 = arith.addf %add3A_1448, %mul3A_1454 : vector<16xf32>
          %swap3A_1456 = arith.constant 192 : index
          %swap3A_1457 = tpu.vector_load %arg15[%swap3A_1456] {strides = array<i32>} : memref<512xf32, #tpu.memory_space<vmem>>, vector<16xf32>,
          tpu.vector_store %arg15[%swap3A_1456], %add3A_1455 {strides = array<i32>} : memref<512xf32, #tpu.memory_space<vmem>>, vector<16xf32>,
          %add3A_1458 = arith.constant 13 : i32
          %add3A_1459 = arith.addi %mul3A_1080, %add3A_1458 : i32
          %get3A_1460 = arith.index_cast %add3A_1459 : i32 to index
          %get3A_1461 = arith.constant 0 : index
          %get3A_1462 = tpu.vector_load %arg14[%get3A_1460, %get3A_1461] {strides = array<i32>} : memref<800x64xf32, #tpu.memory_space<vmem>>, vector<16xf32>,
          %mul3A_1463 = arith.mulf %get3A_1069, %get3A_1462 : vector<16xf32>
          %add3A_1464 = arith.constant 13 : i32
          %add3A_1465 = arith.addi %mul3A_1080, %add3A_1464 : i32
          %get3A_1466 = arith.index_cast %add3A_1465 : i32 to index
          %get3A_1467 = arith.constant 16 : index
          %get3A_1468 = tpu.vector_load %arg14[%get3A_1466, %get3A_1467] {strides = array<i32>} : memref<800x64xf32, #tpu.memory_space<vmem>>, vector<16xf32>,
          %mul3A_1469 = arith.mulf %get3A_1072, %get3A_1468 : vector<16xf32>
          %add3A_1470 = arith.addf %mul3A_1463, %mul3A_1469 : vector<16xf32>
          %add3A_1471 = arith.constant 13 : i32
          %add3A_1472 = arith.addi %mul3A_1080, %add3A_1471 : i32
          %get3A_1473 = arith.index_cast %add3A_1472 : i32 to index
          %get3A_1474 = arith.constant 32 : index
          %get3A_1475 = tpu.vector_load %arg14[%get3A_1473, %get3A_1474] {strides = array<i32>} : memref<800x64xf32, #tpu.memory_space<vmem>>, vector<16xf32>,
          %mul3A_1476 = arith.mulf %get3A_1075, %get3A_1475 : vector<16xf32>
          %add3A_1477 = arith.addf %add3A_1470, %mul3A_1476 : vector<16xf32>
          %add3A_1478 = arith.constant 13 : i32
          %add3A_1479 = arith.addi %mul3A_1080, %add3A_1478 : i32
          %get3A_1480 = arith.index_cast %add3A_1479 : i32 to index
          %get3A_1481 = arith.constant 48 : index
          %get3A_1482 = tpu.vector_load %arg14[%get3A_1480, %get3A_1481] {strides = array<i32>} : memref<800x64xf32, #tpu.memory_space<vmem>>, vector<16xf32>,
          %mul3A_1483 = arith.mulf %get3A_1078, %get3A_1482 : vector<16xf32>
          %add3A_1484 = arith.addf %add3A_1477, %mul3A_1483 : vector<16xf32>
          %swap3A_1485 = arith.constant 208 : index
          %swap3A_1486 = tpu.vector_load %arg15[%swap3A_1485] {strides = array<i32>} : memref<512xf32, #tpu.memory_space<vmem>>, vector<16xf32>,
          tpu.vector_store %arg15[%swap3A_1485], %add3A_1484 {strides = array<i32>} : memref<512xf32, #tpu.memory_space<vmem>>, vector<16xf32>,
          %add3A_1487 = arith.constant 14 : i32
          %add3A_1488 = arith.addi %mul3A_1080, %add3A_1487 : i32
          %get3A_1489 = arith.index_cast %add3A_1488 : i32 to index
          %get3A_1490 = arith.constant 0 : index
          %get3A_1491 = tpu.vector_load %arg14[%get3A_1489, %get3A_1490] {strides = array<i32>} : memref<800x64xf32, #tpu.memory_space<vmem>>, vector<16xf32>,
          %mul3A_1492 = arith.mulf %get3A_1069, %get3A_1491 : vector<16xf32>
          %add3A_1493 = arith.constant 14 : i32
          %add3A_1494 = arith.addi %mul3A_1080, %add3A_1493 : i32
          %get3A_1495 = arith.index_cast %add3A_1494 : i32 to index
          %get3A_1496 = arith.constant 16 : index
          %get3A_1497 = tpu.vector_load %arg14[%get3A_1495, %get3A_1496] {strides = array<i32>} : memref<800x64xf32, #tpu.memory_space<vmem>>, vector<16xf32>,
          %mul3A_1498 = arith.mulf %get3A_1072, %get3A_1497 : vector<16xf32>
          %add3A_1499 = arith.addf %mul3A_1492, %mul3A_1498 : vector<16xf32>
          %add3A_1500 = arith.constant 14 : i32
          %add3A_1501 = arith.addi %mul3A_1080, %add3A_1500 : i32
          %get3A_1502 = arith.index_cast %add3A_1501 : i32 to index
          %get3A_1503 = arith.constant 32 : index
          %get3A_1504 = tpu.vector_load %arg14[%get3A_1502, %get3A_1503] {strides = array<i32>} : memref<800x64xf32, #tpu.memory_space<vmem>>, vector<16xf32>,
          %mul3A_1505 = arith.mulf %get3A_1075, %get3A_1504 : vector<16xf32>
          %add3A_1506 = arith.addf %add3A_1499, %mul3A_1505 : vector<16xf32>
          %add3A_1507 = arith.constant 14 : i32
          %add3A_1508 = arith.addi %mul3A_1080, %add3A_1507 : i32
          %get3A_1509 = arith.index_cast %add3A_1508 : i32 to index
          %get3A_1510 = arith.constant 48 : index
          %get3A_1511 = tpu.vector_load %arg14[%get3A_1509, %get3A_1510] {strides = array<i32>} : memref<800x64xf32, #tpu.memory_space<vmem>>, vector<16xf32>,
          %mul3A_1512 = arith.mulf %get3A_1078, %get3A_1511 : vector<16xf32>
          %add3A_1513 = arith.addf %add3A_1506, %mul3A_1512 : vector<16xf32>
          %swap3A_1514 = arith.constant 224 : index
          %swap3A_1515 = tpu.vector_load %arg15[%swap3A_1514] {strides = array<i32>} : memref<512xf32, #tpu.memory_space<vmem>>, vector<16xf32>,
          tpu.vector_store %arg15[%swap3A_1514], %add3A_1513 {strides = array<i32>} : memref<512xf32, #tpu.memory_space<vmem>>, vector<16xf32>,
          %add3A_1516 = arith.constant 15 : i32
          %add3A_1517 = arith.addi %mul3A_1080, %add3A_1516 : i32
          %get3A_1518 = arith.index_cast %add3A_1517 : i32 to index
          %get3A_1519 = arith.constant 0 : index
          %get3A_1520 = tpu.vector_load %arg14[%get3A_1518, %get3A_1519] {strides = array<i32>} : memref<800x64xf32, #tpu.memory_space<vmem>>, vector<16xf32>,
          %mul3A_1521 = arith.mulf %get3A_1069, %get3A_1520 : vector<16xf32>
          %add3A_1522 = arith.constant 15 : i32
          %add3A_1523 = arith.addi %mul3A_1080, %add3A_1522 : i32
          %get3A_1524 = arith.index_cast %add3A_1523 : i32 to index
          %get3A_1525 = arith.constant 16 : index
          %get3A_1526 = tpu.vector_load %arg14[%get3A_1524, %get3A_1525] {strides = array<i32>} : memref<800x64xf32, #tpu.memory_space<vmem>>, vector<16xf32>,
          %mul3A_1527 = arith.mulf %get3A_1072, %get3A_1526 : vector<16xf32>
          %add3A_1528 = arith.addf %mul3A_1521, %mul3A_1527 : vector<16xf32>
          %add3A_1529 = arith.constant 15 : i32
          %add3A_1530 = arith.addi %mul3A_1080, %add3A_1529 : i32
          %get3A_1531 = arith.index_cast %add3A_1530 : i32 to index
          %get3A_1532 = arith.constant 32 : index
          %get3A_1533 = tpu.vector_load %arg14[%get3A_1531, %get3A_1532] {strides = array<i32>} : memref<800x64xf32, #tpu.memory_space<vmem>>, vector<16xf32>,
          %mul3A_1534 = arith.mulf %get3A_1075, %get3A_1533 : vector<16xf32>
          %add3A_1535 = arith.addf %add3A_1528, %mul3A_1534 : vector<16xf32>
          %add3A_1536 = arith.constant 15 : i32
          %add3A_1537 = arith.addi %mul3A_1080, %add3A_1536 : i32
          %get3A_1538 = arith.index_cast %add3A_1537 : i32 to index
          %get3A_1539 = arith.constant 48 : index
          %get3A_1540 = tpu.vector_load %arg14[%get3A_1538, %get3A_1539] {strides = array<i32>} : memref<800x64xf32, #tpu.memory_space<vmem>>, vector<16xf32>,
          %mul3A_1541 = arith.mulf %get3A_1078, %get3A_1540 : vector<16xf32>
          %add3A_1542 = arith.addf %add3A_1535, %mul3A_1541 : vector<16xf32>
          %swap3A_1543 = arith.constant 240 : index
          %swap3A_1544 = tpu.vector_load %arg15[%swap3A_1543] {strides = array<i32>} : memref<512xf32, #tpu.memory_space<vmem>>, vector<16xf32>,
          tpu.vector_store %arg15[%swap3A_1543], %add3A_1542 {strides = array<i32>} : memref<512xf32, #tpu.memory_space<vmem>>, vector<16xf32>,
          %add3A_1545 = arith.constant 16 : i32
          %add3A_1546 = arith.addi %mul3A_1080, %add3A_1545 : i32
          %get3A_1547 = arith.index_cast %add3A_1546 : i32 to index
          %get3A_1548 = arith.constant 0 : index
          %get3A_1549 = tpu.vector_load %arg14[%get3A_1547, %get3A_1548] {strides = array<i32>} : memref<800x64xf32, #tpu.memory_space<vmem>>, vector<16xf32>,
          %mul3A_1550 = arith.mulf %get3A_1069, %get3A_1549 : vector<16xf32>
          %add3A_1551 = arith.constant 16 : i32
          %add3A_1552 = arith.addi %mul3A_1080, %add3A_1551 : i32
          %get3A_1553 = arith.index_cast %add3A_1552 : i32 to index
          %get3A_1554 = arith.constant 16 : index
          %get3A_1555 = tpu.vector_load %arg14[%get3A_1553, %get3A_1554] {strides = array<i32>} : memref<800x64xf32, #tpu.memory_space<vmem>>, vector<16xf32>,
          %mul3A_1556 = arith.mulf %get3A_1072, %get3A_1555 : vector<16xf32>
          %add3A_1557 = arith.addf %mul3A_1550, %mul3A_1556 : vector<16xf32>
          %add3A_1558 = arith.constant 16 : i32
          %add3A_1559 = arith.addi %mul3A_1080, %add3A_1558 : i32
          %get3A_1560 = arith.index_cast %add3A_1559 : i32 to index
          %get3A_1561 = arith.constant 32 : index
          %get3A_1562 = tpu.vector_load %arg14[%get3A_1560, %get3A_1561] {strides = array<i32>} : memref<800x64xf32, #tpu.memory_space<vmem>>, vector<16xf32>,
          %mul3A_1563 = arith.mulf %get3A_1075, %get3A_1562 : vector<16xf32>
          %add3A_1564 = arith.addf %add3A_1557, %mul3A_1563 : vector<16xf32>
          %add3A_1565 = arith.constant 16 : i32
          %add3A_1566 = arith.addi %mul3A_1080, %add3A_1565 : i32
          %get3A_1567 = arith.index_cast %add3A_1566 : i32 to index
          %get3A_1568 = arith.constant 48 : index
          %get3A_1569 = tpu.vector_load %arg14[%get3A_1567, %get3A_1568] {strides = array<i32>} : memref<800x64xf32, #tpu.memory_space<vmem>>, vector<16xf32>,
          %mul3A_1570 = arith.mulf %get3A_1078, %get3A_1569 : vector<16xf32>
          %add3A_1571 = arith.addf %add3A_1564, %mul3A_1570 : vector<16xf32>
          %swap3A_1572 = arith.constant 256 : index
          %swap3A_1573 = tpu.vector_load %arg15[%swap3A_1572] {strides = array<i32>} : memref<512xf32, #tpu.memory_space<vmem>>, vector<16xf32>,
          tpu.vector_store %arg15[%swap3A_1572], %add3A_1571 {strides = array<i32>} : memref<512xf32, #tpu.memory_space<vmem>>, vector<16xf32>,
          %add3A_1574 = arith.constant 17 : i32
          %add3A_1575 = arith.addi %mul3A_1080, %add3A_1574 : i32
          %get3A_1576 = arith.index_cast %add3A_1575 : i32 to index
          %get3A_1577 = arith.constant 0 : index
          %get3A_1578 = tpu.vector_load %arg14[%get3A_1576, %get3A_1577] {strides = array<i32>} : memref<800x64xf32, #tpu.memory_space<vmem>>, vector<16xf32>,
          %mul3A_1579 = arith.mulf %get3A_1069, %get3A_1578 : vector<16xf32>
          %add3A_1580 = arith.constant 17 : i32
          %add3A_1581 = arith.addi %mul3A_1080, %add3A_1580 : i32
          %get3A_1582 = arith.index_cast %add3A_1581 : i32 to index
          %get3A_1583 = arith.constant 16 : index
          %get3A_1584 = tpu.vector_load %arg14[%get3A_1582, %get3A_1583] {strides = array<i32>} : memref<800x64xf32, #tpu.memory_space<vmem>>, vector<16xf32>,
          %mul3A_1585 = arith.mulf %get3A_1072, %get3A_1584 : vector<16xf32>
          %add3A_1586 = arith.addf %mul3A_1579, %mul3A_1585 : vector<16xf32>
          %add3A_1587 = arith.constant 17 : i32
          %add3A_1588 = arith.addi %mul3A_1080, %add3A_1587 : i32
          %get3A_1589 = arith.index_cast %add3A_1588 : i32 to index
          %get3A_1590 = arith.constant 32 : index
          %get3A_1591 = tpu.vector_load %arg14[%get3A_1589, %get3A_1590] {strides = array<i32>} : memref<800x64xf32, #tpu.memory_space<vmem>>, vector<16xf32>,
          %mul3A_1592 = arith.mulf %get3A_1075, %get3A_1591 : vector<16xf32>
          %add3A_1593 = arith.addf %add3A_1586, %mul3A_1592 : vector<16xf32>
          %add3A_1594 = arith.constant 17 : i32
          %add3A_1595 = arith.addi %mul3A_1080, %add3A_1594 : i32
          %get3A_1596 = arith.index_cast %add3A_1595 : i32 to index
          %get3A_1597 = arith.constant 48 : index
          %get3A_1598 = tpu.vector_load %arg14[%get3A_1596, %get3A_1597] {strides = array<i32>} : memref<800x64xf32, #tpu.memory_space<vmem>>, vector<16xf32>,
          %mul3A_1599 = arith.mulf %get3A_1078, %get3A_1598 : vector<16xf32>
          %add3A_1600 = arith.addf %add3A_1593, %mul3A_1599 : vector<16xf32>
          %swap3A_1601 = arith.constant 272 : index
          %swap3A_1602 = tpu.vector_load %arg15[%swap3A_1601] {strides = array<i32>} : memref<512xf32, #tpu.memory_space<vmem>>, vector<16xf32>,
          tpu.vector_store %arg15[%swap3A_1601], %add3A_1600 {strides = array<i32>} : memref<512xf32, #tpu.memory_space<vmem>>, vector<16xf32>,
          %add3A_1603 = arith.constant 18 : i32
          %add3A_1604 = arith.addi %mul3A_1080, %add3A_1603 : i32
          %get3A_1605 = arith.index_cast %add3A_1604 : i32 to index
          %get3A_1606 = arith.constant 0 : index
          %get3A_1607 = tpu.vector_load %arg14[%get3A_1605, %get3A_1606] {strides = array<i32>} : memref<800x64xf32, #tpu.memory_space<vmem>>, vector<16xf32>,
          %mul3A_1608 = arith.mulf %get3A_1069, %get3A_1607 : vector<16xf32>
          %add3A_1609 = arith.constant 18 : i32
          %add3A_1610 = arith.addi %mul3A_1080, %add3A_1609 : i32
          %get3A_1611 = arith.index_cast %add3A_1610 : i32 to index
          %get3A_1612 = arith.constant 16 : index
          %get3A_1613 = tpu.vector_load %arg14[%get3A_1611, %get3A_1612] {strides = array<i32>} : memref<800x64xf32, #tpu.memory_space<vmem>>, vector<16xf32>,
          %mul3A_1614 = arith.mulf %get3A_1072, %get3A_1613 : vector<16xf32>
          %add3A_1615 = arith.addf %mul3A_1608, %mul3A_1614 : vector<16xf32>
          %add3A_1616 = arith.constant 18 : i32
          %add3A_1617 = arith.addi %mul3A_1080, %add3A_1616 : i32
          %get3A_1618 = arith.index_cast %add3A_1617 : i32 to index
          %get3A_1619 = arith.constant 32 : index
          %get3A_1620 = tpu.vector_load %arg14[%get3A_1618, %get3A_1619] {strides = array<i32>} : memref<800x64xf32, #tpu.memory_space<vmem>>, vector<16xf32>,
          %mul3A_1621 = arith.mulf %get3A_1075, %get3A_1620 : vector<16xf32>
          %add3A_1622 = arith.addf %add3A_1615, %mul3A_1621 : vector<16xf32>
          %add3A_1623 = arith.constant 18 : i32
          %add3A_1624 = arith.addi %mul3A_1080, %add3A_1623 : i32
          %get3A_1625 = arith.index_cast %add3A_1624 : i32 to index
          %get3A_1626 = arith.constant 48 : index
          %get3A_1627 = tpu.vector_load %arg14[%get3A_1625, %get3A_1626] {strides = array<i32>} : memref<800x64xf32, #tpu.memory_space<vmem>>, vector<16xf32>,
          %mul3A_1628 = arith.mulf %get3A_1078, %get3A_1627 : vector<16xf32>
          %add3A_1629 = arith.addf %add3A_1622, %mul3A_1628 : vector<16xf32>
          %swap3A_1630 = arith.constant 288 : index
          %swap3A_1631 = tpu.vector_load %arg15[%swap3A_1630] {strides = array<i32>} : memref<512xf32, #tpu.memory_space<vmem>>, vector<16xf32>,
          tpu.vector_store %arg15[%swap3A_1630], %add3A_1629 {strides = array<i32>} : memref<512xf32, #tpu.memory_space<vmem>>, vector<16xf32>,
          %add3A_1632 = arith.constant 19 : i32
          %add3A_1633 = arith.addi %mul3A_1080, %add3A_1632 : i32
          %get3A_1634 = arith.index_cast %add3A_1633 : i32 to index
          %get3A_1635 = arith.constant 0 : index
          %get3A_1636 = tpu.vector_load %arg14[%get3A_1634, %get3A_1635] {strides = array<i32>} : memref<800x64xf32, #tpu.memory_space<vmem>>, vector<16xf32>,
          %mul3A_1637 = arith.mulf %get3A_1069, %get3A_1636 : vector<16xf32>
          %add3A_1638 = arith.constant 19 : i32
          %add3A_1639 = arith.addi %mul3A_1080, %add3A_1638 : i32
          %get3A_1640 = arith.index_cast %add3A_1639 : i32 to index
          %get3A_1641 = arith.constant 16 : index
          %get3A_1642 = tpu.vector_load %arg14[%get3A_1640, %get3A_1641] {strides = array<i32>} : memref<800x64xf32, #tpu.memory_space<vmem>>, vector<16xf32>,
          %mul3A_1643 = arith.mulf %get3A_1072, %get3A_1642 : vector<16xf32>
          %add3A_1644 = arith.addf %mul3A_1637, %mul3A_1643 : vector<16xf32>
          %add3A_1645 = arith.constant 19 : i32
          %add3A_1646 = arith.addi %mul3A_1080, %add3A_1645 : i32
          %get3A_1647 = arith.index_cast %add3A_1646 : i32 to index
          %get3A_1648 = arith.constant 32 : index
          %get3A_1649 = tpu.vector_load %arg14[%get3A_1647, %get3A_1648] {strides = array<i32>} : memref<800x64xf32, #tpu.memory_space<vmem>>, vector<16xf32>,
          %mul3A_1650 = arith.mulf %get3A_1075, %get3A_1649 : vector<16xf32>
          %add3A_1651 = arith.addf %add3A_1644, %mul3A_1650 : vector<16xf32>
          %add3A_1652 = arith.constant 19 : i32
          %add3A_1653 = arith.addi %mul3A_1080, %add3A_1652 : i32
          %get3A_1654 = arith.index_cast %add3A_1653 : i32 to index
          %get3A_1655 = arith.constant 48 : index
          %get3A_1656 = tpu.vector_load %arg14[%get3A_1654, %get3A_1655] {strides = array<i32>} : memref<800x64xf32, #tpu.memory_space<vmem>>, vector<16xf32>,
          %mul3A_1657 = arith.mulf %get3A_1078, %get3A_1656 : vector<16xf32>
          %add3A_1658 = arith.addf %add3A_1651, %mul3A_1657 : vector<16xf32>
          %swap3A_1659 = arith.constant 304 : index
          %swap3A_1660 = tpu.vector_load %arg15[%swap3A_1659] {strides = array<i32>} : memref<512xf32, #tpu.memory_space<vmem>>, vector<16xf32>,
          tpu.vector_store %arg15[%swap3A_1659], %add3A_1658 {strides = array<i32>} : memref<512xf32, #tpu.memory_space<vmem>>, vector<16xf32>,
          %add3A_1661 = arith.constant 20 : i32
          %add3A_1662 = arith.addi %mul3A_1080, %add3A_1661 : i32
          %get3A_1663 = arith.index_cast %add3A_1662 : i32 to index
          %get3A_1664 = arith.constant 0 : index
          %get3A_1665 = tpu.vector_load %arg14[%get3A_1663, %get3A_1664] {strides = array<i32>} : memref<800x64xf32, #tpu.memory_space<vmem>>, vector<16xf32>,
          %mul3A_1666 = arith.mulf %get3A_1069, %get3A_1665 : vector<16xf32>
          %add3A_1667 = arith.constant 20 : i32
          %add3A_1668 = arith.addi %mul3A_1080, %add3A_1667 : i32
          %get3A_1669 = arith.index_cast %add3A_1668 : i32 to index
          %get3A_1670 = arith.constant 16 : index
          %get3A_1671 = tpu.vector_load %arg14[%get3A_1669, %get3A_1670] {strides = array<i32>} : memref<800x64xf32, #tpu.memory_space<vmem>>, vector<16xf32>,
          %mul3A_1672 = arith.mulf %get3A_1072, %get3A_1671 : vector<16xf32>
          %add3A_1673 = arith.addf %mul3A_1666, %mul3A_1672 : vector<16xf32>
          %add3A_1674 = arith.constant 20 : i32
          %add3A_1675 = arith.addi %mul3A_1080, %add3A_1674 : i32
          %get3A_1676 = arith.index_cast %add3A_1675 : i32 to index
          %get3A_1677 = arith.constant 32 : index
          %get3A_1678 = tpu.vector_load %arg14[%get3A_1676, %get3A_1677] {strides = array<i32>} : memref<800x64xf32, #tpu.memory_space<vmem>>, vector<16xf32>,
          %mul3A_1679 = arith.mulf %get3A_1075, %get3A_1678 : vector<16xf32>
          %add3A_1680 = arith.addf %add3A_1673, %mul3A_1679 : vector<16xf32>
          %add3A_1681 = arith.constant 20 : i32
          %add3A_1682 = arith.addi %mul3A_1080, %add3A_1681 : i32
          %get3A_1683 = arith.index_cast %add3A_1682 : i32 to index
          %get3A_1684 = arith.constant 48 : index
          %get3A_1685 = tpu.vector_load %arg14[%get3A_1683, %get3A_1684] {strides = array<i32>} : memref<800x64xf32, #tpu.memory_space<vmem>>, vector<16xf32>,
          %mul3A_1686 = arith.mulf %get3A_1078, %get3A_1685 : vector<16xf32>
          %add3A_1687 = arith.addf %add3A_1680, %mul3A_1686 : vector<16xf32>
          %swap3A_1688 = arith.constant 320 : index
          %swap3A_1689 = tpu.vector_load %arg15[%swap3A_1688] {strides = array<i32>} : memref<512xf32, #tpu.memory_space<vmem>>, vector<16xf32>,
          tpu.vector_store %arg15[%swap3A_1688], %add3A_1687 {strides = array<i32>} : memref<512xf32, #tpu.memory_space<vmem>>, vector<16xf32>,
          %add3A_1690 = arith.constant 21 : i32
          %add3A_1691 = arith.addi %mul3A_1080, %add3A_1690 : i32
          %get3A_1692 = arith.index_cast %add3A_1691 : i32 to index
          %get3A_1693 = arith.constant 0 : index
          %get3A_1694 = tpu.vector_load %arg14[%get3A_1692, %get3A_1693] {strides = array<i32>} : memref<800x64xf32, #tpu.memory_space<vmem>>, vector<16xf32>,
          %mul3A_1695 = arith.mulf %get3A_1069, %get3A_1694 : vector<16xf32>
          %add3A_1696 = arith.constant 21 : i32
          %add3A_1697 = arith.addi %mul3A_1080, %add3A_1696 : i32
          %get3A_1698 = arith.index_cast %add3A_1697 : i32 to index
          %get3A_1699 = arith.constant 16 : index
          %get3A_1700 = tpu.vector_load %arg14[%get3A_1698, %get3A_1699] {strides = array<i32>} : memref<800x64xf32, #tpu.memory_space<vmem>>, vector<16xf32>,
          %mul3A_1701 = arith.mulf %get3A_1072, %get3A_1700 : vector<16xf32>
          %add3A_1702 = arith.addf %mul3A_1695, %mul3A_1701 : vector<16xf32>
          %add3A_1703 = arith.constant 21 : i32
          %add3A_1704 = arith.addi %mul3A_1080, %add3A_1703 : i32
          %get3A_1705 = arith.index_cast %add3A_1704 : i32 to index
          %get3A_1706 = arith.constant 32 : index
          %get3A_1707 = tpu.vector_load %arg14[%get3A_1705, %get3A_1706] {strides = array<i32>} : memref<800x64xf32, #tpu.memory_space<vmem>>, vector<16xf32>,
          %mul3A_1708 = arith.mulf %get3A_1075, %get3A_1707 : vector<16xf32>
          %add3A_1709 = arith.addf %add3A_1702, %mul3A_1708 : vector<16xf32>
          %add3A_1710 = arith.constant 21 : i32
          %add3A_1711 = arith.addi %mul3A_1080, %add3A_1710 : i32
          %get3A_1712 = arith.index_cast %add3A_1711 : i32 to index
          %get3A_1713 = arith.constant 48 : index
          %get3A_1714 = tpu.vector_load %arg14[%get3A_1712, %get3A_1713] {strides = array<i32>} : memref<800x64xf32, #tpu.memory_space<vmem>>, vector<16xf32>,
          %mul3A_1715 = arith.mulf %get3A_1078, %get3A_1714 : vector<16xf32>
          %add3A_1716 = arith.addf %add3A_1709, %mul3A_1715 : vector<16xf32>
          %swap3A_1717 = arith.constant 336 : index
          %swap3A_1718 = tpu.vector_load %arg15[%swap3A_1717] {strides = array<i32>} : memref<512xf32, #tpu.memory_space<vmem>>, vector<16xf32>,
          tpu.vector_store %arg15[%swap3A_1717], %add3A_1716 {strides = array<i32>} : memref<512xf32, #tpu.memory_space<vmem>>, vector<16xf32>,
          %add3A_1719 = arith.constant 22 : i32
          %add3A_1720 = arith.addi %mul3A_1080, %add3A_1719 : i32
          %get3A_1721 = arith.index_cast %add3A_1720 : i32 to index
          %get3A_1722 = arith.constant 0 : index
          %get3A_1723 = tpu.vector_load %arg14[%get3A_1721, %get3A_1722] {strides = array<i32>} : memref<800x64xf32, #tpu.memory_space<vmem>>, vector<16xf32>,
          %mul3A_1724 = arith.mulf %get3A_1069, %get3A_1723 : vector<16xf32>
          %add3A_1725 = arith.constant 22 : i32
          %add3A_1726 = arith.addi %mul3A_1080, %add3A_1725 : i32
          %get3A_1727 = arith.index_cast %add3A_1726 : i32 to index
          %get3A_1728 = arith.constant 16 : index
          %get3A_1729 = tpu.vector_load %arg14[%get3A_1727, %get3A_1728] {strides = array<i32>} : memref<800x64xf32, #tpu.memory_space<vmem>>, vector<16xf32>,
          %mul3A_1730 = arith.mulf %get3A_1072, %get3A_1729 : vector<16xf32>
          %add3A_1731 = arith.addf %mul3A_1724, %mul3A_1730 : vector<16xf32>
          %add3A_1732 = arith.constant 22 : i32
          %add3A_1733 = arith.addi %mul3A_1080, %add3A_1732 : i32
          %get3A_1734 = arith.index_cast %add3A_1733 : i32 to index
          %get3A_1735 = arith.constant 32 : index
          %get3A_1736 = tpu.vector_load %arg14[%get3A_1734, %get3A_1735] {strides = array<i32>} : memref<800x64xf32, #tpu.memory_space<vmem>>, vector<16xf32>,
          %mul3A_1737 = arith.mulf %get3A_1075, %get3A_1736 : vector<16xf32>
          %add3A_1738 = arith.addf %add3A_1731, %mul3A_1737 : vector<16xf32>
          %add3A_1739 = arith.constant 22 : i32
          %add3A_1740 = arith.addi %mul3A_1080, %add3A_1739 : i32
          %get3A_1741 = arith.index_cast %add3A_1740 : i32 to index
          %get3A_1742 = arith.constant 48 : index
          %get3A_1743 = tpu.vector_load %arg14[%get3A_1741, %get3A_1742] {strides = array<i32>} : memref<800x64xf32, #tpu.memory_space<vmem>>, vector<16xf32>,
          %mul3A_1744 = arith.mulf %get3A_1078, %get3A_1743 : vector<16xf32>
          %add3A_1745 = arith.addf %add3A_1738, %mul3A_1744 : vector<16xf32>
          %swap3A_1746 = arith.constant 352 : index
          %swap3A_1747 = tpu.vector_load %arg15[%swap3A_1746] {strides = array<i32>} : memref<512xf32, #tpu.memory_space<vmem>>, vector<16xf32>,
          tpu.vector_store %arg15[%swap3A_1746], %add3A_1745 {strides = array<i32>} : memref<512xf32, #tpu.memory_space<vmem>>, vector<16xf32>,
          %add3A_1748 = arith.constant 23 : i32
          %add3A_1749 = arith.addi %mul3A_1080, %add3A_1748 : i32
          %get3A_1750 = arith.index_cast %add3A_1749 : i32 to index
          %get3A_1751 = arith.constant 0 : index
          %get3A_1752 = tpu.vector_load %arg14[%get3A_1750, %get3A_1751] {strides = array<i32>} : memref<800x64xf32, #tpu.memory_space<vmem>>, vector<16xf32>,
          %mul3A_1753 = arith.mulf %get3A_1069, %get3A_1752 : vector<16xf32>
          %add3A_1754 = arith.constant 23 : i32
          %add3A_1755 = arith.addi %mul3A_1080, %add3A_1754 : i32
          %get3A_1756 = arith.index_cast %add3A_1755 : i32 to index
          %get3A_1757 = arith.constant 16 : index
          %get3A_1758 = tpu.vector_load %arg14[%get3A_1756, %get3A_1757] {strides = array<i32>} : memref<800x64xf32, #tpu.memory_space<vmem>>, vector<16xf32>,
          %mul3A_1759 = arith.mulf %get3A_1072, %get3A_1758 : vector<16xf32>
          %add3A_1760 = arith.addf %mul3A_1753, %mul3A_1759 : vector<16xf32>
          %add3A_1761 = arith.constant 23 : i32
          %add3A_1762 = arith.addi %mul3A_1080, %add3A_1761 : i32
          %get3A_1763 = arith.index_cast %add3A_1762 : i32 to index
          %get3A_1764 = arith.constant 32 : index
          %get3A_1765 = tpu.vector_load %arg14[%get3A_1763, %get3A_1764] {strides = array<i32>} : memref<800x64xf32, #tpu.memory_space<vmem>>, vector<16xf32>,
          %mul3A_1766 = arith.mulf %get3A_1075, %get3A_1765 : vector<16xf32>
          %add3A_1767 = arith.addf %add3A_1760, %mul3A_1766 : vector<16xf32>
          %add3A_1768 = arith.constant 23 : i32
          %add3A_1769 = arith.addi %mul3A_1080, %add3A_1768 : i32
          %get3A_1770 = arith.index_cast %add3A_1769 : i32 to index
          %get3A_1771 = arith.constant 48 : index
          %get3A_1772 = tpu.vector_load %arg14[%get3A_1770, %get3A_1771] {strides = array<i32>} : memref<800x64xf32, #tpu.memory_space<vmem>>, vector<16xf32>,
          %mul3A_1773 = arith.mulf %get3A_1078, %get3A_1772 : vector<16xf32>
          %add3A_1774 = arith.addf %add3A_1767, %mul3A_1773 : vector<16xf32>
          %swap3A_1775 = arith.constant 368 : index
          %swap3A_1776 = tpu.vector_load %arg15[%swap3A_1775] {strides = array<i32>} : memref<512xf32, #tpu.memory_space<vmem>>, vector<16xf32>,
          tpu.vector_store %arg15[%swap3A_1775], %add3A_1774 {strides = array<i32>} : memref<512xf32, #tpu.memory_space<vmem>>, vector<16xf32>,
          %add3A_1777 = arith.constant 24 : i32
          %add3A_1778 = arith.addi %mul3A_1080, %add3A_1777 : i32
          %get3A_1779 = arith.index_cast %add3A_1778 : i32 to index
          %get3A_1780 = arith.constant 0 : index
          %get3A_1781 = tpu.vector_load %arg14[%get3A_1779, %get3A_1780] {strides = array<i32>} : memref<800x64xf32, #tpu.memory_space<vmem>>, vector<16xf32>,
          %mul3A_1782 = arith.mulf %get3A_1069, %get3A_1781 : vector<16xf32>
          %add3A_1783 = arith.constant 24 : i32
          %add3A_1784 = arith.addi %mul3A_1080, %add3A_1783 : i32
          %get3A_1785 = arith.index_cast %add3A_1784 : i32 to index
          %get3A_1786 = arith.constant 16 : index
          %get3A_1787 = tpu.vector_load %arg14[%get3A_1785, %get3A_1786] {strides = array<i32>} : memref<800x64xf32, #tpu.memory_space<vmem>>, vector<16xf32>,
          %mul3A_1788 = arith.mulf %get3A_1072, %get3A_1787 : vector<16xf32>
          %add3A_1789 = arith.addf %mul3A_1782, %mul3A_1788 : vector<16xf32>
          %add3A_1790 = arith.constant 24 : i32
          %add3A_1791 = arith.addi %mul3A_1080, %add3A_1790 : i32
          %get3A_1792 = arith.index_cast %add3A_1791 : i32 to index
          %get3A_1793 = arith.constant 32 : index
          %get3A_1794 = tpu.vector_load %arg14[%get3A_1792, %get3A_1793] {strides = array<i32>} : memref<800x64xf32, #tpu.memory_space<vmem>>, vector<16xf32>,
          %mul3A_1795 = arith.mulf %get3A_1075, %get3A_1794 : vector<16xf32>
          %add3A_1796 = arith.addf %add3A_1789, %mul3A_1795 : vector<16xf32>
          %add3A_1797 = arith.constant 24 : i32
          %add3A_1798 = arith.addi %mul3A_1080, %add3A_1797 : i32
          %get3A_1799 = arith.index_cast %add3A_1798 : i32 to index
          %get3A_1800 = arith.constant 48 : index
          %get3A_1801 = tpu.vector_load %arg14[%get3A_1799, %get3A_1800] {strides = array<i32>} : memref<800x64xf32, #tpu.memory_space<vmem>>, vector<16xf32>,
          %mul3A_1802 = arith.mulf %get3A_1078, %get3A_1801 : vector<16xf32>
          %add3A_1803 = arith.addf %add3A_1796, %mul3A_1802 : vector<16xf32>
          %swap3A_1804 = arith.constant 384 : index
          %swap3A_1805 = tpu.vector_load %arg15[%swap3A_1804] {strides = array<i32>} : memref<512xf32, #tpu.memory_space<vmem>>, vector<16xf32>,
          tpu.vector_store %arg15[%swap3A_1804], %add3A_1803 {strides = array<i32>} : memref<512xf32, #tpu.memory_space<vmem>>, vector<16xf32>,
          %mul3A_1806 = arith.constant 16 : i32
          %mul3A_1807 = vector.broadcast %mul3A_1806 : i32 to vector<16xi32>
          %mul3A_1808 = arith.muli %iota3A, %mul3A_1807 : vector<16xi32>
          %add3A_1809 = arith.constant 0 : i32
          %add3A_1810 = vector.broadcast %add3A_1809 : i32 to vector<16xi32>
          %add3A_1811 = arith.addi %mul3A_1808, %add3A_1810 : vector<16xi32>
          %gather3A_1812 = tpu.vector_load_idx %arg15[%add3A_1811] : memref<512xf32, #tpu.memory_space<vmem>>[vector<16xi32>], vector<16xf32>,
          %add3A_1813 = arith.addf %broadcast_in_dim3A_3, %gather3A_1812 : vector<16xf32>
          %add3A_1814 = arith.constant 256 : i32
          %add3A_1815 = vector.broadcast %add3A_1814 : i32 to vector<16xi32>
          %add3A_1816 = arith.addi %add3A_1811, %add3A_1815 : vector<16xi32>
          %gather3A_1817 = tpu.vector_load_idx %arg15[%add3A_1816] : memref<512xf32, #tpu.memory_space<vmem>>[vector<16xi32>], vector<16xf32>,
          %add3A_1818 = arith.addf %broadcast_in_dim3A_3, %gather3A_1817 : vector<16xf32>
          %mul3A_1819 = arith.constant 16 : i32
          %mul3A_1820 = vector.broadcast %mul3A_1819 : i32 to vector<16xi32>
          %mul3A_1821 = arith.muli %iota3A, %mul3A_1820 : vector<16xi32>
          %add3A_1822 = arith.constant 1 : i32
          %add3A_1823 = vector.broadcast %add3A_1822 : i32 to vector<16xi32>
          %add3A_1824 = arith.addi %mul3A_1821, %add3A_1823 : vector<16xi32>
          %gather3A_1825 = tpu.vector_load_idx %arg15[%add3A_1824] : memref<512xf32, #tpu.memory_space<vmem>>[vector<16xi32>], vector<16xf32>,
          %add3A_1826 = arith.addf %broadcast_in_dim3A_3, %gather3A_1825 : vector<16xf32>
          %add3A_1827 = arith.constant 256 : i32
          %add3A_1828 = vector.broadcast %add3A_1827 : i32 to vector<16xi32>
          %add3A_1829 = arith.addi %add3A_1824, %add3A_1828 : vector<16xi32>
          %gather3A_1830 = tpu.vector_load_idx %arg15[%add3A_1829] : memref<512xf32, #tpu.memory_space<vmem>>[vector<16xi32>], vector<16xf32>,
          %add3A_1831 = arith.addf %broadcast_in_dim3A_3, %gather3A_1830 : vector<16xf32>
          %mul3A_1832 = arith.constant 16 : i32
          %mul3A_1833 = vector.broadcast %mul3A_1832 : i32 to vector<16xi32>
          %mul3A_1834 = arith.muli %iota3A, %mul3A_1833 : vector<16xi32>
          %add3A_1835 = arith.constant 2 : i32
          %add3A_1836 = vector.broadcast %add3A_1835 : i32 to vector<16xi32>
          %add3A_1837 = arith.addi %mul3A_1834, %add3A_1836 : vector<16xi32>
          %gather3A_1838 = tpu.vector_load_idx %arg15[%add3A_1837] : memref<512xf32, #tpu.memory_space<vmem>>[vector<16xi32>], vector<16xf32>,
          %add3A_1839 = arith.addf %broadcast_in_dim3A_3, %gather3A_1838 : vector<16xf32>
          %add3A_1840 = arith.constant 256 : i32
          %add3A_1841 = vector.broadcast %add3A_1840 : i32 to vector<16xi32>
          %add3A_1842 = arith.addi %add3A_1837, %add3A_1841 : vector<16xi32>
          %gather3A_1843 = tpu.vector_load_idx %arg15[%add3A_1842] : memref<512xf32, #tpu.memory_space<vmem>>[vector<16xi32>], vector<16xf32>,
          %add3A_1844 = arith.addf %broadcast_in_dim3A_3, %gather3A_1843 : vector<16xf32>
          %mul3A_1845 = arith.constant 16 : i32
          %mul3A_1846 = vector.broadcast %mul3A_1845 : i32 to vector<16xi32>
          %mul3A_1847 = arith.muli %iota3A, %mul3A_1846 : vector<16xi32>
          %add3A_1848 = arith.constant 3 : i32
          %add3A_1849 = vector.broadcast %add3A_1848 : i32 to vector<16xi32>
          %add3A_1850 = arith.addi %mul3A_1847, %add3A_1849 : vector<16xi32>
          %gather3A_1851 = tpu.vector_load_idx %arg15[%add3A_1850] : memref<512xf32, #tpu.memory_space<vmem>>[vector<16xi32>], vector<16xf32>,
          %add3A_1852 = arith.addf %broadcast_in_dim3A_3, %gather3A_1851 : vector<16xf32>
          %add3A_1853 = arith.constant 256 : i32
          %add3A_1854 = vector.broadcast %add3A_1853 : i32 to vector<16xi32>
          %add3A_1855 = arith.addi %add3A_1850, %add3A_1854 : vector<16xi32>
          %gather3A_1856 = tpu.vector_load_idx %arg15[%add3A_1855] : memref<512xf32, #tpu.memory_space<vmem>>[vector<16xi32>], vector<16xf32>,
          %add3A_1857 = arith.addf %broadcast_in_dim3A_3, %gather3A_1856 : vector<16xf32>
          %mul3A_1858 = arith.constant 16 : i32
          %mul3A_1859 = vector.broadcast %mul3A_1858 : i32 to vector<16xi32>
          %mul3A_1860 = arith.muli %iota3A, %mul3A_1859 : vector<16xi32>
          %add3A_1861 = arith.constant 4 : i32
          %add3A_1862 = vector.broadcast %add3A_1861 : i32 to vector<16xi32>
          %add3A_1863 = arith.addi %mul3A_1860, %add3A_1862 : vector<16xi32>
          %gather3A_1864 = tpu.vector_load_idx %arg15[%add3A_1863] : memref<512xf32, #tpu.memory_space<vmem>>[vector<16xi32>], vector<16xf32>,
          %add3A_1865 = arith.addf %add3A_1813, %gather3A_1864 : vector<16xf32>
          %add3A_1866 = arith.constant 256 : i32
          %add3A_1867 = vector.broadcast %add3A_1866 : i32 to vector<16xi32>
          %add3A_1868 = arith.addi %add3A_1863, %add3A_1867 : vector<16xi32>
          %gather3A_1869 = tpu.vector_load_idx %arg15[%add3A_1868] : memref<512xf32, #tpu.memory_space<vmem>>[vector<16xi32>], vector<16xf32>,
          %add3A_1870 = arith.addf %add3A_1818, %gather3A_1869 : vector<16xf32>
          %mul3A_1871 = arith.constant 16 : i32
          %mul3A_1872 = vector.broadcast %mul3A_1871 : i32 to vector<16xi32>
          %mul3A_1873 = arith.muli %iota3A, %mul3A_1872 : vector<16xi32>
          %add3A_1874 = arith.constant 5 : i32
          %add3A_1875 = vector.broadcast %add3A_1874 : i32 to vector<16xi32>
          %add3A_1876 = arith.addi %mul3A_1873, %add3A_1875 : vector<16xi32>
          %gather3A_1877 = tpu.vector_load_idx %arg15[%add3A_1876] : memref<512xf32, #tpu.memory_space<vmem>>[vector<16xi32>], vector<16xf32>,
          %add3A_1878 = arith.addf %add3A_1826, %gather3A_1877 : vector<16xf32>
          %add3A_1879 = arith.constant 256 : i32
          %add3A_1880 = vector.broadcast %add3A_1879 : i32 to vector<16xi32>
          %add3A_1881 = arith.addi %add3A_1876, %add3A_1880 : vector<16xi32>
          %gather3A_1882 = tpu.vector_load_idx %arg15[%add3A_1881] : memref<512xf32, #tpu.memory_space<vmem>>[vector<16xi32>], vector<16xf32>,
          %add3A_1883 = arith.addf %add3A_1831, %gather3A_1882 : vector<16xf32>
          %mul3A_1884 = arith.constant 16 : i32
          %mul3A_1885 = vector.broadcast %mul3A_1884 : i32 to vector<16xi32>
          %mul3A_1886 = arith.muli %iota3A, %mul3A_1885 : vector<16xi32>
          %add3A_1887 = arith.constant 6 : i32
          %add3A_1888 = vector.broadcast %add3A_1887 : i32 to vector<16xi32>
          %add3A_1889 = arith.addi %mul3A_1886, %add3A_1888 : vector<16xi32>
          %gather3A_1890 = tpu.vector_load_idx %arg15[%add3A_1889] : memref<512xf32, #tpu.memory_space<vmem>>[vector<16xi32>], vector<16xf32>,
          %add3A_1891 = arith.addf %add3A_1839, %gather3A_1890 : vector<16xf32>
          %add3A_1892 = arith.constant 256 : i32
          %add3A_1893 = vector.broadcast %add3A_1892 : i32 to vector<16xi32>
          %add3A_1894 = arith.addi %add3A_1889, %add3A_1893 : vector<16xi32>
          %gather3A_1895 = tpu.vector_load_idx %arg15[%add3A_1894] : memref<512xf32, #tpu.memory_space<vmem>>[vector<16xi32>], vector<16xf32>,
          %add3A_1896 = arith.addf %add3A_1844, %gather3A_1895 : vector<16xf32>
          %mul3A_1897 = arith.constant 16 : i32
          %mul3A_1898 = vector.broadcast %mul3A_1897 : i32 to vector<16xi32>
          %mul3A_1899 = arith.muli %iota3A, %mul3A_1898 : vector<16xi32>
          %add3A_1900 = arith.constant 7 : i32
          %add3A_1901 = vector.broadcast %add3A_1900 : i32 to vector<16xi32>
          %add3A_1902 = arith.addi %mul3A_1899, %add3A_1901 : vector<16xi32>
          %gather3A_1903 = tpu.vector_load_idx %arg15[%add3A_1902] : memref<512xf32, #tpu.memory_space<vmem>>[vector<16xi32>], vector<16xf32>,
          %add3A_1904 = arith.addf %add3A_1852, %gather3A_1903 : vector<16xf32>
          %add3A_1905 = arith.constant 256 : i32
          %add3A_1906 = vector.broadcast %add3A_1905 : i32 to vector<16xi32>
          %add3A_1907 = arith.addi %add3A_1902, %add3A_1906 : vector<16xi32>
          %gather3A_1908 = tpu.vector_load_idx %arg15[%add3A_1907] : memref<512xf32, #tpu.memory_space<vmem>>[vector<16xi32>], vector<16xf32>,
          %add3A_1909 = arith.addf %add3A_1857, %gather3A_1908 : vector<16xf32>
          %mul3A_1910 = arith.constant 16 : i32
          %mul3A_1911 = vector.broadcast %mul3A_1910 : i32 to vector<16xi32>
          %mul3A_1912 = arith.muli %iota3A, %mul3A_1911 : vector<16xi32>
          %add3A_1913 = arith.constant 8 : i32
          %add3A_1914 = vector.broadcast %add3A_1913 : i32 to vector<16xi32>
          %add3A_1915 = arith.addi %mul3A_1912, %add3A_1914 : vector<16xi32>
          %gather3A_1916 = tpu.vector_load_idx %arg15[%add3A_1915] : memref<512xf32, #tpu.memory_space<vmem>>[vector<16xi32>], vector<16xf32>,
          %add3A_1917 = arith.addf %add3A_1865, %gather3A_1916 : vector<16xf32>
          %add3A_1918 = arith.constant 256 : i32
          %add3A_1919 = vector.broadcast %add3A_1918 : i32 to vector<16xi32>
          %add3A_1920 = arith.addi %add3A_1915, %add3A_1919 : vector<16xi32>
          %gather3A_1921 = tpu.vector_load_idx %arg15[%add3A_1920] : memref<512xf32, #tpu.memory_space<vmem>>[vector<16xi32>], vector<16xf32>,
          %add3A_1922 = arith.addf %add3A_1870, %gather3A_1921 : vector<16xf32>
          %mul3A_1923 = arith.constant 16 : i32
          %mul3A_1924 = vector.broadcast %mul3A_1923 : i32 to vector<16xi32>
          %mul3A_1925 = arith.muli %iota3A, %mul3A_1924 : vector<16xi32>
          %add3A_1926 = arith.constant 9 : i32
          %add3A_1927 = vector.broadcast %add3A_1926 : i32 to vector<16xi32>
          %add3A_1928 = arith.addi %mul3A_1925, %add3A_1927 : vector<16xi32>
          %gather3A_1929 = tpu.vector_load_idx %arg15[%add3A_1928] : memref<512xf32, #tpu.memory_space<vmem>>[vector<16xi32>], vector<16xf32>,
          %add3A_1930 = arith.addf %add3A_1878, %gather3A_1929 : vector<16xf32>
          %add3A_1931 = arith.constant 256 : i32
          %add3A_1932 = vector.broadcast %add3A_1931 : i32 to vector<16xi32>
          %add3A_1933 = arith.addi %add3A_1928, %add3A_1932 : vector<16xi32>
          %gather3A_1934 = tpu.vector_load_idx %arg15[%add3A_1933] : memref<512xf32, #tpu.memory_space<vmem>>[vector<16xi32>], vector<16xf32>,
          %add3A_1935 = arith.addf %add3A_1883, %gather3A_1934 : vector<16xf32>
          %mul3A_1936 = arith.constant 16 : i32
          %mul3A_1937 = vector.broadcast %mul3A_1936 : i32 to vector<16xi32>
          %mul3A_1938 = arith.muli %iota3A, %mul3A_1937 : vector<16xi32>
          %add3A_1939 = arith.constant 10 : i32
          %add3A_1940 = vector.broadcast %add3A_1939 : i32 to vector<16xi32>
          %add3A_1941 = arith.addi %mul3A_1938, %add3A_1940 : vector<16xi32>
          %gather3A_1942 = tpu.vector_load_idx %arg15[%add3A_1941] : memref<512xf32, #tpu.memory_space<vmem>>[vector<16xi32>], vector<16xf32>,
          %add3A_1943 = arith.addf %add3A_1891, %gather3A_1942 : vector<16xf32>
          %add3A_1944 = arith.constant 256 : i32
          %add3A_1945 = vector.broadcast %add3A_1944 : i32 to vector<16xi32>
          %add3A_1946 = arith.addi %add3A_1941, %add3A_1945 : vector<16xi32>
          %gather3A_1947 = tpu.vector_load_idx %arg15[%add3A_1946] : memref<512xf32, #tpu.memory_space<vmem>>[vector<16xi32>], vector<16xf32>,
          %add3A_1948 = arith.addf %add3A_1896, %gather3A_1947 : vector<16xf32>
          %mul3A_1949 = arith.constant 16 : i32
          %mul3A_1950 = vector.broadcast %mul3A_1949 : i32 to vector<16xi32>
          %mul3A_1951 = arith.muli %iota3A, %mul3A_1950 : vector<16xi32>
          %add3A_1952 = arith.constant 11 : i32
          %add3A_1953 = vector.broadcast %add3A_1952 : i32 to vector<16xi32>
          %add3A_1954 = arith.addi %mul3A_1951, %add3A_1953 : vector<16xi32>
          %gather3A_1955 = tpu.vector_load_idx %arg15[%add3A_1954] : memref<512xf32, #tpu.memory_space<vmem>>[vector<16xi32>], vector<16xf32>,
          %add3A_1956 = arith.addf %add3A_1904, %gather3A_1955 : vector<16xf32>
          %add3A_1957 = arith.constant 256 : i32
          %add3A_1958 = vector.broadcast %add3A_1957 : i32 to vector<16xi32>
          %add3A_1959 = arith.addi %add3A_1954, %add3A_1958 : vector<16xi32>
          %gather3A_1960 = tpu.vector_load_idx %arg15[%add3A_1959] : memref<512xf32, #tpu.memory_space<vmem>>[vector<16xi32>], vector<16xf32>,
          %add3A_1961 = arith.addf %add3A_1909, %gather3A_1960 : vector<16xf32>
          %mul3A_1962 = arith.constant 16 : i32
          %mul3A_1963 = vector.broadcast %mul3A_1962 : i32 to vector<16xi32>
          %mul3A_1964 = arith.muli %iota3A, %mul3A_1963 : vector<16xi32>
          %add3A_1965 = arith.constant 12 : i32
          %add3A_1966 = vector.broadcast %add3A_1965 : i32 to vector<16xi32>
          %add3A_1967 = arith.addi %mul3A_1964, %add3A_1966 : vector<16xi32>
          %gather3A_1968 = tpu.vector_load_idx %arg15[%add3A_1967] : memref<512xf32, #tpu.memory_space<vmem>>[vector<16xi32>], vector<16xf32>,
          %add3A_1969 = arith.addf %add3A_1917, %gather3A_1968 : vector<16xf32>
          %add3A_1970 = arith.constant 256 : i32
          %add3A_1971 = vector.broadcast %add3A_1970 : i32 to vector<16xi32>
          %add3A_1972 = arith.addi %add3A_1967, %add3A_1971 : vector<16xi32>
          %gather3A_1973 = tpu.vector_load_idx %arg15[%add3A_1972] : memref<512xf32, #tpu.memory_space<vmem>>[vector<16xi32>], vector<16xf32>,
          %add3A_1974 = arith.addf %add3A_1922, %gather3A_1973 : vector<16xf32>
          %mul3A_1975 = arith.constant 16 : i32
          %mul3A_1976 = vector.broadcast %mul3A_1975 : i32 to vector<16xi32>
          %mul3A_1977 = arith.muli %iota3A, %mul3A_1976 : vector<16xi32>
          %add3A_1978 = arith.constant 13 : i32
          %add3A_1979 = vector.broadcast %add3A_1978 : i32 to vector<16xi32>
          %add3A_1980 = arith.addi %mul3A_1977, %add3A_1979 : vector<16xi32>
          %gather3A_1981 = tpu.vector_load_idx %arg15[%add3A_1980] : memref<512xf32, #tpu.memory_space<vmem>>[vector<16xi32>], vector<16xf32>,
          %add3A_1982 = arith.addf %add3A_1930, %gather3A_1981 : vector<16xf32>
          %add3A_1983 = arith.constant 256 : i32
          %add3A_1984 = vector.broadcast %add3A_1983 : i32 to vector<16xi32>
          %add3A_1985 = arith.addi %add3A_1980, %add3A_1984 : vector<16xi32>
          %gather3A_1986 = tpu.vector_load_idx %arg15[%add3A_1985] : memref<512xf32, #tpu.memory_space<vmem>>[vector<16xi32>], vector<16xf32>,
          %add3A_1987 = arith.addf %add3A_1935, %gather3A_1986 : vector<16xf32>
          %mul3A_1988 = arith.constant 16 : i32
          %mul3A_1989 = vector.broadcast %mul3A_1988 : i32 to vector<16xi32>
          %mul3A_1990 = arith.muli %iota3A, %mul3A_1989 : vector<16xi32>
          %add3A_1991 = arith.constant 14 : i32
          %add3A_1992 = vector.broadcast %add3A_1991 : i32 to vector<16xi32>
          %add3A_1993 = arith.addi %mul3A_1990, %add3A_1992 : vector<16xi32>
          %gather3A_1994 = tpu.vector_load_idx %arg15[%add3A_1993] : memref<512xf32, #tpu.memory_space<vmem>>[vector<16xi32>], vector<16xf32>,
          %add3A_1995 = arith.addf %add3A_1943, %gather3A_1994 : vector<16xf32>
          %add3A_1996 = arith.constant 256 : i32
          %add3A_1997 = vector.broadcast %add3A_1996 : i32 to vector<16xi32>
          %add3A_1998 = arith.addi %add3A_1993, %add3A_1997 : vector<16xi32>
          %gather3A_1999 = tpu.vector_load_idx %arg15[%add3A_1998] : memref<512xf32, #tpu.memory_space<vmem>>[vector<16xi32>], vector<16xf32>,
          %add3A_2000 = arith.addf %add3A_1948, %gather3A_1999 : vector<16xf32>
          %mul3A_2001 = arith.constant 16 : i32
          %mul3A_2002 = vector.broadcast %mul3A_2001 : i32 to vector<16xi32>
          %mul3A_2003 = arith.muli %iota3A, %mul3A_2002 : vector<16xi32>
          %add3A_2004 = arith.constant 15 : i32
          %add3A_2005 = vector.broadcast %add3A_2004 : i32 to vector<16xi32>
          %add3A_2006 = arith.addi %mul3A_2003, %add3A_2005 : vector<16xi32>
          %gather3A_2007 = tpu.vector_load_idx %arg15[%add3A_2006] : memref<512xf32, #tpu.memory_space<vmem>>[vector<16xi32>], vector<16xf32>,
          %add3A_2008 = arith.addf %add3A_1956, %gather3A_2007 : vector<16xf32>
          %add3A_2009 = arith.constant 256 : i32
          %add3A_2010 = vector.broadcast %add3A_2009 : i32 to vector<16xi32>
          %add3A_2011 = arith.addi %add3A_2006, %add3A_2010 : vector<16xi32>
          %gather3A_2012 = tpu.vector_load_idx %arg15[%add3A_2011] : memref<512xf32, #tpu.memory_space<vmem>>[vector<16xi32>], vector<16xf32>,
          %add3A_2013 = arith.addf %add3A_1961, %gather3A_2012 : vector<16xf32>
          %add3A_2014 = arith.addf %add3A_1969, %add3A_1982 : vector<16xf32>
          %add3A_2015 = arith.addf %add3A_1995, %add3A_2008 : vector<16xf32>
          %add3A_2016 = arith.addf %add3A_2014, %add3A_2015 : vector<16xf32>
          %add3A_2017 = arith.addf %add3A_1974, %add3A_1987 : vector<16xf32>
          %add3A_2018 = arith.addf %add3A_2000, %add3A_2013 : vector<16xf32>
          %add3A_2019 = arith.addf %add3A_2017, %add3A_2018 : vector<16xf32>
          %lt3A_2020 = arith.constant 5 : i32
          %lt3A_2021 = vector.broadcast %lt3A_2020 : i32 to vector<16xi32>
          %lt3A_2022 = arith.cmpi slt, %iota3A, %lt3A_2021 : vector<16xi32>
          %neg3A_2023 = arith.constant 0.000000e+00 : f32
          %neg3A_2024 = vector.broadcast %neg3A_2023 : f32 to vector<16xf32>
          %neg3A_2025 = arith.subf %neg3A_2024, %add3A_2016 : vector<16xf32>
          %select_n3A_2026 = arith.select %lt3A_2022, %add3A_2016, %neg3A_2025 : vector<16xi1>, vector<16xf32>
          %abs3A = math.absf %select_n3A_2026 : vector<16xf32>
          %neg3A_2027 = arith.constant 0.000000e+00 : f32
          %neg3A_2028 = vector.broadcast %neg3A_2027 : f32 to vector<16xf32>
          %neg3A_2029 = arith.subf %neg3A_2028, %abs3A : vector<16xf32>
          %exp3A = math.exp %neg3A_2029 : vector<16xf32>
          %add3A_2030 = arith.constant 2.000000e+00 : f32
          %add3A_2031 = vector.broadcast %add3A_2030 : f32 to vector<16xf32>
          %add3A_2032 = arith.addf %add3A_2031, %exp3A : vector<16xf32>
          %div3A_2033 = arith.divf %exp3A, %add3A_2032 : vector<16xf32>
          %mul3A_2034 = arith.mulf %div3A_2033, %div3A_2033 : vector<16xf32>
          %mul3A_2035 = arith.constant 2.000000e+00 : f32
          %mul3A_2036 = vector.broadcast %mul3A_2035 : f32 to vector<16xf32>
          %mul3A_2037 = arith.mulf %mul3A_2036, %div3A_2033 : vector<16xf32>
          %mul3A_2038 = arith.constant 0.111111112 : f32
          %mul3A_2039 = vector.broadcast %mul3A_2038 : f32 to vector<16xf32>
          %mul3A_2040 = arith.mulf %mul3A_2034, %mul3A_2039 : vector<16xf32>
          %add3A_2041 = arith.constant 0.142857149 : f32
          %add3A_2042 = vector.broadcast %add3A_2041 : f32 to vector<16xf32>
          %add3A_2043 = arith.addf %add3A_2042, %mul3A_2040 : vector<16xf32>
          %mul3A_2044 = arith.mulf %mul3A_2034, %add3A_2043 : vector<16xf32>
          %add3A_2045 = arith.constant 2.000000e-01 : f32
          %add3A_2046 = vector.broadcast %add3A_2045 : f32 to vector<16xf32>
          %add3A_2047 = arith.addf %add3A_2046, %mul3A_2044 : vector<16xf32>
          %mul3A_2048 = arith.mulf %mul3A_2034, %add3A_2047 : vector<16xf32>
          %add3A_2049 = arith.constant 0.333333343 : f32
          %add3A_2050 = vector.broadcast %add3A_2049 : f32 to vector<16xf32>
          %add3A_2051 = arith.addf %add3A_2050, %mul3A_2048 : vector<16xf32>
          %mul3A_2052 = arith.mulf %mul3A_2034, %add3A_2051 : vector<16xf32>
          %add3A_2053 = arith.constant 1.000000e+00 : f32
          %add3A_2054 = vector.broadcast %add3A_2053 : f32 to vector<16xf32>
          %add3A_2055 = arith.addf %add3A_2054, %mul3A_2052 : vector<16xf32>
          %mul3A_2056 = arith.mulf %mul3A_2037, %add3A_2055 : vector<16xf32>
          %min3A = arith.constant 0.000000e+00 : f32
          %min3A_2057 = vector.broadcast %min3A : f32 to vector<16xf32>
          %min3A_2058 = arith.minimumf %select_n3A_2026, %min3A_2057 : vector<16xf32>
          %sub3A_2059 = arith.subf %min3A_2058, %mul3A_2056 : vector<16xf32>
          %lt3A_2060 = arith.constant 9 : i32
          %lt3A_2061 = vector.broadcast %lt3A_2060 : i32 to vector<16xi32>
          %lt3A_2062 = arith.cmpi slt, %iota3A, %lt3A_2061 : vector<16xi32>
          %neg3A_2063 = arith.constant 0.000000e+00 : f32
          %neg3A_2064 = vector.broadcast %neg3A_2063 : f32 to vector<16xf32>
          %neg3A_2065 = arith.subf %neg3A_2064, %add3A_2019 : vector<16xf32>
          %abs3A_2066 = math.absf %neg3A_2065 : vector<16xf32>
          %neg3A_2067 = arith.constant 0.000000e+00 : f32
          %neg3A_2068 = vector.broadcast %neg3A_2067 : f32 to vector<16xf32>
          %neg3A_2069 = arith.subf %neg3A_2068, %abs3A_2066 : vector<16xf32>
          %exp3A_2070 = math.exp %neg3A_2069 : vector<16xf32>
          %add3A_2071 = arith.constant 2.000000e+00 : f32
          %add3A_2072 = vector.broadcast %add3A_2071 : f32 to vector<16xf32>
          %add3A_2073 = arith.addf %add3A_2072, %exp3A_2070 : vector<16xf32>
          %div3A_2074 = arith.divf %exp3A_2070, %add3A_2073 : vector<16xf32>
          %mul3A_2075 = arith.mulf %div3A_2074, %div3A_2074 : vector<16xf32>
          %mul3A_2076 = arith.constant 2.000000e+00 : f32
          %mul3A_2077 = vector.broadcast %mul3A_2076 : f32 to vector<16xf32>
          %mul3A_2078 = arith.mulf %mul3A_2077, %div3A_2074 : vector<16xf32>
          %mul3A_2079 = arith.constant 0.111111112 : f32
          %mul3A_2080 = vector.broadcast %mul3A_2079 : f32 to vector<16xf32>
          %mul3A_2081 = arith.mulf %mul3A_2075, %mul3A_2080 : vector<16xf32>
          %add3A_2082 = arith.constant 0.142857149 : f32
          %add3A_2083 = vector.broadcast %add3A_2082 : f32 to vector<16xf32>
          %add3A_2084 = arith.addf %add3A_2083, %mul3A_2081 : vector<16xf32>
          %mul3A_2085 = arith.mulf %mul3A_2075, %add3A_2084 : vector<16xf32>
          %add3A_2086 = arith.constant 2.000000e-01 : f32
          %add3A_2087 = vector.broadcast %add3A_2086 : f32 to vector<16xf32>
          %add3A_2088 = arith.addf %add3A_2087, %mul3A_2085 : vector<16xf32>
          %mul3A_2089 = arith.mulf %mul3A_2075, %add3A_2088 : vector<16xf32>
          %add3A_2090 = arith.constant 0.333333343 : f32
          %add3A_2091 = vector.broadcast %add3A_2090 : f32 to vector<16xf32>
          %add3A_2092 = arith.addf %add3A_2091, %mul3A_2089 : vector<16xf32>
          %mul3A_2093 = arith.mulf %mul3A_2075, %add3A_2092 : vector<16xf32>
          %add3A_2094 = arith.constant 1.000000e+00 : f32
          %add3A_2095 = vector.broadcast %add3A_2094 : f32 to vector<16xf32>
          %add3A_2096 = arith.addf %add3A_2095, %mul3A_2093 : vector<16xf32>
          %mul3A_2097 = arith.mulf %mul3A_2078, %add3A_2096 : vector<16xf32>
          %min3A_2098 = arith.constant 0.000000e+00 : f32
          %min3A_2099 = vector.broadcast %min3A_2098 : f32 to vector<16xf32>
          %min3A_2100 = arith.minimumf %neg3A_2065, %min3A_2099 : vector<16xf32>
          %sub3A_2101 = arith.subf %min3A_2100, %mul3A_2097 : vector<16xf32>
          %jit3A_2102 = arith.constant 0.000000e+00 : f32
          %broadcast_in_dim3A_2103 = vector.broadcast %jit3A_2102 : f32 to vector<16xf32>
          %select_n3A_2104 = arith.select %lt3A_2062, %sub3A_2101, %broadcast_in_dim3A_2103 : vector<16xi1>, vector<16xf32>
          %add3A_2105 = arith.addf %sub3A_2059, %select_n3A_2104 : vector<16xf32>
          %mul3A_2106 = arith.constant 16 : i32
          %mul3A_2107 = arith.muli %scan3A_1067, %mul3A_2106 : i32
          %swap3A_2108 = arith.index_cast %mul3A_2107 : i32 to index
          %swap3A_2109 = tpu.vector_load %arg16[%swap3A_2108] {strides = array<i32>} : memref<512xf32, #tpu.memory_space<vmem>>, vector<16xf32>,
          tpu.vector_store %arg16[%swap3A_2108], %add3A_2105 {strides = array<i32>} : memref<512xf32, #tpu.memory_space<vmem>>, vector<16xf32>,
        }
        %scan3A_698 = arith.constant 32 : i32
        %mul3A_699 = arith.constant 16 : i32
        %mul3A_700 = vector.broadcast %mul3A_699 : i32 to vector<16xi32>
        %mul3A_701 = arith.muli %iota3A, %mul3A_700 : vector<16xi32>
        %add3A_702 = arith.constant 0 : i32
        %add3A_703 = vector.broadcast %add3A_702 : i32 to vector<16xi32>
        %add3A_704 = arith.addi %mul3A_701, %add3A_703 : vector<16xi32>
        %add3A_705 = arith.constant 0 : i32
        %add3A_706 = vector.broadcast %add3A_705 : i32 to vector<16xi32>
        %add3A_707 = arith.addi %add3A_704, %add3A_706 : vector<16xi32>
        %gather3A_708 = tpu.vector_load_idx %arg16[%add3A_707] : memref<512xf32, #tpu.memory_space<vmem>>[vector<16xi32>], vector<16xf32>,
        %add3A_709 = arith.addf %broadcast_in_dim3A_3, %gather3A_708 : vector<16xf32>
        %mul3A_710 = arith.constant 16 : i32
        %mul3A_711 = vector.broadcast %mul3A_710 : i32 to vector<16xi32>
        %mul3A_712 = arith.muli %iota3A, %mul3A_711 : vector<16xi32>
        %add3A_713 = arith.constant 1 : i32
        %add3A_714 = vector.broadcast %add3A_713 : i32 to vector<16xi32>
        %add3A_715 = arith.addi %mul3A_712, %add3A_714 : vector<16xi32>
        %add3A_716 = arith.constant 0 : i32
        %add3A_717 = vector.broadcast %add3A_716 : i32 to vector<16xi32>
        %add3A_718 = arith.addi %add3A_715, %add3A_717 : vector<16xi32>
        %gather3A_719 = tpu.vector_load_idx %arg16[%add3A_718] : memref<512xf32, #tpu.memory_space<vmem>>[vector<16xi32>], vector<16xf32>,
        %add3A_720 = arith.addf %broadcast_in_dim3A_3, %gather3A_719 : vector<16xf32>
        %mul3A_721 = arith.constant 16 : i32
        %mul3A_722 = vector.broadcast %mul3A_721 : i32 to vector<16xi32>
        %mul3A_723 = arith.muli %iota3A, %mul3A_722 : vector<16xi32>
        %add3A_724 = arith.constant 2 : i32
        %add3A_725 = vector.broadcast %add3A_724 : i32 to vector<16xi32>
        %add3A_726 = arith.addi %mul3A_723, %add3A_725 : vector<16xi32>
        %add3A_727 = arith.constant 0 : i32
        %add3A_728 = vector.broadcast %add3A_727 : i32 to vector<16xi32>
        %add3A_729 = arith.addi %add3A_726, %add3A_728 : vector<16xi32>
        %gather3A_730 = tpu.vector_load_idx %arg16[%add3A_729] : memref<512xf32, #tpu.memory_space<vmem>>[vector<16xi32>], vector<16xf32>,
        %add3A_731 = arith.addf %broadcast_in_dim3A_3, %gather3A_730 : vector<16xf32>
        %mul3A_732 = arith.constant 16 : i32
        %mul3A_733 = vector.broadcast %mul3A_732 : i32 to vector<16xi32>
        %mul3A_734 = arith.muli %iota3A, %mul3A_733 : vector<16xi32>
        %add3A_735 = arith.constant 3 : i32
        %add3A_736 = vector.broadcast %add3A_735 : i32 to vector<16xi32>
        %add3A_737 = arith.addi %mul3A_734, %add3A_736 : vector<16xi32>
        %add3A_738 = arith.constant 0 : i32
        %add3A_739 = vector.broadcast %add3A_738 : i32 to vector<16xi32>
        %add3A_740 = arith.addi %add3A_737, %add3A_739 : vector<16xi32>
        %gather3A_741 = tpu.vector_load_idx %arg16[%add3A_740] : memref<512xf32, #tpu.memory_space<vmem>>[vector<16xi32>], vector<16xf32>,
        %add3A_742 = arith.addf %broadcast_in_dim3A_3, %gather3A_741 : vector<16xf32>
        %mul3A_743 = arith.constant 16 : i32
        %mul3A_744 = vector.broadcast %mul3A_743 : i32 to vector<16xi32>
        %mul3A_745 = arith.muli %iota3A, %mul3A_744 : vector<16xi32>
        %add3A_746 = arith.constant 4 : i32
        %add3A_747 = vector.broadcast %add3A_746 : i32 to vector<16xi32>
        %add3A_748 = arith.addi %mul3A_745, %add3A_747 : vector<16xi32>
        %add3A_749 = arith.constant 0 : i32
        %add3A_750 = vector.broadcast %add3A_749 : i32 to vector<16xi32>
        %add3A_751 = arith.addi %add3A_748, %add3A_750 : vector<16xi32>
        %gather3A_752 = tpu.vector_load_idx %arg16[%add3A_751] : memref<512xf32, #tpu.memory_space<vmem>>[vector<16xi32>], vector<16xf32>,
        %add3A_753 = arith.addf %add3A_709, %gather3A_752 : vector<16xf32>
        %mul3A_754 = arith.constant 16 : i32
        %mul3A_755 = vector.broadcast %mul3A_754 : i32 to vector<16xi32>
        %mul3A_756 = arith.muli %iota3A, %mul3A_755 : vector<16xi32>
        %add3A_757 = arith.constant 5 : i32
        %add3A_758 = vector.broadcast %add3A_757 : i32 to vector<16xi32>
        %add3A_759 = arith.addi %mul3A_756, %add3A_758 : vector<16xi32>
        %add3A_760 = arith.constant 0 : i32
        %add3A_761 = vector.broadcast %add3A_760 : i32 to vector<16xi32>
        %add3A_762 = arith.addi %add3A_759, %add3A_761 : vector<16xi32>
        %gather3A_763 = tpu.vector_load_idx %arg16[%add3A_762] : memref<512xf32, #tpu.memory_space<vmem>>[vector<16xi32>], vector<16xf32>,
        %add3A_764 = arith.addf %add3A_720, %gather3A_763 : vector<16xf32>
        %mul3A_765 = arith.constant 16 : i32
        %mul3A_766 = vector.broadcast %mul3A_765 : i32 to vector<16xi32>
        %mul3A_767 = arith.muli %iota3A, %mul3A_766 : vector<16xi32>
        %add3A_768 = arith.constant 6 : i32
        %add3A_769 = vector.broadcast %add3A_768 : i32 to vector<16xi32>
        %add3A_770 = arith.addi %mul3A_767, %add3A_769 : vector<16xi32>
        %add3A_771 = arith.constant 0 : i32
        %add3A_772 = vector.broadcast %add3A_771 : i32 to vector<16xi32>
        %add3A_773 = arith.addi %add3A_770, %add3A_772 : vector<16xi32>
        %gather3A_774 = tpu.vector_load_idx %arg16[%add3A_773] : memref<512xf32, #tpu.memory_space<vmem>>[vector<16xi32>], vector<16xf32>,
        %add3A_775 = arith.addf %add3A_731, %gather3A_774 : vector<16xf32>
        %mul3A_776 = arith.constant 16 : i32
        %mul3A_777 = vector.broadcast %mul3A_776 : i32 to vector<16xi32>
        %mul3A_778 = arith.muli %iota3A, %mul3A_777 : vector<16xi32>
        %add3A_779 = arith.constant 7 : i32
        %add3A_780 = vector.broadcast %add3A_779 : i32 to vector<16xi32>
        %add3A_781 = arith.addi %mul3A_778, %add3A_780 : vector<16xi32>
        %add3A_782 = arith.constant 0 : i32
        %add3A_783 = vector.broadcast %add3A_782 : i32 to vector<16xi32>
        %add3A_784 = arith.addi %add3A_781, %add3A_783 : vector<16xi32>
        %gather3A_785 = tpu.vector_load_idx %arg16[%add3A_784] : memref<512xf32, #tpu.memory_space<vmem>>[vector<16xi32>], vector<16xf32>,
        %add3A_786 = arith.addf %add3A_742, %gather3A_785 : vector<16xf32>
        %mul3A_787 = arith.constant 16 : i32
        %mul3A_788 = vector.broadcast %mul3A_787 : i32 to vector<16xi32>
        %mul3A_789 = arith.muli %iota3A, %mul3A_788 : vector<16xi32>
        %add3A_790 = arith.constant 8 : i32
        %add3A_791 = vector.broadcast %add3A_790 : i32 to vector<16xi32>
        %add3A_792 = arith.addi %mul3A_789, %add3A_791 : vector<16xi32>
        %add3A_793 = arith.constant 0 : i32
        %add3A_794 = vector.broadcast %add3A_793 : i32 to vector<16xi32>
        %add3A_795 = arith.addi %add3A_792, %add3A_794 : vector<16xi32>
        %gather3A_796 = tpu.vector_load_idx %arg16[%add3A_795] : memref<512xf32, #tpu.memory_space<vmem>>[vector<16xi32>], vector<16xf32>,
        %add3A_797 = arith.addf %add3A_753, %gather3A_796 : vector<16xf32>
        %mul3A_798 = arith.constant 16 : i32
        %mul3A_799 = vector.broadcast %mul3A_798 : i32 to vector<16xi32>
        %mul3A_800 = arith.muli %iota3A, %mul3A_799 : vector<16xi32>
        %add3A_801 = arith.constant 9 : i32
        %add3A_802 = vector.broadcast %add3A_801 : i32 to vector<16xi32>
        %add3A_803 = arith.addi %mul3A_800, %add3A_802 : vector<16xi32>
        %add3A_804 = arith.constant 0 : i32
        %add3A_805 = vector.broadcast %add3A_804 : i32 to vector<16xi32>
        %add3A_806 = arith.addi %add3A_803, %add3A_805 : vector<16xi32>
        %gather3A_807 = tpu.vector_load_idx %arg16[%add3A_806] : memref<512xf32, #tpu.memory_space<vmem>>[vector<16xi32>], vector<16xf32>,
        %add3A_808 = arith.addf %add3A_764, %gather3A_807 : vector<16xf32>
        %mul3A_809 = arith.constant 16 : i32
        %mul3A_810 = vector.broadcast %mul3A_809 : i32 to vector<16xi32>
        %mul3A_811 = arith.muli %iota3A, %mul3A_810 : vector<16xi32>
        %add3A_812 = arith.constant 10 : i32
        %add3A_813 = vector.broadcast %add3A_812 : i32 to vector<16xi32>
        %add3A_814 = arith.addi %mul3A_811, %add3A_813 : vector<16xi32>
        %add3A_815 = arith.constant 0 : i32
        %add3A_816 = vector.broadcast %add3A_815 : i32 to vector<16xi32>
        %add3A_817 = arith.addi %add3A_814, %add3A_816 : vector<16xi32>
        %gather3A_818 = tpu.vector_load_idx %arg16[%add3A_817] : memref<512xf32, #tpu.memory_space<vmem>>[vector<16xi32>], vector<16xf32>,
        %add3A_819 = arith.addf %add3A_775, %gather3A_818 : vector<16xf32>
        %mul3A_820 = arith.constant 16 : i32
        %mul3A_821 = vector.broadcast %mul3A_820 : i32 to vector<16xi32>
        %mul3A_822 = arith.muli %iota3A, %mul3A_821 : vector<16xi32>
        %add3A_823 = arith.constant 11 : i32
        %add3A_824 = vector.broadcast %add3A_823 : i32 to vector<16xi32>
        %add3A_825 = arith.addi %mul3A_822, %add3A_824 : vector<16xi32>
        %add3A_826 = arith.constant 0 : i32
        %add3A_827 = vector.broadcast %add3A_826 : i32 to vector<16xi32>
        %add3A_828 = arith.addi %add3A_825, %add3A_827 : vector<16xi32>
        %gather3A_829 = tpu.vector_load_idx %arg16[%add3A_828] : memref<512xf32, #tpu.memory_space<vmem>>[vector<16xi32>], vector<16xf32>,
        %add3A_830 = arith.addf %add3A_786, %gather3A_829 : vector<16xf32>
        %mul3A_831 = arith.constant 16 : i32
        %mul3A_832 = vector.broadcast %mul3A_831 : i32 to vector<16xi32>
        %mul3A_833 = arith.muli %iota3A, %mul3A_832 : vector<16xi32>
        %add3A_834 = arith.constant 12 : i32
        %add3A_835 = vector.broadcast %add3A_834 : i32 to vector<16xi32>
        %add3A_836 = arith.addi %mul3A_833, %add3A_835 : vector<16xi32>
        %add3A_837 = arith.constant 0 : i32
        %add3A_838 = vector.broadcast %add3A_837 : i32 to vector<16xi32>
        %add3A_839 = arith.addi %add3A_836, %add3A_838 : vector<16xi32>
        %gather3A_840 = tpu.vector_load_idx %arg16[%add3A_839] : memref<512xf32, #tpu.memory_space<vmem>>[vector<16xi32>], vector<16xf32>,
        %add3A_841 = arith.addf %add3A_797, %gather3A_840 : vector<16xf32>
        %mul3A_842 = arith.constant 16 : i32
        %mul3A_843 = vector.broadcast %mul3A_842 : i32 to vector<16xi32>
        %mul3A_844 = arith.muli %iota3A, %mul3A_843 : vector<16xi32>
        %add3A_845 = arith.constant 13 : i32
        %add3A_846 = vector.broadcast %add3A_845 : i32 to vector<16xi32>
        %add3A_847 = arith.addi %mul3A_844, %add3A_846 : vector<16xi32>
        %add3A_848 = arith.constant 0 : i32
        %add3A_849 = vector.broadcast %add3A_848 : i32 to vector<16xi32>
        %add3A_850 = arith.addi %add3A_847, %add3A_849 : vector<16xi32>
        %gather3A_851 = tpu.vector_load_idx %arg16[%add3A_850] : memref<512xf32, #tpu.memory_space<vmem>>[vector<16xi32>], vector<16xf32>,
        %add3A_852 = arith.addf %add3A_808, %gather3A_851 : vector<16xf32>
        %mul3A_853 = arith.constant 16 : i32
        %mul3A_854 = vector.broadcast %mul3A_853 : i32 to vector<16xi32>
        %mul3A_855 = arith.muli %iota3A, %mul3A_854 : vector<16xi32>
        %add3A_856 = arith.constant 14 : i32
        %add3A_857 = vector.broadcast %add3A_856 : i32 to vector<16xi32>
        %add3A_858 = arith.addi %mul3A_855, %add3A_857 : vector<16xi32>
        %add3A_859 = arith.constant 0 : i32
        %add3A_860 = vector.broadcast %add3A_859 : i32 to vector<16xi32>
        %add3A_861 = arith.addi %add3A_858, %add3A_860 : vector<16xi32>
        %gather3A_862 = tpu.vector_load_idx %arg16[%add3A_861] : memref<512xf32, #tpu.memory_space<vmem>>[vector<16xi32>], vector<16xf32>,
        %add3A_863 = arith.addf %add3A_819, %gather3A_862 : vector<16xf32>
        %mul3A_864 = arith.constant 16 : i32
        %mul3A_865 = vector.broadcast %mul3A_864 : i32 to vector<16xi32>
        %mul3A_866 = arith.muli %iota3A, %mul3A_865 : vector<16xi32>
        %add3A_867 = arith.constant 15 : i32
        %add3A_868 = vector.broadcast %add3A_867 : i32 to vector<16xi32>
        %add3A_869 = arith.addi %mul3A_866, %add3A_868 : vector<16xi32>
        %add3A_870 = arith.constant 0 : i32
        %add3A_871 = vector.broadcast %add3A_870 : i32 to vector<16xi32>
        %add3A_872 = arith.addi %add3A_869, %add3A_871 : vector<16xi32>
        %gather3A_873 = tpu.vector_load_idx %arg16[%add3A_872] : memref<512xf32, #tpu.memory_space<vmem>>[vector<16xi32>], vector<16xf32>,
        %add3A_874 = arith.addf %add3A_830, %gather3A_873 : vector<16xf32>
        %add3A_875 = arith.addf %add3A_841, %add3A_852 : vector<16xf32>
        %add3A_876 = arith.addf %add3A_863, %add3A_874 : vector<16xf32>
        %add3A_877 = arith.addf %add3A_875, %add3A_876 : vector<16xf32>
        %neg3A_878 = arith.constant 0.000000e+00 : f32
        %neg3A_879 = vector.broadcast %neg3A_878 : f32 to vector<16xf32>
        %neg3A_880 = arith.subf %neg3A_879, %add3A_877 : vector<16xf32>
        %swap3A_881 = arith.constant 0 : index
        %swap3A_882 = tpu.vector_load %arg17[%swap3A_881] {strides = array<i32>} : memref<32xf32, #tpu.memory_space<vmem>>, vector<16xf32>,
        tpu.vector_store %arg17[%swap3A_881], %neg3A_880 {strides = array<i32>} : memref<32xf32, #tpu.memory_space<vmem>>, vector<16xf32>,
        %mul3A_883 = arith.constant 16 : i32
        %mul3A_884 = vector.broadcast %mul3A_883 : i32 to vector<16xi32>
        %mul3A_885 = arith.muli %iota3A, %mul3A_884 : vector<16xi32>
        %add3A_886 = arith.constant 0 : i32
        %add3A_887 = vector.broadcast %add3A_886 : i32 to vector<16xi32>
        %add3A_888 = arith.addi %mul3A_885, %add3A_887 : vector<16xi32>
        %add3A_889 = arith.constant 256 : i32
        %add3A_890 = vector.broadcast %add3A_889 : i32 to vector<16xi32>
        %add3A_891 = arith.addi %add3A_888, %add3A_890 : vector<16xi32>
        %gather3A_892 = tpu.vector_load_idx %arg16[%add3A_891] : memref<512xf32, #tpu.memory_space<vmem>>[vector<16xi32>], vector<16xf32>,
        %add3A_893 = arith.addf %broadcast_in_dim3A_3, %gather3A_892 : vector<16xf32>
        %mul3A_894 = arith.constant 16 : i32
        %mul3A_895 = vector.broadcast %mul3A_894 : i32 to vector<16xi32>
        %mul3A_896 = arith.muli %iota3A, %mul3A_895 : vector<16xi32>
        %add3A_897 = arith.constant 1 : i32
        %add3A_898 = vector.broadcast %add3A_897 : i32 to vector<16xi32>
        %add3A_899 = arith.addi %mul3A_896, %add3A_898 : vector<16xi32>
        %add3A_900 = arith.constant 256 : i32
        %add3A_901 = vector.broadcast %add3A_900 : i32 to vector<16xi32>
        %add3A_902 = arith.addi %add3A_899, %add3A_901 : vector<16xi32>
        %gather3A_903 = tpu.vector_load_idx %arg16[%add3A_902] : memref<512xf32, #tpu.memory_space<vmem>>[vector<16xi32>], vector<16xf32>,
        %add3A_904 = arith.addf %broadcast_in_dim3A_3, %gather3A_903 : vector<16xf32>
        %mul3A_905 = arith.constant 16 : i32
        %mul3A_906 = vector.broadcast %mul3A_905 : i32 to vector<16xi32>
        %mul3A_907 = arith.muli %iota3A, %mul3A_906 : vector<16xi32>
        %add3A_908 = arith.constant 2 : i32
        %add3A_909 = vector.broadcast %add3A_908 : i32 to vector<16xi32>
        %add3A_910 = arith.addi %mul3A_907, %add3A_909 : vector<16xi32>
        %add3A_911 = arith.constant 256 : i32
        %add3A_912 = vector.broadcast %add3A_911 : i32 to vector<16xi32>
        %add3A_913 = arith.addi %add3A_910, %add3A_912 : vector<16xi32>
        %gather3A_914 = tpu.vector_load_idx %arg16[%add3A_913] : memref<512xf32, #tpu.memory_space<vmem>>[vector<16xi32>], vector<16xf32>,
        %add3A_915 = arith.addf %broadcast_in_dim3A_3, %gather3A_914 : vector<16xf32>
        %mul3A_916 = arith.constant 16 : i32
        %mul3A_917 = vector.broadcast %mul3A_916 : i32 to vector<16xi32>
        %mul3A_918 = arith.muli %iota3A, %mul3A_917 : vector<16xi32>
        %add3A_919 = arith.constant 3 : i32
        %add3A_920 = vector.broadcast %add3A_919 : i32 to vector<16xi32>
        %add3A_921 = arith.addi %mul3A_918, %add3A_920 : vector<16xi32>
        %add3A_922 = arith.constant 256 : i32
        %add3A_923 = vector.broadcast %add3A_922 : i32 to vector<16xi32>
        %add3A_924 = arith.addi %add3A_921, %add3A_923 : vector<16xi32>
        %gather3A_925 = tpu.vector_load_idx %arg16[%add3A_924] : memref<512xf32, #tpu.memory_space<vmem>>[vector<16xi32>], vector<16xf32>,
        %add3A_926 = arith.addf %broadcast_in_dim3A_3, %gather3A_925 : vector<16xf32>
        %mul3A_927 = arith.constant 16 : i32
        %mul3A_928 = vector.broadcast %mul3A_927 : i32 to vector<16xi32>
        %mul3A_929 = arith.muli %iota3A, %mul3A_928 : vector<16xi32>
        %add3A_930 = arith.constant 4 : i32
        %add3A_931 = vector.broadcast %add3A_930 : i32 to vector<16xi32>
        %add3A_932 = arith.addi %mul3A_929, %add3A_931 : vector<16xi32>
        %add3A_933 = arith.constant 256 : i32
        %add3A_934 = vector.broadcast %add3A_933 : i32 to vector<16xi32>
        %add3A_935 = arith.addi %add3A_932, %add3A_934 : vector<16xi32>
        %gather3A_936 = tpu.vector_load_idx %arg16[%add3A_935] : memref<512xf32, #tpu.memory_space<vmem>>[vector<16xi32>], vector<16xf32>,
        %add3A_937 = arith.addf %add3A_893, %gather3A_936 : vector<16xf32>
        %mul3A_938 = arith.constant 16 : i32
        %mul3A_939 = vector.broadcast %mul3A_938 : i32 to vector<16xi32>
        %mul3A_940 = arith.muli %iota3A, %mul3A_939 : vector<16xi32>
        %add3A_941 = arith.constant 5 : i32
        %add3A_942 = vector.broadcast %add3A_941 : i32 to vector<16xi32>
        %add3A_943 = arith.addi %mul3A_940, %add3A_942 : vector<16xi32>
        %add3A_944 = arith.constant 256 : i32
        %add3A_945 = vector.broadcast %add3A_944 : i32 to vector<16xi32>
        %add3A_946 = arith.addi %add3A_943, %add3A_945 : vector<16xi32>
        %gather3A_947 = tpu.vector_load_idx %arg16[%add3A_946] : memref<512xf32, #tpu.memory_space<vmem>>[vector<16xi32>], vector<16xf32>,
        %add3A_948 = arith.addf %add3A_904, %gather3A_947 : vector<16xf32>
        %mul3A_949 = arith.constant 16 : i32
        %mul3A_950 = vector.broadcast %mul3A_949 : i32 to vector<16xi32>
        %mul3A_951 = arith.muli %iota3A, %mul3A_950 : vector<16xi32>
        %add3A_952 = arith.constant 6 : i32
        %add3A_953 = vector.broadcast %add3A_952 : i32 to vector<16xi32>
        %add3A_954 = arith.addi %mul3A_951, %add3A_953 : vector<16xi32>
        %add3A_955 = arith.constant 256 : i32
        %add3A_956 = vector.broadcast %add3A_955 : i32 to vector<16xi32>
        %add3A_957 = arith.addi %add3A_954, %add3A_956 : vector<16xi32>
        %gather3A_958 = tpu.vector_load_idx %arg16[%add3A_957] : memref<512xf32, #tpu.memory_space<vmem>>[vector<16xi32>], vector<16xf32>,
        %add3A_959 = arith.addf %add3A_915, %gather3A_958 : vector<16xf32>
        %mul3A_960 = arith.constant 16 : i32
        %mul3A_961 = vector.broadcast %mul3A_960 : i32 to vector<16xi32>
        %mul3A_962 = arith.muli %iota3A, %mul3A_961 : vector<16xi32>
        %add3A_963 = arith.constant 7 : i32
        %add3A_964 = vector.broadcast %add3A_963 : i32 to vector<16xi32>
        %add3A_965 = arith.addi %mul3A_962, %add3A_964 : vector<16xi32>
        %add3A_966 = arith.constant 256 : i32
        %add3A_967 = vector.broadcast %add3A_966 : i32 to vector<16xi32>
        %add3A_968 = arith.addi %add3A_965, %add3A_967 : vector<16xi32>
        %gather3A_969 = tpu.vector_load_idx %arg16[%add3A_968] : memref<512xf32, #tpu.memory_space<vmem>>[vector<16xi32>], vector<16xf32>,
        %add3A_970 = arith.addf %add3A_926, %gather3A_969 : vector<16xf32>
        %mul3A_971 = arith.constant 16 : i32
        %mul3A_972 = vector.broadcast %mul3A_971 : i32 to vector<16xi32>
        %mul3A_973 = arith.muli %iota3A, %mul3A_972 : vector<16xi32>
        %add3A_974 = arith.constant 8 : i32
        %add3A_975 = vector.broadcast %add3A_974 : i32 to vector<16xi32>
        %add3A_976 = arith.addi %mul3A_973, %add3A_975 : vector<16xi32>
        %add3A_977 = arith.constant 256 : i32
        %add3A_978 = vector.broadcast %add3A_977 : i32 to vector<16xi32>
        %add3A_979 = arith.addi %add3A_976, %add3A_978 : vector<16xi32>
        %gather3A_980 = tpu.vector_load_idx %arg16[%add3A_979] : memref<512xf32, #tpu.memory_space<vmem>>[vector<16xi32>], vector<16xf32>,
        %add3A_981 = arith.addf %add3A_937, %gather3A_980 : vector<16xf32>
        %mul3A_982 = arith.constant 16 : i32
        %mul3A_983 = vector.broadcast %mul3A_982 : i32 to vector<16xi32>
        %mul3A_984 = arith.muli %iota3A, %mul3A_983 : vector<16xi32>
        %add3A_985 = arith.constant 9 : i32
        %add3A_986 = vector.broadcast %add3A_985 : i32 to vector<16xi32>
        %add3A_987 = arith.addi %mul3A_984, %add3A_986 : vector<16xi32>
        %add3A_988 = arith.constant 256 : i32
        %add3A_989 = vector.broadcast %add3A_988 : i32 to vector<16xi32>
        %add3A_990 = arith.addi %add3A_987, %add3A_989 : vector<16xi32>
        %gather3A_991 = tpu.vector_load_idx %arg16[%add3A_990] : memref<512xf32, #tpu.memory_space<vmem>>[vector<16xi32>], vector<16xf32>,
        %add3A_992 = arith.addf %add3A_948, %gather3A_991 : vector<16xf32>
        %mul3A_993 = arith.constant 16 : i32
        %mul3A_994 = vector.broadcast %mul3A_993 : i32 to vector<16xi32>
        %mul3A_995 = arith.muli %iota3A, %mul3A_994 : vector<16xi32>
        %add3A_996 = arith.constant 10 : i32
        %add3A_997 = vector.broadcast %add3A_996 : i32 to vector<16xi32>
        %add3A_998 = arith.addi %mul3A_995, %add3A_997 : vector<16xi32>
        %add3A_999 = arith.constant 256 : i32
        %add3A_1000 = vector.broadcast %add3A_999 : i32 to vector<16xi32>
        %add3A_1001 = arith.addi %add3A_998, %add3A_1000 : vector<16xi32>
        %gather3A_1002 = tpu.vector_load_idx %arg16[%add3A_1001] : memref<512xf32, #tpu.memory_space<vmem>>[vector<16xi32>], vector<16xf32>,
        %add3A_1003 = arith.addf %add3A_959, %gather3A_1002 : vector<16xf32>
        %mul3A_1004 = arith.constant 16 : i32
        %mul3A_1005 = vector.broadcast %mul3A_1004 : i32 to vector<16xi32>
        %mul3A_1006 = arith.muli %iota3A, %mul3A_1005 : vector<16xi32>
        %add3A_1007 = arith.constant 11 : i32
        %add3A_1008 = vector.broadcast %add3A_1007 : i32 to vector<16xi32>
        %add3A_1009 = arith.addi %mul3A_1006, %add3A_1008 : vector<16xi32>
        %add3A_1010 = arith.constant 256 : i32
        %add3A_1011 = vector.broadcast %add3A_1010 : i32 to vector<16xi32>
        %add3A_1012 = arith.addi %add3A_1009, %add3A_1011 : vector<16xi32>
        %gather3A_1013 = tpu.vector_load_idx %arg16[%add3A_1012] : memref<512xf32, #tpu.memory_space<vmem>>[vector<16xi32>], vector<16xf32>,
        %add3A_1014 = arith.addf %add3A_970, %gather3A_1013 : vector<16xf32>
        %mul3A_1015 = arith.constant 16 : i32
        %mul3A_1016 = vector.broadcast %mul3A_1015 : i32 to vector<16xi32>
        %mul3A_1017 = arith.muli %iota3A, %mul3A_1016 : vector<16xi32>
        %add3A_1018 = arith.constant 12 : i32
        %add3A_1019 = vector.broadcast %add3A_1018 : i32 to vector<16xi32>
        %add3A_1020 = arith.addi %mul3A_1017, %add3A_1019 : vector<16xi32>
        %add3A_1021 = arith.constant 256 : i32
        %add3A_1022 = vector.broadcast %add3A_1021 : i32 to vector<16xi32>
        %add3A_1023 = arith.addi %add3A_1020, %add3A_1022 : vector<16xi32>
        %gather3A_1024 = tpu.vector_load_idx %arg16[%add3A_1023] : memref<512xf32, #tpu.memory_space<vmem>>[vector<16xi32>], vector<16xf32>,
        %add3A_1025 = arith.addf %add3A_981, %gather3A_1024 : vector<16xf32>
        %mul3A_1026 = arith.constant 16 : i32
        %mul3A_1027 = vector.broadcast %mul3A_1026 : i32 to vector<16xi32>
        %mul3A_1028 = arith.muli %iota3A, %mul3A_1027 : vector<16xi32>
        %add3A_1029 = arith.constant 13 : i32
        %add3A_1030 = vector.broadcast %add3A_1029 : i32 to vector<16xi32>
        %add3A_1031 = arith.addi %mul3A_1028, %add3A_1030 : vector<16xi32>
        %add3A_1032 = arith.constant 256 : i32
        %add3A_1033 = vector.broadcast %add3A_1032 : i32 to vector<16xi32>
        %add3A_1034 = arith.addi %add3A_1031, %add3A_1033 : vector<16xi32>
        %gather3A_1035 = tpu.vector_load_idx %arg16[%add3A_1034] : memref<512xf32, #tpu.memory_space<vmem>>[vector<16xi32>], vector<16xf32>,
        %add3A_1036 = arith.addf %add3A_992, %gather3A_1035 : vector<16xf32>
        %mul3A_1037 = arith.constant 16 : i32
        %mul3A_1038 = vector.broadcast %mul3A_1037 : i32 to vector<16xi32>
        %mul3A_1039 = arith.muli %iota3A, %mul3A_1038 : vector<16xi32>
        %add3A_1040 = arith.constant 14 : i32
        %add3A_1041 = vector.broadcast %add3A_1040 : i32 to vector<16xi32>
        %add3A_1042 = arith.addi %mul3A_1039, %add3A_1041 : vector<16xi32>
        %add3A_1043 = arith.constant 256 : i32
        %add3A_1044 = vector.broadcast %add3A_1043 : i32 to vector<16xi32>
        %add3A_1045 = arith.addi %add3A_1042, %add3A_1044 : vector<16xi32>
        %gather3A_1046 = tpu.vector_load_idx %arg16[%add3A_1045] : memref<512xf32, #tpu.memory_space<vmem>>[vector<16xi32>], vector<16xf32>,
        %add3A_1047 = arith.addf %add3A_1003, %gather3A_1046 : vector<16xf32>
        %mul3A_1048 = arith.constant 16 : i32
        %mul3A_1049 = vector.broadcast %mul3A_1048 : i32 to vector<16xi32>
        %mul3A_1050 = arith.muli %iota3A, %mul3A_1049 : vector<16xi32>
        %add3A_1051 = arith.constant 15 : i32
        %add3A_1052 = vector.broadcast %add3A_1051 : i32 to vector<16xi32>
        %add3A_1053 = arith.addi %mul3A_1050, %add3A_1052 : vector<16xi32>
        %add3A_1054 = arith.constant 256 : i32
        %add3A_1055 = vector.broadcast %add3A_1054 : i32 to vector<16xi32>
        %add3A_1056 = arith.addi %add3A_1053, %add3A_1055 : vector<16xi32>
        %gather3A_1057 = tpu.vector_load_idx %arg16[%add3A_1056] : memref<512xf32, #tpu.memory_space<vmem>>[vector<16xi32>], vector<16xf32>,
        %add3A_1058 = arith.addf %add3A_1014, %gather3A_1057 : vector<16xf32>
        %add3A_1059 = arith.addf %add3A_1025, %add3A_1036 : vector<16xf32>
        %add3A_1060 = arith.addf %add3A_1047, %add3A_1058 : vector<16xf32>
        %add3A_1061 = arith.addf %add3A_1059, %add3A_1060 : vector<16xf32>
        %neg3A_1062 = arith.constant 0.000000e+00 : f32
        %neg3A_1063 = vector.broadcast %neg3A_1062 : f32 to vector<16xf32>
        %neg3A_1064 = arith.subf %neg3A_1063, %add3A_1061 : vector<16xf32>
        %swap3A_1065 = arith.constant 16 : index
        %swap3A_1066 = tpu.vector_load %arg17[%swap3A_1065] {strides = array<i32>} : memref<32xf32, #tpu.memory_space<vmem>>, vector<16xf32>,
        tpu.vector_store %arg17[%swap3A_1065], %neg3A_1064 {strides = array<i32>} : memref<32xf32, #tpu.memory_space<vmem>>, vector<16xf32>,
        "tpu.region"() ({
          %run_scoped3A = tpu.sem_alloc : memref<!tpu.dma_semaphore, #tpu.memory_space<semaphore_mem>>
          %dma_start3A_1067 = tpu.memref_slice %arg6[%multiple_of3A_692] : memref<16384xf32, #tpu.memory_space<hbm>> -> memref<32xf32, #tpu.memory_space<hbm>>
          %dma_start3A_1068 = tpu.memref_slice %arg6[%multiple_of3A_692] : memref<16384xf32, #tpu.memory_space<hbm>> -> memref<32xf32, #tpu.memory_space<hbm>>
          tpu.enqueue_dma source(%arg17 : memref<32xf32, #tpu.memory_space<vmem>>) target(%dma_start3A_1068 : memref<32xf32, #tpu.memory_space<hbm>>) target_semaphore(%run_scoped3A : memref<!tpu.dma_semaphore, #tpu.memory_space<semaphore_mem>>)
          %dma_wait3A_1069 = tpu.memref_slice %arg6[%multiple_of3A_692] : memref<16384xf32, #tpu.memory_space<hbm>> -> memref<32xf32, #tpu.memory_space<hbm>>
          %dma_wait3A_1070 = tpu.memref_slice %arg6[%multiple_of3A_692] : memref<16384xf32, #tpu.memory_space<hbm>> -> memref<32xf32, #tpu.memory_space<hbm>>
          tpu.wait_dma2 semaphore(%run_scoped3A : memref<!tpu.dma_semaphore, #tpu.memory_space<semaphore_mem>>) src(%arg17 : memref<32xf32, #tpu.memory_space<vmem>>) dst(%dma_wait3A_1070 : memref<32xf32, #tpu.memory_space<hbm>>)
          tpu.yield
        }) : () -> ()
      } else {
      }
    }
    %scan3A_124 = arith.constant 8 : i32
    return
  }
}

</mosaic_0001>

<sc_bundles>
// kernel: _sc_kernel.3.cloned.1.call-start
scs
__scs_entry_jumppad:
0x0: {  	(pc) =	sbr.rel $0x88, $3  }
0x1: {  	(tag) =	ssettag $0x0;
	lr =	simm.s32 $0x1  }
0x2: {  	[smem:$0x3F9D] =	sst lr;
	_ =	strace $0xD0000000  }
0x3: {  	_ = 	snop  }
0x4: {  	_ = 	snop  }
0x5: {  	_ = 	snop  }
0x6: {  	_ = 	snop  }
0x7: {  	_ = 	snop  }
__scs_overlays_trampoline_lowered:
0x8: {  	[smem:$0x3FAC] =	sst s0  }
0x9: {  	[smem:$0x3FAD] =	sst s1  }
0xa: {  	[smem:$0x3FAE] =	sst s2  }
0xb: {  	[smem:$0x3FAF] =	sst s3  }
0xc: {  	[smem:$0x3FB0] =	sst s4  }
0xd: {  	[smem:$0x3FB1] =	sst s5  }
0xe: {  	[smem:$0x3FB2] =	sst s6  }
0xf: {  	[smem:$0x3FB3] =	sst s7  }
0x10: {  	[smem:$0x3FB4] =	sst s8  }
0x11: {  	[smem:$0x3FB5] =	sst s9;
	s0 =	simm.s32 @!p0 $0x0  }
0x12: {  	s1 =	sld [smem:$0x3F9B];
	s0 =	simm.s32 @p0 $0x1  }
0x13: {  	[smem:$0x3FB6] =	sst s0;
	s0 =	simm.s32 @!p1 $0x0  }
0x14: {  	s2 =	sld [smem:$0x3F9A];
	s0 =	simm.s32 @p1 $0x1  }
0x15: {  	[smem:$0x3FB7] =	sst s0;
	s0 =	simm.s32 @!p2 $0x0  }
0x16: {  	s3 =	sld [smem:$0x3FDB];
	s0 =	simm.s32 @p2 $0x1  }
0x17: {  	s4 =	simm.s32 $0x1BF5;
	[smem:$0x3FB9] =	sst s0  }
0x18: {  	s0 =	sld [smem:$0x3F9C];
	_ =	swait.ge [sflag:s4], $0x0  }
0x19: {  	s7 =	sld [smem:$0x3F9D]  }
0x1a: {  	s8 =	sadd.s32 $0xFFFFE003, lr  }
0x1b: {  	s9 =	sadd.s32 $0xFFFFFEF7, lr;
	s5 =	simm.s32 $0xFFFFFFFF;
	p2 =	slt.u32 s8, $0xFFFFF086  }
0x1c: {  	p1 =	slt.u32 s9, $0xF7A;
	s5 =	simm.s32 @!p2 $0x0  }
0x1d: {  	s5 =	simm.s32 @p1 $0x1;
	p0 =	seq.s32 s7, s2  }
0x1e: {  	s7 =	smul.u32 @!p0 $0xF7A, s2;
	p2 =	seq.s32 @!p0 s5, $0x0  }
0x1f: {  	s9 =	smul.u32 $0xF7A, s1;
	s8 =	simm.s32 @!p0 $0x1BF5;
	p2 =	por !p2, p0  }
0x20: {  	[sflag:s8] =	ssyncset.s32 @!p0 $0xFFFFF086;
	s6 =	sadd.s32 @!p0 s3, s7;
	s7 =	simm.s32 @!p0 $0x108  }
0x21: {  	s3 =	sadd.s32 s3, s9;
	s6 =	sadd.s32 @!p0 $0x88, s6;
	s7 =	simm.s32 @p2 $0x1082  }
0x22: {  	[simem:s7], [sflag:s8] =	dma.local @!p0 [hbm:s6], $0xF7A  }
0x23: {  	s9 =	sor.u32 $0xD0000000, s2;
	s6 =	simm.s32 $0x108;
	_ =	swait.ge @!p0 [sflag:s8], $0x0  }
0x24: {  	s3 =	sadd.s32 $0x88, s3;
	s6 =	simm.s32 @!p1 $0x1082;
	[sflag:s4] =	ssyncset.s32 $0xFFFFF086  }
0x25: {  	[simem:s6], [sflag:s4] =	dma.local [hbm:s3], $0xF7A  }
0x26: {  	[smem:$0x3F9D] =	sst s1;
	(tag) =	ssettag s2;
	_ =	strace s9  }
0x27: {  	s1 =	sld [smem:$0x3FAD]  }
0x28: {  	s2 =	sld [smem:$0x3FAE]  }
0x29: {  	s4 =	sld [smem:$0x3FB0]  }
0x2a: {  	p0 =	seq.s32 s5, $0x0;
	s5 =	sld [smem:$0x3FB1]  }
0x2b: {  	s6 =	sld [smem:$0x3FB2]  }
0x2c: {  	s7 =	sld [smem:$0x3FB3]  }
0x2d: {  	s3 =	simm.s32 $0x108;
	s8 =	sld [smem:$0x3FB4]  }
0x2e: {  	s3 =	simm.s32 @!p0 $0x1082;
	s9 =	sld [smem:$0x3FB5]  }
0x2f: {  	lr =	sadd.s32 s0, s3;
	s0 =	sld [smem:$0x3FAC]  }
0x30: {  	s3 =	sld [smem:$0x3FAF]  }
0x31: {  	[smem:$0x3FB8] =	sst s10  }
0x32: {  	s10 =	sld [smem:$0x3FB6];
	_ =	sdelay $0x3  }
0x33: {  	p0 =	seq.s32 s10, $0x1;
	s10 =	sld [smem:$0x3FB8];
	_ =	sdelay $0x3  }
0x34: {  	[smem:$0x3FB8] =	sst s10  }
0x35: {  	s10 =	sld [smem:$0x3FB7];
	_ =	sdelay $0x3  }
0x36: {  	p1 =	seq.s32 s10, $0x1;
	s10 =	sld [smem:$0x3FB8];
	_ =	sdelay $0x3  }
0x37: {  	[smem:$0x3FB8] =	sst s10  }
0x38: {  	s10 =	sld [smem:$0x3FB9]  }
0x39: {  	_ = 	snop;
	(pc) =	sbr.ind lr, $3  }
0x3a: {  	_ = 	snop  }
0x3b: {  	_ = 	snop  }
0x3c: {  	p2 =	seq.s32 s10, $0x1;
	s10 =	sld [smem:$0x3FB8]  }
0x3d: {  	_ =	shalt  }
0x3e: {  	_ =	shalt  }
0x3f: {  	_ =	shalt  }
0x40: {  	_ =	shalt  }
0x41: {  	_ =	shalt  }
0x42: {  	_ =	shalt  }
0x43: {  	_ =	shalt  }
0x44: {  	_ =	shalt  }
0x45: {  	_ =	shalt  }
0x46: {  	_ =	shalt  }
0x47: {  	_ =	shalt  }
0x48: {  	_ =	shalt  }
0x49: {  	_ =	shalt  }
0x4a: {  	_ =	shalt  }
0x4b: {  	_ =	shalt  }
0x4c: {  	_ =	shalt  }
0x4d: {  	_ =	shalt  }
0x4e: {  	_ =	shalt  }
0x4f: {  	_ =	shalt  }
0x50: {  	_ =	shalt  }
0x51: {  	_ =	shalt  }
0x52: {  	_ =	shalt  }
0x53: {  	_ =	shalt  }
0x54: {  	_ =	shalt  }
0x55: {  	_ =	shalt  }
0x56: {  	_ =	shalt  }
0x57: {  	_ =	shalt  }
0x58: {  	_ =	shalt  }
0x59: {  	_ =	shalt  }
0x5a: {  	_ =	shalt  }
0x5b: {  	_ =	shalt  }
0x5c: {  	_ =	shalt  }
0x5d: {  	_ =	shalt  }
0x5e: {  	_ =	shalt  }
0x5f: {  	_ =	shalt  }
0x60: {  	_ =	shalt  }
0x61: {  	_ =	shalt  }
0x62: {  	_ =	shalt  }
0x63: {  	_ =	shalt  }
0x64: {  	_ =	shalt  }
0x65: {  	_ =	shalt  }
0x66: {  	_ =	shalt  }
0x67: {  	_ =	shalt  }
0x68: {  	_ =	shalt  }
0x69: {  	_ =	shalt  }
0x6a: {  	_ =	shalt  }
0x6b: {  	_ =	shalt  }
0x6c: {  	_ =	shalt  }
0x6d: {  	_ =	shalt  }
0x6e: {  	_ =	shalt  }
0x6f: {  	_ =	shalt  }
0x70: {  	_ =	shalt  }
0x71: {  	_ =	shalt  }
0x72: {  	_ =	shalt  }
0x73: {  	_ =	shalt  }
0x74: {  	_ =	shalt  }
0x75: {  	_ =	shalt  }
0x76: {  	_ =	shalt  }
0x77: {  	_ =	shalt  }
0x78: {  	_ =	shalt  }
0x79: {  	_ =	shalt  }
0x7a: {  	_ =	shalt  }
0x7b: {  	_ =	shalt  }
0x7c: {  	_ =	shalt  }
0x7d: {  	_ =	shalt  }
0x7e: {  	_ =	shalt  }
0x7f: {  	_ =	shalt  }
0x80: {  	_ =	shalt  }
0x81: {  	_ =	shalt  }
0x82: {  	_ =	shalt  }
0x83: {  	_ =	shalt  }
0x84: {  	_ =	shalt  }
0x85: {  	_ =	shalt  }
0x86: {  	_ =	shalt  }
0x87: {  	_ =	shalt  }
.Lfunc_end0:
.L_simem_size_0:
called_computation_lowered:
.L_overlay_start_0:
0x88: {  	s2 =	sld [smem:$0x3FD9]  }
0x89: {  	s3 =	sld [smem:$0x3FFE];
	_ =	sdelay $0x1  }
0x8a: {  	s1 =	srdreg.scid  }
0x8b: {  	s0 =	sand.u32 $0x1, s1  }
0x8c: {  	s17 =	sshll.u32 s0, $0xA;
	s2 =	sadd.s32 s3, s2  }
0x8d: {  	s2 =	sadd.s32 s2, s17  }
0x8e: {  	[smem:$0x3FC4] =	sst s2  }
0x8f: {  	_ = 	snop  }
0x90: {  	s2 =	sld [smem:$0x3FC9]  }
0x91: {  	s18 =	sld [smem:$0x3FD0];
	(tm) =	ssettm $0x1  }
0x92: {  	s4 =	sld [smem:$0x3FFB];
	_ =	sdelay $0x3  }
0x93: {  	_ =	strace s4  }
0x94: {  	s4 =	sld [smem:$0x3FFC];
	_ =	sdelay $0x3  }
0x95: {  	_ =	strace s4  }
0x96: {  	s4 =	sld [smem:$0x3FFD];
	_ =	sdelay $0x3  }
0x97: {  	_ =	strace s4  }
0x98: {  	_ =	strace $0x8FFFFFFF  }
0x99: {  	s19 =	sld [smem:$0x3FDB];
	_ =	sdelay $0x1  }
0x9a: {  	s5 =	simm.s32 $_scs_section_size  }
0x9b: {  	s6 =	simm.s32 $_size__tile_overlayer_lowered;
	s7 =	simm.s32 $_tile_overlayer_lowered  }
0x9c: {  	s22 =	simm.s32 $0x1BFF;
	s21 =	sshll.u32 s7, $0x1;
	s4 =	sadd.s32 s5, s19  }
0x9d: {  	s8 =	simm.s32 $0x0;
	s20 =	sshll.u32 s6, $0x1;
	s6 =	sadd.s32 s21, s4  }
0x9e: {  	[timem:s8], [sflag:s22] =	dma.local [hbm:s6], s20  }
0x9f: {  	_ =	swait.ge [sflag:s22], s20  }
0xa0: {  	s5 =	ssub.s32 $0x0, s20;
	[sflag:s22] =	ssyncset.done $0x0  }
0xa1: {  	[sflag:s22] =	ssyncadd.s32 s5;
	_ =	sdelay $0x1  }
0xa2: {  	s23 =	simm.s32 $0x1B8B  }
0xa3: {  	_ =	swait.ge [sflag:s23], $0x1  }
0xa4: {  	[sflag:s23] =	ssyncset.done $0x0  }
0xa5: {  	s25 =	simm.s32 $0x1B8E;
	s24 =	sld [smem:$0x3FFE];
	[sflag:s23] =	ssyncadd.s32 $0xFFFFFFFF  }
0xa6: {  	s26 =	simm.s32 $execute0_lowered;
	[smem:$0x3FD2] =	sst s25  }
0xa7: {  	s6 =	sshll.u32 s26, $0x1;
	_ =	strace $0x80000046;
	[dreg:$0x1] =	wrdreg $0xFFFFFFFF  }
0xa8: {  	s28 =	simm.s32 $_size_execute0_lowered;
	s4 =	sadd.s32 s4, s6;
	[dreg:$0x0] =	wrdreg $0x0  }
0xa9: {  	s6 =	sshll.u32 s28, $0x1;
	[dreg:$0x2] =	wrdreg s4  }
0xaa: {  	[dreg:$0x3] =	wrdreg s6  }
0xab: {  	[dreg:$0x4] =	wrdreg $0xC0  }
0xac: {  	_ =	task [dreg:s8], $0x5FFFF  }
0xad: {  	[dreg:$0x1] =	wrdreg $0xFFFFFFFF  }
0xae: {  	[dreg:$0x0] =	wrdreg $0x60  }
0xaf: {  	[dreg:$0x2] =	wrdreg s2  }
0xb0: {  	[dreg:$0x3] =	wrdreg s24  }
0xb1: {  	[dreg:$0x4] =	wrdreg s18  }
0xb2: {  	[dreg:$0x5] =	wrdreg $0x9  }
0xb3: {  	_ =	task.clear_ibuf [dreg:s8], $0x6FFFF;
	_ =	strace $0x90000046  }
0xb4: {  	s29 =	simm.s32 $0x9;
	_ =	strace $0x80000048  }
0xb5: {  	_ =	swait.ge [sflag:s29], $0x1  }
0xb6: {  	[sflag:s29] =	ssyncadd.s32 $0xFFFFFFFF  }
0xb7: {  	_ =	strace $0x90000048  }
0xb8: {  	_ =	sfence  }
0xb9: {  	s30 =	sld [smem:$0x0];
	_ =	sdelay $0x2  }
0xba: {  	s31 =	sshll.u32 s1, $0xD;
	s1 =	sshrl.u32 s1, $0x2  }
0xbb: {  	s3 =	sand.u32 $0x4000, s31;
	s1 =	sadd.s32 s1, s30  }
0xbc: {  	s0 =	sor.u32 s3, s0;
	s1 =	sshll.u32 s1, $0x11  }
0xbd: {  	s0 =	sor.u32 s1, s0  }
0xbe: {  	s0 =	sadd.s32 $0x8F2B, s0  }
0xbf: {  	[sflag:s0] =	ssyncadd.remote.s32 $0x1  }
0xc0: {  	_ =	sfence.sel $0xFFFF  }
0xc1: {  	[dreg:$0x0] =	wrdreg $0xFFFFFFFF;
	(pc) =	sbr.abs _section_cstart, $3  }
0xc2: {  	[dreg:$0x1] =	wrdreg $0xFFFFFFFF  }
0xc3: {  	_ =	task.clear_ibuf [dreg:s8], $0x2FFFF;
	_ =	strace $0x9FFFFFFF  }
0xc4: {  	(tm) =	ssettm $0x7FFFFFFF  }
0xc5: {  	_ =	shalt  }
tec
execute0_lowered:
.L_overlay_start_1:
0x0: {  	(tag) =	ssettag $0x1  }
0x1: {  	s1 =	rddreg [dreg:$0x0]  }
0x2: {  	s0 =	rddreg [dreg:$0x1]  }
0x3: {  	s3 =	rddreg [dreg:$0x2]  }
0x4: {  	s2 =	srdreg.scid;
	s4 =	simm.s32 $0x0;
	s5 =	stileid.u32;
	v0 =	vlaneseq.u32  }
0x5: {  	s14 =	simm.s32 $0x3;
	s16 =	simm.s32 $0x20;
	s18 =	simm.s32 $0x64;
	v0 =	vmul.u32 $0x10, v0  }
0x6: {  	v1 =	vimm.f32 $0.0e+00;
	s19 =	simm.s32 $0x1;
	s20 =	simm.s32 $0x4;
	s21 =	simm.s32 $0x380  }
0x7: {  	s17 =	simm.s32 $0x15BC0;
	s15 =	simm.s32 $0x5F0;
	s13 =	simm.s32 $0x18DC0;
	vm0 =	vmmov $0x1f;
	vm1 =	vmmov $0x1ff;
	v2 =	vor.u32 $0x100, v0  }
0x8: {  	s22 =	simm.s32 $0x1A6C0;
	s23 =	simm.s32 $0x1A8C0;
	s24 =	simm.s32 $0x1AAC0;
	v3 =	vor.u32 $0x1, v0;
	v4 =	vor.u32 $0x101, v0;
	v5 =	vor.u32 $0x2, v0  }
0x9: {  	s25 =	simm.s32 $0x2;
	s2 =	sand.u32 $0x1, s2;
	[smem:$0x7FF] =	sst s4;
	v6 =	vor.u32 $0x102, v0;
	v7 =	vor.u32 $0x3, v0;
	v8 =	vor.u32 $0x103, v0  }
0xa: {  	s6 =	sshll.u32 s5, $0xA;
	s5 =	sadd.s32 $0x600, s0;
	s7 =	sshll.u32 s2, $0x9;
	v9 =	vor.u32 $0x4, v0;
	v10 =	vor.u32 $0x104, v0;
	v11 =	vor.u32 $0x5, v0  }
0xb: {  	_ =	strace $0x80000047;
	s2 =	ssub.s32 $0x2, s2;
	s6 =	sor.u32 s7, s6;
	v12 =	vor.u32 $0x105, v0;
	v13 =	vor.u32 $0x6, v0;
	v14 =	vor.u32 $0x106, v0  }
0xc: {  	s7 =	sadd.s32 $0x16E3C00, s0;
	s9 =	sshrl.u32 s2, $0x1;
	v15 =	vor.u32 $0x7, v0;
	v16 =	vor.u32 $0x107, v0;
	v17 =	vor.u32 $0x8, v0;
	s8 =	sshrl.u32 s6, $0x2  }
0xd: {  	v18 =	vor.u32 $0x108, v0;
	v19 =	vor.u32 $0x9, v0;
	v20 =	vor.u32 $0x109, v0;
	s10 =	sshrl.u32 s6, $0x3;
	s29 =	ssub.s32 s2, s9;
	s12 =	sor.u32 $0x40, s6  }
0xe: {  	v21 =	vor.u32 $0xA, v0;
	v22 =	vor.u32 $0x10A, v0;
	v23 =	vor.u32 $0xB, v0;
	s9 =	simm.s32 $0x174C0;
	s11 =	smul.u32 $0xD, s8;
	s30 =	sadd.s32 s1, s10  }
0xf: {  	v24 =	vor.u32 $0x10B, v0;
	v25 =	vor.u32 $0xC, v0;
	v26 =	vor.u32 $0x10C, v0;
	s8 =	sadd.s32 $0xF42A00, s0;
	s0 =	smax.u32 s29, $0x1;
	[dreg:$0x4] =	wrdreg s30  }
0x10: {  	v27 =	vor.u32 $0xD, v0;
	v28 =	vor.u32 $0x10D, v0;
	v29 =	vor.u32 $0xE, v0;
	s2 =	simm.s32 $0x0;
	[dreg:$0x6] =	wrdreg s0;
	s31 =	sadd.s32 s5, s11  }
0x11: {  	v30 =	vor.u32 $0x10E, v0;
	v31 =	vor.u32 $0xF, v0;
	v32 =	vor.u32 $0x10F, v0;
	s10 =	simm.s32 $0x658;
	s11 =	sor.u32 $0x20, s6;
	[dreg:$0x5] =	wrdreg s31  }
.LBB2_1:
0x12: {  	[tilespmem:$0x1A850] =	vst v1  }
0x13: {  	[tilespmem:$0x1A860] =	vst v1  }
0x14: {  	[tilespmem:$0x1A870] =	vst v1  }
0x15: {  	[tilespmem:$0x1A880] =	vst v1  }
0x16: {  	[tilespmem:$0x1A890] =	vst v1  }
0x17: {  	[dreg:$0x7] =	wrdreg s2;
	[tilespmem:$0x1A8A0] =	vst v1  }
0x18: {  	[tilespmem:$0x1A8B0] =	vst v1;
	s0 =	rddreg [dreg:$0x4]  }
0x19: {  	[tilespmem:s4], [sflag:$0x3] =	stream.linear.gather [hbm4b:s0+s4], $0x20, $0x38;
	[tilespmem:$0x1AAE0] =	vst v63  }
0x1a: {  	_ =	swait.ge [sflag:s14], $0x20  }
0x1b: {  	[sflag:s14] =	ssyncset.done $0x0  }
0x1c: {  	s26 =	simm.s32 $0x40;
	s2 =	rddreg [dreg:$0x5];
	[sflag:s14] =	ssyncadd.s32 $0xFFFFFFE0  }
0x1d: {  	[tilespmem:s26], [sflag:$0x3] =	stream.linear.gather [hbm4b:s2+s4], $0x340, $0x38;
	[tilespmem:$0x1AAE0] =	vst v63  }
0x1e: {  	_ =	swait.ge [sflag:s14], $0x340  }
0x1f: {  	[sflag:s14] =	ssyncset.done $0x0  }
0x20: {  	s28 =	simm.s32 $0x6C0;
	[sflag:s14] =	ssyncadd.s32 $0xFFFFFCC0  }
0x21: {  	[tilespmem:s28], [sflag:$0x1] =	stream.indirect.gather [hbm4b:s7+s16], $0x40, s4, s16, $0xb8;
	[tilespmem:$0x1AAE0] =	vst v63  }
0x22: {  	s29 =	simm.s32 $0x16C0  }
0x23: {  	[tilespmem:s29], [sflag:$0x1] =	stream.indirect.gather [hbm4b:s8+s18], $0x40, s26, s18, $0xb8;
	[tilespmem:$0x1AAE0] =	vst v63  }
0x24: {  	s30 =	simm.s32 $0xA8;
	s31 =	simm.s32 $0x2FC0  }
0x25: {  	[tilespmem:s31], [sflag:$0x1] =	stream.indirect.gather [hbm4b:s8+s18], $0x40, s30, s18, $0xb8;
	[tilespmem:$0x1AAE0] =	vst v63  }
0x26: {  	s2 =	simm.s32 $0x110;
	s26 =	simm.s32 $0x48C0  }
0x27: {  	[tilespmem:s26], [sflag:$0x1] =	stream.indirect.gather [hbm4b:s8+s18], $0x40, s2, s18, $0xb8;
	[tilespmem:$0x1AAE0] =	vst v63  }
0x28: {  	s28 =	simm.s32 $0x178;
	s29 =	simm.s32 $0x61C0  }
0x29: {  	[tilespmem:s29], [sflag:$0x1] =	stream.indirect.gather [hbm4b:s8+s18], $0x40, s28, s18, $0xb8;
	[tilespmem:$0x1AAE0] =	vst v63  }
0x2a: {  	s30 =	simm.s32 $0x1E0;
	s31 =	simm.s32 $0x7AC0  }
0x2b: {  	[tilespmem:s31], [sflag:$0x1] =	stream.indirect.gather [hbm4b:s8+s18], $0x40, s30, s18, $0xb8;
	[tilespmem:$0x1AAE0] =	vst v63  }
0x2c: {  	s2 =	simm.s32 $0x248;
	s26 =	simm.s32 $0x93C0  }
0x2d: {  	[tilespmem:s26], [sflag:$0x1] =	stream.indirect.gather [hbm4b:s8+s18], $0x40, s2, s18, $0xb8;
	[tilespmem:$0x1AAE0] =	vst v63  }
0x2e: {  	s28 =	simm.s32 $0x2B0;
	s29 =	simm.s32 $0xACC0  }
0x2f: {  	[tilespmem:s29], [sflag:$0x1] =	stream.indirect.gather [hbm4b:s8+s18], $0x40, s28, s18, $0xb8;
	[tilespmem:$0x1AAE0] =	vst v63  }
0x30: {  	s30 =	simm.s32 $0x318;
	s31 =	simm.s32 $0xC5C0;
	s26 =	simm.s32 $0x0  }
0x31: {  	[tilespmem:s31], [sflag:$0x1] =	stream.indirect.gather [hbm4b:s8+s18], $0x40, s30, s18, $0xb8;
	[tilespmem:$0x1AAE0] =	vst v63  }
.LBB2_2:
0x32: {  	_ =	swait.ge [sflag:s19], $0x800  }
0x33: {  	[sflag:s19] =	ssyncset.done $0x0  }
0x34: {  	[sflag:s19] =	ssyncadd.s32 $0xFFFFF800  }
0x35: {  	_ =	swait.ge [sflag:s19], $0x1900  }
0x36: {  	[sflag:s19] =	ssyncset.done $0x0  }
0x37: {  	[sflag:s19] =	ssyncadd.s32 $0xFFFFE700  }
0x38: {  	_ =	swait.ge [sflag:s19], $0x1900  }
0x39: {  	[sflag:s19] =	ssyncset.done $0x0  }
0x3a: {  	[sflag:s19] =	ssyncadd.s32 $0xFFFFE700  }
0x3b: {  	_ =	swait.ge [sflag:s19], $0x1900  }
0x3c: {  	[sflag:s19] =	ssyncset.done $0x0  }
0x3d: {  	[sflag:s19] =	ssyncadd.s32 $0xFFFFE700  }
0x3e: {  	_ =	swait.ge [sflag:s19], $0x1900  }
0x3f: {  	[sflag:s19] =	ssyncset.done $0x0  }
0x40: {  	[sflag:s19] =	ssyncadd.s32 $0xFFFFE700  }
0x41: {  	_ =	swait.ge [sflag:s19], $0x1900  }
0x42: {  	[sflag:s19] =	ssyncset.done $0x0  }
0x43: {  	[sflag:s19] =	ssyncadd.s32 $0xFFFFE700  }
0x44: {  	_ =	swait.ge [sflag:s19], $0x1900  }
0x45: {  	[sflag:s19] =	ssyncset.done $0x0  }
0x46: {  	[sflag:s19] =	ssyncadd.s32 $0xFFFFE700  }
0x47: {  	_ =	swait.ge [sflag:s19], $0x1900  }
0x48: {  	[sflag:s19] =	ssyncset.done $0x0  }
0x49: {  	s29 =	sshll.u32 s26, $0x6;
	[sflag:s19] =	ssyncadd.s32 $0xFFFFE700  }
0x4a: {  	s0 =	sadd.s32 s11, s29;
	_ =	swait.ge [sflag:s19], $0x1900  }
0x4b: {  	s30 =	simm.s32 $0x0;
	s28 =	sshrl.u32 s0, $0x3;
	[sflag:s19] =	ssyncset.done $0x0  }
0x4c: {  	s0 =	sshrl.u32 s0, $0x2;
	s31 =	sadd.s32 s1, s28;
	[sflag:s19] =	ssyncadd.s32 $0xFFFFE700  }
0x4d: {  	[tilespmem:s16], [sflag:$0x4] =	stream.linear.gather [hbm4b:s31+s30], $0x20, $0x38;
	[tilespmem:$0x1AAE0] =	vst v63  }
0x4e: {  	s0 =	smul.u32 $0xD, s0;
	_ =	swait.ge [sflag:s20], $0x20  }
0x4f: {  	[sflag:s20] =	ssyncset.done $0x0  }
0x50: {  	s0 =	sadd.s32 s5, s0;
	[sflag:s20] =	ssyncadd.s32 $0xFFFFFFE0  }
0x51: {  	[tilespmem:s21], [sflag:$0x4] =	stream.linear.gather [hbm4b:s0+s30], $0x340, $0x38;
	[tilespmem:$0x1AAE0] =	vst v63  }
0x52: {  	_ =	swait.ge [sflag:s20], $0x340  }
0x53: {  	[sflag:s20] =	ssyncset.done $0x0  }
0x54: {  	s2 =	simm.s32 $0xEC0;
	[sflag:s20] =	ssyncadd.s32 $0xFFFFFCC0  }
0x55: {  	[tilespmem:s2], [sflag:$0x2] =	stream.indirect.gather [hbm4b:s7+s16], $0x40, s16, s16, $0xb8;
	[tilespmem:$0x1AAE0] =	vst v63  }
0x56: {  	s2 =	simm.s32 $0xDEC0  }
0x57: {  	[tilespmem:s2], [sflag:$0x2] =	stream.indirect.gather [hbm4b:s8+s18], $0x40, s21, s18, $0xb8;
	[tilespmem:$0x1AAE0] =	vst v63  }
0x58: {  	s0 =	simm.s32 $0x3E8;
	s2 =	simm.s32 $0xF7C0  }
0x59: {  	[tilespmem:s2], [sflag:$0x2] =	stream.indirect.gather [hbm4b:s8+s18], $0x40, s0, s18, $0xb8;
	[tilespmem:$0x1AAE0] =	vst v63  }
0x5a: {  	s0 =	simm.s32 $0x450;
	s2 =	simm.s32 $0x110C0  }
0x5b: {  	[tilespmem:s2], [sflag:$0x2] =	stream.indirect.gather [hbm4b:s8+s18], $0x40, s0, s18, $0xb8;
	[tilespmem:$0x1AAE0] =	vst v63  }
0x5c: {  	s0 =	simm.s32 $0x4B8;
	s2 =	simm.s32 $0x129C0  }
0x5d: {  	[tilespmem:s2], [sflag:$0x2] =	stream.indirect.gather [hbm4b:s8+s18], $0x40, s0, s18, $0xb8;
	[tilespmem:$0x1AAE0] =	vst v63  }
0x5e: {  	s0 =	simm.s32 $0x520;
	s2 =	simm.s32 $0x142C0  }
0x5f: {  	[tilespmem:s2], [sflag:$0x2] =	stream.indirect.gather [hbm4b:s8+s18], $0x40, s0, s18, $0xb8;
	[tilespmem:$0x1AAE0] =	vst v63  }
0x60: {  	s2 =	simm.s32 $0x588  }
0x61: {  	[tilespmem:s17], [sflag:$0x2] =	stream.indirect.gather [hbm4b:s8+s18], $0x40, s2, s18, $0xb8;
	[tilespmem:$0x1AAE0] =	vst v63  }
0x62: {  	_ = 	snop  }
0x63: {  	[tilespmem:s9], [sflag:$0x2] =	stream.indirect.gather [hbm4b:s8+s18], $0x40, s15, s18, $0xb8;
	[tilespmem:$0x1AAE0] =	vst v63  }
0x64: {  	s31 =	simm.s32 $0x19E0;
	s0 =	simm.s32 $0x6E0  }
0x65: {  	[tilespmem:s13], [sflag:$0x2] =	stream.indirect.gather [hbm4b:s8+s18], $0x40, s10, s18, $0xb8;
	[tilespmem:$0x1AAE0] =	vst v63  }
.LBB2_3:
0x66: {  	v33 =	vld [tilespmem:s0+$0xFFFFFFE0]  }
0x67: {  	v34 =	vld [tilespmem:s0+$0xFFFFFFF0]  }
0x68: {  	v37 =	vld [tilespmem:s31+$0xFFFFFCE0]  }
0x69: {  	v38 =	vld [tilespmem:s31+$0xFFFFFCF0]  }
0x6a: {  	v35 =	vld [tilespmem:s0+$0x0]  }
0x6b: {  	v39 =	vld [tilespmem:s31+$0xFFFFFD00]  }
0x6c: {  	v36 =	vld [tilespmem:s0+$0x10]  }
0x6d: {  	v40 =	vld [tilespmem:s31+$0xFFFFFD10]  }
0x6e: {  	v37 =	vmul.f32 v37, v33;
	v38 =	vmul.f32 v38, v34;
	_ =	sdelay $0x1  }
0x6f: {  	v54 =	vmul.f32 v39, v35;
	v37 =	vadd.f32 v38, v37;
	_ =	sdelay $0x1  }
0x70: {  	v55 =	vmul.f32 v40, v36;
	v37 =	vadd.f32 v54, v37;
	_ =	sdelay $0x1  }
0x71: {  	v37 =	vadd.f32 v55, v37;
	_ =	sdelay $0x1  }
0x72: {  	[tilespmem:$0x1A6C0] =	vst v37  }
0x73: {  	v37 =	vld [tilespmem:s31+$0xFFFFFD20]  }
0x74: {  	v56 =	vld [tilespmem:s31+$0xFFFFFD30];
	_ =	sdelay $0x1  }
0x75: {  	v57 =	vld [tilespmem:s31+$0xFFFFFD40];
	_ =	sdelay $0x1  }
0x76: {  	v58 =	vld [tilespmem:s31+$0xFFFFFD50]  }
0x77: {  	v37 =	vmul.f32 v37, v33;
	v38 =	vmul.f32 v56, v34;
	_ =	sdelay $0x1  }
0x78: {  	v59 =	vmul.f32 v57, v35;
	v37 =	vadd.f32 v38, v37;
	_ =	sdelay $0x1  }
0x79: {  	v60 =	vmul.f32 v58, v36;
	v37 =	vadd.f32 v59, v37;
	_ =	sdelay $0x1  }
0x7a: {  	v37 =	vadd.f32 v60, v37;
	_ =	sdelay $0x1  }
0x7b: {  	[tilespmem:$0x1A6D0] =	vst v37  }
0x7c: {  	v37 =	vld [tilespmem:s31+$0xFFFFFD60]  }
0x7d: {  	v61 =	vld [tilespmem:s31+$0xFFFFFD70];
	_ =	sdelay $0x1  }
0x7e: {  	v62 =	vld [tilespmem:s31+$0xFFFFFD80];
	_ =	sdelay $0x1  }
0x7f: {  	v63 =	vld [tilespmem:s31+$0xFFFFFD90]  }
0x80: {  	v37 =	vmul.f32 v37, v33;
	v38 =	vmul.f32 v61, v34;
	_ =	sdelay $0x1  }
0x81: {  	v44 =	vmul.f32 v62, v35;
	v37 =	vadd.f32 v38, v37;
	_ =	sdelay $0x1  }
0x82: {  	v45 =	vmul.f32 v63, v36;
	v37 =	vadd.f32 v44, v37;
	_ =	sdelay $0x1  }
0x83: {  	v37 =	vadd.f32 v45, v37;
	_ =	sdelay $0x1  }
0x84: {  	[tilespmem:$0x1A6E0] =	vst v37  }
0x85: {  	v37 =	vld [tilespmem:s31+$0xFFFFFDA0]  }
0x86: {  	v46 =	vld [tilespmem:s31+$0xFFFFFDB0];
	_ =	sdelay $0x1  }
0x87: {  	v47 =	vld [tilespmem:s31+$0xFFFFFDC0];
	_ =	sdelay $0x1  }
0x88: {  	v48 =	vld [tilespmem:s31+$0xFFFFFDD0]  }
0x89: {  	v37 =	vmul.f32 v37, v33;
	v38 =	vmul.f32 v46, v34;
	_ =	sdelay $0x1  }
0x8a: {  	v49 =	vmul.f32 v47, v35;
	v37 =	vadd.f32 v38, v37;
	_ =	sdelay $0x1  }
0x8b: {  	v50 =	vmul.f32 v48, v36;
	v37 =	vadd.f32 v49, v37;
	_ =	sdelay $0x1  }
0x8c: {  	v37 =	vadd.f32 v50, v37;
	_ =	sdelay $0x1  }
0x8d: {  	[tilespmem:$0x1A6F0] =	vst v37  }
0x8e: {  	v37 =	vld [tilespmem:s31+$0xFFFFFDE0]  }
0x8f: {  	v51 =	vld [tilespmem:s31+$0xFFFFFDF0];
	_ =	sdelay $0x1  }
0x90: {  	v52 =	vld [tilespmem:s31+$0xFFFFFE00];
	_ =	sdelay $0x1  }
0x91: {  	v53 =	vld [tilespmem:s31+$0xFFFFFE10]  }
0x92: {  	v37 =	vmul.f32 v37, v33;
	v38 =	vmul.f32 v51, v34;
	_ =	sdelay $0x1  }
0x93: {  	v54 =	vmul.f32 v52, v35;
	v37 =	vadd.f32 v38, v37;
	_ =	sdelay $0x1  }
0x94: {  	v55 =	vmul.f32 v53, v36;
	v37 =	vadd.f32 v54, v37;
	_ =	sdelay $0x1  }
0x95: {  	v37 =	vadd.f32 v55, v37;
	_ =	sdelay $0x1  }
0x96: {  	[tilespmem:$0x1A700] =	vst v37  }
0x97: {  	v37 =	vld [tilespmem:s31+$0xFFFFFE20]  }
0x98: {  	v56 =	vld [tilespmem:s31+$0xFFFFFE30];
	_ =	sdelay $0x1  }
0x99: {  	v57 =	vld [tilespmem:s31+$0xFFFFFE40];
	_ =	sdelay $0x1  }
0x9a: {  	v58 =	vld [tilespmem:s31+$0xFFFFFE50]  }
0x9b: {  	v37 =	vmul.f32 v37, v33;
	v38 =	vmul.f32 v56, v34;
	_ =	sdelay $0x1  }
0x9c: {  	v59 =	vmul.f32 v57, v35;
	v37 =	vadd.f32 v38, v37;
	_ =	sdelay $0x1  }
0x9d: {  	v60 =	vmul.f32 v58, v36;
	v37 =	vadd.f32 v59, v37;
	_ =	sdelay $0x1  }
0x9e: {  	v37 =	vadd.f32 v60, v37;
	_ =	sdelay $0x1  }
0x9f: {  	[tilespmem:$0x1A710] =	vst v37  }
0xa0: {  	v37 =	vld [tilespmem:s31+$0xFFFFFE60]  }
0xa1: {  	v61 =	vld [tilespmem:s31+$0xFFFFFE70];
	_ =	sdelay $0x1  }
0xa2: {  	v62 =	vld [tilespmem:s31+$0xFFFFFE80];
	_ =	sdelay $0x1  }
0xa3: {  	v63 =	vld [tilespmem:s31+$0xFFFFFE90]  }
0xa4: {  	v37 =	vmul.f32 v37, v33;
	v38 =	vmul.f32 v61, v34;
	_ =	sdelay $0x1  }
0xa5: {  	v44 =	vmul.f32 v62, v35;
	v37 =	vadd.f32 v38, v37;
	_ =	sdelay $0x1  }
0xa6: {  	v45 =	vmul.f32 v63, v36;
	v37 =	vadd.f32 v44, v37;
	_ =	sdelay $0x1  }
0xa7: {  	v37 =	vadd.f32 v45, v37;
	_ =	sdelay $0x1  }
0xa8: {  	[tilespmem:$0x1A720] =	vst v37  }
0xa9: {  	v37 =	vld [tilespmem:s31+$0xFFFFFEA0]  }
0xaa: {  	v46 =	vld [tilespmem:s31+$0xFFFFFEB0];
	_ =	sdelay $0x1  }
0xab: {  	v47 =	vld [tilespmem:s31+$0xFFFFFEC0];
	_ =	sdelay $0x1  }
0xac: {  	v48 =	vld [tilespmem:s31+$0xFFFFFED0]  }
0xad: {  	v37 =	vmul.f32 v37, v33;
	v38 =	vmul.f32 v46, v34;
	_ =	sdelay $0x1  }
0xae: {  	v49 =	vmul.f32 v47, v35;
	v37 =	vadd.f32 v38, v37;
	_ =	sdelay $0x1  }
0xaf: {  	v50 =	vmul.f32 v48, v36;
	v37 =	vadd.f32 v49, v37;
	_ =	sdelay $0x1  }
0xb0: {  	v37 =	vadd.f32 v50, v37;
	_ =	sdelay $0x1  }
0xb1: {  	[tilespmem:$0x1A730] =	vst v37  }
0xb2: {  	v37 =	vld [tilespmem:s31+$0xFFFFFEE0]  }
0xb3: {  	v51 =	vld [tilespmem:s31+$0xFFFFFEF0];
	_ =	sdelay $0x1  }
0xb4: {  	v52 =	vld [tilespmem:s31+$0xFFFFFF00];
	_ =	sdelay $0x1  }
0xb5: {  	v53 =	vld [tilespmem:s31+$0xFFFFFF10]  }
0xb6: {  	v37 =	vmul.f32 v37, v33;
	v38 =	vmul.f32 v51, v34;
	_ =	sdelay $0x1  }
0xb7: {  	v54 =	vmul.f32 v52, v35;
	v37 =	vadd.f32 v38, v37;
	_ =	sdelay $0x1  }
0xb8: {  	v55 =	vmul.f32 v53, v36;
	v37 =	vadd.f32 v54, v37;
	_ =	sdelay $0x1  }
0xb9: {  	v37 =	vadd.f32 v55, v37;
	_ =	sdelay $0x1  }
0xba: {  	[tilespmem:$0x1A740] =	vst v37  }
0xbb: {  	v37 =	vld [tilespmem:s31+$0xFFFFFF20]  }
0xbc: {  	v56 =	vld [tilespmem:s31+$0xFFFFFF30];
	_ =	sdelay $0x1  }
0xbd: {  	v57 =	vld [tilespmem:s31+$0xFFFFFF40];
	_ =	sdelay $0x1  }
0xbe: {  	v58 =	vld [tilespmem:s31+$0xFFFFFF50]  }
0xbf: {  	v37 =	vmul.f32 v37, v33;
	v38 =	vmul.f32 v56, v34;
	_ =	sdelay $0x1  }
0xc0: {  	v59 =	vmul.f32 v57, v35;
	v37 =	vadd.f32 v38, v37;
	_ =	sdelay $0x1  }
0xc1: {  	v60 =	vmul.f32 v58, v36;
	v37 =	vadd.f32 v59, v37;
	_ =	sdelay $0x1  }
0xc2: {  	v37 =	vadd.f32 v60, v37;
	_ =	sdelay $0x1  }
0xc3: {  	[tilespmem:$0x1A750] =	vst v37  }
0xc4: {  	v37 =	vld [tilespmem:s31+$0xFFFFFF60]  }
0xc5: {  	v61 =	vld [tilespmem:s31+$0xFFFFFF70];
	_ =	sdelay $0x1  }
0xc6: {  	v62 =	vld [tilespmem:s31+$0xFFFFFF80];
	_ =	sdelay $0x1  }
0xc7: {  	v63 =	vld [tilespmem:s31+$0xFFFFFF90]  }
0xc8: {  	v37 =	vmul.f32 v37, v33;
	v38 =	vmul.f32 v61, v34;
	_ =	sdelay $0x1  }
0xc9: {  	v44 =	vmul.f32 v62, v35;
	v37 =	vadd.f32 v38, v37;
	_ =	sdelay $0x1  }
0xca: {  	v45 =	vmul.f32 v63, v36;
	v37 =	vadd.f32 v44, v37;
	_ =	sdelay $0x1  }
0xcb: {  	v37 =	vadd.f32 v45, v37;
	_ =	sdelay $0x1  }
0xcc: {  	[tilespmem:$0x1A760] =	vst v37  }
0xcd: {  	v37 =	vld [tilespmem:s31+$0xFFFFFFA0]  }
0xce: {  	v46 =	vld [tilespmem:s31+$0xFFFFFFB0];
	_ =	sdelay $0x1  }
0xcf: {  	v47 =	vld [tilespmem:s31+$0xFFFFFFC0];
	_ =	sdelay $0x1  }
0xd0: {  	v48 =	vld [tilespmem:s31+$0xFFFFFFD0]  }
0xd1: {  	v37 =	vmul.f32 v37, v33;
	v38 =	vmul.f32 v46, v34;
	_ =	sdelay $0x1  }
0xd2: {  	v49 =	vmul.f32 v47, v35;
	v37 =	vadd.f32 v38, v37;
	_ =	sdelay $0x1  }
0xd3: {  	v50 =	vmul.f32 v48, v36;
	v37 =	vadd.f32 v49, v37;
	_ =	sdelay $0x1  }
0xd4: {  	v37 =	vadd.f32 v50, v37;
	_ =	sdelay $0x1  }
0xd5: {  	[tilespmem:$0x1A770] =	vst v37  }
0xd6: {  	v37 =	vld [tilespmem:s31+$0xFFFFFFE0]  }
0xd7: {  	v51 =	vld [tilespmem:s31+$0xFFFFFFF0];
	_ =	sdelay $0x1  }
0xd8: {  	v52 =	vld [tilespmem:s31+$0x0];
	_ =	sdelay $0x1  }
0xd9: {  	v53 =	vld [tilespmem:s31+$0x10]  }
0xda: {  	v37 =	vmul.f32 v37, v33;
	v38 =	vmul.f32 v51, v34;
	_ =	sdelay $0x1  }
0xdb: {  	v54 =	vmul.f32 v52, v35;
	v37 =	vadd.f32 v38, v37;
	_ =	sdelay $0x1  }
0xdc: {  	v55 =	vmul.f32 v53, v36;
	v37 =	vadd.f32 v54, v37;
	_ =	sdelay $0x1  }
0xdd: {  	v37 =	vadd.f32 v55, v37;
	_ =	sdelay $0x1  }
0xde: {  	[tilespmem:$0x1A780] =	vst v37  }
0xdf: {  	v37 =	vld [tilespmem:s31+$0x20]  }
0xe0: {  	v56 =	vld [tilespmem:s31+$0x30];
	_ =	sdelay $0x1  }
0xe1: {  	v57 =	vld [tilespmem:s31+$0x40];
	_ =	sdelay $0x1  }
0xe2: {  	v58 =	vld [tilespmem:s31+$0x50]  }
0xe3: {  	v37 =	vmul.f32 v37, v33;
	v38 =	vmul.f32 v56, v34;
	_ =	sdelay $0x1  }
0xe4: {  	v59 =	vmul.f32 v57, v35;
	v37 =	vadd.f32 v38, v37;
	_ =	sdelay $0x1  }
0xe5: {  	v60 =	vmul.f32 v58, v36;
	v37 =	vadd.f32 v59, v37;
	_ =	sdelay $0x1  }
0xe6: {  	v37 =	vadd.f32 v60, v37;
	_ =	sdelay $0x1  }
0xe7: {  	[tilespmem:$0x1A790] =	vst v37  }
0xe8: {  	v37 =	vld [tilespmem:s31+$0x60]  }
0xe9: {  	v61 =	vld [tilespmem:s31+$0x70];
	_ =	sdelay $0x1  }
0xea: {  	v62 =	vld [tilespmem:s31+$0x80];
	_ =	sdelay $0x1  }
0xeb: {  	v63 =	vld [tilespmem:s31+$0x90]  }
0xec: {  	v37 =	vmul.f32 v37, v33;
	v38 =	vmul.f32 v61, v34;
	_ =	sdelay $0x1  }
0xed: {  	v44 =	vmul.f32 v62, v35;
	v37 =	vadd.f32 v38, v37;
	_ =	sdelay $0x1  }
0xee: {  	v45 =	vmul.f32 v63, v36;
	v37 =	vadd.f32 v44, v37;
	_ =	sdelay $0x1  }
0xef: {  	v37 =	vadd.f32 v45, v37;
	_ =	sdelay $0x1  }
0xf0: {  	[tilespmem:$0x1A7A0] =	vst v37  }
0xf1: {  	v37 =	vld [tilespmem:s31+$0xA0]  }
0xf2: {  	v46 =	vld [tilespmem:s31+$0xB0];
	_ =	sdelay $0x1  }
0xf3: {  	v47 =	vld [tilespmem:s31+$0xC0];
	_ =	sdelay $0x1  }
0xf4: {  	v48 =	vld [tilespmem:s31+$0xD0]  }
0xf5: {  	v37 =	vmul.f32 v37, v33;
	v38 =	vmul.f32 v46, v34;
	_ =	sdelay $0x1  }
0xf6: {  	v49 =	vmul.f32 v47, v35;
	v37 =	vadd.f32 v38, v37;
	_ =	sdelay $0x1  }
0xf7: {  	v50 =	vmul.f32 v48, v36;
	v37 =	vadd.f32 v49, v37;
	_ =	sdelay $0x1  }
0xf8: {  	v37 =	vadd.f32 v50, v37;
	_ =	sdelay $0x1  }
0xf9: {  	[tilespmem:$0x1A7B0] =	vst v37  }
0xfa: {  	v37 =	vld [tilespmem:s31+$0xE0]  }
0xfb: {  	v51 =	vld [tilespmem:s31+$0xF0];
	_ =	sdelay $0x1  }
0xfc: {  	v52 =	vld [tilespmem:s31+$0x100];
	_ =	sdelay $0x1  }
0xfd: {  	v53 =	vld [tilespmem:s31+$0x110]  }
0xfe: {  	v37 =	vmul.f32 v37, v33;
	v38 =	vmul.f32 v51, v34;
	_ =	sdelay $0x1  }
0xff: {  	v54 =	vmul.f32 v52, v35;
	v37 =	vadd.f32 v38, v37;
	_ =	sdelay $0x1  }
0x100: {  	v55 =	vmul.f32 v53, v36;
	v37 =	vadd.f32 v54, v37;
	_ =	sdelay $0x1  }
0x101: {  	v37 =	vadd.f32 v55, v37;
	_ =	sdelay $0x1  }
0x102: {  	[tilespmem:$0x1A7C0] =	vst v37  }
0x103: {  	v37 =	vld [tilespmem:s31+$0x120]  }
0x104: {  	v56 =	vld [tilespmem:s31+$0x130];
	_ =	sdelay $0x1  }
0x105: {  	v57 =	vld [tilespmem:s31+$0x140];
	_ =	sdelay $0x1  }
0x106: {  	v58 =	vld [tilespmem:s31+$0x150]  }
0x107: {  	v37 =	vmul.f32 v37, v33;
	v38 =	vmul.f32 v56, v34;
	_ =	sdelay $0x1  }
0x108: {  	v59 =	vmul.f32 v57, v35;
	v37 =	vadd.f32 v38, v37;
	_ =	sdelay $0x1  }
0x109: {  	v60 =	vmul.f32 v58, v36;
	v37 =	vadd.f32 v59, v37;
	_ =	sdelay $0x1  }
0x10a: {  	v37 =	vadd.f32 v60, v37;
	_ =	sdelay $0x1  }
0x10b: {  	[tilespmem:$0x1A7D0] =	vst v37  }
0x10c: {  	v37 =	vld [tilespmem:s31+$0x160]  }
0x10d: {  	v61 =	vld [tilespmem:s31+$0x170];
	_ =	sdelay $0x1  }
0x10e: {  	v62 =	vld [tilespmem:s31+$0x180];
	_ =	sdelay $0x1  }
0x10f: {  	v63 =	vld [tilespmem:s31+$0x190]  }
0x110: {  	v37 =	vmul.f32 v37, v33;
	v38 =	vmul.f32 v61, v34;
	_ =	sdelay $0x1  }
0x111: {  	v44 =	vmul.f32 v62, v35;
	v37 =	vadd.f32 v38, v37;
	_ =	sdelay $0x1  }
0x112: {  	v45 =	vmul.f32 v63, v36;
	v37 =	vadd.f32 v44, v37;
	_ =	sdelay $0x1  }
0x113: {  	v37 =	vadd.f32 v45, v37;
	_ =	sdelay $0x1  }
0x114: {  	[tilespmem:$0x1A7E0] =	vst v37  }
0x115: {  	v37 =	vld [tilespmem:s31+$0x1A0]  }
0x116: {  	v46 =	vld [tilespmem:s31+$0x1B0];
	_ =	sdelay $0x1  }
0x117: {  	v47 =	vld [tilespmem:s31+$0x1C0];
	_ =	sdelay $0x1  }
0x118: {  	v48 =	vld [tilespmem:s31+$0x1D0]  }
0x119: {  	v37 =	vmul.f32 v37, v33;
	v38 =	vmul.f32 v46, v34;
	_ =	sdelay $0x1  }
0x11a: {  	v49 =	vmul.f32 v47, v35;
	v37 =	vadd.f32 v38, v37;
	_ =	sdelay $0x1  }
0x11b: {  	v50 =	vmul.f32 v48, v36;
	v37 =	vadd.f32 v49, v37;
	_ =	sdelay $0x1  }
0x11c: {  	v37 =	vadd.f32 v50, v37;
	_ =	sdelay $0x1  }
0x11d: {  	[tilespmem:$0x1A7F0] =	vst v37  }
0x11e: {  	v37 =	vld [tilespmem:s31+$0x1E0]  }
0x11f: {  	v51 =	vld [tilespmem:s31+$0x1F0];
	_ =	sdelay $0x1  }
0x120: {  	v52 =	vld [tilespmem:s31+$0x200];
	_ =	sdelay $0x1  }
0x121: {  	v53 =	vld [tilespmem:s31+$0x210]  }
0x122: {  	v37 =	vmul.f32 v37, v33;
	v38 =	vmul.f32 v51, v34;
	_ =	sdelay $0x1  }
0x123: {  	v54 =	vmul.f32 v52, v35;
	v37 =	vadd.f32 v38, v37;
	_ =	sdelay $0x1  }
0x124: {  	v55 =	vmul.f32 v53, v36;
	v37 =	vadd.f32 v54, v37;
	_ =	sdelay $0x1  }
0x125: {  	v37 =	vadd.f32 v55, v37;
	_ =	sdelay $0x1  }
0x126: {  	[tilespmem:$0x1A800] =	vst v37  }
0x127: {  	v37 =	vld [tilespmem:s31+$0x220]  }
0x128: {  	v56 =	vld [tilespmem:s31+$0x230];
	_ =	sdelay $0x1  }
0x129: {  	v57 =	vld [tilespmem:s31+$0x240];
	_ =	sdelay $0x1  }
0x12a: {  	v58 =	vld [tilespmem:s31+$0x250]  }
0x12b: {  	v37 =	vmul.f32 v37, v33;
	v38 =	vmul.f32 v56, v34;
	_ =	sdelay $0x1  }
0x12c: {  	v59 =	vmul.f32 v57, v35;
	v37 =	vadd.f32 v38, v37;
	_ =	sdelay $0x1  }
0x12d: {  	v60 =	vmul.f32 v58, v36;
	v37 =	vadd.f32 v59, v37;
	_ =	sdelay $0x1  }
0x12e: {  	v37 =	vadd.f32 v60, v37;
	_ =	sdelay $0x1  }
0x12f: {  	[tilespmem:$0x1A810] =	vst v37  }
0x130: {  	v37 =	vld [tilespmem:s31+$0x260]  }
0x131: {  	v61 =	vld [tilespmem:s31+$0x270];
	_ =	sdelay $0x1  }
0x132: {  	v62 =	vld [tilespmem:s31+$0x280];
	_ =	sdelay $0x1  }
0x133: {  	v63 =	vld [tilespmem:s31+$0x290]  }
0x134: {  	v37 =	vmul.f32 v37, v33;
	v38 =	vmul.f32 v61, v34;
	_ =	sdelay $0x1  }
0x135: {  	v44 =	vmul.f32 v62, v35;
	v37 =	vadd.f32 v38, v37;
	_ =	sdelay $0x1  }
0x136: {  	v45 =	vmul.f32 v63, v36;
	v37 =	vadd.f32 v44, v37;
	_ =	sdelay $0x1  }
0x137: {  	v37 =	vadd.f32 v45, v37;
	_ =	sdelay $0x1  }
0x138: {  	[tilespmem:$0x1A820] =	vst v37  }
0x139: {  	v37 =	vld [tilespmem:s31+$0x2A0]  }
0x13a: {  	v46 =	vld [tilespmem:s31+$0x2B0];
	_ =	sdelay $0x1  }
0x13b: {  	v47 =	vld [tilespmem:s31+$0x2C0];
	_ =	sdelay $0x1  }
0x13c: {  	v48 =	vld [tilespmem:s31+$0x2D0]  }
0x13d: {  	v37 =	vmul.f32 v37, v33;
	v38 =	vmul.f32 v46, v34;
	_ =	sdelay $0x1  }
0x13e: {  	v49 =	vmul.f32 v47, v35;
	v37 =	vadd.f32 v38, v37;
	_ =	sdelay $0x1  }
0x13f: {  	v50 =	vmul.f32 v48, v36;
	v37 =	vadd.f32 v49, v37;
	_ =	sdelay $0x1  }
0x140: {  	v37 =	vadd.f32 v50, v37;
	_ =	sdelay $0x1  }
0x141: {  	[tilespmem:$0x1A830] =	vst v37  }
0x142: {  	v37 =	vld [tilespmem:s31+$0x2E0]  }
0x143: {  	v51 =	vld [tilespmem:s31+$0x2F0];
	_ =	sdelay $0x1  }
0x144: {  	v52 =	vld [tilespmem:s31+$0x300];
	_ =	sdelay $0x1  }
0x145: {  	v53 =	vld [tilespmem:s31+$0x310]  }
0x146: {  	v33 =	vmul.f32 v37, v33;
	v34 =	vmul.f32 v51, v34;
	_ =	sdelay $0x1  }
0x147: {  	v54 =	vmul.f32 v52, v35;
	v33 =	vadd.f32 v34, v33;
	_ =	sdelay $0x1  }
0x148: {  	v55 =	vmul.f32 v53, v36;
	v33 =	vadd.f32 v54, v33;
	_ =	sdelay $0x1  }
0x149: {  	v33 =	vadd.f32 v55, v33;
	_ =	sdelay $0x1  }
0x14a: {  	[tilespmem:$0x1A840] =	vst v33  }
0x14b: {  	v33 =	vld.idx.msk [tilespmem:v0+s22+$0x0], $0xffff  }
0x14c: {  	v34 =	vld.idx.msk [tilespmem:v2+s22+$0x0], $0xffff  }
0x14d: {  	v56 =	vld.idx.msk [tilespmem:v3+s22+$0x0], $0xffff  }
0x14e: {  	v36 =	vld.idx.msk [tilespmem:v4+s22+$0x0], $0xffff  }
0x14f: {  	v57 =	vld.idx.msk [tilespmem:v5+s22+$0x0], $0xffff  }
0x150: {  	v58 =	vld.idx.msk [tilespmem:v7+s22+$0x0], $0xffff  }
0x151: {  	v59 =	vld.idx.msk [tilespmem:v9+s22+$0x0], $0xffff  }
0x152: {  	v60 =	vld.idx.msk [tilespmem:v11+s22+$0x0], $0xffff  }
0x153: {  	v41 =	vld.idx.msk [tilespmem:v13+s22+$0x0], $0xffff  }
0x154: {  	v42 =	vld.idx.msk [tilespmem:v15+s22+$0x0], $0xffff  }
0x155: {  	v43 =	vld.idx.msk [tilespmem:v17+s22+$0x0], $0xffff  }
0x156: {  	v44 =	vld.idx.msk [tilespmem:v19+s22+$0x0], $0xffff  }
0x157: {  	v45 =	vld.idx.msk [tilespmem:v21+s22+$0x0], $0xffff  }
0x158: {  	v46 =	vld.idx.msk [tilespmem:v23+s22+$0x0], $0xffff  }
0x159: {  	v47 =	vld.idx.msk [tilespmem:v25+s22+$0x0], $0xffff  }
0x15a: {  	v48 =	vld.idx.msk [tilespmem:v27+s22+$0x0], $0xffff;
	v33 =	vadd.f32 $0.0e+00, v33;
	v35 =	vadd.f32 $0.0e+00, v56  }
0x15b: {  	v49 =	vld.idx.msk [tilespmem:v29+s22+$0x0], $0xffff;
	v37 =	vadd.f32 $0.0e+00, v57;
	v38 =	vadd.f32 $0.0e+00, v58  }
0x15c: {  	v61 =	vld.idx.msk [tilespmem:v31+s22+$0x0], $0xffff;
	v33 =	vadd.f32 v59, v33;
	v35 =	vadd.f32 v60, v35  }
0x15d: {  	v62 =	vld.idx.msk [tilespmem:v6+s22+$0x0], $0xffff;
	v37 =	vadd.f32 v41, v37;
	v38 =	vadd.f32 v42, v38  }
0x15e: {  	v63 =	vld.idx.msk [tilespmem:v10+s22+$0x0], $0xffff;
	v33 =	vadd.f32 v43, v33;
	v35 =	vadd.f32 v44, v35  }
0x15f: {  	v52 =	vld.idx.msk [tilespmem:v12+s22+$0x0], $0xffff;
	v37 =	vadd.f32 v45, v37;
	v38 =	vadd.f32 v46, v38  }
0x160: {  	v53 =	vld.idx.msk [tilespmem:v14+s22+$0x0], $0xffff;
	v33 =	vadd.f32 v47, v33;
	v35 =	vadd.f32 v48, v35  }
0x161: {  	v54 =	vld.idx.msk [tilespmem:v16+s22+$0x0], $0xffff;
	v37 =	vadd.f32 v49, v37;
	v38 =	vadd.f32 v61, v38  }
0x162: {  	v55 =	vld.idx.msk [tilespmem:v18+s22+$0x0], $0xffff  }
0x163: {  	v57 =	vld.idx.msk [tilespmem:v20+s22+$0x0], $0xffff;
	v33 =	vadd.f32 v35, v33;
	v56 =	vadd.f32 v38, v37  }
0x164: {  	v41 =	vld.idx.msk [tilespmem:v8+s22+$0x0], $0xffff  }
0x165: {  	v58 =	vld.idx.msk [tilespmem:v22+s22+$0x0], $0xffff;
	v33 =	vadd.f32 v56, v33  }
0x166: {  	v40 =	vadd.f32 $0.0e+00, v62;
	v62 =	vld.idx.msk [tilespmem:v28+s22+$0x0], $0xffff  }
0x167: {  	v34 =	vadd.f32 $0.0e+00, v34;
	v59 =	vld.idx.msk [tilespmem:v24+s22+$0x0], $0xffff;
	v61 =	vsub.f32 $0.0e+00, v33  }
0x168: {  	v36 =	vadd.f32 $0.0e+00, v36;
	v60 =	vld.idx.msk [tilespmem:v26+s22+$0x0], $0xffff  }
0x169: {  	v34 =	vadd.f32 v63, v34;
	v63 =	vld.idx.msk [tilespmem:v30+s22+$0x0], $0xffff;
	v41 =	vadd.f32 $0.0e+00, v41;
	v33 =	vsel vm0, v33, v61  }
0x16a: {  	v36 =	vadd.f32 v52, v36;
	v40 =	vadd.f32 v53, v40;
	v49 =	vld.idx.msk [tilespmem:v32+s22+$0x0], $0xffff;
	v50 =	vand.u32 $0x7FFFFFFF, v33  }
0x16b: {  	v39 =	vadd.f32 v54, v41;
	v51 =	vsub.f32 $0.0e+00, v50  }
0x16c: {  	v34 =	vadd.f32 v55, v34;
	v36 =	vadd.f32 v57, v36  }
0x16d: {  	v52 =	vadd.f32 v58, v40;
	v35 =	vadd.f32 v59, v39;
	v53 =	vmul.f32 $1.442695020e+00, v51  }
0x16e: {  	v34 =	vadd.f32 v60, v34;
	v36 =	vadd.f32 v62, v36  }
0x16f: {  	v37 =	vadd.f32 v63, v52;
	v35 =	vadd.f32 v49, v35;
	(erf) = vpow2.f32 v53;
	_ =	sdelay $0x1  }
0x170: {  	v34 =	vadd.f32 v36, v34;
	v35 =	vadd.f32 v35, v37;
	_ =	sdelay $0x1  }
0x171: {  	v34 =	vadd.f32 v35, v34;
	_ =	sdelay $0x1  }
0x172: {  	v34 =	vsub.f32 $0.0e+00, v34;
	_ =	sdelay $0x1  }
0x173: {  	v54 =	vand.u32 $0x7FFFFFFF, v34  }
0x174: {  	v35 =	vsub.f32 $0.0e+00, v54;
	v55 =	vpop (erf)  }
0x175: {  	v56 =	vadd.f32 $2.000000000e+00, v55  }
0x176: {  	v35 =	vmul.f32 $1.442695020e+00, v35  }
0x177: {  	(erf) = vrcp.f32 v56  }
0x178: {  	(erf) = vpow2.f32 v35;
	_ =	sdelay $0x7  }
0x179: {  	v57 =	vpop (erf)  }
0x17a: {  	v58 =	vpop (erf)  }
0x17b: {  	v59 =	vadd.f32 $2.000000000e+00, v58;
	_ =	sdelay $0x1  }
0x17c: {  	(erf) = vrcp.f32 v59;
	_ =	sdelay $0x8  }
0x17d: {  	v38 =	vpop (erf)  }
0x17e: {  	v37 =	vmul.f32 v38, v58  }
0x17f: {  	v35 =	vmul.f32 v57, v55  }
0x180: {  	v60 =	vmul.f32 v37, v37  }
0x181: {  	v61 =	vmul.f32 v35, v35  }
0x182: {  	v62 =	vmul.f32 $1.111111120e-01, v60  }
0x183: {  	v63 =	vmul.f32 $1.111111120e-01, v61  }
0x184: {  	v39 =	vadd.f32 $1.428571490e-01, v62  }
0x185: {  	v40 =	vadd.f32 $1.428571490e-01, v63  }
0x186: {  	v39 =	vmul.f32 v39, v60  }
0x187: {  	v40 =	vmul.f32 v40, v61  }
0x188: {  	v39 =	vadd.f32 $2.000000030e-01, v39  }
0x189: {  	v40 =	vadd.f32 $2.000000030e-01, v40  }
0x18a: {  	v39 =	vmul.f32 v39, v60  }
0x18b: {  	v40 =	vmul.f32 v40, v61  }
0x18c: {  	v39 =	vadd.f32 $3.333333430e-01, v39  }
0x18d: {  	v40 =	vadd.f32 $3.333333430e-01, v40  }
0x18e: {  	v36 =	vmul.f32 v39, v60  }
0x18f: {  	v38 =	vmul.f32 v40, v61  }
0x190: {  	v37 =	vmul.f32 $-2.000000000e+00, v37;
	v36 =	vadd.f32 $1.000000000e+00, v36  }
0x191: {  	v35 =	vadd.f32 v35, v35;
	v38 =	vadd.f32 $1.000000000e+00, v38  }
0x192: {  	v36 =	vmul.f32 v36, v37  }
0x193: {  	v34 =	vmin.f32 v34, $0.0e+00;
	v35 =	vmul.f32 v38, v35  }
0x194: {  	p0 =	sne.s32 s30, $0x7C0;
	v33 =	vmin.f32 v33, $0.0e+00;
	v34 =	vadd.f32 v36, v34  }
.Ltmp0:
0x195: {  	v33 =	vsub.f32 v33, v35;
	(pc) =	sbr.rel @p0 .LBB2_3-.Ltmp0, $4  }
0x196: {  	v34 =	vnsel vm1, $0x0, v34  }
0x197: {  	v33 =	vadd.f32 v34, v33  }
0x198: {  	s2 =	sshra.s32 s30, $0x2  }
0x199: {  	s0 =	sadd.s32 $0x40, s0;
	s30 =	sadd.s32 $0x40, s30;
	s31 =	sadd.s32 $0x640, s31;
	[tilespmem:s2+$0x1A8C0] =	vst v33  }
0x19a: {  	_ =	sdelay $0x3  }
0x19b: {  	v33 =	vld.idx.msk [tilespmem:v0+s23+$0x0], $0xffff  }
0x19c: {  	v34 =	vld.idx.msk [tilespmem:v3+s23+$0x0], $0xffff  }
0x19d: {  	v35 =	vld.idx.msk [tilespmem:v5+s23+$0x0], $0xffff  }
0x19e: {  	v36 =	vld.idx.msk [tilespmem:v7+s23+$0x0], $0xffff  }
0x19f: {  	v37 =	vld.idx.msk [tilespmem:v9+s23+$0x0], $0xffff  }
0x1a0: {  	v38 =	vld.idx.msk [tilespmem:v11+s23+$0x0], $0xffff  }
0x1a1: {  	v39 =	vld.idx.msk [tilespmem:v13+s23+$0x0], $0xffff  }
0x1a2: {  	v40 =	vld.idx.msk [tilespmem:v15+s23+$0x0], $0xffff  }
0x1a3: {  	v41 =	vld.idx.msk [tilespmem:v17+s23+$0x0], $0xffff  }
0x1a4: {  	v42 =	vld.idx.msk [tilespmem:v19+s23+$0x0], $0xffff  }
0x1a5: {  	v43 =	vld.idx.msk [tilespmem:v21+s23+$0x0], $0xffff  }
0x1a6: {  	v44 =	vld.idx.msk [tilespmem:v23+s23+$0x0], $0xffff  }
0x1a7: {  	v45 =	vld.idx.msk [tilespmem:v25+s23+$0x0], $0xffff  }
0x1a8: {  	v46 =	vld.idx.msk [tilespmem:v27+s23+$0x0], $0xffff;
	v33 =	vadd.f32 $0.0e+00, v33;
	v34 =	vadd.f32 $0.0e+00, v34  }
0x1a9: {  	v47 =	vld.idx.msk [tilespmem:v29+s23+$0x0], $0xffff;
	v35 =	vadd.f32 $0.0e+00, v35;
	v36 =	vadd.f32 $0.0e+00, v36  }
0x1aa: {  	v63 =	vld.idx.msk [tilespmem:v31+s23+$0x0], $0xffff;
	v33 =	vadd.f32 v37, v33;
	v34 =	vadd.f32 v38, v34  }
0x1ab: {  	v35 =	vadd.f32 v39, v35;
	v36 =	vadd.f32 v40, v36  }
0x1ac: {  	v33 =	vadd.f32 v41, v33;
	v34 =	vadd.f32 v42, v34  }
0x1ad: {  	v35 =	vadd.f32 v43, v35;
	v36 =	vadd.f32 v44, v36  }
0x1ae: {  	v33 =	vadd.f32 v45, v33;
	v34 =	vadd.f32 v46, v34  }
0x1af: {  	v35 =	vadd.f32 v47, v35;
	v36 =	vadd.f32 v63, v36;
	_ =	sdelay $0x1  }
0x1b0: {  	v33 =	vadd.f32 v34, v33;
	v47 =	vadd.f32 v36, v35;
	_ =	sdelay $0x1  }
0x1b1: {  	v33 =	vadd.f32 v47, v33;
	_ =	sdelay $0x1  }
0x1b2: {  	v33 =	vsub.f32 $0.0e+00, v33;
	_ =	sdelay $0x1  }
0x1b3: {  	[tilespmem:$0x1AAC0] =	vst v33  }
0x1b4: {  	v33 =	vld.idx.msk [tilespmem:v2+s23+$0x0], $0xffff  }
0x1b5: {  	v48 =	vld.idx.msk [tilespmem:v4+s23+$0x0], $0xffff  }
0x1b6: {  	v49 =	vld.idx.msk [tilespmem:v6+s23+$0x0], $0xffff  }
0x1b7: {  	v50 =	vld.idx.msk [tilespmem:v8+s23+$0x0], $0xffff  }
0x1b8: {  	v51 =	vld.idx.msk [tilespmem:v10+s23+$0x0], $0xffff  }
0x1b9: {  	v52 =	vld.idx.msk [tilespmem:v12+s23+$0x0], $0xffff  }
0x1ba: {  	v53 =	vld.idx.msk [tilespmem:v14+s23+$0x0], $0xffff  }
0x1bb: {  	v54 =	vld.idx.msk [tilespmem:v16+s23+$0x0], $0xffff  }
0x1bc: {  	v55 =	vld.idx.msk [tilespmem:v18+s23+$0x0], $0xffff  }
0x1bd: {  	v56 =	vld.idx.msk [tilespmem:v20+s23+$0x0], $0xffff  }
0x1be: {  	v57 =	vld.idx.msk [tilespmem:v22+s23+$0x0], $0xffff  }
0x1bf: {  	v58 =	vld.idx.msk [tilespmem:v24+s23+$0x0], $0xffff  }
0x1c0: {  	v59 =	vld.idx.msk [tilespmem:v26+s23+$0x0], $0xffff  }
0x1c1: {  	v60 =	vld.idx.msk [tilespmem:v28+s23+$0x0], $0xffff;
	v33 =	vadd.f32 $0.0e+00, v33;
	v34 =	vadd.f32 $0.0e+00, v48  }
0x1c2: {  	v61 =	vld.idx.msk [tilespmem:v30+s23+$0x0], $0xffff;
	v35 =	vadd.f32 $0.0e+00, v49;
	v36 =	vadd.f32 $0.0e+00, v50  }
0x1c3: {  	v62 =	vld.idx.msk [tilespmem:v32+s23+$0x0], $0xffff;
	v33 =	vadd.f32 v51, v33;
	v34 =	vadd.f32 v52, v34  }
0x1c4: {  	v35 =	vadd.f32 v53, v35;
	v36 =	vadd.f32 v54, v36  }
0x1c5: {  	v33 =	vadd.f32 v55, v33;
	v34 =	vadd.f32 v56, v34  }
0x1c6: {  	v35 =	vadd.f32 v57, v35;
	v36 =	vadd.f32 v58, v36  }
0x1c7: {  	v33 =	vadd.f32 v59, v33;
	v34 =	vadd.f32 v60, v34  }
0x1c8: {  	v35 =	vadd.f32 v61, v35;
	v36 =	vadd.f32 v62, v36;
	_ =	sdelay $0x1  }
0x1c9: {  	v33 =	vadd.f32 v34, v33;
	v63 =	vadd.f32 v36, v35;
	_ =	sdelay $0x1  }
0x1ca: {  	v33 =	vadd.f32 v63, v33;
	_ =	sdelay $0x1  }
0x1cb: {  	s0 =	sor.u32 s6, s29;
	v33 =	vsub.f32 $0.0e+00, v33  }
0x1cc: {  	s0 =	sshrl.u32 s0, $0x3  }
0x1cd: {  	s0 =	sadd.s32 s3, s0;
	[tilespmem:$0x1AAD0] =	vst v33  }
0x1ce: {  	[hbm4b:s0+s4] =	stream.linear.scatter [tilespmem:s24], [sflag:$0x4], $0x20, $0x38;
	[tilespmem:$0x1AAE0] =	vst v63  }
0x1cf: {  	_ =	swait.ge [sflag:s20], $0x20  }
0x1d0: {  	[sflag:s20] =	ssyncset.done $0x0  }
0x1d1: {  	[sflag:s20] =	ssyncadd.s32 $0xFFFFFFE0  }
0x1d2: {  	_ =	swait.ge [sflag:s25], $0x800  }
0x1d3: {  	[sflag:s25] =	ssyncset.done $0x0  }
0x1d4: {  	[sflag:s25] =	ssyncadd.s32 $0xFFFFF800  }
0x1d5: {  	_ =	swait.ge [sflag:s25], $0x1900  }
0x1d6: {  	[sflag:s25] =	ssyncset.done $0x0  }
0x1d7: {  	[sflag:s25] =	ssyncadd.s32 $0xFFFFE700  }
0x1d8: {  	_ =	swait.ge [sflag:s25], $0x1900  }
0x1d9: {  	[sflag:s25] =	ssyncset.done $0x0  }
0x1da: {  	[sflag:s25] =	ssyncadd.s32 $0xFFFFE700  }
0x1db: {  	_ =	swait.ge [sflag:s25], $0x1900  }
0x1dc: {  	[sflag:s25] =	ssyncset.done $0x0  }
0x1dd: {  	[sflag:s25] =	ssyncadd.s32 $0xFFFFE700  }
0x1de: {  	_ =	swait.ge [sflag:s25], $0x1900  }
0x1df: {  	[sflag:s25] =	ssyncset.done $0x0  }
0x1e0: {  	[sflag:s25] =	ssyncadd.s32 $0xFFFFE700  }
0x1e1: {  	_ =	swait.ge [sflag:s25], $0x1900  }
0x1e2: {  	[sflag:s25] =	ssyncset.done $0x0  }
0x1e3: {  	[sflag:s25] =	ssyncadd.s32 $0xFFFFE700  }
0x1e4: {  	_ =	swait.ge [sflag:s25], $0x1900  }
0x1e5: {  	[sflag:s25] =	ssyncset.done $0x0  }
0x1e6: {  	[sflag:s25] =	ssyncadd.s32 $0xFFFFE700  }
0x1e7: {  	_ =	swait.ge [sflag:s25], $0x1900  }
0x1e8: {  	[sflag:s25] =	ssyncset.done $0x0  }
0x1e9: {  	p0 =	seq.s32 s26, $0x7;
	[sflag:s25] =	ssyncadd.s32 $0xFFFFE700  }
0x1ea: {  	s0 =	sadd.s32 @!p0 s29, s12;
	_ =	swait.ge [sflag:s25], $0x1900  }
0x1eb: {  	s2 =	sshrl.u32 @!p0 s0, $0x3;
	[sflag:s25] =	ssyncset.done $0x0  }
0x1ec: {  	s29 =	simm.s32 @!p0 $0x0;
	s2 =	sadd.s32 @!p0 s1, s2;
	[sflag:s25] =	ssyncadd.s32 $0xFFFFE700  }
0x1ed: {  	[tilespmem:s29], [sflag:$0x4] =	stream.linear.gather @!p0 [hbm4b:s2+s29], $0x20, $0x38;
	[tilespmem:$0x1AAE0] =	vst v63  }
0x1ee: {  	s0 =	sshrl.u32 @!p0 s0, $0x2;
	s2 =	simm.s32 @!p0 $0x4  }
0x1ef: {  	s0 =	smul.u32 @!p0 $0xD, s0;
	_ =	swait.ge @!p0 [sflag:s2], $0x20  }
0x1f0: {  	[sflag:s2] =	ssyncset.done @!p0 $0x0  }
0x1f1: {  	s30 =	simm.s32 @!p0 $0x40;
	s0 =	sadd.s32 @!p0 s5, s0;
	[sflag:s2] =	ssyncadd.s32 @!p0 $0xFFFFFFE0  }
0x1f2: {  	[tilespmem:s30], [sflag:$0x4] =	stream.linear.gather @!p0 [hbm4b:s0+s29], $0x340, $0x38;
	[tilespmem:$0x1AAE0] =	vst v63  }
0x1f3: {  	_ =	swait.ge @!p0 [sflag:s2], $0x340  }
0x1f4: {  	[sflag:s2] =	ssyncset.done @!p0 $0x0  }
0x1f5: {  	s0 =	simm.s32 @!p0 $0x20;
	[sflag:s2] =	ssyncadd.s32 @!p0 $0xFFFFFCC0;
	s2 =	simm.s32 @!p0 $0x6C0  }
0x1f6: {  	[tilespmem:s2], [sflag:$0x1] =	stream.indirect.gather @!p0 [hbm4b:s7+s0], $0x40, s29, s0, $0xb8;
	[tilespmem:$0x1AAE0] =	vst v63  }
0x1f7: {  	s0 =	simm.s32 @!p0 $0x64;
	s2 =	simm.s32 @!p0 $0x16C0  }
0x1f8: {  	[tilespmem:s2], [sflag:$0x1] =	stream.indirect.gather @!p0 [hbm4b:s8+s0], $0x40, s30, s0, $0xb8;
	[tilespmem:$0x1AAE0] =	vst v63  }
0x1f9: {  	s29 =	simm.s32 @!p0 $0x2FC0;
	s2 =	simm.s32 @!p0 $0xA8  }
0x1fa: {  	[tilespmem:s29], [sflag:$0x1] =	stream.indirect.gather @!p0 [hbm4b:s8+s0], $0x40, s2, s0, $0xb8;
	[tilespmem:$0x1AAE0] =	vst v63  }
0x1fb: {  	s2 =	simm.s32 @!p0 $0x110;
	s29 =	simm.s32 @!p0 $0x48C0  }
0x1fc: {  	[tilespmem:s29], [sflag:$0x1] =	stream.indirect.gather @!p0 [hbm4b:s8+s0], $0x40, s2, s0, $0xb8;
	[tilespmem:$0x1AAE0] =	vst v63  }
0x1fd: {  	s2 =	simm.s32 @!p0 $0x178;
	s29 =	simm.s32 @!p0 $0x61C0  }
0x1fe: {  	[tilespmem:s29], [sflag:$0x1] =	stream.indirect.gather @!p0 [hbm4b:s8+s0], $0x40, s2, s0, $0xb8;
	[tilespmem:$0x1AAE0] =	vst v63  }
0x1ff: {  	s2 =	simm.s32 @!p0 $0x1E0;
	s29 =	simm.s32 @!p0 $0x7AC0  }
0x200: {  	[tilespmem:s29], [sflag:$0x1] =	stream.indirect.gather @!p0 [hbm4b:s8+s0], $0x40, s2, s0, $0xb8;
	[tilespmem:$0x1AAE0] =	vst v63  }
0x201: {  	s2 =	simm.s32 @!p0 $0x248;
	s29 =	simm.s32 @!p0 $0x93C0  }
0x202: {  	[tilespmem:s29], [sflag:$0x1] =	stream.indirect.gather @!p0 [hbm4b:s8+s0], $0x40, s2, s0, $0xb8;
	[tilespmem:$0x1AAE0] =	vst v63  }
0x203: {  	s2 =	simm.s32 @!p0 $0x2B0;
	s29 =	simm.s32 @!p0 $0xACC0  }
0x204: {  	[tilespmem:s29], [sflag:$0x1] =	stream.indirect.gather @!p0 [hbm4b:s8+s0], $0x40, s2, s0, $0xb8;
	[tilespmem:$0x1AAE0] =	vst v63  }
0x205: {  	s2 =	simm.s32 @!p0 $0x318;
	s29 =	simm.s32 @!p0 $0xC5C0  }
0x206: {  	[tilespmem:s29], [sflag:$0x1] =	stream.indirect.gather @!p0 [hbm4b:s8+s0], $0x40, s2, s0, $0xb8;
	[tilespmem:$0x1AAE0] =	vst v63  }
0x207: {  	s30 =	simm.s32 $0xE1E0;
	s29 =	simm.s32 $0x0;
	s0 =	simm.s32 $0xEE0  }
.LBB2_5:
0x208: {  	v33 =	vld [tilespmem:s0+$0xFFFFFFE0]  }
0x209: {  	v34 =	vld [tilespmem:s0+$0xFFFFFFF0]  }
0x20a: {  	v37 =	vld [tilespmem:s30+$0xFFFFFCE0]  }
0x20b: {  	v38 =	vld [tilespmem:s30+$0xFFFFFCF0]  }
0x20c: {  	v35 =	vld [tilespmem:s0+$0x0]  }
0x20d: {  	v39 =	vld [tilespmem:s30+$0xFFFFFD00]  }
0x20e: {  	v36 =	vld [tilespmem:s0+$0x10]  }
0x20f: {  	v40 =	vld [tilespmem:s30+$0xFFFFFD10]  }
0x210: {  	v37 =	vmul.f32 v37, v33;
	v38 =	vmul.f32 v38, v34;
	_ =	sdelay $0x1  }
0x211: {  	v54 =	vmul.f32 v39, v35;
	v37 =	vadd.f32 v38, v37;
	_ =	sdelay $0x1  }
0x212: {  	v55 =	vmul.f32 v40, v36;
	v37 =	vadd.f32 v54, v37;
	_ =	sdelay $0x1  }
0x213: {  	v37 =	vadd.f32 v55, v37;
	_ =	sdelay $0x1  }
0x214: {  	[tilespmem:$0x1A6C0] =	vst v37  }
0x215: {  	v37 =	vld [tilespmem:s30+$0xFFFFFD20]  }
0x216: {  	v56 =	vld [tilespmem:s30+$0xFFFFFD30];
	_ =	sdelay $0x1  }
0x217: {  	v57 =	vld [tilespmem:s30+$0xFFFFFD40];
	_ =	sdelay $0x1  }
0x218: {  	v58 =	vld [tilespmem:s30+$0xFFFFFD50]  }
0x219: {  	v37 =	vmul.f32 v37, v33;
	v38 =	vmul.f32 v56, v34;
	_ =	sdelay $0x1  }
0x21a: {  	v59 =	vmul.f32 v57, v35;
	v37 =	vadd.f32 v38, v37;
	_ =	sdelay $0x1  }
0x21b: {  	v60 =	vmul.f32 v58, v36;
	v37 =	vadd.f32 v59, v37;
	_ =	sdelay $0x1  }
0x21c: {  	v37 =	vadd.f32 v60, v37;
	_ =	sdelay $0x1  }
0x21d: {  	[tilespmem:$0x1A6D0] =	vst v37  }
0x21e: {  	v37 =	vld [tilespmem:s30+$0xFFFFFD60]  }
0x21f: {  	v61 =	vld [tilespmem:s30+$0xFFFFFD70];
	_ =	sdelay $0x1  }
0x220: {  	v62 =	vld [tilespmem:s30+$0xFFFFFD80];
	_ =	sdelay $0x1  }
0x221: {  	v63 =	vld [tilespmem:s30+$0xFFFFFD90]  }
0x222: {  	v37 =	vmul.f32 v37, v33;
	v38 =	vmul.f32 v61, v34;
	_ =	sdelay $0x1  }
0x223: {  	v44 =	vmul.f32 v62, v35;
	v37 =	vadd.f32 v38, v37;
	_ =	sdelay $0x1  }
0x224: {  	v45 =	vmul.f32 v63, v36;
	v37 =	vadd.f32 v44, v37;
	_ =	sdelay $0x1  }
0x225: {  	v37 =	vadd.f32 v45, v37;
	_ =	sdelay $0x1  }
0x226: {  	[tilespmem:$0x1A6E0] =	vst v37  }
0x227: {  	v37 =	vld [tilespmem:s30+$0xFFFFFDA0]  }
0x228: {  	v46 =	vld [tilespmem:s30+$0xFFFFFDB0];
	_ =	sdelay $0x1  }
0x229: {  	v47 =	vld [tilespmem:s30+$0xFFFFFDC0];
	_ =	sdelay $0x1  }
0x22a: {  	v48 =	vld [tilespmem:s30+$0xFFFFFDD0]  }
0x22b: {  	v37 =	vmul.f32 v37, v33;
	v38 =	vmul.f32 v46, v34;
	_ =	sdelay $0x1  }
0x22c: {  	v49 =	vmul.f32 v47, v35;
	v37 =	vadd.f32 v38, v37;
	_ =	sdelay $0x1  }
0x22d: {  	v50 =	vmul.f32 v48, v36;
	v37 =	vadd.f32 v49, v37;
	_ =	sdelay $0x1  }
0x22e: {  	v37 =	vadd.f32 v50, v37;
	_ =	sdelay $0x1  }
0x22f: {  	[tilespmem:$0x1A6F0] =	vst v37  }
0x230: {  	v37 =	vld [tilespmem:s30+$0xFFFFFDE0]  }
0x231: {  	v51 =	vld [tilespmem:s30+$0xFFFFFDF0];
	_ =	sdelay $0x1  }
0x232: {  	v52 =	vld [tilespmem:s30+$0xFFFFFE00];
	_ =	sdelay $0x1  }
0x233: {  	v53 =	vld [tilespmem:s30+$0xFFFFFE10]  }
0x234: {  	v37 =	vmul.f32 v37, v33;
	v38 =	vmul.f32 v51, v34;
	_ =	sdelay $0x1  }
0x235: {  	v54 =	vmul.f32 v52, v35;
	v37 =	vadd.f32 v38, v37;
	_ =	sdelay $0x1  }
0x236: {  	v55 =	vmul.f32 v53, v36;
	v37 =	vadd.f32 v54, v37;
	_ =	sdelay $0x1  }
0x237: {  	v37 =	vadd.f32 v55, v37;
	_ =	sdelay $0x1  }
0x238: {  	[tilespmem:$0x1A700] =	vst v37  }
0x239: {  	v37 =	vld [tilespmem:s30+$0xFFFFFE20]  }
0x23a: {  	v56 =	vld [tilespmem:s30+$0xFFFFFE30];
	_ =	sdelay $0x1  }
0x23b: {  	v57 =	vld [tilespmem:s30+$0xFFFFFE40];
	_ =	sdelay $0x1  }
0x23c: {  	v58 =	vld [tilespmem:s30+$0xFFFFFE50]  }
0x23d: {  	v37 =	vmul.f32 v37, v33;
	v38 =	vmul.f32 v56, v34;
	_ =	sdelay $0x1  }
0x23e: {  	v59 =	vmul.f32 v57, v35;
	v37 =	vadd.f32 v38, v37;
	_ =	sdelay $0x1  }
0x23f: {  	v60 =	vmul.f32 v58, v36;
	v37 =	vadd.f32 v59, v37;
	_ =	sdelay $0x1  }
0x240: {  	v37 =	vadd.f32 v60, v37;
	_ =	sdelay $0x1  }
0x241: {  	[tilespmem:$0x1A710] =	vst v37  }
0x242: {  	v37 =	vld [tilespmem:s30+$0xFFFFFE60]  }
0x243: {  	v61 =	vld [tilespmem:s30+$0xFFFFFE70];
	_ =	sdelay $0x1  }
0x244: {  	v62 =	vld [tilespmem:s30+$0xFFFFFE80];
	_ =	sdelay $0x1  }
0x245: {  	v63 =	vld [tilespmem:s30+$0xFFFFFE90]  }
0x246: {  	v37 =	vmul.f32 v37, v33;
	v38 =	vmul.f32 v61, v34;
	_ =	sdelay $0x1  }
0x247: {  	v44 =	vmul.f32 v62, v35;
	v37 =	vadd.f32 v38, v37;
	_ =	sdelay $0x1  }
0x248: {  	v45 =	vmul.f32 v63, v36;
	v37 =	vadd.f32 v44, v37;
	_ =	sdelay $0x1  }
0x249: {  	v37 =	vadd.f32 v45, v37;
	_ =	sdelay $0x1  }
0x24a: {  	[tilespmem:$0x1A720] =	vst v37  }
0x24b: {  	v37 =	vld [tilespmem:s30+$0xFFFFFEA0]  }
0x24c: {  	v46 =	vld [tilespmem:s30+$0xFFFFFEB0];
	_ =	sdelay $0x1  }
0x24d: {  	v47 =	vld [tilespmem:s30+$0xFFFFFEC0];
	_ =	sdelay $0x1  }
0x24e: {  	v48 =	vld [tilespmem:s30+$0xFFFFFED0]  }
0x24f: {  	v37 =	vmul.f32 v37, v33;
	v38 =	vmul.f32 v46, v34;
	_ =	sdelay $0x1  }
0x250: {  	v49 =	vmul.f32 v47, v35;
	v37 =	vadd.f32 v38, v37;
	_ =	sdelay $0x1  }
0x251: {  	v50 =	vmul.f32 v48, v36;
	v37 =	vadd.f32 v49, v37;
	_ =	sdelay $0x1  }
0x252: {  	v37 =	vadd.f32 v50, v37;
	_ =	sdelay $0x1  }
0x253: {  	[tilespmem:$0x1A730] =	vst v37  }
0x254: {  	v37 =	vld [tilespmem:s30+$0xFFFFFEE0]  }
0x255: {  	v51 =	vld [tilespmem:s30+$0xFFFFFEF0];
	_ =	sdelay $0x1  }
0x256: {  	v52 =	vld [tilespmem:s30+$0xFFFFFF00];
	_ =	sdelay $0x1  }
0x257: {  	v53 =	vld [tilespmem:s30+$0xFFFFFF10]  }
0x258: {  	v37 =	vmul.f32 v37, v33;
	v38 =	vmul.f32 v51, v34;
	_ =	sdelay $0x1  }
0x259: {  	v54 =	vmul.f32 v52, v35;
	v37 =	vadd.f32 v38, v37;
	_ =	sdelay $0x1  }
0x25a: {  	v55 =	vmul.f32 v53, v36;
	v37 =	vadd.f32 v54, v37;
	_ =	sdelay $0x1  }
0x25b: {  	v37 =	vadd.f32 v55, v37;
	_ =	sdelay $0x1  }
0x25c: {  	[tilespmem:$0x1A740] =	vst v37  }
0x25d: {  	v37 =	vld [tilespmem:s30+$0xFFFFFF20]  }
0x25e: {  	v56 =	vld [tilespmem:s30+$0xFFFFFF30];
	_ =	sdelay $0x1  }
0x25f: {  	v57 =	vld [tilespmem:s30+$0xFFFFFF40];
	_ =	sdelay $0x1  }
0x260: {  	v58 =	vld [tilespmem:s30+$0xFFFFFF50]  }
0x261: {  	v37 =	vmul.f32 v37, v33;
	v38 =	vmul.f32 v56, v34;
	_ =	sdelay $0x1  }
0x262: {  	v59 =	vmul.f32 v57, v35;
	v37 =	vadd.f32 v38, v37;
	_ =	sdelay $0x1  }
0x263: {  	v60 =	vmul.f32 v58, v36;
	v37 =	vadd.f32 v59, v37;
	_ =	sdelay $0x1  }
0x264: {  	v37 =	vadd.f32 v60, v37;
	_ =	sdelay $0x1  }
0x265: {  	[tilespmem:$0x1A750] =	vst v37  }
0x266: {  	v37 =	vld [tilespmem:s30+$0xFFFFFF60]  }
0x267: {  	v61 =	vld [tilespmem:s30+$0xFFFFFF70];
	_ =	sdelay $0x1  }
0x268: {  	v62 =	vld [tilespmem:s30+$0xFFFFFF80];
	_ =	sdelay $0x1  }
0x269: {  	v63 =	vld [tilespmem:s30+$0xFFFFFF90]  }
0x26a: {  	v37 =	vmul.f32 v37, v33;
	v38 =	vmul.f32 v61, v34;
	_ =	sdelay $0x1  }
0x26b: {  	v44 =	vmul.f32 v62, v35;
	v37 =	vadd.f32 v38, v37;
	_ =	sdelay $0x1  }
0x26c: {  	v45 =	vmul.f32 v63, v36;
	v37 =	vadd.f32 v44, v37;
	_ =	sdelay $0x1  }
0x26d: {  	v37 =	vadd.f32 v45, v37;
	_ =	sdelay $0x1  }
0x26e: {  	[tilespmem:$0x1A760] =	vst v37  }
0x26f: {  	v37 =	vld [tilespmem:s30+$0xFFFFFFA0]  }
0x270: {  	v46 =	vld [tilespmem:s30+$0xFFFFFFB0];
	_ =	sdelay $0x1  }
0x271: {  	v47 =	vld [tilespmem:s30+$0xFFFFFFC0];
	_ =	sdelay $0x1  }
0x272: {  	v48 =	vld [tilespmem:s30+$0xFFFFFFD0]  }
0x273: {  	v37 =	vmul.f32 v37, v33;
	v38 =	vmul.f32 v46, v34;
	_ =	sdelay $0x1  }
0x274: {  	v49 =	vmul.f32 v47, v35;
	v37 =	vadd.f32 v38, v37;
	_ =	sdelay $0x1  }
0x275: {  	v50 =	vmul.f32 v48, v36;
	v37 =	vadd.f32 v49, v37;
	_ =	sdelay $0x1  }
0x276: {  	v37 =	vadd.f32 v50, v37;
	_ =	sdelay $0x1  }
0x277: {  	[tilespmem:$0x1A770] =	vst v37  }
0x278: {  	v37 =	vld [tilespmem:s30+$0xFFFFFFE0]  }
0x279: {  	v51 =	vld [tilespmem:s30+$0xFFFFFFF0];
	_ =	sdelay $0x1  }
0x27a: {  	v52 =	vld [tilespmem:s30+$0x0];
	_ =	sdelay $0x1  }
0x27b: {  	v53 =	vld [tilespmem:s30+$0x10]  }
0x27c: {  	v37 =	vmul.f32 v37, v33;
	v38 =	vmul.f32 v51, v34;
	_ =	sdelay $0x1  }
0x27d: {  	v54 =	vmul.f32 v52, v35;
	v37 =	vadd.f32 v38, v37;
	_ =	sdelay $0x1  }
0x27e: {  	v55 =	vmul.f32 v53, v36;
	v37 =	vadd.f32 v54, v37;
	_ =	sdelay $0x1  }
0x27f: {  	v37 =	vadd.f32 v55, v37;
	_ =	sdelay $0x1  }
0x280: {  	[tilespmem:$0x1A780] =	vst v37  }
0x281: {  	v37 =	vld [tilespmem:s30+$0x20]  }
0x282: {  	v56 =	vld [tilespmem:s30+$0x30];
	_ =	sdelay $0x1  }
0x283: {  	v57 =	vld [tilespmem:s30+$0x40];
	_ =	sdelay $0x1  }
0x284: {  	v58 =	vld [tilespmem:s30+$0x50]  }
0x285: {  	v37 =	vmul.f32 v37, v33;
	v38 =	vmul.f32 v56, v34;
	_ =	sdelay $0x1  }
0x286: {  	v59 =	vmul.f32 v57, v35;
	v37 =	vadd.f32 v38, v37;
	_ =	sdelay $0x1  }
0x287: {  	v60 =	vmul.f32 v58, v36;
	v37 =	vadd.f32 v59, v37;
	_ =	sdelay $0x1  }
0x288: {  	v37 =	vadd.f32 v60, v37;
	_ =	sdelay $0x1  }
0x289: {  	[tilespmem:$0x1A790] =	vst v37  }
0x28a: {  	v37 =	vld [tilespmem:s30+$0x60]  }
0x28b: {  	v61 =	vld [tilespmem:s30+$0x70];
	_ =	sdelay $0x1  }
0x28c: {  	v62 =	vld [tilespmem:s30+$0x80];
	_ =	sdelay $0x1  }
0x28d: {  	v63 =	vld [tilespmem:s30+$0x90]  }
0x28e: {  	v37 =	vmul.f32 v37, v33;
	v38 =	vmul.f32 v61, v34;
	_ =	sdelay $0x1  }
0x28f: {  	v44 =	vmul.f32 v62, v35;
	v37 =	vadd.f32 v38, v37;
	_ =	sdelay $0x1  }
0x290: {  	v45 =	vmul.f32 v63, v36;
	v37 =	vadd.f32 v44, v37;
	_ =	sdelay $0x1  }
0x291: {  	v37 =	vadd.f32 v45, v37;
	_ =	sdelay $0x1  }
0x292: {  	[tilespmem:$0x1A7A0] =	vst v37  }
0x293: {  	v37 =	vld [tilespmem:s30+$0xA0]  }
0x294: {  	v46 =	vld [tilespmem:s30+$0xB0];
	_ =	sdelay $0x1  }
0x295: {  	v47 =	vld [tilespmem:s30+$0xC0];
	_ =	sdelay $0x1  }
0x296: {  	v48 =	vld [tilespmem:s30+$0xD0]  }
0x297: {  	v37 =	vmul.f32 v37, v33;
	v38 =	vmul.f32 v46, v34;
	_ =	sdelay $0x1  }
0x298: {  	v49 =	vmul.f32 v47, v35;
	v37 =	vadd.f32 v38, v37;
	_ =	sdelay $0x1  }
0x299: {  	v50 =	vmul.f32 v48, v36;
	v37 =	vadd.f32 v49, v37;
	_ =	sdelay $0x1  }
0x29a: {  	v37 =	vadd.f32 v50, v37;
	_ =	sdelay $0x1  }
0x29b: {  	[tilespmem:$0x1A7B0] =	vst v37  }
0x29c: {  	v37 =	vld [tilespmem:s30+$0xE0]  }
0x29d: {  	v51 =	vld [tilespmem:s30+$0xF0];
	_ =	sdelay $0x1  }
0x29e: {  	v52 =	vld [tilespmem:s30+$0x100];
	_ =	sdelay $0x1  }
0x29f: {  	v53 =	vld [tilespmem:s30+$0x110]  }
0x2a0: {  	v37 =	vmul.f32 v37, v33;
	v38 =	vmul.f32 v51, v34;
	_ =	sdelay $0x1  }
0x2a1: {  	v54 =	vmul.f32 v52, v35;
	v37 =	vadd.f32 v38, v37;
	_ =	sdelay $0x1  }
0x2a2: {  	v55 =	vmul.f32 v53, v36;
	v37 =	vadd.f32 v54, v37;
	_ =	sdelay $0x1  }
0x2a3: {  	v37 =	vadd.f32 v55, v37;
	_ =	sdelay $0x1  }
0x2a4: {  	[tilespmem:$0x1A7C0] =	vst v37  }
0x2a5: {  	v37 =	vld [tilespmem:s30+$0x120]  }
0x2a6: {  	v56 =	vld [tilespmem:s30+$0x130];
	_ =	sdelay $0x1  }
0x2a7: {  	v57 =	vld [tilespmem:s30+$0x140];
	_ =	sdelay $0x1  }
0x2a8: {  	v58 =	vld [tilespmem:s30+$0x150]  }
0x2a9: {  	v37 =	vmul.f32 v37, v33;
	v38 =	vmul.f32 v56, v34;
	_ =	sdelay $0x1  }
0x2aa: {  	v59 =	vmul.f32 v57, v35;
	v37 =	vadd.f32 v38, v37;
	_ =	sdelay $0x1  }
0x2ab: {  	v60 =	vmul.f32 v58, v36;
	v37 =	vadd.f32 v59, v37;
	_ =	sdelay $0x1  }
0x2ac: {  	v37 =	vadd.f32 v60, v37;
	_ =	sdelay $0x1  }
0x2ad: {  	[tilespmem:$0x1A7D0] =	vst v37  }
0x2ae: {  	v37 =	vld [tilespmem:s30+$0x160]  }
0x2af: {  	v61 =	vld [tilespmem:s30+$0x170];
	_ =	sdelay $0x1  }
0x2b0: {  	v62 =	vld [tilespmem:s30+$0x180];
	_ =	sdelay $0x1  }
0x2b1: {  	v63 =	vld [tilespmem:s30+$0x190]  }
0x2b2: {  	v37 =	vmul.f32 v37, v33;
	v38 =	vmul.f32 v61, v34;
	_ =	sdelay $0x1  }
0x2b3: {  	v44 =	vmul.f32 v62, v35;
	v37 =	vadd.f32 v38, v37;
	_ =	sdelay $0x1  }
0x2b4: {  	v45 =	vmul.f32 v63, v36;
	v37 =	vadd.f32 v44, v37;
	_ =	sdelay $0x1  }
0x2b5: {  	v37 =	vadd.f32 v45, v37;
	_ =	sdelay $0x1  }
0x2b6: {  	[tilespmem:$0x1A7E0] =	vst v37  }
0x2b7: {  	v37 =	vld [tilespmem:s30+$0x1A0]  }
0x2b8: {  	v46 =	vld [tilespmem:s30+$0x1B0];
	_ =	sdelay $0x1  }
0x2b9: {  	v47 =	vld [tilespmem:s30+$0x1C0];
	_ =	sdelay $0x1  }
0x2ba: {  	v48 =	vld [tilespmem:s30+$0x1D0]  }
0x2bb: {  	v37 =	vmul.f32 v37, v33;
	v38 =	vmul.f32 v46, v34;
	_ =	sdelay $0x1  }
0x2bc: {  	v49 =	vmul.f32 v47, v35;
	v37 =	vadd.f32 v38, v37;
	_ =	sdelay $0x1  }
0x2bd: {  	v50 =	vmul.f32 v48, v36;
	v37 =	vadd.f32 v49, v37;
	_ =	sdelay $0x1  }
0x2be: {  	v37 =	vadd.f32 v50, v37;
	_ =	sdelay $0x1  }
0x2bf: {  	[tilespmem:$0x1A7F0] =	vst v37  }
0x2c0: {  	v37 =	vld [tilespmem:s30+$0x1E0]  }
0x2c1: {  	v51 =	vld [tilespmem:s30+$0x1F0];
	_ =	sdelay $0x1  }
0x2c2: {  	v52 =	vld [tilespmem:s30+$0x200];
	_ =	sdelay $0x1  }
0x2c3: {  	v53 =	vld [tilespmem:s30+$0x210]  }
0x2c4: {  	v37 =	vmul.f32 v37, v33;
	v38 =	vmul.f32 v51, v34;
	_ =	sdelay $0x1  }
0x2c5: {  	v54 =	vmul.f32 v52, v35;
	v37 =	vadd.f32 v38, v37;
	_ =	sdelay $0x1  }
0x2c6: {  	v55 =	vmul.f32 v53, v36;
	v37 =	vadd.f32 v54, v37;
	_ =	sdelay $0x1  }
0x2c7: {  	v37 =	vadd.f32 v55, v37;
	_ =	sdelay $0x1  }
0x2c8: {  	[tilespmem:$0x1A800] =	vst v37  }
0x2c9: {  	v37 =	vld [tilespmem:s30+$0x220]  }
0x2ca: {  	v56 =	vld [tilespmem:s30+$0x230];
	_ =	sdelay $0x1  }
0x2cb: {  	v57 =	vld [tilespmem:s30+$0x240];
	_ =	sdelay $0x1  }
0x2cc: {  	v58 =	vld [tilespmem:s30+$0x250]  }
0x2cd: {  	v37 =	vmul.f32 v37, v33;
	v38 =	vmul.f32 v56, v34;
	_ =	sdelay $0x1  }
0x2ce: {  	v59 =	vmul.f32 v57, v35;
	v37 =	vadd.f32 v38, v37;
	_ =	sdelay $0x1  }
0x2cf: {  	v60 =	vmul.f32 v58, v36;
	v37 =	vadd.f32 v59, v37;
	_ =	sdelay $0x1  }
0x2d0: {  	v37 =	vadd.f32 v60, v37;
	_ =	sdelay $0x1  }
0x2d1: {  	[tilespmem:$0x1A810] =	vst v37  }
0x2d2: {  	v37 =	vld [tilespmem:s30+$0x260]  }
0x2d3: {  	v61 =	vld [tilespmem:s30+$0x270];
	_ =	sdelay $0x1  }
0x2d4: {  	v62 =	vld [tilespmem:s30+$0x280];
	_ =	sdelay $0x1  }
0x2d5: {  	v63 =	vld [tilespmem:s30+$0x290]  }
0x2d6: {  	v37 =	vmul.f32 v37, v33;
	v38 =	vmul.f32 v61, v34;
	_ =	sdelay $0x1  }
0x2d7: {  	v44 =	vmul.f32 v62, v35;
	v37 =	vadd.f32 v38, v37;
	_ =	sdelay $0x1  }
0x2d8: {  	v45 =	vmul.f32 v63, v36;
	v37 =	vadd.f32 v44, v37;
	_ =	sdelay $0x1  }
0x2d9: {  	v37 =	vadd.f32 v45, v37;
	_ =	sdelay $0x1  }
0x2da: {  	[tilespmem:$0x1A820] =	vst v37  }
0x2db: {  	v37 =	vld [tilespmem:s30+$0x2A0]  }
0x2dc: {  	v46 =	vld [tilespmem:s30+$0x2B0];
	_ =	sdelay $0x1  }
0x2dd: {  	v47 =	vld [tilespmem:s30+$0x2C0];
	_ =	sdelay $0x1  }
0x2de: {  	v48 =	vld [tilespmem:s30+$0x2D0]  }
0x2df: {  	v37 =	vmul.f32 v37, v33;
	v38 =	vmul.f32 v46, v34;
	_ =	sdelay $0x1  }
0x2e0: {  	v49 =	vmul.f32 v47, v35;
	v37 =	vadd.f32 v38, v37;
	_ =	sdelay $0x1  }
0x2e1: {  	v50 =	vmul.f32 v48, v36;
	v37 =	vadd.f32 v49, v37;
	_ =	sdelay $0x1  }
0x2e2: {  	v37 =	vadd.f32 v50, v37;
	_ =	sdelay $0x1  }
0x2e3: {  	[tilespmem:$0x1A830] =	vst v37  }
0x2e4: {  	v37 =	vld [tilespmem:s30+$0x2E0]  }
0x2e5: {  	v51 =	vld [tilespmem:s30+$0x2F0];
	_ =	sdelay $0x1  }
0x2e6: {  	v52 =	vld [tilespmem:s30+$0x300];
	_ =	sdelay $0x1  }
0x2e7: {  	v53 =	vld [tilespmem:s30+$0x310]  }
0x2e8: {  	v33 =	vmul.f32 v37, v33;
	v34 =	vmul.f32 v51, v34;
	_ =	sdelay $0x1  }
0x2e9: {  	v54 =	vmul.f32 v52, v35;
	v33 =	vadd.f32 v34, v33;
	_ =	sdelay $0x1  }
0x2ea: {  	v55 =	vmul.f32 v53, v36;
	v33 =	vadd.f32 v54, v33;
	_ =	sdelay $0x1  }
0x2eb: {  	v33 =	vadd.f32 v55, v33;
	_ =	sdelay $0x1  }
0x2ec: {  	[tilespmem:$0x1A840] =	vst v33  }
0x2ed: {  	v33 =	vld.idx.msk [tilespmem:v0+s22+$0x0], $0xffff  }
0x2ee: {  	v34 =	vld.idx.msk [tilespmem:v2+s22+$0x0], $0xffff  }
0x2ef: {  	v56 =	vld.idx.msk [tilespmem:v3+s22+$0x0], $0xffff  }
0x2f0: {  	v36 =	vld.idx.msk [tilespmem:v4+s22+$0x0], $0xffff  }
0x2f1: {  	v57 =	vld.idx.msk [tilespmem:v5+s22+$0x0], $0xffff  }
0x2f2: {  	v58 =	vld.idx.msk [tilespmem:v7+s22+$0x0], $0xffff  }
0x2f3: {  	v59 =	vld.idx.msk [tilespmem:v9+s22+$0x0], $0xffff  }
0x2f4: {  	v60 =	vld.idx.msk [tilespmem:v11+s22+$0x0], $0xffff  }
0x2f5: {  	v41 =	vld.idx.msk [tilespmem:v13+s22+$0x0], $0xffff  }
0x2f6: {  	v42 =	vld.idx.msk [tilespmem:v15+s22+$0x0], $0xffff  }
0x2f7: {  	v43 =	vld.idx.msk [tilespmem:v17+s22+$0x0], $0xffff  }
0x2f8: {  	v44 =	vld.idx.msk [tilespmem:v19+s22+$0x0], $0xffff  }
0x2f9: {  	v45 =	vld.idx.msk [tilespmem:v21+s22+$0x0], $0xffff  }
0x2fa: {  	v46 =	vld.idx.msk [tilespmem:v23+s22+$0x0], $0xffff  }
0x2fb: {  	v47 =	vld.idx.msk [tilespmem:v25+s22+$0x0], $0xffff  }
0x2fc: {  	v48 =	vld.idx.msk [tilespmem:v27+s22+$0x0], $0xffff;
	v33 =	vadd.f32 $0.0e+00, v33;
	v35 =	vadd.f32 $0.0e+00, v56  }
0x2fd: {  	v49 =	vld.idx.msk [tilespmem:v29+s22+$0x0], $0xffff;
	v37 =	vadd.f32 $0.0e+00, v57;
	v38 =	vadd.f32 $0.0e+00, v58  }
0x2fe: {  	v61 =	vld.idx.msk [tilespmem:v31+s22+$0x0], $0xffff;
	v33 =	vadd.f32 v59, v33;
	v35 =	vadd.f32 v60, v35  }
0x2ff: {  	v62 =	vld.idx.msk [tilespmem:v6+s22+$0x0], $0xffff;
	v37 =	vadd.f32 v41, v37;
	v38 =	vadd.f32 v42, v38  }
0x300: {  	v63 =	vld.idx.msk [tilespmem:v10+s22+$0x0], $0xffff;
	v33 =	vadd.f32 v43, v33;
	v35 =	vadd.f32 v44, v35  }
0x301: {  	v52 =	vld.idx.msk [tilespmem:v12+s22+$0x0], $0xffff;
	v37 =	vadd.f32 v45, v37;
	v38 =	vadd.f32 v46, v38  }
0x302: {  	v53 =	vld.idx.msk [tilespmem:v14+s22+$0x0], $0xffff;
	v33 =	vadd.f32 v47, v33;
	v35 =	vadd.f32 v48, v35  }
0x303: {  	v54 =	vld.idx.msk [tilespmem:v16+s22+$0x0], $0xffff;
	v37 =	vadd.f32 v49, v37;
	v38 =	vadd.f32 v61, v38  }
0x304: {  	v55 =	vld.idx.msk [tilespmem:v18+s22+$0x0], $0xffff  }
0x305: {  	v57 =	vld.idx.msk [tilespmem:v20+s22+$0x0], $0xffff;
	v33 =	vadd.f32 v35, v33;
	v56 =	vadd.f32 v38, v37  }
0x306: {  	v41 =	vld.idx.msk [tilespmem:v8+s22+$0x0], $0xffff  }
0x307: {  	v58 =	vld.idx.msk [tilespmem:v22+s22+$0x0], $0xffff;
	v33 =	vadd.f32 v56, v33  }
0x308: {  	v40 =	vadd.f32 $0.0e+00, v62;
	v62 =	vld.idx.msk [tilespmem:v28+s22+$0x0], $0xffff  }
0x309: {  	v34 =	vadd.f32 $0.0e+00, v34;
	v59 =	vld.idx.msk [tilespmem:v24+s22+$0x0], $0xffff;
	v61 =	vsub.f32 $0.0e+00, v33  }
0x30a: {  	v36 =	vadd.f32 $0.0e+00, v36;
	v60 =	vld.idx.msk [tilespmem:v26+s22+$0x0], $0xffff  }
0x30b: {  	v34 =	vadd.f32 v63, v34;
	v63 =	vld.idx.msk [tilespmem:v30+s22+$0x0], $0xffff;
	v41 =	vadd.f32 $0.0e+00, v41;
	v33 =	vsel vm0, v33, v61  }
0x30c: {  	v36 =	vadd.f32 v52, v36;
	v40 =	vadd.f32 v53, v40;
	v49 =	vld.idx.msk [tilespmem:v32+s22+$0x0], $0xffff;
	v50 =	vand.u32 $0x7FFFFFFF, v33  }
0x30d: {  	v39 =	vadd.f32 v54, v41;
	v51 =	vsub.f32 $0.0e+00, v50  }
0x30e: {  	v34 =	vadd.f32 v55, v34;
	v36 =	vadd.f32 v57, v36  }
0x30f: {  	v52 =	vadd.f32 v58, v40;
	v35 =	vadd.f32 v59, v39;
	v53 =	vmul.f32 $1.442695020e+00, v51  }
0x310: {  	v34 =	vadd.f32 v60, v34;
	v36 =	vadd.f32 v62, v36  }
0x311: {  	v37 =	vadd.f32 v63, v52;
	v35 =	vadd.f32 v49, v35;
	(erf) = vpow2.f32 v53;
	_ =	sdelay $0x1  }
0x312: {  	v34 =	vadd.f32 v36, v34;
	v35 =	vadd.f32 v35, v37;
	_ =	sdelay $0x1  }
0x313: {  	v34 =	vadd.f32 v35, v34;
	_ =	sdelay $0x1  }
0x314: {  	v34 =	vsub.f32 $0.0e+00, v34;
	_ =	sdelay $0x1  }
0x315: {  	v54 =	vand.u32 $0x7FFFFFFF, v34  }
0x316: {  	v35 =	vsub.f32 $0.0e+00, v54;
	v55 =	vpop (erf)  }
0x317: {  	v56 =	vadd.f32 $2.000000000e+00, v55  }
0x318: {  	v35 =	vmul.f32 $1.442695020e+00, v35  }
0x319: {  	(erf) = vrcp.f32 v56  }
0x31a: {  	(erf) = vpow2.f32 v35;
	_ =	sdelay $0x7  }
0x31b: {  	v57 =	vpop (erf)  }
0x31c: {  	v58 =	vpop (erf)  }
0x31d: {  	v59 =	vadd.f32 $2.000000000e+00, v58;
	_ =	sdelay $0x1  }
0x31e: {  	(erf) = vrcp.f32 v59;
	_ =	sdelay $0x8  }
0x31f: {  	v38 =	vpop (erf)  }
0x320: {  	v37 =	vmul.f32 v38, v58  }
0x321: {  	v35 =	vmul.f32 v57, v55  }
0x322: {  	v60 =	vmul.f32 v37, v37  }
0x323: {  	v61 =	vmul.f32 v35, v35  }
0x324: {  	v62 =	vmul.f32 $1.111111120e-01, v60  }
0x325: {  	v63 =	vmul.f32 $1.111111120e-01, v61  }
0x326: {  	v39 =	vadd.f32 $1.428571490e-01, v62  }
0x327: {  	v40 =	vadd.f32 $1.428571490e-01, v63  }
0x328: {  	v39 =	vmul.f32 v39, v60  }
0x329: {  	v40 =	vmul.f32 v40, v61  }
0x32a: {  	v39 =	vadd.f32 $2.000000030e-01, v39  }
0x32b: {  	v40 =	vadd.f32 $2.000000030e-01, v40  }
0x32c: {  	v39 =	vmul.f32 v39, v60  }
0x32d: {  	v40 =	vmul.f32 v40, v61  }
0x32e: {  	v39 =	vadd.f32 $3.333333430e-01, v39  }
0x32f: {  	v40 =	vadd.f32 $3.333333430e-01, v40  }
0x330: {  	v36 =	vmul.f32 v39, v60  }
0x331: {  	v38 =	vmul.f32 v40, v61  }
0x332: {  	v37 =	vmul.f32 $-2.000000000e+00, v37;
	v36 =	vadd.f32 $1.000000000e+00, v36  }
0x333: {  	v35 =	vadd.f32 v35, v35;
	v38 =	vadd.f32 $1.000000000e+00, v38  }
0x334: {  	v36 =	vmul.f32 v36, v37  }
0x335: {  	v34 =	vmin.f32 v34, $0.0e+00;
	v35 =	vmul.f32 v38, v35  }
0x336: {  	p0 =	sne.s32 s29, $0x7C0;
	v33 =	vmin.f32 v33, $0.0e+00;
	v34 =	vadd.f32 v36, v34  }
.Ltmp1:
0x337: {  	v33 =	vsub.f32 v33, v35;
	(pc) =	sbr.rel @p0 .LBB2_5-.Ltmp1, $4  }
0x338: {  	v34 =	vnsel vm1, $0x0, v34  }
0x339: {  	v33 =	vadd.f32 v34, v33  }
0x33a: {  	s2 =	sshra.s32 s29, $0x2  }
0x33b: {  	s0 =	sadd.s32 $0x40, s0;
	s29 =	sadd.s32 $0x40, s29;
	s30 =	sadd.s32 $0x640, s30;
	[tilespmem:s2+$0x1A8C0] =	vst v33  }
0x33c: {  	_ =	sdelay $0x3  }
0x33d: {  	v33 =	vld.idx.msk [tilespmem:v0+s23+$0x0], $0xffff  }
0x33e: {  	v34 =	vld.idx.msk [tilespmem:v3+s23+$0x0], $0xffff  }
0x33f: {  	v35 =	vld.idx.msk [tilespmem:v5+s23+$0x0], $0xffff  }
0x340: {  	v36 =	vld.idx.msk [tilespmem:v7+s23+$0x0], $0xffff  }
0x341: {  	v37 =	vld.idx.msk [tilespmem:v9+s23+$0x0], $0xffff  }
0x342: {  	v38 =	vld.idx.msk [tilespmem:v11+s23+$0x0], $0xffff  }
0x343: {  	v39 =	vld.idx.msk [tilespmem:v13+s23+$0x0], $0xffff  }
0x344: {  	v40 =	vld.idx.msk [tilespmem:v15+s23+$0x0], $0xffff  }
0x345: {  	v41 =	vld.idx.msk [tilespmem:v17+s23+$0x0], $0xffff  }
0x346: {  	v42 =	vld.idx.msk [tilespmem:v19+s23+$0x0], $0xffff  }
0x347: {  	v43 =	vld.idx.msk [tilespmem:v21+s23+$0x0], $0xffff  }
0x348: {  	v44 =	vld.idx.msk [tilespmem:v23+s23+$0x0], $0xffff  }
0x349: {  	v45 =	vld.idx.msk [tilespmem:v25+s23+$0x0], $0xffff  }
0x34a: {  	v46 =	vld.idx.msk [tilespmem:v27+s23+$0x0], $0xffff;
	v33 =	vadd.f32 $0.0e+00, v33;
	v34 =	vadd.f32 $0.0e+00, v34  }
0x34b: {  	v47 =	vld.idx.msk [tilespmem:v29+s23+$0x0], $0xffff;
	v35 =	vadd.f32 $0.0e+00, v35;
	v36 =	vadd.f32 $0.0e+00, v36  }
0x34c: {  	v63 =	vld.idx.msk [tilespmem:v31+s23+$0x0], $0xffff;
	v33 =	vadd.f32 v37, v33;
	v34 =	vadd.f32 v38, v34  }
0x34d: {  	v35 =	vadd.f32 v39, v35;
	v36 =	vadd.f32 v40, v36  }
0x34e: {  	v33 =	vadd.f32 v41, v33;
	v34 =	vadd.f32 v42, v34  }
0x34f: {  	v35 =	vadd.f32 v43, v35;
	v36 =	vadd.f32 v44, v36  }
0x350: {  	v33 =	vadd.f32 v45, v33;
	v34 =	vadd.f32 v46, v34  }
0x351: {  	v35 =	vadd.f32 v47, v35;
	v36 =	vadd.f32 v63, v36;
	_ =	sdelay $0x1  }
0x352: {  	v33 =	vadd.f32 v34, v33;
	v47 =	vadd.f32 v36, v35;
	_ =	sdelay $0x1  }
0x353: {  	v33 =	vadd.f32 v47, v33;
	_ =	sdelay $0x1  }
0x354: {  	v33 =	vsub.f32 $0.0e+00, v33;
	_ =	sdelay $0x1  }
0x355: {  	[tilespmem:$0x1AAC0] =	vst v33  }
0x356: {  	v33 =	vld.idx.msk [tilespmem:v2+s23+$0x0], $0xffff  }
0x357: {  	v48 =	vld.idx.msk [tilespmem:v4+s23+$0x0], $0xffff  }
0x358: {  	v49 =	vld.idx.msk [tilespmem:v6+s23+$0x0], $0xffff  }
0x359: {  	v50 =	vld.idx.msk [tilespmem:v8+s23+$0x0], $0xffff  }
0x35a: {  	v51 =	vld.idx.msk [tilespmem:v10+s23+$0x0], $0xffff  }
0x35b: {  	v52 =	vld.idx.msk [tilespmem:v12+s23+$0x0], $0xffff  }
0x35c: {  	v53 =	vld.idx.msk [tilespmem:v14+s23+$0x0], $0xffff  }
0x35d: {  	v54 =	vld.idx.msk [tilespmem:v16+s23+$0x0], $0xffff  }
0x35e: {  	v55 =	vld.idx.msk [tilespmem:v18+s23+$0x0], $0xffff  }
0x35f: {  	v56 =	vld.idx.msk [tilespmem:v20+s23+$0x0], $0xffff  }
0x360: {  	v57 =	vld.idx.msk [tilespmem:v22+s23+$0x0], $0xffff  }
0x361: {  	v58 =	vld.idx.msk [tilespmem:v24+s23+$0x0], $0xffff  }
0x362: {  	v59 =	vld.idx.msk [tilespmem:v26+s23+$0x0], $0xffff  }
0x363: {  	v60 =	vld.idx.msk [tilespmem:v28+s23+$0x0], $0xffff;
	v33 =	vadd.f32 $0.0e+00, v33;
	v34 =	vadd.f32 $0.0e+00, v48  }
0x364: {  	v61 =	vld.idx.msk [tilespmem:v30+s23+$0x0], $0xffff;
	v35 =	vadd.f32 $0.0e+00, v49;
	v36 =	vadd.f32 $0.0e+00, v50  }
0x365: {  	v62 =	vld.idx.msk [tilespmem:v32+s23+$0x0], $0xffff;
	v33 =	vadd.f32 v51, v33;
	v34 =	vadd.f32 v52, v34  }
0x366: {  	v35 =	vadd.f32 v53, v35;
	v36 =	vadd.f32 v54, v36  }
0x367: {  	v33 =	vadd.f32 v55, v33;
	v34 =	vadd.f32 v56, v34  }
0x368: {  	v35 =	vadd.f32 v57, v35;
	v36 =	vadd.f32 v58, v36  }
0x369: {  	v33 =	vadd.f32 v59, v33;
	v34 =	vadd.f32 v60, v34  }
0x36a: {  	v35 =	vadd.f32 v61, v35;
	v36 =	vadd.f32 v62, v36;
	_ =	sdelay $0x1  }
0x36b: {  	v33 =	vadd.f32 v34, v33;
	v63 =	vadd.f32 v36, v35;
	_ =	sdelay $0x1  }
0x36c: {  	v33 =	vadd.f32 v63, v33;
	_ =	sdelay $0x1  }
0x36d: {  	s26 =	sadd.s32 $0x1, s26;
	v33 =	vsub.f32 $0.0e+00, v33  }
0x36e: {  	p0 =	sne.s32 s26, $0x8  }
.Ltmp2:
0x36f: {  	s0 =	sadd.s32 s3, s28;
	[tilespmem:$0x1AAD0] =	vst v33;
	(pc) =	sbr.rel @p0 .LBB2_2-.Ltmp2, $4  }
0x370: {  	[hbm4b:s0+s4] =	stream.linear.scatter [tilespmem:s24], [sflag:$0x3], $0x20, $0x38;
	[tilespmem:$0x1AAE0] =	vst v63  }
0x371: {  	_ =	swait.ge [sflag:s14], $0x20  }
0x372: {  	[sflag:s14] =	ssyncset.done $0x0  }
0x373: {  	[sflag:s14] =	ssyncadd.s32 $0xFFFFFFE0  }
0x374: {  	s2 =	rddreg [dreg:$0x7]  }
0x375: {  	s0 =	rddreg [dreg:$0x6];
	s2 =	sadd.s32 $0x1, s2  }
0x376: {  	p0 =	sne.s32 s2, s0  }
.Ltmp3:
0x377: {  	_ = 	snop;
	(pc) =	sbr.rel @p0 .LBB2_1-.Ltmp3, $1  }
0x378: {  	_ =	sdelay $0x3  }
0x379: {  	_ =	sfence.sel $0x180000  }
0x37a: {  	[bflag:$0x0] =	sbarrier.arrive $0xFFFF  }
0x37b: {  	_ =	strace $0x90000047  }
0x37c: {  	s0 =	stileid.u32;
	[bflag:$0x2] =	sbarrier.arrive $0xFFFF  }
0x37d: {  	p0 =	sne.s32 s0, $0x0;
	s0 =	rddreg [dreg:$0x3]  }
0x37e: {  	s0 =	sadd.s32 @!p0 $0x100000, s0  }
0x37f: {  	[sflag:s0] =	ssyncadd.tile.s32 @!p0 $0x1;
	_ =	shalt  }
.Lfunc_end2:
_tile_overlayer_lowered:
.L_overlay_start_2:
0x380: {  	(tag) =	ssettag $0x2  }
0x381: {  	s0 =	rddreg [dreg:$0x0];
	s2 =	stileid.u32  }
0x382: {  	s1 =	rddreg [dreg:$0x1];
	p0 =	sne.s32 s2, $0x0  }
0x383: {  	s3 =	rddreg [dreg:$0x2];
	[bflag:$0x3] =	sbarrier.arrive $0xFFFF;
	s2 =	simm.s32 @!p0 $0x1C03  }
0x384: {  	[timem:s3], [sflag:s2] =	dma.local @!p0 [hbm:s0], s1  }
0x385: {  	s0 =	simm.s32 @!p0 $0x3  }
0x386: {  	_ =	swait.ge @!p0 [sflag:s0], s1  }
0x387: {  	s1 =	ssub.s32 @!p0 $0x0, s1;
	[sflag:s0] =	ssyncset.done @!p0 $0x0  }
0x388: {  	[sflag:s0] =	ssyncadd.s32 @!p0 s1  }
0x389: {  	[bflag:$0x3] =	sbarrier.arrive $0xFFFF  }
0x38a: {  	_ =	shalt  }

</sc_bundles>
